<compile_context>
chip_gen: v7x
topology: tpu7x:2x2x1
jax: 0.10.2.dev20260603
libtpu: 0.0.44.dev20260713+nightly
codegen_flags: <defaults>
</compile_context>

<pallas_src>
import functools
import math

import jax
import jax.numpy as jnp
from jax import lax
from jax.experimental import pallas as pl
from jax.experimental.pallas import tpu as pltpu
from jax.experimental.pallas import tpu_sc as plsc

N_NODES = 10000
N_PAD = 10112
N_EDGES = 320000
E_PAD = 327680
CHUNK = 128
N_TILES = 16
CHUNKS_PER_TILE = E_PAD // (N_TILES * CHUNK)
WB_BIG = 640
WB_LAST = N_NODES - 15 * WB_BIG
ROWS_PER_TILE_Z = N_PAD // N_TILES
HIDDEN = 256
EMB = 768
G = 128
LOG2 = math.log(2.0)
BLK = 1000
NBLK = N_NODES // BLK


HW = 128


@functools.cache
def _edge_agg():
    mesh = plsc.VectorSubcoreMesh(core_axis_name="c", subcore_axis_name="s")
    out_t = (jax.ShapeDtypeStruct((N_NODES, HW), jnp.float32),
             jax.ShapeDtypeStruct((N_NODES, HW), jnp.float32))
    cpt = CHUNKS_PER_TILE

    @functools.partial(
        pl.kernel, mesh=mesh, out_type=out_t,
        scratch_types=[
            pltpu.VMEM((cpt // 4, CHUNK), jnp.int32),
            pltpu.VMEM((cpt // 4, CHUNK), jnp.int32),
            pltpu.VMEM((CHUNK, HW), jnp.float32),
            pltpu.VMEM((CHUNK, HW), jnp.float32),
            pltpu.VMEM((16,), jnp.int32),
            pltpu.VMEM_SHARED((N_PAD, HW), jnp.float32),
            pltpu.SemaphoreType.DMA,
            pltpu.SemaphoreType.DMA,
            pltpu.SemaphoreType.DMA,
            pltpu.SemaphoreType.DMA,
        ],
    )
    def k(t_a, t_b, src2, dst2, zeros, cfg, out_a, out_b,
          src_v, dst_v, rows_a, rows_b, cfg_v, acc, sg0, sg1, ss0, ss1):
        c = lax.axis_index("c")
        s = lax.axis_index("s")
        pltpu.sync_copy(zeros.at[pl.ds(s * ROWS_PER_TILE_Z, ROWS_PER_TILE_Z)],
                        acc.at[pl.ds(s * ROWS_PER_TILE_Z, ROWS_PER_TILE_Z)])
        pltpu.sync_copy(cfg, cfg_v)
        cfgv = cfg_v[...]
        q = cpt // 4
        n_stages = jnp.where(c == 0, cfgv[0], cfgv[1])
        ebase = jnp.where(c == 0, s * q * cfgv[0],
                          N_TILES * q * cfgv[0] + s * q * cfgv[1])
        plsc.subcore_barrier()

        def run(table):
            def drain_scatters():
                pltpu.make_async_copy(table.at[pl.ds(0, CHUNK)], rows_a,
                                      ss0).wait()
                pltpu.make_async_copy(table.at[pl.ds(0, CHUNK)], rows_b,
                                      ss1).wait()

            def stage_body(st, carry):
                @pl.when(st > 0)
                def _():
                    drain_scatters()
                off = pl.multiple_of(ebase + st * q, 8)
                pltpu.sync_copy(src2.at[pl.ds(off, q)], src_v)
                pltpu.sync_copy(dst2.at[pl.ds(off, q)], dst_v)

                def body(kk, carry2):
                    j0 = 2 * kk
                    j1 = 2 * kk + 1
                    @pl.when(kk > 0)
                    def _():
                        drain_scatters()
                    ga = pltpu.async_copy(table.at[src_v.at[j0]], rows_a, sg0)
                    gb = pltpu.async_copy(table.at[src_v.at[j1]], rows_b, sg1)
                    ga.wait()
                    pltpu.async_copy(rows_a, acc.at[dst_v.at[j0]], ss0,
                                     add=True)
                    gb.wait()
                    pltpu.async_copy(rows_b, acc.at[dst_v.at[j1]], ss1,
                                     add=True)
                    return carry2
                lax.fori_loop(0, q // 2, body, 0)
                return carry
            lax.fori_loop(0, n_stages, stage_body, 0)

            @pl.when(n_stages > 0)
            def _():
                drain_scatters()

        @pl.when(c == 0)
        def _():
            run(t_a)

        @pl.when(c == 1)
        def _():
            run(t_b)

        plsc.subcore_barrier()

        def wb(out):
            @pl.when(s < 15)
            def _():
                pltpu.sync_copy(acc.at[pl.ds(s * WB_BIG, WB_BIG)],
                                out.at[pl.ds(s * WB_BIG, WB_BIG)])

            @pl.when(s == 15)
            def _():
                pltpu.sync_copy(acc.at[pl.ds(15 * WB_BIG, WB_LAST)],
                                out.at[pl.ds(15 * WB_BIG, WB_LAST)])

        @pl.when(c == 0)
        def _():
            wb(out_a)

        @pl.when(c == 1)
        def _():
            wb(out_b)

    return k


def _gin_mlp(d_in, sum_parts):
    n_agg = 2
    aw = d_in if sum_parts else d_in // 2

    def body(*refs):
        h_ref = refs[0]
        agg_refs = refs[1:1 + n_agg]
        wa_ref, ba_ref, wb_ref, bb_ref = refs[1 + n_agg:5 + n_agg]
        t_ref, cs_ref, cq_ref = refs[5 + n_agg:]
        i = pl.program_id(0)
        if sum_parts:
            agg = agg_refs[0][...] + agg_refs[1][...]
        else:
            agg = jnp.concatenate([agg_refs[0][...], agg_refs[1][...]], axis=1)
        z = h_ref[...] + agg
        t1 = jnp.dot(z, wa_ref[...], preferred_element_type=jnp.float32)
        t1 = jnp.maximum(t1 + ba_ref[...], 0.0)
        t2 = jnp.dot(t1, wb_ref[...], preferred_element_type=jnp.float32)
        t2 = jnp.maximum(t2 + bb_ref[...], 0.0)
        t_ref[...] = t2

        @pl.when(i == 0)
        def _():
            cs_ref[...] = jnp.zeros_like(cs_ref)
            cq_ref[...] = jnp.zeros_like(cq_ref)

        cs_ref[...] += jnp.sum(t2, axis=0, keepdims=True)
        cq_ref[...] += jnp.sum(t2 * t2, axis=0, keepdims=True)

    return pl.pallas_call(
        body, grid=(NBLK,),
        in_specs=[
            pl.BlockSpec((BLK, d_in), lambda i: (i, 0)),
        ] + [
            pl.BlockSpec((BLK, aw), lambda i: (i, 0))
            for _ in range(n_agg)
        ] + [
            pl.BlockSpec((d_in, HIDDEN), lambda i: (0, 0)),
            pl.BlockSpec((1, HIDDEN), lambda i: (0, 0)),
            pl.BlockSpec((HIDDEN, HIDDEN), lambda i: (0, 0)),
            pl.BlockSpec((1, HIDDEN), lambda i: (0, 0)),
        ],
        out_specs=[
            pl.BlockSpec((BLK, HIDDEN), lambda i: (i, 0)),
            pl.BlockSpec((1, HIDDEN), lambda i: (0, 0)),
            pl.BlockSpec((1, HIDDEN), lambda i: (0, 0)),
        ],
        out_shape=[
            jax.ShapeDtypeStruct((N_NODES, HIDDEN), jnp.float32),
            jax.ShapeDtypeStruct((1, HIDDEN), jnp.float32),
            jax.ShapeDtypeStruct((1, HIDDEN), jnp.float32),
        ],
    )


def _norm_pool():
    def body(t_ref, cs_ref, cq_ref, b_ref, tn_ref, lo_ref, hi_ref, y_ref):
        i = pl.program_id(0)
        mean = cs_ref[...] * (1.0 / N_NODES)
        var = cq_ref[...] * (1.0 / N_NODES) - mean * mean
        inv = lax.rsqrt(var + 1e-5)
        tn = (t_ref[...] - mean) * inv
        tn_ref[...] = tn
        lo_ref[...] = tn[:, :HW]
        hi_ref[...] = tn[:, HW:]
        ids = b_ref[...]
        oh = (ids == lax.broadcasted_iota(jnp.int32, (BLK, G), 1))
        oh = oh.astype(jnp.float32)

        @pl.when(i == 0)
        def _():
            y_ref[...] = jnp.zeros_like(y_ref)

        y_ref[...] += lax.dot_general(oh, tn, (((0,), (0,)), ((), ())),
                                      preferred_element_type=jnp.float32)

    return pl.pallas_call(
        body, grid=(NBLK,),
        in_specs=[
            pl.BlockSpec((BLK, HIDDEN), lambda i: (i, 0)),
            pl.BlockSpec((1, HIDDEN), lambda i: (0, 0)),
            pl.BlockSpec((1, HIDDEN), lambda i: (0, 0)),
            pl.BlockSpec((BLK, 1), lambda i: (i, 0)),
        ],
        out_specs=[
            pl.BlockSpec((BLK, HIDDEN), lambda i: (i, 0)),
            pl.BlockSpec((BLK, HW), lambda i: (i, 0)),
            pl.BlockSpec((BLK, HW), lambda i: (i, 0)),
            pl.BlockSpec((G, HIDDEN), lambda i: (0, 0)),
        ],
        out_shape=[
            jax.ShapeDtypeStruct((N_NODES, HIDDEN), jnp.float32),
            jax.ShapeDtypeStruct((N_NODES, HW), jnp.float32),
            jax.ShapeDtypeStruct((N_NODES, HW), jnp.float32),
            jax.ShapeDtypeStruct((G, HIDDEN), jnp.float32),
        ],
    )


def _ff_global():
    def body(y_ref, w0, b0, w1, b1, w2, b2, ws, bs, g_ref):
        y = y_ref[...]
        h = jnp.maximum(jnp.dot(y, w0[...], preferred_element_type=jnp.float32) + b0[...], 0.0)
        h = jnp.maximum(jnp.dot(h, w1[...], preferred_element_type=jnp.float32) + b1[...], 0.0)
        h = jnp.maximum(jnp.dot(h, w2[...], preferred_element_type=jnp.float32) + b2[...], 0.0)
        g_ref[...] = h + jnp.dot(y, ws[...], preferred_element_type=jnp.float32) + bs[...]

    return pl.pallas_call(
        body,
        out_shape=jax.ShapeDtypeStruct((G, EMB), jnp.float32),
    )


def _ff_local_loss():
    def body(m_ref, w0, b0, w1, b1, w2, b2, ws, bs, g_ref, b2d_ref,
             loss_ref, acc):
        i = pl.program_id(0)

        @pl.when(i == 0)
        def _():
            acc[0] = 0.0
            acc[1] = 0.0

        m = m_ref[...]
        h = jnp.maximum(jnp.dot(m, w0[...], preferred_element_type=jnp.float32) + b0[...], 0.0)
        h = jnp.maximum(jnp.dot(h, w1[...], preferred_element_type=jnp.float32) + b1[...], 0.0)
        h = jnp.maximum(jnp.dot(h, w2[...], preferred_element_type=jnp.float32) + b2[...], 0.0)
        l = h + jnp.dot(m, ws[...], preferred_element_type=jnp.float32) + bs[...]
        res = lax.dot_general(l, g_ref[...], (((1,), (1,)), ((), ())),
                              preferred_element_type=jnp.float32)
        ids = b2d_ref[...]
        pos = (ids == lax.broadcasted_iota(jnp.int32, (BLK, G), 1))
        pos = pos.astype(jnp.float32)

        def sp(z):
            return jnp.maximum(z, 0.0) + jnp.log1p(jnp.exp(-jnp.abs(z)))

        rp = res * pos
        epos = jnp.sum(LOG2 - sp(-rp))
        q = res * (1.0 - pos)
        eneg = jnp.sum(sp(-q) + q - LOG2)
        acc[0] += epos
        acc[1] += eneg

        @pl.when(i == NBLK - 1)
        def _():
            v = acc[1] / (N_NODES * (G - 1)) - acc[0] / N_NODES
            loss_ref[...] = jnp.reshape(v, (1, 1))

    return pl.pallas_call(
        body, grid=(NBLK,),
        in_specs=[
            pl.BlockSpec((BLK, EMB), lambda i: (i, 0)),
            pl.BlockSpec((EMB, EMB), lambda i: (0, 0)),
            pl.BlockSpec((1, EMB), lambda i: (0, 0)),
            pl.BlockSpec((EMB, EMB), lambda i: (0, 0)),
            pl.BlockSpec((1, EMB), lambda i: (0, 0)),
            pl.BlockSpec((EMB, EMB), lambda i: (0, 0)),
            pl.BlockSpec((1, EMB), lambda i: (0, 0)),
            pl.BlockSpec((EMB, EMB), lambda i: (0, 0)),
            pl.BlockSpec((1, EMB), lambda i: (0, 0)),
            pl.BlockSpec((G, EMB), lambda i: (0, 0)),
            pl.BlockSpec((BLK, 1), lambda i: (i, 0)),
        ],
        out_specs=pl.BlockSpec((1, 1), lambda i: (0, 0)),
        out_shape=jax.ShapeDtypeStruct((1, 1), jnp.float32),
        scratch_shapes=[pltpu.SMEM((2,), jnp.float32)],
    )


def kernel(x, edge_index, batch, num_graphs, params):
    src = edge_index[0]
    dst = edge_index[1]
    pad = E_PAD - N_EDGES
    src1 = jnp.concatenate([src, jnp.zeros((pad,), jnp.int32)])
    dummy_dst = N_NODES + jnp.arange(pad, dtype=jnp.int32) % (N_PAD - N_NODES)
    dst1 = jnp.concatenate([dst, dummy_dst])
    src2 = jnp.concatenate([src1, src1]).reshape(-1, CHUNK)
    dst2 = jnp.concatenate([dst1, dst1]).reshape(-1, CHUNK)
    zeros = jnp.zeros((N_PAD, HW), jnp.float32)
    cfg_half = jnp.zeros((16,), jnp.int32).at[0].set(3).at[1].set(1)
    cfg_full = jnp.zeros((16,), jnp.int32).at[0].set(4).at[1].set(4)
    batch2d = batch.reshape(N_NODES, 1)

    h = x
    h_halves = None
    xs = []
    ys = []
    for i in range(3):
        d_in = h.shape[1]
        sum_parts = d_in == HW
        if sum_parts:
            a_a, a_b = _edge_agg()(h, h, src2, dst2, zeros, cfg_half)
        else:
            a_a, a_b = _edge_agg()(h_halves[0], h_halves[1],
                                   src2, dst2, zeros, cfg_full)
        wa = params['gin%d_Wa' % i]
        ba = params['gin%d_ba' % i].reshape(1, HIDDEN)
        wb = params['gin%d_Wb' % i]
        bb = params['gin%d_bb' % i].reshape(1, HIDDEN)
        t_raw, cs, cq = _gin_mlp(d_in, sum_parts)(h, a_a, a_b,
                                                  wa, ba, wb, bb)
        tn, tn_lo, tn_hi, y_i = _norm_pool()(t_raw, cs, cq, batch2d)
        xs.append(tn)
        ys.append(y_i)
        h = tn
        h_halves = (tn_lo, tn_hi)

    y = jnp.concatenate(ys, axis=1)
    m = jnp.concatenate(xs, axis=1)

    gp = [params['global_W0'], params['global_b0'].reshape(1, EMB),
          params['global_W1'], params['global_b1'].reshape(1, EMB),
          params['global_W2'], params['global_b2'].reshape(1, EMB),
          params['global_Ws'], params['global_bs'].reshape(1, EMB)]
    g_enc = _ff_global()(y, *gp)

    lp = [params['local_W0'], params['local_b0'].reshape(1, EMB),
          params['local_W1'], params['local_b1'].reshape(1, EMB),
          params['local_W2'], params['local_b2'].reshape(1, EMB),
          params['local_Ws'], params['local_bs'].reshape(1, EMB)]
    loss = _ff_local_loss()(m, *lp, g_enc, batch2d)
    return loss[0, 0]

# --- scband reference (transcript-rebuilt; emitter-appended) ---
"""Pipeline reference for scband-info-graph-29145648070723 (READ-ONLY COPY).

The authoritative reference and input builder live on the scoring server;
editing this copy changes nothing except your own understanding.
"""

import jax, jax.numpy as jnp
import numpy as np
import math

N_NODES = 10000
N_EDGES = 320000
NUM_FEATURES = 128
HIDDEN_DIM = 256
NUM_GC_LAYERS = 3
NUM_GRAPHS = 128
EMB_DIM = HIDDEN_DIM * NUM_GC_LAYERS
LOG2 = math.log(2.0)

def _xavier(key, fan_in, fan_out):
    a = math.sqrt(6.0 / (fan_in + fan_out))
    return jax.random.uniform(key, (fan_in, fan_out), jnp.float32, -a, a)

def _make_params(key):
    params = {}
    ks = iter(jax.random.split(key, 64))
    for i in range(NUM_GC_LAYERS):
        ind = NUM_FEATURES if i == 0 else HIDDEN_DIM
        params['gin%d_Wa' % i] = _xavier(next(ks), ind, HIDDEN_DIM)
        params['gin%d_ba' % i] = jnp.zeros((HIDDEN_DIM,), jnp.float32)
        params['gin%d_Wb' % i] = _xavier(next(ks), HIDDEN_DIM, HIDDEN_DIM)
        params['gin%d_bb' % i] = jnp.zeros((HIDDEN_DIM,), jnp.float32)
    for name in ('local', 'global'):
        for j in range(3):
            params['%s_W%d' % (name, j)] = _xavier(next(ks), EMB_DIM, EMB_DIM)
            params['%s_b%d' % (name, j)] = jnp.zeros((EMB_DIM,), jnp.float32)
        params['%s_Ws' % name] = _xavier(next(ks), EMB_DIM, EMB_DIM)
        params['%s_bs' % name] = jnp.zeros((EMB_DIM,), jnp.float32)
    return params

def setup_inputs(seed: int = 0):
    key = jax.random.key(seed)
    k1, k2, k3, k4 = jax.random.split(key, 4)
    x = jax.random.normal(k1, (N_NODES, NUM_FEATURES), jnp.float32)
    edge_index = jax.random.randint(k2, (2, N_EDGES), 0, N_NODES, jnp.int32)
    batch = jnp.sort(jax.random.randint(k3, (N_NODES,), 0, NUM_GRAPHS, jnp.int32))
    params = _make_params(k4)
    return {"x": x, "edge_index": edge_index, "batch": batch, "num_graphs": NUM_GRAPHS, "params": params}

def _encoder(x, edge_index, batch, num_graphs, params):
    src = edge_index[0]
    dst = edge_index[1]
    xs = []
    h = x
    for i in range(NUM_GC_LAYERS):
        agg = jax.ops.segment_sum(h[src], dst, num_segments=h.shape[0])
        t = h + agg
        t = jnp.maximum(t @ params['gin%d_Wa' % i] + params['gin%d_ba' % i], 0.0)
        t = t @ params['gin%d_Wb' % i] + params['gin%d_bb' % i]
        t = jnp.maximum(t, 0.0)
        mean = jnp.mean(t, axis=0)
        var = jnp.var(t, axis=0)
        t = (t - mean) / jnp.sqrt(var + 1e-5)
        xs.append(t)
        h = t
    xpool = [jax.ops.segment_sum(z, batch, num_segments=NUM_GRAPHS) for z in xs]
    y = jnp.concatenate(xpool, axis=1)
    M = jnp.concatenate(xs, axis=1)
    return y, M

def _ff(z, params, name):
    h = z
    for j in range(3):
        h = jnp.maximum(h @ params['%s_W%d' % (name, j)] + params['%s_b%d' % (name, j)], 0.0)
    return h + z @ params['%s_Ws' % name] + params['%s_bs' % name]

def _local_global_loss(l_enc, g_enc, batch, num_graphs):
    num_nodes = l_enc.shape[0]
    pos_mask = jax.nn.one_hot(batch, NUM_GRAPHS, dtype=l_enc.dtype)
    neg_mask = 1.0 - pos_mask
    res = l_enc @ g_enc.T
    E_pos = jnp.sum(LOG2 - jax.nn.softplus(-(res * pos_mask))) / num_nodes
    q = res * neg_mask
    E_neg = jnp.sum(jax.nn.softplus(-q) + q - LOG2) / (num_nodes * (num_graphs - 1))
    return E_neg - E_pos

def reference(x, edge_index, batch, num_graphs, params):
    y, M = _encoder(x, edge_index, batch, num_graphs, params)
    g_enc = _ff(y, params, 'global')
    l_enc = _ff(M, params, 'local')
    loss = _local_global_loss(l_enc, g_enc, batch, num_graphs)
    return loss

if __name__ == "__main__":
    import jax
    _d = setup_inputs()
    print(jax.jit(kernel)(*tuple(_d.values())))

</pallas_src>

<mosaic_0001>
#map = affine_map<(d0, d1) -> (0, 0)>
#map1 = affine_map<(d0, d1) -> (0)>
module attributes {stable_mosaic.version = 14 : i64} {
  func.func @k(%arg0: i32, %arg1: i32, %arg2: memref<10000x128xf32, #tpu.memory_space<hbm>>, %arg3: memref<10000x128xf32, #tpu.memory_space<hbm>>, %arg4: memref<5120x128xi32, #tpu.memory_space<hbm>>, %arg5: memref<5120x128xi32, #tpu.memory_space<hbm>>, %arg6: memref<10112x128xf32, #tpu.memory_space<hbm>>, %arg7: memref<16xi32, #tpu.memory_space<hbm>>, %arg8: memref<10000x128xf32, #tpu.memory_space<hbm>>, %arg9: memref<10000x128xf32, #tpu.memory_space<hbm>>, %arg10: memref<40x128xi32, #tpu.memory_space<vmem>>, %arg11: memref<40x128xi32, #tpu.memory_space<vmem>>, %arg12: memref<128x128xf32, #tpu.memory_space<vmem>>, %arg13: memref<128x128xf32, #tpu.memory_space<vmem>>, %arg14: memref<16xi32, #tpu.memory_space<vmem>>, %arg15: memref<10112x128xf32, #tpu.memory_space<vmem_shared>>, %arg16: memref<!tpu.dma_semaphore, #tpu.memory_space<semaphore_mem>>, %arg17: memref<!tpu.dma_semaphore, #tpu.memory_space<semaphore_mem>>, %arg18: memref<!tpu.dma_semaphore, #tpu.memory_space<semaphore_mem>>, %arg19: memref<!tpu.dma_semaphore, #tpu.memory_space<semaphore_mem>>) attributes {dimension_semantics = [#tpu.dimension_semantics<core_parallel>, #tpu.dimension_semantics<subcore_parallel>], iteration_bounds = array<i64: 2, 16>, scalar_prefetch = 0 : i64, scratch_operands = 10 : i64, tpu.core_type = #tpu.core_type<sc_vector_subcore>, window_params = [{transform_indices = #map}, {transform_indices = #map}, {transform_indices = #map}, {transform_indices = #map}, {transform_indices = #map}, {transform_indices = #map1}, {transform_indices = #map}, {transform_indices = #map}]} {
    %mul3A = arith.constant 632 : i32
    %mul3A_0 = arith.muli %arg1, %mul3A : i32
    %mul3A_1 = arith.constant 632 : i32
    %mul3A_2 = arith.muli %arg1, %mul3A_1 : i32
    "tpu.region"() ({
      %run_scoped3A = tpu.sem_alloc : memref<!tpu.dma_semaphore, #tpu.memory_space<semaphore_mem>>
      %dma_start3A = arith.constant 0 : i32
      %dma_start3A_44 = tpu.memref_slice %arg15[%mul3A_2, %dma_start3A] : memref<10112x128xf32, #tpu.memory_space<vmem_shared>> -> memref<632x128xf32, #tpu.memory_space<vmem_shared>>
      %dma_start3A_45 = arith.constant 0 : i32
      %dma_start3A_46 = tpu.memref_slice %arg6[%mul3A_0, %dma_start3A_45] : memref<10112x128xf32, #tpu.memory_space<hbm>> -> memref<632x128xf32, #tpu.memory_space<hbm>>
      tpu.enqueue_dma source(%dma_start3A_46 : memref<632x128xf32, #tpu.memory_space<hbm>>) target(%dma_start3A_44 : memref<632x128xf32, #tpu.memory_space<vmem_shared>>) target_semaphore(%run_scoped3A : memref<!tpu.dma_semaphore, #tpu.memory_space<semaphore_mem>>)
      %dma_wait3A = arith.constant 0 : i32
      %dma_wait3A_47 = tpu.memref_slice %arg15[%mul3A_2, %dma_wait3A] : memref<10112x128xf32, #tpu.memory_space<vmem_shared>> -> memref<632x128xf32, #tpu.memory_space<vmem_shared>>
      %dma_wait3A_48 = arith.constant 0 : i32
      %dma_wait3A_49 = tpu.memref_slice %arg6[%mul3A_0, %dma_wait3A_48] : memref<10112x128xf32, #tpu.memory_space<hbm>> -> memref<632x128xf32, #tpu.memory_space<hbm>>
      tpu.wait_dma2 semaphore(%run_scoped3A : memref<!tpu.dma_semaphore, #tpu.memory_space<semaphore_mem>>) src(%dma_wait3A_49 : memref<632x128xf32, #tpu.memory_space<hbm>>) dst(%dma_wait3A_47 : memref<632x128xf32, #tpu.memory_space<vmem_shared>>)
      tpu.yield
    }) : () -> ()
    "tpu.region"() ({
      %run_scoped3A = tpu.sem_alloc : memref<!tpu.dma_semaphore, #tpu.memory_space<semaphore_mem>>
      tpu.enqueue_dma source(%arg7 : memref<16xi32, #tpu.memory_space<hbm>>) target(%arg14 : memref<16xi32, #tpu.memory_space<vmem>>) target_semaphore(%run_scoped3A : memref<!tpu.dma_semaphore, #tpu.memory_space<semaphore_mem>>)
      tpu.wait_dma2 semaphore(%run_scoped3A : memref<!tpu.dma_semaphore, #tpu.memory_space<semaphore_mem>>) src(%arg7 : memref<16xi32, #tpu.memory_space<hbm>>) dst(%arg14 : memref<16xi32, #tpu.memory_space<vmem>>)
      tpu.yield
    }) : () -> ()
    %get3A = arith.constant 0 : index
    %get3A_3 = tpu.vector_load %arg14[%get3A] {strides = array<i32>} : memref<16xi32, #tpu.memory_space<vmem>>, vector<16xi32>,
    %get3A_4 = vector.shape_cast %get3A_3 : vector<16xi32> to vector<16xi32>
    %eq3A = arith.constant 0 : i32
    %eq3A_5 = arith.cmpi eq, %arg0, %eq3A : i32
    %slice3A = vector.extract_strided_slice %get3A_4 {offsets = [0], sizes = [1], strides = [1]} : vector<16xi32> to vector<1xi32>
    %squeeze3A = vector.extract %slice3A[0] : i32 from vector<1xi32>
    %slice3A_6 = vector.extract_strided_slice %get3A_4 {offsets = [1], sizes = [1], strides = [1]} : vector<16xi32> to vector<1xi32>
    %squeeze3A_7 = vector.extract %slice3A_6[0] : i32 from vector<1xi32>
    %select_n3A = arith.select %eq3A_5, %squeeze3A, %squeeze3A_7 : i32
    %eq3A_8 = arith.constant 0 : i32
    %eq3A_9 = arith.cmpi eq, %arg0, %eq3A_8 : i32
    %mul3A_10 = arith.constant 40 : i32
    %mul3A_11 = arith.muli %arg1, %mul3A_10 : i32
    %slice3A_12 = vector.extract_strided_slice %get3A_4 {offsets = [0], sizes = [1], strides = [1]} : vector<16xi32> to vector<1xi32>
    %squeeze3A_13 = vector.extract %slice3A_12[0] : i32 from vector<1xi32>
    %mul3A_14 = arith.muli %mul3A_11, %squeeze3A_13 : i32
    %slice3A_15 = vector.extract_strided_slice %get3A_4 {offsets = [0], sizes = [1], strides = [1]} : vector<16xi32> to vector<1xi32>
    %squeeze3A_16 = vector.extract %slice3A_15[0] : i32 from vector<1xi32>
    %mul3A_17 = arith.constant 640 : i32
    %mul3A_18 = arith.muli %mul3A_17, %squeeze3A_16 : i32
    %mul3A_19 = arith.constant 40 : i32
    %mul3A_20 = arith.muli %arg1, %mul3A_19 : i32
    %slice3A_21 = vector.extract_strided_slice %get3A_4 {offsets = [1], sizes = [1], strides = [1]} : vector<16xi32> to vector<1xi32>
    %squeeze3A_22 = vector.extract %slice3A_21[0] : i32 from vector<1xi32>
    %mul3A_23 = arith.muli %mul3A_20, %squeeze3A_22 : i32
    %add3A = arith.addi %mul3A_18, %mul3A_23 : i32
    %select_n3A_24 = arith.select %eq3A_9, %mul3A_14, %add3A : i32
    %barrier3A = arith.constant 0 : index
    tpu.barrier barrier_id(%barrier3A)
    %eq3A_25 = arith.constant 0 : i32
    %eq3A_26 = arith.cmpi eq, %arg0, %eq3A_25 : i32
    %convert_element_type3A = arith.extui %eq3A_26 : i1 to i32
    %cond3A = arith.constant 0 : i32
    %cond3A_27 = arith.cmpi ne, %convert_element_type3A, %cond3A : i32
    scf.if %cond3A_27 {
      %while3A = arith.constant 0 : i32
      %while3A_44 = arith.constant 0 : i32
      %while3A_45 = arith.subi %select_n3A, %while3A_44 : i32
      %while3A_46 = arith.addi %while3A_44, %while3A_45 : i32
      %while3A_47 = arith.constant 1 : i32
      %while3A_48 = arith.divsi %while3A_45, %while3A_47 : i32
      %while3A_49 = arith.muli %while3A_48, %while3A_47 : i32
      %while3A_50 = arith.addi %while3A_44, %while3A_49 : i32
      %while3A_51 = arith.constant 1 : i32
      scf.for %while3A_57 = %while3A_44 to %while3A_50 step %while3A_51  : i32 {
        %gt3A_58 = arith.constant 0 : i32
        %gt3A_59 = arith.cmpi sgt, %while3A_57, %gt3A_58 : i32
        %convert_element_type3A_60 = arith.extui %gt3A_59 : i1 to i32
        %cond3A_61 = arith.constant 0 : i32
        %cond3A_62 = arith.cmpi ne, %convert_element_type3A_60, %cond3A_61 : i32
        scf.if %cond3A_62 {
          %dma_wait3A = arith.constant 0 : i32
          %dma_wait3A_71 = arith.constant 0 : i32
          %dma_wait3A_72 = tpu.memref_slice %arg2[%dma_wait3A, %dma_wait3A_71] : memref<10000x128xf32, #tpu.memory_space<hbm>> -> memref<128x128xf32, #tpu.memory_space<hbm>>
          %dma_wait3A_73 = arith.constant 0 : i32
          %dma_wait3A_74 = arith.constant 0 : i32
          %dma_wait3A_75 = tpu.memref_slice %arg2[%dma_wait3A_73, %dma_wait3A_74] : memref<10000x128xf32, #tpu.memory_space<hbm>> -> memref<128x128xf32, #tpu.memory_space<hbm>>
          tpu.wait_dma2 semaphore(%arg18 : memref<!tpu.dma_semaphore, #tpu.memory_space<semaphore_mem>>) src(%dma_wait3A_75 : memref<128x128xf32, #tpu.memory_space<hbm>>) dst(%arg12 : memref<128x128xf32, #tpu.memory_space<vmem>>)
          %dma_wait3A_76 = arith.constant 0 : i32
          %dma_wait3A_77 = arith.constant 0 : i32
          %dma_wait3A_78 = tpu.memref_slice %arg2[%dma_wait3A_76, %dma_wait3A_77] : memref<10000x128xf32, #tpu.memory_space<hbm>> -> memref<128x128xf32, #tpu.memory_space<hbm>>
          %dma_wait3A_79 = arith.constant 0 : i32
          %dma_wait3A_80 = arith.constant 0 : i32
          %dma_wait3A_81 = tpu.memref_slice %arg2[%dma_wait3A_79, %dma_wait3A_80] : memref<10000x128xf32, #tpu.memory_space<hbm>> -> memref<128x128xf32, #tpu.memory_space<hbm>>
          tpu.wait_dma2 semaphore(%arg19 : memref<!tpu.dma_semaphore, #tpu.memory_space<semaphore_mem>>) src(%dma_wait3A_81 : memref<128x128xf32, #tpu.memory_space<hbm>>) dst(%arg13 : memref<128x128xf32, #tpu.memory_space<vmem>>)
        } else {
        }
        %mul3A_63 = arith.constant 40 : i32
        %mul3A_64 = arith.muli %while3A_57, %mul3A_63 : i32
        %add3A_65 = arith.addi %select_n3A_24, %mul3A_64 : i32
        %multiple_of3A = tpu.assume_multiple %add3A_65, 8 : i32
        "tpu.region"() ({
          %run_scoped3A = tpu.sem_alloc : memref<!tpu.dma_semaphore, #tpu.memory_space<semaphore_mem>>
          %dma_start3A = arith.constant 0 : i32
          %dma_start3A_71 = tpu.memref_slice %arg4[%multiple_of3A, %dma_start3A] : memref<5120x128xi32, #tpu.memory_space<hbm>> -> memref<40x128xi32, #tpu.memory_space<hbm>>
          %dma_start3A_72 = arith.constant 0 : i32
          %dma_start3A_73 = tpu.memref_slice %arg4[%multiple_of3A, %dma_start3A_72] : memref<5120x128xi32, #tpu.memory_space<hbm>> -> memref<40x128xi32, #tpu.memory_space<hbm>>
          tpu.enqueue_dma source(%dma_start3A_73 : memref<40x128xi32, #tpu.memory_space<hbm>>) target(%arg10 : memref<40x128xi32, #tpu.memory_space<vmem>>) target_semaphore(%run_scoped3A : memref<!tpu.dma_semaphore, #tpu.memory_space<semaphore_mem>>)
          %dma_wait3A = arith.constant 0 : i32
          %dma_wait3A_74 = tpu.memref_slice %arg4[%multiple_of3A, %dma_wait3A] : memref<5120x128xi32, #tpu.memory_space<hbm>> -> memref<40x128xi32, #tpu.memory_space<hbm>>
          %dma_wait3A_75 = arith.constant 0 : i32
          %dma_wait3A_76 = tpu.memref_slice %arg4[%multiple_of3A, %dma_wait3A_75] : memref<5120x128xi32, #tpu.memory_space<hbm>> -> memref<40x128xi32, #tpu.memory_space<hbm>>
          tpu.wait_dma2 semaphore(%run_scoped3A : memref<!tpu.dma_semaphore, #tpu.memory_space<semaphore_mem>>) src(%dma_wait3A_76 : memref<40x128xi32, #tpu.memory_space<hbm>>) dst(%arg10 : memref<40x128xi32, #tpu.memory_space<vmem>>)
          tpu.yield
        }) : () -> ()
        "tpu.region"() ({
          %run_scoped3A = tpu.sem_alloc : memref<!tpu.dma_semaphore, #tpu.memory_space<semaphore_mem>>
          %dma_start3A = arith.constant 0 : i32
          %dma_start3A_71 = tpu.memref_slice %arg5[%multiple_of3A, %dma_start3A] : memref<5120x128xi32, #tpu.memory_space<hbm>> -> memref<40x128xi32, #tpu.memory_space<hbm>>
          %dma_start3A_72 = arith.constant 0 : i32
          %dma_start3A_73 = tpu.memref_slice %arg5[%multiple_of3A, %dma_start3A_72] : memref<5120x128xi32, #tpu.memory_space<hbm>> -> memref<40x128xi32, #tpu.memory_space<hbm>>
          tpu.enqueue_dma source(%dma_start3A_73 : memref<40x128xi32, #tpu.memory_space<hbm>>) target(%arg11 : memref<40x128xi32, #tpu.memory_space<vmem>>) target_semaphore(%run_scoped3A : memref<!tpu.dma_semaphore, #tpu.memory_space<semaphore_mem>>)
          %dma_wait3A = arith.constant 0 : i32
          %dma_wait3A_74 = tpu.memref_slice %arg5[%multiple_of3A, %dma_wait3A] : memref<5120x128xi32, #tpu.memory_space<hbm>> -> memref<40x128xi32, #tpu.memory_space<hbm>>
          %dma_wait3A_75 = arith.constant 0 : i32
          %dma_wait3A_76 = tpu.memref_slice %arg5[%multiple_of3A, %dma_wait3A_75] : memref<5120x128xi32, #tpu.memory_space<hbm>> -> memref<40x128xi32, #tpu.memory_space<hbm>>
          tpu.wait_dma2 semaphore(%run_scoped3A : memref<!tpu.dma_semaphore, #tpu.memory_space<semaphore_mem>>) src(%dma_wait3A_76 : memref<40x128xi32, #tpu.memory_space<hbm>>) dst(%arg11 : memref<40x128xi32, #tpu.memory_space<vmem>>)
          tpu.yield
        }) : () -> ()
        %scan3A = arith.constant 0 : i32
        %scan3A_66 = arith.constant 0 : i32
        %scan3A_67 = arith.constant 20 : i32
        %scan3A_68 = arith.addi %scan3A_66, %scan3A_67 : i32
        %scan3A_69 = arith.constant 1 : i32
        scf.for %scan3A_71 = %scan3A_66 to %scan3A_68 step %scan3A_69  : i32 {
          %mul3A_72 = arith.constant 2 : i32
          %mul3A_73 = arith.muli %mul3A_72, %scan3A_71 : i32
          %mul3A_74 = arith.constant 2 : i32
          %mul3A_75 = arith.muli %mul3A_74, %scan3A_71 : i32
          %add3A_76 = arith.constant 1 : i32
          %add3A_77 = arith.addi %mul3A_75, %add3A_76 : i32
          %gt3A_78 = arith.constant 0 : i32
          %gt3A_79 = arith.cmpi sgt, %scan3A_71, %gt3A_78 : i32
          %convert_element_type3A_80 = arith.extui %gt3A_79 : i1 to i32
          %cond3A_81 = arith.constant 0 : i32
          %cond3A_82 = arith.cmpi ne, %convert_element_type3A_80, %cond3A_81 : i32
          scf.if %cond3A_82 {
            %dma_wait3A_117 = arith.constant 0 : i32
            %dma_wait3A_118 = arith.constant 0 : i32
            %dma_wait3A_119 = tpu.memref_slice %arg2[%dma_wait3A_117, %dma_wait3A_118] : memref<10000x128xf32, #tpu.memory_space<hbm>> -> memref<128x128xf32, #tpu.memory_space<hbm>>
            %dma_wait3A_120 = arith.constant 0 : i32
            %dma_wait3A_121 = arith.constant 0 : i32
            %dma_wait3A_122 = tpu.memref_slice %arg2[%dma_wait3A_120, %dma_wait3A_121] : memref<10000x128xf32, #tpu.memory_space<hbm>> -> memref<128x128xf32, #tpu.memory_space<hbm>>
            tpu.wait_dma2 semaphore(%arg18 : memref<!tpu.dma_semaphore, #tpu.memory_space<semaphore_mem>>) src(%dma_wait3A_122 : memref<128x128xf32, #tpu.memory_space<hbm>>) dst(%arg12 : memref<128x128xf32, #tpu.memory_space<vmem>>)
            %dma_wait3A_123 = arith.constant 0 : i32
            %dma_wait3A_124 = arith.constant 0 : i32
            %dma_wait3A_125 = tpu.memref_slice %arg2[%dma_wait3A_123, %dma_wait3A_124] : memref<10000x128xf32, #tpu.memory_space<hbm>> -> memref<128x128xf32, #tpu.memory_space<hbm>>
            %dma_wait3A_126 = arith.constant 0 : i32
            %dma_wait3A_127 = arith.constant 0 : i32
            %dma_wait3A_128 = tpu.memref_slice %arg2[%dma_wait3A_126, %dma_wait3A_127] : memref<10000x128xf32, #tpu.memory_space<hbm>> -> memref<128x128xf32, #tpu.memory_space<hbm>>
            tpu.wait_dma2 semaphore(%arg19 : memref<!tpu.dma_semaphore, #tpu.memory_space<semaphore_mem>>) src(%dma_wait3A_128 : memref<128x128xf32, #tpu.memory_space<hbm>>) dst(%arg13 : memref<128x128xf32, #tpu.memory_space<vmem>>)
          } else {
          }
          %dma_start3A = arith.constant 0 : i32
          %dma_start3A_83 = tpu.memref_slice %arg10[%mul3A_73, %dma_start3A] : memref<40x128xi32, #tpu.memory_space<vmem>> -> memref<1x128xi32, #tpu.memory_space<vmem>>
          %dma_start3A_84 = tpu.memref_squeeze %dma_start3A_83 : memref<1x128xi32, #tpu.memory_space<vmem>> -> memref<128xi32, #tpu.memory_space<vmem>>
          %dma_start3A_85 = arith.constant 0 : i32
          %dma_start3A_86 = arith.constant 0 : i32
          %dma_start3A_87 = tpu.memref_slice %arg2[%dma_start3A_85, %dma_start3A_86] : memref<10000x128xf32, #tpu.memory_space<hbm>> -> memref<10000x128xf32, #tpu.memory_space<hbm>>
          tpu.enqueue_indirect_dma source(%dma_start3A_87 : memref<10000x128xf32, #tpu.memory_space<hbm>>) target(%arg12 : memref<128x128xf32, #tpu.memory_space<vmem>>) offsets(%dma_start3A_84 : memref<128xi32, #tpu.memory_space<vmem>>) semaphore(%arg16 : memref<!tpu.dma_semaphore, #tpu.memory_space<semaphore_mem>>)
          %dma_start3A_88 = arith.constant 0 : i32
          %dma_start3A_89 = tpu.memref_slice %arg10[%add3A_77, %dma_start3A_88] : memref<40x128xi32, #tpu.memory_space<vmem>> -> memref<1x128xi32, #tpu.memory_space<vmem>>
          %dma_start3A_90 = tpu.memref_squeeze %dma_start3A_89 : memref<1x128xi32, #tpu.memory_space<vmem>> -> memref<128xi32, #tpu.memory_space<vmem>>
          %dma_start3A_91 = arith.constant 0 : i32
          %dma_start3A_92 = arith.constant 0 : i32
          %dma_start3A_93 = tpu.memref_slice %arg2[%dma_start3A_91, %dma_start3A_92] : memref<10000x128xf32, #tpu.memory_space<hbm>> -> memref<10000x128xf32, #tpu.memory_space<hbm>>
          tpu.enqueue_indirect_dma source(%dma_start3A_93 : memref<10000x128xf32, #tpu.memory_space<hbm>>) target(%arg13 : memref<128x128xf32, #tpu.memory_space<vmem>>) offsets(%dma_start3A_90 : memref<128xi32, #tpu.memory_space<vmem>>) semaphore(%arg17 : memref<!tpu.dma_semaphore, #tpu.memory_space<semaphore_mem>>)
          %dma_wait3A = arith.constant 0 : i32
          %dma_wait3A_94 = tpu.memref_slice %arg10[%mul3A_73, %dma_wait3A] : memref<40x128xi32, #tpu.memory_space<vmem>> -> memref<1x128xi32, #tpu.memory_space<vmem>>
          %dma_wait3A_95 = tpu.memref_squeeze %dma_wait3A_94 : memref<1x128xi32, #tpu.memory_space<vmem>> -> memref<128xi32, #tpu.memory_space<vmem>>
          %dma_wait3A_96 = arith.constant 0 : i32
          %dma_wait3A_97 = arith.constant 0 : i32
          %dma_wait3A_98 = tpu.memref_slice %arg2[%dma_wait3A_96, %dma_wait3A_97] : memref<10000x128xf32, #tpu.memory_space<hbm>> -> memref<10000x128xf32, #tpu.memory_space<hbm>>
          tpu.wait_indirect_dma semaphore(%arg16 : memref<!tpu.dma_semaphore, #tpu.memory_space<semaphore_mem>>) src(%dma_wait3A_98 : memref<10000x128xf32, #tpu.memory_space<hbm>>) dst(%arg12 : memref<128x128xf32, #tpu.memory_space<vmem>>)
          %dma_start3A_99 = arith.constant 0 : i32
          %dma_start3A_100 = tpu.memref_slice %arg11[%mul3A_73, %dma_start3A_99] : memref<40x128xi32, #tpu.memory_space<vmem>> -> memref<1x128xi32, #tpu.memory_space<vmem>>
          %dma_start3A_101 = tpu.memref_squeeze %dma_start3A_100 : memref<1x128xi32, #tpu.memory_space<vmem>> -> memref<128xi32, #tpu.memory_space<vmem>>
          %dma_start3A_102 = arith.constant 0 : i32
          %dma_start3A_103 = arith.constant 0 : i32
          %dma_start3A_104 = tpu.memref_slice %arg15[%dma_start3A_102, %dma_start3A_103] : memref<10112x128xf32, #tpu.memory_space<vmem_shared>> -> memref<10112x128xf32, #tpu.memory_space<vmem_shared>>
          tpu.enqueue_indirect_dma source(%arg12 : memref<128x128xf32, #tpu.memory_space<vmem>>) target(%dma_start3A_104 : memref<10112x128xf32, #tpu.memory_space<vmem_shared>>) offsets(%dma_start3A_101 : memref<128xi32, #tpu.memory_space<vmem>>) semaphore(%arg18 : memref<!tpu.dma_semaphore, #tpu.memory_space<semaphore_mem>>) {add = true}
          %dma_wait3A_105 = arith.constant 0 : i32
          %dma_wait3A_106 = tpu.memref_slice %arg10[%add3A_77, %dma_wait3A_105] : memref<40x128xi32, #tpu.memory_space<vmem>> -> memref<1x128xi32, #tpu.memory_space<vmem>>
          %dma_wait3A_107 = tpu.memref_squeeze %dma_wait3A_106 : memref<1x128xi32, #tpu.memory_space<vmem>> -> memref<128xi32, #tpu.memory_space<vmem>>
          %dma_wait3A_108 = arith.constant 0 : i32
          %dma_wait3A_109 = arith.constant 0 : i32
          %dma_wait3A_110 = tpu.memref_slice %arg2[%dma_wait3A_108, %dma_wait3A_109] : memref<10000x128xf32, #tpu.memory_space<hbm>> -> memref<10000x128xf32, #tpu.memory_space<hbm>>
          tpu.wait_indirect_dma semaphore(%arg17 : memref<!tpu.dma_semaphore, #tpu.memory_space<semaphore_mem>>) src(%dma_wait3A_110 : memref<10000x128xf32, #tpu.memory_space<hbm>>) dst(%arg13 : memref<128x128xf32, #tpu.memory_space<vmem>>)
          %dma_start3A_111 = arith.constant 0 : i32
          %dma_start3A_112 = tpu.memref_slice %arg11[%add3A_77, %dma_start3A_111] : memref<40x128xi32, #tpu.memory_space<vmem>> -> memref<1x128xi32, #tpu.memory_space<vmem>>
          %dma_start3A_113 = tpu.memref_squeeze %dma_start3A_112 : memref<1x128xi32, #tpu.memory_space<vmem>> -> memref<128xi32, #tpu.memory_space<vmem>>
          %dma_start3A_114 = arith.constant 0 : i32
          %dma_start3A_115 = arith.constant 0 : i32
          %dma_start3A_116 = tpu.memref_slice %arg15[%dma_start3A_114, %dma_start3A_115] : memref<10112x128xf32, #tpu.memory_space<vmem_shared>> -> memref<10112x128xf32, #tpu.memory_space<vmem_shared>>
          tpu.enqueue_indirect_dma source(%arg13 : memref<128x128xf32, #tpu.memory_space<vmem>>) target(%dma_start3A_116 : memref<10112x128xf32, #tpu.memory_space<vmem_shared>>) offsets(%dma_start3A_113 : memref<128xi32, #tpu.memory_space<vmem>>) semaphore(%arg19 : memref<!tpu.dma_semaphore, #tpu.memory_space<semaphore_mem>>) {add = true}
        }
        %scan3A_70 = arith.constant 20 : i32
      }
      %while3A_52 = arith.constant 1 : i32
      scf.for %while3A_57 = %while3A_50 to %while3A_46 step %while3A_52  : i32 {
        %gt3A_58 = arith.constant 0 : i32
        %gt3A_59 = arith.cmpi sgt, %while3A_57, %gt3A_58 : i32
        %convert_element_type3A_60 = arith.extui %gt3A_59 : i1 to i32
        %cond3A_61 = arith.constant 0 : i32
        %cond3A_62 = arith.cmpi ne, %convert_element_type3A_60, %cond3A_61 : i32
        scf.if %cond3A_62 {
          %dma_wait3A = arith.constant 0 : i32
          %dma_wait3A_71 = arith.constant 0 : i32
          %dma_wait3A_72 = tpu.memref_slice %arg2[%dma_wait3A, %dma_wait3A_71] : memref<10000x128xf32, #tpu.memory_space<hbm>> -> memref<128x128xf32, #tpu.memory_space<hbm>>
          %dma_wait3A_73 = arith.constant 0 : i32
          %dma_wait3A_74 = arith.constant 0 : i32
          %dma_wait3A_75 = tpu.memref_slice %arg2[%dma_wait3A_73, %dma_wait3A_74] : memref<10000x128xf32, #tpu.memory_space<hbm>> -> memref<128x128xf32, #tpu.memory_space<hbm>>
          tpu.wait_dma2 semaphore(%arg18 : memref<!tpu.dma_semaphore, #tpu.memory_space<semaphore_mem>>) src(%dma_wait3A_75 : memref<128x128xf32, #tpu.memory_space<hbm>>) dst(%arg12 : memref<128x128xf32, #tpu.memory_space<vmem>>)
          %dma_wait3A_76 = arith.constant 0 : i32
          %dma_wait3A_77 = arith.constant 0 : i32
          %dma_wait3A_78 = tpu.memref_slice %arg2[%dma_wait3A_76, %dma_wait3A_77] : memref<10000x128xf32, #tpu.memory_space<hbm>> -> memref<128x128xf32, #tpu.memory_space<hbm>>
          %dma_wait3A_79 = arith.constant 0 : i32
          %dma_wait3A_80 = arith.constant 0 : i32
          %dma_wait3A_81 = tpu.memref_slice %arg2[%dma_wait3A_79, %dma_wait3A_80] : memref<10000x128xf32, #tpu.memory_space<hbm>> -> memref<128x128xf32, #tpu.memory_space<hbm>>
          tpu.wait_dma2 semaphore(%arg19 : memref<!tpu.dma_semaphore, #tpu.memory_space<semaphore_mem>>) src(%dma_wait3A_81 : memref<128x128xf32, #tpu.memory_space<hbm>>) dst(%arg13 : memref<128x128xf32, #tpu.memory_space<vmem>>)
        } else {
        }
        %mul3A_63 = arith.constant 40 : i32
        %mul3A_64 = arith.muli %while3A_57, %mul3A_63 : i32
        %add3A_65 = arith.addi %select_n3A_24, %mul3A_64 : i32
        %multiple_of3A = tpu.assume_multiple %add3A_65, 8 : i32
        "tpu.region"() ({
          %run_scoped3A = tpu.sem_alloc : memref<!tpu.dma_semaphore, #tpu.memory_space<semaphore_mem>>
          %dma_start3A = arith.constant 0 : i32
          %dma_start3A_71 = tpu.memref_slice %arg4[%multiple_of3A, %dma_start3A] : memref<5120x128xi32, #tpu.memory_space<hbm>> -> memref<40x128xi32, #tpu.memory_space<hbm>>
          %dma_start3A_72 = arith.constant 0 : i32
          %dma_start3A_73 = tpu.memref_slice %arg4[%multiple_of3A, %dma_start3A_72] : memref<5120x128xi32, #tpu.memory_space<hbm>> -> memref<40x128xi32, #tpu.memory_space<hbm>>
          tpu.enqueue_dma source(%dma_start3A_73 : memref<40x128xi32, #tpu.memory_space<hbm>>) target(%arg10 : memref<40x128xi32, #tpu.memory_space<vmem>>) target_semaphore(%run_scoped3A : memref<!tpu.dma_semaphore, #tpu.memory_space<semaphore_mem>>)
          %dma_wait3A = arith.constant 0 : i32
          %dma_wait3A_74 = tpu.memref_slice %arg4[%multiple_of3A, %dma_wait3A] : memref<5120x128xi32, #tpu.memory_space<hbm>> -> memref<40x128xi32, #tpu.memory_space<hbm>>
          %dma_wait3A_75 = arith.constant 0 : i32
          %dma_wait3A_76 = tpu.memref_slice %arg4[%multiple_of3A, %dma_wait3A_75] : memref<5120x128xi32, #tpu.memory_space<hbm>> -> memref<40x128xi32, #tpu.memory_space<hbm>>
          tpu.wait_dma2 semaphore(%run_scoped3A : memref<!tpu.dma_semaphore, #tpu.memory_space<semaphore_mem>>) src(%dma_wait3A_76 : memref<40x128xi32, #tpu.memory_space<hbm>>) dst(%arg10 : memref<40x128xi32, #tpu.memory_space<vmem>>)
          tpu.yield
        }) : () -> ()
        "tpu.region"() ({
          %run_scoped3A = tpu.sem_alloc : memref<!tpu.dma_semaphore, #tpu.memory_space<semaphore_mem>>
          %dma_start3A = arith.constant 0 : i32
          %dma_start3A_71 = tpu.memref_slice %arg5[%multiple_of3A, %dma_start3A] : memref<5120x128xi32, #tpu.memory_space<hbm>> -> memref<40x128xi32, #tpu.memory_space<hbm>>
          %dma_start3A_72 = arith.constant 0 : i32
          %dma_start3A_73 = tpu.memref_slice %arg5[%multiple_of3A, %dma_start3A_72] : memref<5120x128xi32, #tpu.memory_space<hbm>> -> memref<40x128xi32, #tpu.memory_space<hbm>>
          tpu.enqueue_dma source(%dma_start3A_73 : memref<40x128xi32, #tpu.memory_space<hbm>>) target(%arg11 : memref<40x128xi32, #tpu.memory_space<vmem>>) target_semaphore(%run_scoped3A : memref<!tpu.dma_semaphore, #tpu.memory_space<semaphore_mem>>)
          %dma_wait3A = arith.constant 0 : i32
          %dma_wait3A_74 = tpu.memref_slice %arg5[%multiple_of3A, %dma_wait3A] : memref<5120x128xi32, #tpu.memory_space<hbm>> -> memref<40x128xi32, #tpu.memory_space<hbm>>
          %dma_wait3A_75 = arith.constant 0 : i32
          %dma_wait3A_76 = tpu.memref_slice %arg5[%multiple_of3A, %dma_wait3A_75] : memref<5120x128xi32, #tpu.memory_space<hbm>> -> memref<40x128xi32, #tpu.memory_space<hbm>>
          tpu.wait_dma2 semaphore(%run_scoped3A : memref<!tpu.dma_semaphore, #tpu.memory_space<semaphore_mem>>) src(%dma_wait3A_76 : memref<40x128xi32, #tpu.memory_space<hbm>>) dst(%arg11 : memref<40x128xi32, #tpu.memory_space<vmem>>)
          tpu.yield
        }) : () -> ()
        %scan3A = arith.constant 0 : i32
        %scan3A_66 = arith.constant 0 : i32
        %scan3A_67 = arith.constant 20 : i32
        %scan3A_68 = arith.addi %scan3A_66, %scan3A_67 : i32
        %scan3A_69 = arith.constant 1 : i32
        scf.for %scan3A_71 = %scan3A_66 to %scan3A_68 step %scan3A_69  : i32 {
          %mul3A_72 = arith.constant 2 : i32
          %mul3A_73 = arith.muli %mul3A_72, %scan3A_71 : i32
          %mul3A_74 = arith.constant 2 : i32
          %mul3A_75 = arith.muli %mul3A_74, %scan3A_71 : i32
          %add3A_76 = arith.constant 1 : i32
          %add3A_77 = arith.addi %mul3A_75, %add3A_76 : i32
          %gt3A_78 = arith.constant 0 : i32
          %gt3A_79 = arith.cmpi sgt, %scan3A_71, %gt3A_78 : i32
          %convert_element_type3A_80 = arith.extui %gt3A_79 : i1 to i32
          %cond3A_81 = arith.constant 0 : i32
          %cond3A_82 = arith.cmpi ne, %convert_element_type3A_80, %cond3A_81 : i32
          scf.if %cond3A_82 {
            %dma_wait3A_117 = arith.constant 0 : i32
            %dma_wait3A_118 = arith.constant 0 : i32
            %dma_wait3A_119 = tpu.memref_slice %arg2[%dma_wait3A_117, %dma_wait3A_118] : memref<10000x128xf32, #tpu.memory_space<hbm>> -> memref<128x128xf32, #tpu.memory_space<hbm>>
            %dma_wait3A_120 = arith.constant 0 : i32
            %dma_wait3A_121 = arith.constant 0 : i32
            %dma_wait3A_122 = tpu.memref_slice %arg2[%dma_wait3A_120, %dma_wait3A_121] : memref<10000x128xf32, #tpu.memory_space<hbm>> -> memref<128x128xf32, #tpu.memory_space<hbm>>
            tpu.wait_dma2 semaphore(%arg18 : memref<!tpu.dma_semaphore, #tpu.memory_space<semaphore_mem>>) src(%dma_wait3A_122 : memref<128x128xf32, #tpu.memory_space<hbm>>) dst(%arg12 : memref<128x128xf32, #tpu.memory_space<vmem>>)
            %dma_wait3A_123 = arith.constant 0 : i32
            %dma_wait3A_124 = arith.constant 0 : i32
            %dma_wait3A_125 = tpu.memref_slice %arg2[%dma_wait3A_123, %dma_wait3A_124] : memref<10000x128xf32, #tpu.memory_space<hbm>> -> memref<128x128xf32, #tpu.memory_space<hbm>>
            %dma_wait3A_126 = arith.constant 0 : i32
            %dma_wait3A_127 = arith.constant 0 : i32
            %dma_wait3A_128 = tpu.memref_slice %arg2[%dma_wait3A_126, %dma_wait3A_127] : memref<10000x128xf32, #tpu.memory_space<hbm>> -> memref<128x128xf32, #tpu.memory_space<hbm>>
            tpu.wait_dma2 semaphore(%arg19 : memref<!tpu.dma_semaphore, #tpu.memory_space<semaphore_mem>>) src(%dma_wait3A_128 : memref<128x128xf32, #tpu.memory_space<hbm>>) dst(%arg13 : memref<128x128xf32, #tpu.memory_space<vmem>>)
          } else {
          }
          %dma_start3A = arith.constant 0 : i32
          %dma_start3A_83 = tpu.memref_slice %arg10[%mul3A_73, %dma_start3A] : memref<40x128xi32, #tpu.memory_space<vmem>> -> memref<1x128xi32, #tpu.memory_space<vmem>>
          %dma_start3A_84 = tpu.memref_squeeze %dma_start3A_83 : memref<1x128xi32, #tpu.memory_space<vmem>> -> memref<128xi32, #tpu.memory_space<vmem>>
          %dma_start3A_85 = arith.constant 0 : i32
          %dma_start3A_86 = arith.constant 0 : i32
          %dma_start3A_87 = tpu.memref_slice %arg2[%dma_start3A_85, %dma_start3A_86] : memref<10000x128xf32, #tpu.memory_space<hbm>> -> memref<10000x128xf32, #tpu.memory_space<hbm>>
          tpu.enqueue_indirect_dma source(%dma_start3A_87 : memref<10000x128xf32, #tpu.memory_space<hbm>>) target(%arg12 : memref<128x128xf32, #tpu.memory_space<vmem>>) offsets(%dma_start3A_84 : memref<128xi32, #tpu.memory_space<vmem>>) semaphore(%arg16 : memref<!tpu.dma_semaphore, #tpu.memory_space<semaphore_mem>>)
          %dma_start3A_88 = arith.constant 0 : i32
          %dma_start3A_89 = tpu.memref_slice %arg10[%add3A_77, %dma_start3A_88] : memref<40x128xi32, #tpu.memory_space<vmem>> -> memref<1x128xi32, #tpu.memory_space<vmem>>
          %dma_start3A_90 = tpu.memref_squeeze %dma_start3A_89 : memref<1x128xi32, #tpu.memory_space<vmem>> -> memref<128xi32, #tpu.memory_space<vmem>>
          %dma_start3A_91 = arith.constant 0 : i32
          %dma_start3A_92 = arith.constant 0 : i32
          %dma_start3A_93 = tpu.memref_slice %arg2[%dma_start3A_91, %dma_start3A_92] : memref<10000x128xf32, #tpu.memory_space<hbm>> -> memref<10000x128xf32, #tpu.memory_space<hbm>>
          tpu.enqueue_indirect_dma source(%dma_start3A_93 : memref<10000x128xf32, #tpu.memory_space<hbm>>) target(%arg13 : memref<128x128xf32, #tpu.memory_space<vmem>>) offsets(%dma_start3A_90 : memref<128xi32, #tpu.memory_space<vmem>>) semaphore(%arg17 : memref<!tpu.dma_semaphore, #tpu.memory_space<semaphore_mem>>)
          %dma_wait3A = arith.constant 0 : i32
          %dma_wait3A_94 = tpu.memref_slice %arg10[%mul3A_73, %dma_wait3A] : memref<40x128xi32, #tpu.memory_space<vmem>> -> memref<1x128xi32, #tpu.memory_space<vmem>>
          %dma_wait3A_95 = tpu.memref_squeeze %dma_wait3A_94 : memref<1x128xi32, #tpu.memory_space<vmem>> -> memref<128xi32, #tpu.memory_space<vmem>>
          %dma_wait3A_96 = arith.constant 0 : i32
          %dma_wait3A_97 = arith.constant 0 : i32
          %dma_wait3A_98 = tpu.memref_slice %arg2[%dma_wait3A_96, %dma_wait3A_97] : memref<10000x128xf32, #tpu.memory_space<hbm>> -> memref<10000x128xf32, #tpu.memory_space<hbm>>
          tpu.wait_indirect_dma semaphore(%arg16 : memref<!tpu.dma_semaphore, #tpu.memory_space<semaphore_mem>>) src(%dma_wait3A_98 : memref<10000x128xf32, #tpu.memory_space<hbm>>) dst(%arg12 : memref<128x128xf32, #tpu.memory_space<vmem>>)
          %dma_start3A_99 = arith.constant 0 : i32
          %dma_start3A_100 = tpu.memref_slice %arg11[%mul3A_73, %dma_start3A_99] : memref<40x128xi32, #tpu.memory_space<vmem>> -> memref<1x128xi32, #tpu.memory_space<vmem>>
          %dma_start3A_101 = tpu.memref_squeeze %dma_start3A_100 : memref<1x128xi32, #tpu.memory_space<vmem>> -> memref<128xi32, #tpu.memory_space<vmem>>
          %dma_start3A_102 = arith.constant 0 : i32
          %dma_start3A_103 = arith.constant 0 : i32
          %dma_start3A_104 = tpu.memref_slice %arg15[%dma_start3A_102, %dma_start3A_103] : memref<10112x128xf32, #tpu.memory_space<vmem_shared>> -> memref<10112x128xf32, #tpu.memory_space<vmem_shared>>
          tpu.enqueue_indirect_dma source(%arg12 : memref<128x128xf32, #tpu.memory_space<vmem>>) target(%dma_start3A_104 : memref<10112x128xf32, #tpu.memory_space<vmem_shared>>) offsets(%dma_start3A_101 : memref<128xi32, #tpu.memory_space<vmem>>) semaphore(%arg18 : memref<!tpu.dma_semaphore, #tpu.memory_space<semaphore_mem>>) {add = true}
          %dma_wait3A_105 = arith.constant 0 : i32
          %dma_wait3A_106 = tpu.memref_slice %arg10[%add3A_77, %dma_wait3A_105] : memref<40x128xi32, #tpu.memory_space<vmem>> -> memref<1x128xi32, #tpu.memory_space<vmem>>
          %dma_wait3A_107 = tpu.memref_squeeze %dma_wait3A_106 : memref<1x128xi32, #tpu.memory_space<vmem>> -> memref<128xi32, #tpu.memory_space<vmem>>
          %dma_wait3A_108 = arith.constant 0 : i32
          %dma_wait3A_109 = arith.constant 0 : i32
          %dma_wait3A_110 = tpu.memref_slice %arg2[%dma_wait3A_108, %dma_wait3A_109] : memref<10000x128xf32, #tpu.memory_space<hbm>> -> memref<10000x128xf32, #tpu.memory_space<hbm>>
          tpu.wait_indirect_dma semaphore(%arg17 : memref<!tpu.dma_semaphore, #tpu.memory_space<semaphore_mem>>) src(%dma_wait3A_110 : memref<10000x128xf32, #tpu.memory_space<hbm>>) dst(%arg13 : memref<128x128xf32, #tpu.memory_space<vmem>>)
          %dma_start3A_111 = arith.constant 0 : i32
          %dma_start3A_112 = tpu.memref_slice %arg11[%add3A_77, %dma_start3A_111] : memref<40x128xi32, #tpu.memory_space<vmem>> -> memref<1x128xi32, #tpu.memory_space<vmem>>
          %dma_start3A_113 = tpu.memref_squeeze %dma_start3A_112 : memref<1x128xi32, #tpu.memory_space<vmem>> -> memref<128xi32, #tpu.memory_space<vmem>>
          %dma_start3A_114 = arith.constant 0 : i32
          %dma_start3A_115 = arith.constant 0 : i32
          %dma_start3A_116 = tpu.memref_slice %arg15[%dma_start3A_114, %dma_start3A_115] : memref<10112x128xf32, #tpu.memory_space<vmem_shared>> -> memref<10112x128xf32, #tpu.memory_space<vmem_shared>>
          tpu.enqueue_indirect_dma source(%arg13 : memref<128x128xf32, #tpu.memory_space<vmem>>) target(%dma_start3A_116 : memref<10112x128xf32, #tpu.memory_space<vmem_shared>>) offsets(%dma_start3A_113 : memref<128xi32, #tpu.memory_space<vmem>>) semaphore(%arg19 : memref<!tpu.dma_semaphore, #tpu.memory_space<semaphore_mem>>) {add = true}
        }
        %scan3A_70 = arith.constant 20 : i32
      }
      %gt3A = arith.constant 0 : i32
      %gt3A_53 = arith.cmpi sgt, %select_n3A, %gt3A : i32
      %convert_element_type3A_54 = arith.extui %gt3A_53 : i1 to i32
      %cond3A_55 = arith.constant 0 : i32
      %cond3A_56 = arith.cmpi ne, %convert_element_type3A_54, %cond3A_55 : i32
      scf.if %cond3A_56 {
        %dma_wait3A = arith.constant 0 : i32
        %dma_wait3A_57 = arith.constant 0 : i32
        %dma_wait3A_58 = tpu.memref_slice %arg2[%dma_wait3A, %dma_wait3A_57] : memref<10000x128xf32, #tpu.memory_space<hbm>> -> memref<128x128xf32, #tpu.memory_space<hbm>>
        %dma_wait3A_59 = arith.constant 0 : i32
        %dma_wait3A_60 = arith.constant 0 : i32
        %dma_wait3A_61 = tpu.memref_slice %arg2[%dma_wait3A_59, %dma_wait3A_60] : memref<10000x128xf32, #tpu.memory_space<hbm>> -> memref<128x128xf32, #tpu.memory_space<hbm>>
        tpu.wait_dma2 semaphore(%arg18 : memref<!tpu.dma_semaphore, #tpu.memory_space<semaphore_mem>>) src(%dma_wait3A_61 : memref<128x128xf32, #tpu.memory_space<hbm>>) dst(%arg12 : memref<128x128xf32, #tpu.memory_space<vmem>>)
        %dma_wait3A_62 = arith.constant 0 : i32
        %dma_wait3A_63 = arith.constant 0 : i32
        %dma_wait3A_64 = tpu.memref_slice %arg2[%dma_wait3A_62, %dma_wait3A_63] : memref<10000x128xf32, #tpu.memory_space<hbm>> -> memref<128x128xf32, #tpu.memory_space<hbm>>
        %dma_wait3A_65 = arith.constant 0 : i32
        %dma_wait3A_66 = arith.constant 0 : i32
        %dma_wait3A_67 = tpu.memref_slice %arg2[%dma_wait3A_65, %dma_wait3A_66] : memref<10000x128xf32, #tpu.memory_space<hbm>> -> memref<128x128xf32, #tpu.memory_space<hbm>>
        tpu.wait_dma2 semaphore(%arg19 : memref<!tpu.dma_semaphore, #tpu.memory_space<semaphore_mem>>) src(%dma_wait3A_67 : memref<128x128xf32, #tpu.memory_space<hbm>>) dst(%arg13 : memref<128x128xf32, #tpu.memory_space<vmem>>)
      } else {
      }
    } else {
    }
    %eq3A_28 = arith.constant 1 : i32
    %eq3A_29 = arith.cmpi eq, %arg0, %eq3A_28 : i32
    %convert_element_type3A_30 = arith.extui %eq3A_29 : i1 to i32
    %cond3A_31 = arith.constant 0 : i32
    %cond3A_32 = arith.cmpi ne, %convert_element_type3A_30, %cond3A_31 : i32
    scf.if %cond3A_32 {
      %while3A = arith.constant 0 : i32
      %while3A_44 = arith.constant 0 : i32
      %while3A_45 = arith.subi %select_n3A, %while3A_44 : i32
      %while3A_46 = arith.addi %while3A_44, %while3A_45 : i32
      %while3A_47 = arith.constant 1 : i32
      %while3A_48 = arith.divsi %while3A_45, %while3A_47 : i32
      %while3A_49 = arith.muli %while3A_48, %while3A_47 : i32
      %while3A_50 = arith.addi %while3A_44, %while3A_49 : i32
      %while3A_51 = arith.constant 1 : i32
      scf.for %while3A_57 = %while3A_44 to %while3A_50 step %while3A_51  : i32 {
        %gt3A_58 = arith.constant 0 : i32
        %gt3A_59 = arith.cmpi sgt, %while3A_57, %gt3A_58 : i32
        %convert_element_type3A_60 = arith.extui %gt3A_59 : i1 to i32
        %cond3A_61 = arith.constant 0 : i32
        %cond3A_62 = arith.cmpi ne, %convert_element_type3A_60, %cond3A_61 : i32
        scf.if %cond3A_62 {
          %dma_wait3A = arith.constant 0 : i32
          %dma_wait3A_71 = arith.constant 0 : i32
          %dma_wait3A_72 = tpu.memref_slice %arg3[%dma_wait3A, %dma_wait3A_71] : memref<10000x128xf32, #tpu.memory_space<hbm>> -> memref<128x128xf32, #tpu.memory_space<hbm>>
          %dma_wait3A_73 = arith.constant 0 : i32
          %dma_wait3A_74 = arith.constant 0 : i32
          %dma_wait3A_75 = tpu.memref_slice %arg3[%dma_wait3A_73, %dma_wait3A_74] : memref<10000x128xf32, #tpu.memory_space<hbm>> -> memref<128x128xf32, #tpu.memory_space<hbm>>
          tpu.wait_dma2 semaphore(%arg18 : memref<!tpu.dma_semaphore, #tpu.memory_space<semaphore_mem>>) src(%dma_wait3A_75 : memref<128x128xf32, #tpu.memory_space<hbm>>) dst(%arg12 : memref<128x128xf32, #tpu.memory_space<vmem>>)
          %dma_wait3A_76 = arith.constant 0 : i32
          %dma_wait3A_77 = arith.constant 0 : i32
          %dma_wait3A_78 = tpu.memref_slice %arg3[%dma_wait3A_76, %dma_wait3A_77] : memref<10000x128xf32, #tpu.memory_space<hbm>> -> memref<128x128xf32, #tpu.memory_space<hbm>>
          %dma_wait3A_79 = arith.constant 0 : i32
          %dma_wait3A_80 = arith.constant 0 : i32
          %dma_wait3A_81 = tpu.memref_slice %arg3[%dma_wait3A_79, %dma_wait3A_80] : memref<10000x128xf32, #tpu.memory_space<hbm>> -> memref<128x128xf32, #tpu.memory_space<hbm>>
          tpu.wait_dma2 semaphore(%arg19 : memref<!tpu.dma_semaphore, #tpu.memory_space<semaphore_mem>>) src(%dma_wait3A_81 : memref<128x128xf32, #tpu.memory_space<hbm>>) dst(%arg13 : memref<128x128xf32, #tpu.memory_space<vmem>>)
        } else {
        }
        %mul3A_63 = arith.constant 40 : i32
        %mul3A_64 = arith.muli %while3A_57, %mul3A_63 : i32
        %add3A_65 = arith.addi %select_n3A_24, %mul3A_64 : i32
        %multiple_of3A = tpu.assume_multiple %add3A_65, 8 : i32
        "tpu.region"() ({
          %run_scoped3A = tpu.sem_alloc : memref<!tpu.dma_semaphore, #tpu.memory_space<semaphore_mem>>
          %dma_start3A = arith.constant 0 : i32
          %dma_start3A_71 = tpu.memref_slice %arg4[%multiple_of3A, %dma_start3A] : memref<5120x128xi32, #tpu.memory_space<hbm>> -> memref<40x128xi32, #tpu.memory_space<hbm>>
          %dma_start3A_72 = arith.constant 0 : i32
          %dma_start3A_73 = tpu.memref_slice %arg4[%multiple_of3A, %dma_start3A_72] : memref<5120x128xi32, #tpu.memory_space<hbm>> -> memref<40x128xi32, #tpu.memory_space<hbm>>
          tpu.enqueue_dma source(%dma_start3A_73 : memref<40x128xi32, #tpu.memory_space<hbm>>) target(%arg10 : memref<40x128xi32, #tpu.memory_space<vmem>>) target_semaphore(%run_scoped3A : memref<!tpu.dma_semaphore, #tpu.memory_space<semaphore_mem>>)
          %dma_wait3A = arith.constant 0 : i32
          %dma_wait3A_74 = tpu.memref_slice %arg4[%multiple_of3A, %dma_wait3A] : memref<5120x128xi32, #tpu.memory_space<hbm>> -> memref<40x128xi32, #tpu.memory_space<hbm>>
          %dma_wait3A_75 = arith.constant 0 : i32
          %dma_wait3A_76 = tpu.memref_slice %arg4[%multiple_of3A, %dma_wait3A_75] : memref<5120x128xi32, #tpu.memory_space<hbm>> -> memref<40x128xi32, #tpu.memory_space<hbm>>
          tpu.wait_dma2 semaphore(%run_scoped3A : memref<!tpu.dma_semaphore, #tpu.memory_space<semaphore_mem>>) src(%dma_wait3A_76 : memref<40x128xi32, #tpu.memory_space<hbm>>) dst(%arg10 : memref<40x128xi32, #tpu.memory_space<vmem>>)
          tpu.yield
        }) : () -> ()
        "tpu.region"() ({
          %run_scoped3A = tpu.sem_alloc : memref<!tpu.dma_semaphore, #tpu.memory_space<semaphore_mem>>
          %dma_start3A = arith.constant 0 : i32
          %dma_start3A_71 = tpu.memref_slice %arg5[%multiple_of3A, %dma_start3A] : memref<5120x128xi32, #tpu.memory_space<hbm>> -> memref<40x128xi32, #tpu.memory_space<hbm>>
          %dma_start3A_72 = arith.constant 0 : i32
          %dma_start3A_73 = tpu.memref_slice %arg5[%multiple_of3A, %dma_start3A_72] : memref<5120x128xi32, #tpu.memory_space<hbm>> -> memref<40x128xi32, #tpu.memory_space<hbm>>
          tpu.enqueue_dma source(%dma_start3A_73 : memref<40x128xi32, #tpu.memory_space<hbm>>) target(%arg11 : memref<40x128xi32, #tpu.memory_space<vmem>>) target_semaphore(%run_scoped3A : memref<!tpu.dma_semaphore, #tpu.memory_space<semaphore_mem>>)
          %dma_wait3A = arith.constant 0 : i32
          %dma_wait3A_74 = tpu.memref_slice %arg5[%multiple_of3A, %dma_wait3A] : memref<5120x128xi32, #tpu.memory_space<hbm>> -> memref<40x128xi32, #tpu.memory_space<hbm>>
          %dma_wait3A_75 = arith.constant 0 : i32
          %dma_wait3A_76 = tpu.memref_slice %arg5[%multiple_of3A, %dma_wait3A_75] : memref<5120x128xi32, #tpu.memory_space<hbm>> -> memref<40x128xi32, #tpu.memory_space<hbm>>
          tpu.wait_dma2 semaphore(%run_scoped3A : memref<!tpu.dma_semaphore, #tpu.memory_space<semaphore_mem>>) src(%dma_wait3A_76 : memref<40x128xi32, #tpu.memory_space<hbm>>) dst(%arg11 : memref<40x128xi32, #tpu.memory_space<vmem>>)
          tpu.yield
        }) : () -> ()
        %scan3A = arith.constant 0 : i32
        %scan3A_66 = arith.constant 0 : i32
        %scan3A_67 = arith.constant 20 : i32
        %scan3A_68 = arith.addi %scan3A_66, %scan3A_67 : i32
        %scan3A_69 = arith.constant 1 : i32
        scf.for %scan3A_71 = %scan3A_66 to %scan3A_68 step %scan3A_69  : i32 {
          %mul3A_72 = arith.constant 2 : i32
          %mul3A_73 = arith.muli %mul3A_72, %scan3A_71 : i32
          %mul3A_74 = arith.constant 2 : i32
          %mul3A_75 = arith.muli %mul3A_74, %scan3A_71 : i32
          %add3A_76 = arith.constant 1 : i32
          %add3A_77 = arith.addi %mul3A_75, %add3A_76 : i32
          %gt3A_78 = arith.constant 0 : i32
          %gt3A_79 = arith.cmpi sgt, %scan3A_71, %gt3A_78 : i32
          %convert_element_type3A_80 = arith.extui %gt3A_79 : i1 to i32
          %cond3A_81 = arith.constant 0 : i32
          %cond3A_82 = arith.cmpi ne, %convert_element_type3A_80, %cond3A_81 : i32
          scf.if %cond3A_82 {
            %dma_wait3A_117 = arith.constant 0 : i32
            %dma_wait3A_118 = arith.constant 0 : i32
            %dma_wait3A_119 = tpu.memref_slice %arg3[%dma_wait3A_117, %dma_wait3A_118] : memref<10000x128xf32, #tpu.memory_space<hbm>> -> memref<128x128xf32, #tpu.memory_space<hbm>>
            %dma_wait3A_120 = arith.constant 0 : i32
            %dma_wait3A_121 = arith.constant 0 : i32
            %dma_wait3A_122 = tpu.memref_slice %arg3[%dma_wait3A_120, %dma_wait3A_121] : memref<10000x128xf32, #tpu.memory_space<hbm>> -> memref<128x128xf32, #tpu.memory_space<hbm>>
            tpu.wait_dma2 semaphore(%arg18 : memref<!tpu.dma_semaphore, #tpu.memory_space<semaphore_mem>>) src(%dma_wait3A_122 : memref<128x128xf32, #tpu.memory_space<hbm>>) dst(%arg12 : memref<128x128xf32, #tpu.memory_space<vmem>>)
            %dma_wait3A_123 = arith.constant 0 : i32
            %dma_wait3A_124 = arith.constant 0 : i32
            %dma_wait3A_125 = tpu.memref_slice %arg3[%dma_wait3A_123, %dma_wait3A_124] : memref<10000x128xf32, #tpu.memory_space<hbm>> -> memref<128x128xf32, #tpu.memory_space<hbm>>
            %dma_wait3A_126 = arith.constant 0 : i32
            %dma_wait3A_127 = arith.constant 0 : i32
            %dma_wait3A_128 = tpu.memref_slice %arg3[%dma_wait3A_126, %dma_wait3A_127] : memref<10000x128xf32, #tpu.memory_space<hbm>> -> memref<128x128xf32, #tpu.memory_space<hbm>>
            tpu.wait_dma2 semaphore(%arg19 : memref<!tpu.dma_semaphore, #tpu.memory_space<semaphore_mem>>) src(%dma_wait3A_128 : memref<128x128xf32, #tpu.memory_space<hbm>>) dst(%arg13 : memref<128x128xf32, #tpu.memory_space<vmem>>)
          } else {
          }
          %dma_start3A = arith.constant 0 : i32
          %dma_start3A_83 = tpu.memref_slice %arg10[%mul3A_73, %dma_start3A] : memref<40x128xi32, #tpu.memory_space<vmem>> -> memref<1x128xi32, #tpu.memory_space<vmem>>
          %dma_start3A_84 = tpu.memref_squeeze %dma_start3A_83 : memref<1x128xi32, #tpu.memory_space<vmem>> -> memref<128xi32, #tpu.memory_space<vmem>>
          %dma_start3A_85 = arith.constant 0 : i32
          %dma_start3A_86 = arith.constant 0 : i32
          %dma_start3A_87 = tpu.memref_slice %arg3[%dma_start3A_85, %dma_start3A_86] : memref<10000x128xf32, #tpu.memory_space<hbm>> -> memref<10000x128xf32, #tpu.memory_space<hbm>>
          tpu.enqueue_indirect_dma source(%dma_start3A_87 : memref<10000x128xf32, #tpu.memory_space<hbm>>) target(%arg12 : memref<128x128xf32, #tpu.memory_space<vmem>>) offsets(%dma_start3A_84 : memref<128xi32, #tpu.memory_space<vmem>>) semaphore(%arg16 : memref<!tpu.dma_semaphore, #tpu.memory_space<semaphore_mem>>)
          %dma_start3A_88 = arith.constant 0 : i32
          %dma_start3A_89 = tpu.memref_slice %arg10[%add3A_77, %dma_start3A_88] : memref<40x128xi32, #tpu.memory_space<vmem>> -> memref<1x128xi32, #tpu.memory_space<vmem>>
          %dma_start3A_90 = tpu.memref_squeeze %dma_start3A_89 : memref<1x128xi32, #tpu.memory_space<vmem>> -> memref<128xi32, #tpu.memory_space<vmem>>
          %dma_start3A_91 = arith.constant 0 : i32
          %dma_start3A_92 = arith.constant 0 : i32
          %dma_start3A_93 = tpu.memref_slice %arg3[%dma_start3A_91, %dma_start3A_92] : memref<10000x128xf32, #tpu.memory_space<hbm>> -> memref<10000x128xf32, #tpu.memory_space<hbm>>
          tpu.enqueue_indirect_dma source(%dma_start3A_93 : memref<10000x128xf32, #tpu.memory_space<hbm>>) target(%arg13 : memref<128x128xf32, #tpu.memory_space<vmem>>) offsets(%dma_start3A_90 : memref<128xi32, #tpu.memory_space<vmem>>) semaphore(%arg17 : memref<!tpu.dma_semaphore, #tpu.memory_space<semaphore_mem>>)
          %dma_wait3A = arith.constant 0 : i32
          %dma_wait3A_94 = tpu.memref_slice %arg10[%mul3A_73, %dma_wait3A] : memref<40x128xi32, #tpu.memory_space<vmem>> -> memref<1x128xi32, #tpu.memory_space<vmem>>
          %dma_wait3A_95 = tpu.memref_squeeze %dma_wait3A_94 : memref<1x128xi32, #tpu.memory_space<vmem>> -> memref<128xi32, #tpu.memory_space<vmem>>
          %dma_wait3A_96 = arith.constant 0 : i32
          %dma_wait3A_97 = arith.constant 0 : i32
          %dma_wait3A_98 = tpu.memref_slice %arg3[%dma_wait3A_96, %dma_wait3A_97] : memref<10000x128xf32, #tpu.memory_space<hbm>> -> memref<10000x128xf32, #tpu.memory_space<hbm>>
          tpu.wait_indirect_dma semaphore(%arg16 : memref<!tpu.dma_semaphore, #tpu.memory_space<semaphore_mem>>) src(%dma_wait3A_98 : memref<10000x128xf32, #tpu.memory_space<hbm>>) dst(%arg12 : memref<128x128xf32, #tpu.memory_space<vmem>>)
          %dma_start3A_99 = arith.constant 0 : i32
          %dma_start3A_100 = tpu.memref_slice %arg11[%mul3A_73, %dma_start3A_99] : memref<40x128xi32, #tpu.memory_space<vmem>> -> memref<1x128xi32, #tpu.memory_space<vmem>>
          %dma_start3A_101 = tpu.memref_squeeze %dma_start3A_100 : memref<1x128xi32, #tpu.memory_space<vmem>> -> memref<128xi32, #tpu.memory_space<vmem>>
          %dma_start3A_102 = arith.constant 0 : i32
          %dma_start3A_103 = arith.constant 0 : i32
          %dma_start3A_104 = tpu.memref_slice %arg15[%dma_start3A_102, %dma_start3A_103] : memref<10112x128xf32, #tpu.memory_space<vmem_shared>> -> memref<10112x128xf32, #tpu.memory_space<vmem_shared>>
          tpu.enqueue_indirect_dma source(%arg12 : memref<128x128xf32, #tpu.memory_space<vmem>>) target(%dma_start3A_104 : memref<10112x128xf32, #tpu.memory_space<vmem_shared>>) offsets(%dma_start3A_101 : memref<128xi32, #tpu.memory_space<vmem>>) semaphore(%arg18 : memref<!tpu.dma_semaphore, #tpu.memory_space<semaphore_mem>>) {add = true}
          %dma_wait3A_105 = arith.constant 0 : i32
          %dma_wait3A_106 = tpu.memref_slice %arg10[%add3A_77, %dma_wait3A_105] : memref<40x128xi32, #tpu.memory_space<vmem>> -> memref<1x128xi32, #tpu.memory_space<vmem>>
          %dma_wait3A_107 = tpu.memref_squeeze %dma_wait3A_106 : memref<1x128xi32, #tpu.memory_space<vmem>> -> memref<128xi32, #tpu.memory_space<vmem>>
          %dma_wait3A_108 = arith.constant 0 : i32
          %dma_wait3A_109 = arith.constant 0 : i32
          %dma_wait3A_110 = tpu.memref_slice %arg3[%dma_wait3A_108, %dma_wait3A_109] : memref<10000x128xf32, #tpu.memory_space<hbm>> -> memref<10000x128xf32, #tpu.memory_space<hbm>>
          tpu.wait_indirect_dma semaphore(%arg17 : memref<!tpu.dma_semaphore, #tpu.memory_space<semaphore_mem>>) src(%dma_wait3A_110 : memref<10000x128xf32, #tpu.memory_space<hbm>>) dst(%arg13 : memref<128x128xf32, #tpu.memory_space<vmem>>)
          %dma_start3A_111 = arith.constant 0 : i32
          %dma_start3A_112 = tpu.memref_slice %arg11[%add3A_77, %dma_start3A_111] : memref<40x128xi32, #tpu.memory_space<vmem>> -> memref<1x128xi32, #tpu.memory_space<vmem>>
          %dma_start3A_113 = tpu.memref_squeeze %dma_start3A_112 : memref<1x128xi32, #tpu.memory_space<vmem>> -> memref<128xi32, #tpu.memory_space<vmem>>
          %dma_start3A_114 = arith.constant 0 : i32
          %dma_start3A_115 = arith.constant 0 : i32
          %dma_start3A_116 = tpu.memref_slice %arg15[%dma_start3A_114, %dma_start3A_115] : memref<10112x128xf32, #tpu.memory_space<vmem_shared>> -> memref<10112x128xf32, #tpu.memory_space<vmem_shared>>
          tpu.enqueue_indirect_dma source(%arg13 : memref<128x128xf32, #tpu.memory_space<vmem>>) target(%dma_start3A_116 : memref<10112x128xf32, #tpu.memory_space<vmem_shared>>) offsets(%dma_start3A_113 : memref<128xi32, #tpu.memory_space<vmem>>) semaphore(%arg19 : memref<!tpu.dma_semaphore, #tpu.memory_space<semaphore_mem>>) {add = true}
        }
        %scan3A_70 = arith.constant 20 : i32
      }
      %while3A_52 = arith.constant 1 : i32
      scf.for %while3A_57 = %while3A_50 to %while3A_46 step %while3A_52  : i32 {
        %gt3A_58 = arith.constant 0 : i32
        %gt3A_59 = arith.cmpi sgt, %while3A_57, %gt3A_58 : i32
        %convert_element_type3A_60 = arith.extui %gt3A_59 : i1 to i32
        %cond3A_61 = arith.constant 0 : i32
        %cond3A_62 = arith.cmpi ne, %convert_element_type3A_60, %cond3A_61 : i32
        scf.if %cond3A_62 {
          %dma_wait3A = arith.constant 0 : i32
          %dma_wait3A_71 = arith.constant 0 : i32
          %dma_wait3A_72 = tpu.memref_slice %arg3[%dma_wait3A, %dma_wait3A_71] : memref<10000x128xf32, #tpu.memory_space<hbm>> -> memref<128x128xf32, #tpu.memory_space<hbm>>
          %dma_wait3A_73 = arith.constant 0 : i32
          %dma_wait3A_74 = arith.constant 0 : i32
          %dma_wait3A_75 = tpu.memref_slice %arg3[%dma_wait3A_73, %dma_wait3A_74] : memref<10000x128xf32, #tpu.memory_space<hbm>> -> memref<128x128xf32, #tpu.memory_space<hbm>>
          tpu.wait_dma2 semaphore(%arg18 : memref<!tpu.dma_semaphore, #tpu.memory_space<semaphore_mem>>) src(%dma_wait3A_75 : memref<128x128xf32, #tpu.memory_space<hbm>>) dst(%arg12 : memref<128x128xf32, #tpu.memory_space<vmem>>)
          %dma_wait3A_76 = arith.constant 0 : i32
          %dma_wait3A_77 = arith.constant 0 : i32
          %dma_wait3A_78 = tpu.memref_slice %arg3[%dma_wait3A_76, %dma_wait3A_77] : memref<10000x128xf32, #tpu.memory_space<hbm>> -> memref<128x128xf32, #tpu.memory_space<hbm>>
          %dma_wait3A_79 = arith.constant 0 : i32
          %dma_wait3A_80 = arith.constant 0 : i32
          %dma_wait3A_81 = tpu.memref_slice %arg3[%dma_wait3A_79, %dma_wait3A_80] : memref<10000x128xf32, #tpu.memory_space<hbm>> -> memref<128x128xf32, #tpu.memory_space<hbm>>
          tpu.wait_dma2 semaphore(%arg19 : memref<!tpu.dma_semaphore, #tpu.memory_space<semaphore_mem>>) src(%dma_wait3A_81 : memref<128x128xf32, #tpu.memory_space<hbm>>) dst(%arg13 : memref<128x128xf32, #tpu.memory_space<vmem>>)
        } else {
        }
        %mul3A_63 = arith.constant 40 : i32
        %mul3A_64 = arith.muli %while3A_57, %mul3A_63 : i32
        %add3A_65 = arith.addi %select_n3A_24, %mul3A_64 : i32
        %multiple_of3A = tpu.assume_multiple %add3A_65, 8 : i32
        "tpu.region"() ({
          %run_scoped3A = tpu.sem_alloc : memref<!tpu.dma_semaphore, #tpu.memory_space<semaphore_mem>>
          %dma_start3A = arith.constant 0 : i32
          %dma_start3A_71 = tpu.memref_slice %arg4[%multiple_of3A, %dma_start3A] : memref<5120x128xi32, #tpu.memory_space<hbm>> -> memref<40x128xi32, #tpu.memory_space<hbm>>
          %dma_start3A_72 = arith.constant 0 : i32
          %dma_start3A_73 = tpu.memref_slice %arg4[%multiple_of3A, %dma_start3A_72] : memref<5120x128xi32, #tpu.memory_space<hbm>> -> memref<40x128xi32, #tpu.memory_space<hbm>>
          tpu.enqueue_dma source(%dma_start3A_73 : memref<40x128xi32, #tpu.memory_space<hbm>>) target(%arg10 : memref<40x128xi32, #tpu.memory_space<vmem>>) target_semaphore(%run_scoped3A : memref<!tpu.dma_semaphore, #tpu.memory_space<semaphore_mem>>)
          %dma_wait3A = arith.constant 0 : i32
          %dma_wait3A_74 = tpu.memref_slice %arg4[%multiple_of3A, %dma_wait3A] : memref<5120x128xi32, #tpu.memory_space<hbm>> -> memref<40x128xi32, #tpu.memory_space<hbm>>
          %dma_wait3A_75 = arith.constant 0 : i32
          %dma_wait3A_76 = tpu.memref_slice %arg4[%multiple_of3A, %dma_wait3A_75] : memref<5120x128xi32, #tpu.memory_space<hbm>> -> memref<40x128xi32, #tpu.memory_space<hbm>>
          tpu.wait_dma2 semaphore(%run_scoped3A : memref<!tpu.dma_semaphore, #tpu.memory_space<semaphore_mem>>) src(%dma_wait3A_76 : memref<40x128xi32, #tpu.memory_space<hbm>>) dst(%arg10 : memref<40x128xi32, #tpu.memory_space<vmem>>)
          tpu.yield
        }) : () -> ()
        "tpu.region"() ({
          %run_scoped3A = tpu.sem_alloc : memref<!tpu.dma_semaphore, #tpu.memory_space<semaphore_mem>>
          %dma_start3A = arith.constant 0 : i32
          %dma_start3A_71 = tpu.memref_slice %arg5[%multiple_of3A, %dma_start3A] : memref<5120x128xi32, #tpu.memory_space<hbm>> -> memref<40x128xi32, #tpu.memory_space<hbm>>
          %dma_start3A_72 = arith.constant 0 : i32
          %dma_start3A_73 = tpu.memref_slice %arg5[%multiple_of3A, %dma_start3A_72] : memref<5120x128xi32, #tpu.memory_space<hbm>> -> memref<40x128xi32, #tpu.memory_space<hbm>>
          tpu.enqueue_dma source(%dma_start3A_73 : memref<40x128xi32, #tpu.memory_space<hbm>>) target(%arg11 : memref<40x128xi32, #tpu.memory_space<vmem>>) target_semaphore(%run_scoped3A : memref<!tpu.dma_semaphore, #tpu.memory_space<semaphore_mem>>)
          %dma_wait3A = arith.constant 0 : i32
          %dma_wait3A_74 = tpu.memref_slice %arg5[%multiple_of3A, %dma_wait3A] : memref<5120x128xi32, #tpu.memory_space<hbm>> -> memref<40x128xi32, #tpu.memory_space<hbm>>
          %dma_wait3A_75 = arith.constant 0 : i32
          %dma_wait3A_76 = tpu.memref_slice %arg5[%multiple_of3A, %dma_wait3A_75] : memref<5120x128xi32, #tpu.memory_space<hbm>> -> memref<40x128xi32, #tpu.memory_space<hbm>>
          tpu.wait_dma2 semaphore(%run_scoped3A : memref<!tpu.dma_semaphore, #tpu.memory_space<semaphore_mem>>) src(%dma_wait3A_76 : memref<40x128xi32, #tpu.memory_space<hbm>>) dst(%arg11 : memref<40x128xi32, #tpu.memory_space<vmem>>)
          tpu.yield
        }) : () -> ()
        %scan3A = arith.constant 0 : i32
        %scan3A_66 = arith.constant 0 : i32
        %scan3A_67 = arith.constant 20 : i32
        %scan3A_68 = arith.addi %scan3A_66, %scan3A_67 : i32
        %scan3A_69 = arith.constant 1 : i32
        scf.for %scan3A_71 = %scan3A_66 to %scan3A_68 step %scan3A_69  : i32 {
          %mul3A_72 = arith.constant 2 : i32
          %mul3A_73 = arith.muli %mul3A_72, %scan3A_71 : i32
          %mul3A_74 = arith.constant 2 : i32
          %mul3A_75 = arith.muli %mul3A_74, %scan3A_71 : i32
          %add3A_76 = arith.constant 1 : i32
          %add3A_77 = arith.addi %mul3A_75, %add3A_76 : i32
          %gt3A_78 = arith.constant 0 : i32
          %gt3A_79 = arith.cmpi sgt, %scan3A_71, %gt3A_78 : i32
          %convert_element_type3A_80 = arith.extui %gt3A_79 : i1 to i32
          %cond3A_81 = arith.constant 0 : i32
          %cond3A_82 = arith.cmpi ne, %convert_element_type3A_80, %cond3A_81 : i32
          scf.if %cond3A_82 {
            %dma_wait3A_117 = arith.constant 0 : i32
            %dma_wait3A_118 = arith.constant 0 : i32
            %dma_wait3A_119 = tpu.memref_slice %arg3[%dma_wait3A_117, %dma_wait3A_118] : memref<10000x128xf32, #tpu.memory_space<hbm>> -> memref<128x128xf32, #tpu.memory_space<hbm>>
            %dma_wait3A_120 = arith.constant 0 : i32
            %dma_wait3A_121 = arith.constant 0 : i32
            %dma_wait3A_122 = tpu.memref_slice %arg3[%dma_wait3A_120, %dma_wait3A_121] : memref<10000x128xf32, #tpu.memory_space<hbm>> -> memref<128x128xf32, #tpu.memory_space<hbm>>
            tpu.wait_dma2 semaphore(%arg18 : memref<!tpu.dma_semaphore, #tpu.memory_space<semaphore_mem>>) src(%dma_wait3A_122 : memref<128x128xf32, #tpu.memory_space<hbm>>) dst(%arg12 : memref<128x128xf32, #tpu.memory_space<vmem>>)
            %dma_wait3A_123 = arith.constant 0 : i32
            %dma_wait3A_124 = arith.constant 0 : i32
            %dma_wait3A_125 = tpu.memref_slice %arg3[%dma_wait3A_123, %dma_wait3A_124] : memref<10000x128xf32, #tpu.memory_space<hbm>> -> memref<128x128xf32, #tpu.memory_space<hbm>>
            %dma_wait3A_126 = arith.constant 0 : i32
            %dma_wait3A_127 = arith.constant 0 : i32
            %dma_wait3A_128 = tpu.memref_slice %arg3[%dma_wait3A_126, %dma_wait3A_127] : memref<10000x128xf32, #tpu.memory_space<hbm>> -> memref<128x128xf32, #tpu.memory_space<hbm>>
            tpu.wait_dma2 semaphore(%arg19 : memref<!tpu.dma_semaphore, #tpu.memory_space<semaphore_mem>>) src(%dma_wait3A_128 : memref<128x128xf32, #tpu.memory_space<hbm>>) dst(%arg13 : memref<128x128xf32, #tpu.memory_space<vmem>>)
          } else {
          }
          %dma_start3A = arith.constant 0 : i32
          %dma_start3A_83 = tpu.memref_slice %arg10[%mul3A_73, %dma_start3A] : memref<40x128xi32, #tpu.memory_space<vmem>> -> memref<1x128xi32, #tpu.memory_space<vmem>>
          %dma_start3A_84 = tpu.memref_squeeze %dma_start3A_83 : memref<1x128xi32, #tpu.memory_space<vmem>> -> memref<128xi32, #tpu.memory_space<vmem>>
          %dma_start3A_85 = arith.constant 0 : i32
          %dma_start3A_86 = arith.constant 0 : i32
          %dma_start3A_87 = tpu.memref_slice %arg3[%dma_start3A_85, %dma_start3A_86] : memref<10000x128xf32, #tpu.memory_space<hbm>> -> memref<10000x128xf32, #tpu.memory_space<hbm>>
          tpu.enqueue_indirect_dma source(%dma_start3A_87 : memref<10000x128xf32, #tpu.memory_space<hbm>>) target(%arg12 : memref<128x128xf32, #tpu.memory_space<vmem>>) offsets(%dma_start3A_84 : memref<128xi32, #tpu.memory_space<vmem>>) semaphore(%arg16 : memref<!tpu.dma_semaphore, #tpu.memory_space<semaphore_mem>>)
          %dma_start3A_88 = arith.constant 0 : i32
          %dma_start3A_89 = tpu.memref_slice %arg10[%add3A_77, %dma_start3A_88] : memref<40x128xi32, #tpu.memory_space<vmem>> -> memref<1x128xi32, #tpu.memory_space<vmem>>
          %dma_start3A_90 = tpu.memref_squeeze %dma_start3A_89 : memref<1x128xi32, #tpu.memory_space<vmem>> -> memref<128xi32, #tpu.memory_space<vmem>>
          %dma_start3A_91 = arith.constant 0 : i32
          %dma_start3A_92 = arith.constant 0 : i32
          %dma_start3A_93 = tpu.memref_slice %arg3[%dma_start3A_91, %dma_start3A_92] : memref<10000x128xf32, #tpu.memory_space<hbm>> -> memref<10000x128xf32, #tpu.memory_space<hbm>>
          tpu.enqueue_indirect_dma source(%dma_start3A_93 : memref<10000x128xf32, #tpu.memory_space<hbm>>) target(%arg13 : memref<128x128xf32, #tpu.memory_space<vmem>>) offsets(%dma_start3A_90 : memref<128xi32, #tpu.memory_space<vmem>>) semaphore(%arg17 : memref<!tpu.dma_semaphore, #tpu.memory_space<semaphore_mem>>)
          %dma_wait3A = arith.constant 0 : i32
          %dma_wait3A_94 = tpu.memref_slice %arg10[%mul3A_73, %dma_wait3A] : memref<40x128xi32, #tpu.memory_space<vmem>> -> memref<1x128xi32, #tpu.memory_space<vmem>>
          %dma_wait3A_95 = tpu.memref_squeeze %dma_wait3A_94 : memref<1x128xi32, #tpu.memory_space<vmem>> -> memref<128xi32, #tpu.memory_space<vmem>>
          %dma_wait3A_96 = arith.constant 0 : i32
          %dma_wait3A_97 = arith.constant 0 : i32
          %dma_wait3A_98 = tpu.memref_slice %arg3[%dma_wait3A_96, %dma_wait3A_97] : memref<10000x128xf32, #tpu.memory_space<hbm>> -> memref<10000x128xf32, #tpu.memory_space<hbm>>
          tpu.wait_indirect_dma semaphore(%arg16 : memref<!tpu.dma_semaphore, #tpu.memory_space<semaphore_mem>>) src(%dma_wait3A_98 : memref<10000x128xf32, #tpu.memory_space<hbm>>) dst(%arg12 : memref<128x128xf32, #tpu.memory_space<vmem>>)
          %dma_start3A_99 = arith.constant 0 : i32
          %dma_start3A_100 = tpu.memref_slice %arg11[%mul3A_73, %dma_start3A_99] : memref<40x128xi32, #tpu.memory_space<vmem>> -> memref<1x128xi32, #tpu.memory_space<vmem>>
          %dma_start3A_101 = tpu.memref_squeeze %dma_start3A_100 : memref<1x128xi32, #tpu.memory_space<vmem>> -> memref<128xi32, #tpu.memory_space<vmem>>
          %dma_start3A_102 = arith.constant 0 : i32
          %dma_start3A_103 = arith.constant 0 : i32
          %dma_start3A_104 = tpu.memref_slice %arg15[%dma_start3A_102, %dma_start3A_103] : memref<10112x128xf32, #tpu.memory_space<vmem_shared>> -> memref<10112x128xf32, #tpu.memory_space<vmem_shared>>
          tpu.enqueue_indirect_dma source(%arg12 : memref<128x128xf32, #tpu.memory_space<vmem>>) target(%dma_start3A_104 : memref<10112x128xf32, #tpu.memory_space<vmem_shared>>) offsets(%dma_start3A_101 : memref<128xi32, #tpu.memory_space<vmem>>) semaphore(%arg18 : memref<!tpu.dma_semaphore, #tpu.memory_space<semaphore_mem>>) {add = true}
          %dma_wait3A_105 = arith.constant 0 : i32
          %dma_wait3A_106 = tpu.memref_slice %arg10[%add3A_77, %dma_wait3A_105] : memref<40x128xi32, #tpu.memory_space<vmem>> -> memref<1x128xi32, #tpu.memory_space<vmem>>
          %dma_wait3A_107 = tpu.memref_squeeze %dma_wait3A_106 : memref<1x128xi32, #tpu.memory_space<vmem>> -> memref<128xi32, #tpu.memory_space<vmem>>
          %dma_wait3A_108 = arith.constant 0 : i32
          %dma_wait3A_109 = arith.constant 0 : i32
          %dma_wait3A_110 = tpu.memref_slice %arg3[%dma_wait3A_108, %dma_wait3A_109] : memref<10000x128xf32, #tpu.memory_space<hbm>> -> memref<10000x128xf32, #tpu.memory_space<hbm>>
          tpu.wait_indirect_dma semaphore(%arg17 : memref<!tpu.dma_semaphore, #tpu.memory_space<semaphore_mem>>) src(%dma_wait3A_110 : memref<10000x128xf32, #tpu.memory_space<hbm>>) dst(%arg13 : memref<128x128xf32, #tpu.memory_space<vmem>>)
          %dma_start3A_111 = arith.constant 0 : i32
          %dma_start3A_112 = tpu.memref_slice %arg11[%add3A_77, %dma_start3A_111] : memref<40x128xi32, #tpu.memory_space<vmem>> -> memref<1x128xi32, #tpu.memory_space<vmem>>
          %dma_start3A_113 = tpu.memref_squeeze %dma_start3A_112 : memref<1x128xi32, #tpu.memory_space<vmem>> -> memref<128xi32, #tpu.memory_space<vmem>>
          %dma_start3A_114 = arith.constant 0 : i32
          %dma_start3A_115 = arith.constant 0 : i32
          %dma_start3A_116 = tpu.memref_slice %arg15[%dma_start3A_114, %dma_start3A_115] : memref<10112x128xf32, #tpu.memory_space<vmem_shared>> -> memref<10112x128xf32, #tpu.memory_space<vmem_shared>>
          tpu.enqueue_indirect_dma source(%arg13 : memref<128x128xf32, #tpu.memory_space<vmem>>) target(%dma_start3A_116 : memref<10112x128xf32, #tpu.memory_space<vmem_shared>>) offsets(%dma_start3A_113 : memref<128xi32, #tpu.memory_space<vmem>>) semaphore(%arg19 : memref<!tpu.dma_semaphore, #tpu.memory_space<semaphore_mem>>) {add = true}
        }
        %scan3A_70 = arith.constant 20 : i32
      }
      %gt3A = arith.constant 0 : i32
      %gt3A_53 = arith.cmpi sgt, %select_n3A, %gt3A : i32
      %convert_element_type3A_54 = arith.extui %gt3A_53 : i1 to i32
      %cond3A_55 = arith.constant 0 : i32
      %cond3A_56 = arith.cmpi ne, %convert_element_type3A_54, %cond3A_55 : i32
      scf.if %cond3A_56 {
        %dma_wait3A = arith.constant 0 : i32
        %dma_wait3A_57 = arith.constant 0 : i32
        %dma_wait3A_58 = tpu.memref_slice %arg3[%dma_wait3A, %dma_wait3A_57] : memref<10000x128xf32, #tpu.memory_space<hbm>> -> memref<128x128xf32, #tpu.memory_space<hbm>>
        %dma_wait3A_59 = arith.constant 0 : i32
        %dma_wait3A_60 = arith.constant 0 : i32
        %dma_wait3A_61 = tpu.memref_slice %arg3[%dma_wait3A_59, %dma_wait3A_60] : memref<10000x128xf32, #tpu.memory_space<hbm>> -> memref<128x128xf32, #tpu.memory_space<hbm>>
        tpu.wait_dma2 semaphore(%arg18 : memref<!tpu.dma_semaphore, #tpu.memory_space<semaphore_mem>>) src(%dma_wait3A_61 : memref<128x128xf32, #tpu.memory_space<hbm>>) dst(%arg12 : memref<128x128xf32, #tpu.memory_space<vmem>>)
        %dma_wait3A_62 = arith.constant 0 : i32
        %dma_wait3A_63 = arith.constant 0 : i32
        %dma_wait3A_64 = tpu.memref_slice %arg3[%dma_wait3A_62, %dma_wait3A_63] : memref<10000x128xf32, #tpu.memory_space<hbm>> -> memref<128x128xf32, #tpu.memory_space<hbm>>
        %dma_wait3A_65 = arith.constant 0 : i32
        %dma_wait3A_66 = arith.constant 0 : i32
        %dma_wait3A_67 = tpu.memref_slice %arg3[%dma_wait3A_65, %dma_wait3A_66] : memref<10000x128xf32, #tpu.memory_space<hbm>> -> memref<128x128xf32, #tpu.memory_space<hbm>>
        tpu.wait_dma2 semaphore(%arg19 : memref<!tpu.dma_semaphore, #tpu.memory_space<semaphore_mem>>) src(%dma_wait3A_67 : memref<128x128xf32, #tpu.memory_space<hbm>>) dst(%arg13 : memref<128x128xf32, #tpu.memory_space<vmem>>)
      } else {
      }
    } else {
    }
    %barrier3A_33 = arith.constant 0 : index
    tpu.barrier barrier_id(%barrier3A_33)
    %eq3A_34 = arith.constant 0 : i32
    %eq3A_35 = arith.cmpi eq, %arg0, %eq3A_34 : i32
    %convert_element_type3A_36 = arith.extui %eq3A_35 : i1 to i32
    %cond3A_37 = arith.constant 0 : i32
    %cond3A_38 = arith.cmpi ne, %convert_element_type3A_36, %cond3A_37 : i32
    scf.if %cond3A_38 {
      %lt3A = arith.constant 15 : i32
      %lt3A_44 = arith.cmpi slt, %arg1, %lt3A : i32
      %convert_element_type3A_45 = arith.extui %lt3A_44 : i1 to i32
      %cond3A_46 = arith.constant 0 : i32
      %cond3A_47 = arith.cmpi ne, %convert_element_type3A_45, %cond3A_46 : i32
      scf.if %cond3A_47 {
        %mul3A_53 = arith.constant 640 : i32
        %mul3A_54 = arith.muli %arg1, %mul3A_53 : i32
        %mul3A_55 = arith.constant 640 : i32
        %mul3A_56 = arith.muli %arg1, %mul3A_55 : i32
        "tpu.region"() ({
          %run_scoped3A = tpu.sem_alloc : memref<!tpu.dma_semaphore, #tpu.memory_space<semaphore_mem>>
          %dma_start3A = arith.constant 0 : i32
          %dma_start3A_57 = tpu.memref_slice %arg8[%mul3A_56, %dma_start3A] : memref<10000x128xf32, #tpu.memory_space<hbm>> -> memref<640x128xf32, #tpu.memory_space<hbm>>
          %dma_start3A_58 = arith.constant 0 : i32
          %dma_start3A_59 = tpu.memref_slice %arg15[%mul3A_54, %dma_start3A_58] : memref<10112x128xf32, #tpu.memory_space<vmem_shared>> -> memref<640x128xf32, #tpu.memory_space<vmem_shared>>
          tpu.enqueue_dma source(%dma_start3A_59 : memref<640x128xf32, #tpu.memory_space<vmem_shared>>) target(%dma_start3A_57 : memref<640x128xf32, #tpu.memory_space<hbm>>) target_semaphore(%run_scoped3A : memref<!tpu.dma_semaphore, #tpu.memory_space<semaphore_mem>>)
          %dma_wait3A = arith.constant 0 : i32
          %dma_wait3A_60 = tpu.memref_slice %arg8[%mul3A_56, %dma_wait3A] : memref<10000x128xf32, #tpu.memory_space<hbm>> -> memref<640x128xf32, #tpu.memory_space<hbm>>
          %dma_wait3A_61 = arith.constant 0 : i32
          %dma_wait3A_62 = tpu.memref_slice %arg15[%mul3A_54, %dma_wait3A_61] : memref<10112x128xf32, #tpu.memory_space<vmem_shared>> -> memref<640x128xf32, #tpu.memory_space<vmem_shared>>
          tpu.wait_dma2 semaphore(%run_scoped3A : memref<!tpu.dma_semaphore, #tpu.memory_space<semaphore_mem>>) src(%dma_wait3A_62 : memref<640x128xf32, #tpu.memory_space<vmem_shared>>) dst(%dma_wait3A_60 : memref<640x128xf32, #tpu.memory_space<hbm>>)
          tpu.yield
        }) : () -> ()
      } else {
      }
      %eq3A_48 = arith.constant 15 : i32
      %eq3A_49 = arith.cmpi eq, %arg1, %eq3A_48 : i32
      %convert_element_type3A_50 = arith.extui %eq3A_49 : i1 to i32
      %cond3A_51 = arith.constant 0 : i32
      %cond3A_52 = arith.cmpi ne, %convert_element_type3A_50, %cond3A_51 : i32
      scf.if %cond3A_52 {
        "tpu.region"() ({
          %run_scoped3A = tpu.sem_alloc : memref<!tpu.dma_semaphore, #tpu.memory_space<semaphore_mem>>
          %dma_start3A = arith.constant 9600 : i32
          %dma_start3A_53 = arith.constant 0 : i32
          %dma_start3A_54 = tpu.memref_slice %arg8[%dma_start3A, %dma_start3A_53] : memref<10000x128xf32, #tpu.memory_space<hbm>> -> memref<400x128xf32, #tpu.memory_space<hbm>>
          %dma_start3A_55 = arith.constant 9600 : i32
          %dma_start3A_56 = arith.constant 0 : i32
          %dma_start3A_57 = tpu.memref_slice %arg15[%dma_start3A_55, %dma_start3A_56] : memref<10112x128xf32, #tpu.memory_space<vmem_shared>> -> memref<400x128xf32, #tpu.memory_space<vmem_shared>>
          tpu.enqueue_dma source(%dma_start3A_57 : memref<400x128xf32, #tpu.memory_space<vmem_shared>>) target(%dma_start3A_54 : memref<400x128xf32, #tpu.memory_space<hbm>>) target_semaphore(%run_scoped3A : memref<!tpu.dma_semaphore, #tpu.memory_space<semaphore_mem>>)
          %dma_wait3A = arith.constant 9600 : i32
          %dma_wait3A_58 = arith.constant 0 : i32
          %dma_wait3A_59 = tpu.memref_slice %arg8[%dma_wait3A, %dma_wait3A_58] : memref<10000x128xf32, #tpu.memory_space<hbm>> -> memref<400x128xf32, #tpu.memory_space<hbm>>
          %dma_wait3A_60 = arith.constant 9600 : i32
          %dma_wait3A_61 = arith.constant 0 : i32
          %dma_wait3A_62 = tpu.memref_slice %arg15[%dma_wait3A_60, %dma_wait3A_61] : memref<10112x128xf32, #tpu.memory_space<vmem_shared>> -> memref<400x128xf32, #tpu.memory_space<vmem_shared>>
          tpu.wait_dma2 semaphore(%run_scoped3A : memref<!tpu.dma_semaphore, #tpu.memory_space<semaphore_mem>>) src(%dma_wait3A_62 : memref<400x128xf32, #tpu.memory_space<vmem_shared>>) dst(%dma_wait3A_59 : memref<400x128xf32, #tpu.memory_space<hbm>>)
          tpu.yield
        }) : () -> ()
      } else {
      }
    } else {
    }
    %eq3A_39 = arith.constant 1 : i32
    %eq3A_40 = arith.cmpi eq, %arg0, %eq3A_39 : i32
    %convert_element_type3A_41 = arith.extui %eq3A_40 : i1 to i32
    %cond3A_42 = arith.constant 0 : i32
    %cond3A_43 = arith.cmpi ne, %convert_element_type3A_41, %cond3A_42 : i32
    scf.if %cond3A_43 {
      %lt3A = arith.constant 15 : i32
      %lt3A_44 = arith.cmpi slt, %arg1, %lt3A : i32
      %convert_element_type3A_45 = arith.extui %lt3A_44 : i1 to i32
      %cond3A_46 = arith.constant 0 : i32
      %cond3A_47 = arith.cmpi ne, %convert_element_type3A_45, %cond3A_46 : i32
      scf.if %cond3A_47 {
        %mul3A_53 = arith.constant 640 : i32
        %mul3A_54 = arith.muli %arg1, %mul3A_53 : i32
        %mul3A_55 = arith.constant 640 : i32
        %mul3A_56 = arith.muli %arg1, %mul3A_55 : i32
        "tpu.region"() ({
          %run_scoped3A = tpu.sem_alloc : memref<!tpu.dma_semaphore, #tpu.memory_space<semaphore_mem>>
          %dma_start3A = arith.constant 0 : i32
          %dma_start3A_57 = tpu.memref_slice %arg9[%mul3A_56, %dma_start3A] : memref<10000x128xf32, #tpu.memory_space<hbm>> -> memref<640x128xf32, #tpu.memory_space<hbm>>
          %dma_start3A_58 = arith.constant 0 : i32
          %dma_start3A_59 = tpu.memref_slice %arg15[%mul3A_54, %dma_start3A_58] : memref<10112x128xf32, #tpu.memory_space<vmem_shared>> -> memref<640x128xf32, #tpu.memory_space<vmem_shared>>
          tpu.enqueue_dma source(%dma_start3A_59 : memref<640x128xf32, #tpu.memory_space<vmem_shared>>) target(%dma_start3A_57 : memref<640x128xf32, #tpu.memory_space<hbm>>) target_semaphore(%run_scoped3A : memref<!tpu.dma_semaphore, #tpu.memory_space<semaphore_mem>>)
          %dma_wait3A = arith.constant 0 : i32
          %dma_wait3A_60 = tpu.memref_slice %arg9[%mul3A_56, %dma_wait3A] : memref<10000x128xf32, #tpu.memory_space<hbm>> -> memref<640x128xf32, #tpu.memory_space<hbm>>
          %dma_wait3A_61 = arith.constant 0 : i32
          %dma_wait3A_62 = tpu.memref_slice %arg15[%mul3A_54, %dma_wait3A_61] : memref<10112x128xf32, #tpu.memory_space<vmem_shared>> -> memref<640x128xf32, #tpu.memory_space<vmem_shared>>
          tpu.wait_dma2 semaphore(%run_scoped3A : memref<!tpu.dma_semaphore, #tpu.memory_space<semaphore_mem>>) src(%dma_wait3A_62 : memref<640x128xf32, #tpu.memory_space<vmem_shared>>) dst(%dma_wait3A_60 : memref<640x128xf32, #tpu.memory_space<hbm>>)
          tpu.yield
        }) : () -> ()
      } else {
      }
      %eq3A_48 = arith.constant 15 : i32
      %eq3A_49 = arith.cmpi eq, %arg1, %eq3A_48 : i32
      %convert_element_type3A_50 = arith.extui %eq3A_49 : i1 to i32
      %cond3A_51 = arith.constant 0 : i32
      %cond3A_52 = arith.cmpi ne, %convert_element_type3A_50, %cond3A_51 : i32
      scf.if %cond3A_52 {
        "tpu.region"() ({
          %run_scoped3A = tpu.sem_alloc : memref<!tpu.dma_semaphore, #tpu.memory_space<semaphore_mem>>
          %dma_start3A = arith.constant 9600 : i32
          %dma_start3A_53 = arith.constant 0 : i32
          %dma_start3A_54 = tpu.memref_slice %arg9[%dma_start3A, %dma_start3A_53] : memref<10000x128xf32, #tpu.memory_space<hbm>> -> memref<400x128xf32, #tpu.memory_space<hbm>>
          %dma_start3A_55 = arith.constant 9600 : i32
          %dma_start3A_56 = arith.constant 0 : i32
          %dma_start3A_57 = tpu.memref_slice %arg15[%dma_start3A_55, %dma_start3A_56] : memref<10112x128xf32, #tpu.memory_space<vmem_shared>> -> memref<400x128xf32, #tpu.memory_space<vmem_shared>>
          tpu.enqueue_dma source(%dma_start3A_57 : memref<400x128xf32, #tpu.memory_space<vmem_shared>>) target(%dma_start3A_54 : memref<400x128xf32, #tpu.memory_space<hbm>>) target_semaphore(%run_scoped3A : memref<!tpu.dma_semaphore, #tpu.memory_space<semaphore_mem>>)
          %dma_wait3A = arith.constant 9600 : i32
          %dma_wait3A_58 = arith.constant 0 : i32
          %dma_wait3A_59 = tpu.memref_slice %arg9[%dma_wait3A, %dma_wait3A_58] : memref<10000x128xf32, #tpu.memory_space<hbm>> -> memref<400x128xf32, #tpu.memory_space<hbm>>
          %dma_wait3A_60 = arith.constant 9600 : i32
          %dma_wait3A_61 = arith.constant 0 : i32
          %dma_wait3A_62 = tpu.memref_slice %arg15[%dma_wait3A_60, %dma_wait3A_61] : memref<10112x128xf32, #tpu.memory_space<vmem_shared>> -> memref<400x128xf32, #tpu.memory_space<vmem_shared>>
          tpu.wait_dma2 semaphore(%run_scoped3A : memref<!tpu.dma_semaphore, #tpu.memory_space<semaphore_mem>>) src(%dma_wait3A_62 : memref<400x128xf32, #tpu.memory_space<vmem_shared>>) dst(%dma_wait3A_59 : memref<400x128xf32, #tpu.memory_space<hbm>>)
          tpu.yield
        }) : () -> ()
      } else {
      }
    } else {
    }
    return
  }
}

#map = affine_map<(d0, d1) -> (0, 0)>
#map1 = affine_map<(d0, d1) -> (0)>
module attributes {stable_mosaic.version = 14 : i64} {
  func.func @k(%arg0: i32, %arg1: i32, %arg2: memref<10000x128xf32, #tpu.memory_space<hbm>>, %arg3: memref<10000x128xf32, #tpu.memory_space<hbm>>, %arg4: memref<5120x128xi32, #tpu.memory_space<hbm>>, %arg5: memref<5120x128xi32, #tpu.memory_space<hbm>>, %arg6: memref<10112x128xf32, #tpu.memory_space<hbm>>, %arg7: memref<16xi32, #tpu.memory_space<hbm>>, %arg8: memref<10000x128xf32, #tpu.memory_space<hbm>>, %arg9: memref<10000x128xf32, #tpu.memory_space<hbm>>, %arg10: memref<40x128xi32, #tpu.memory_space<vmem>>, %arg11: memref<40x128xi32, #tpu.memory_space<vmem>>, %arg12: memref<128x128xf32, #tpu.memory_space<vmem>>, %arg13: memref<128x128xf32, #tpu.memory_space<vmem>>, %arg14: memref<16xi32, #tpu.memory_space<vmem>>, %arg15: memref<10112x128xf32, #tpu.memory_space<vmem_shared>>, %arg16: memref<!tpu.dma_semaphore, #tpu.memory_space<semaphore_mem>>, %arg17: memref<!tpu.dma_semaphore, #tpu.memory_space<semaphore_mem>>, %arg18: memref<!tpu.dma_semaphore, #tpu.memory_space<semaphore_mem>>, %arg19: memref<!tpu.dma_semaphore, #tpu.memory_space<semaphore_mem>>) attributes {dimension_semantics = [#tpu.dimension_semantics<core_parallel>, #tpu.dimension_semantics<subcore_parallel>], iteration_bounds = array<i64: 2, 16>, scalar_prefetch = 0 : i64, scratch_operands = 10 : i64, tpu.core_type = #tpu.core_type<sc_vector_subcore>, window_params = [{transform_indices = #map}, {transform_indices = #map}, {transform_indices = #map}, {transform_indices = #map}, {transform_indices = #map}, {transform_indices = #map1}, {transform_indices = #map}, {transform_indices = #map}]} {
    %mul3A = arith.constant 632 : i32
    %mul3A_0 = arith.muli %arg1, %mul3A : i32
    %mul3A_1 = arith.constant 632 : i32
    %mul3A_2 = arith.muli %arg1, %mul3A_1 : i32
    "tpu.region"() ({
      %run_scoped3A = tpu.sem_alloc : memref<!tpu.dma_semaphore, #tpu.memory_space<semaphore_mem>>
      %dma_start3A = arith.constant 0 : i32
      %dma_start3A_44 = tpu.memref_slice %arg15[%mul3A_2, %dma_start3A] : memref<10112x128xf32, #tpu.memory_space<vmem_shared>> -> memref<632x128xf32, #tpu.memory_space<vmem_shared>>
      %dma_start3A_45 = arith.constant 0 : i32
      %dma_start3A_46 = tpu.memref_slice %arg6[%mul3A_0, %dma_start3A_45] : memref<10112x128xf32, #tpu.memory_space<hbm>> -> memref<632x128xf32, #tpu.memory_space<hbm>>
      tpu.enqueue_dma source(%dma_start3A_46 : memref<632x128xf32, #tpu.memory_space<hbm>>) target(%dma_start3A_44 : memref<632x128xf32, #tpu.memory_space<vmem_shared>>) target_semaphore(%run_scoped3A : memref<!tpu.dma_semaphore, #tpu.memory_space<semaphore_mem>>)
      %dma_wait3A = arith.constant 0 : i32
      %dma_wait3A_47 = tpu.memref_slice %arg15[%mul3A_2, %dma_wait3A] : memref<10112x128xf32, #tpu.memory_space<vmem_shared>> -> memref<632x128xf32, #tpu.memory_space<vmem_shared>>
      %dma_wait3A_48 = arith.constant 0 : i32
      %dma_wait3A_49 = tpu.memref_slice %arg6[%mul3A_0, %dma_wait3A_48] : memref<10112x128xf32, #tpu.memory_space<hbm>> -> memref<632x128xf32, #tpu.memory_space<hbm>>
      tpu.wait_dma2 semaphore(%run_scoped3A : memref<!tpu.dma_semaphore, #tpu.memory_space<semaphore_mem>>) src(%dma_wait3A_49 : memref<632x128xf32, #tpu.memory_space<hbm>>) dst(%dma_wait3A_47 : memref<632x128xf32, #tpu.memory_space<vmem_shared>>)
      tpu.yield
    }) : () -> ()
    "tpu.region"() ({
      %run_scoped3A = tpu.sem_alloc : memref<!tpu.dma_semaphore, #tpu.memory_space<semaphore_mem>>
      tpu.enqueue_dma source(%arg7 : memref<16xi32, #tpu.memory_space<hbm>>) target(%arg14 : memref<16xi32, #tpu.memory_space<vmem>>) target_semaphore(%run_scoped3A : memref<!tpu.dma_semaphore, #tpu.memory_space<semaphore_mem>>)
      tpu.wait_dma2 semaphore(%run_scoped3A : memref<!tpu.dma_semaphore, #tpu.memory_space<semaphore_mem>>) src(%arg7 : memref<16xi32, #tpu.memory_space<hbm>>) dst(%arg14 : memref<16xi32, #tpu.memory_space<vmem>>)
      tpu.yield
    }) : () -> ()
    %get3A = arith.constant 0 : index
    %get3A_3 = tpu.vector_load %arg14[%get3A] {strides = array<i32>} : memref<16xi32, #tpu.memory_space<vmem>>, vector<16xi32>,
    %get3A_4 = vector.shape_cast %get3A_3 : vector<16xi32> to vector<16xi32>
    %eq3A = arith.constant 0 : i32
    %eq3A_5 = arith.cmpi eq, %arg0, %eq3A : i32
    %slice3A = vector.extract_strided_slice %get3A_4 {offsets = [0], sizes = [1], strides = [1]} : vector<16xi32> to vector<1xi32>
    %squeeze3A = vector.extract %slice3A[0] : i32 from vector<1xi32>
    %slice3A_6 = vector.extract_strided_slice %get3A_4 {offsets = [1], sizes = [1], strides = [1]} : vector<16xi32> to vector<1xi32>
    %squeeze3A_7 = vector.extract %slice3A_6[0] : i32 from vector<1xi32>
    %select_n3A = arith.select %eq3A_5, %squeeze3A, %squeeze3A_7 : i32
    %eq3A_8 = arith.constant 0 : i32
    %eq3A_9 = arith.cmpi eq, %arg0, %eq3A_8 : i32
    %mul3A_10 = arith.constant 40 : i32
    %mul3A_11 = arith.muli %arg1, %mul3A_10 : i32
    %slice3A_12 = vector.extract_strided_slice %get3A_4 {offsets = [0], sizes = [1], strides = [1]} : vector<16xi32> to vector<1xi32>
    %squeeze3A_13 = vector.extract %slice3A_12[0] : i32 from vector<1xi32>
    %mul3A_14 = arith.muli %mul3A_11, %squeeze3A_13 : i32
    %slice3A_15 = vector.extract_strided_slice %get3A_4 {offsets = [0], sizes = [1], strides = [1]} : vector<16xi32> to vector<1xi32>
    %squeeze3A_16 = vector.extract %slice3A_15[0] : i32 from vector<1xi32>
    %mul3A_17 = arith.constant 640 : i32
    %mul3A_18 = arith.muli %mul3A_17, %squeeze3A_16 : i32
    %mul3A_19 = arith.constant 40 : i32
    %mul3A_20 = arith.muli %arg1, %mul3A_19 : i32
    %slice3A_21 = vector.extract_strided_slice %get3A_4 {offsets = [1], sizes = [1], strides = [1]} : vector<16xi32> to vector<1xi32>
    %squeeze3A_22 = vector.extract %slice3A_21[0] : i32 from vector<1xi32>
    %mul3A_23 = arith.muli %mul3A_20, %squeeze3A_22 : i32
    %add3A = arith.addi %mul3A_18, %mul3A_23 : i32
    %select_n3A_24 = arith.select %eq3A_9, %mul3A_14, %add3A : i32
    %barrier3A = arith.constant 0 : index
    tpu.barrier barrier_id(%barrier3A)
    %eq3A_25 = arith.constant 0 : i32
    %eq3A_26 = arith.cmpi eq, %arg0, %eq3A_25 : i32
    %convert_element_type3A = arith.extui %eq3A_26 : i1 to i32
    %cond3A = arith.constant 0 : i32
    %cond3A_27 = arith.cmpi ne, %convert_element_type3A, %cond3A : i32
    scf.if %cond3A_27 {
      %while3A = arith.constant 0 : i32
      %while3A_44 = arith.constant 0 : i32
      %while3A_45 = arith.subi %select_n3A, %while3A_44 : i32
      %while3A_46 = arith.addi %while3A_44, %while3A_45 : i32
      %while3A_47 = arith.constant 1 : i32
      %while3A_48 = arith.divsi %while3A_45, %while3A_47 : i32
      %while3A_49 = arith.muli %while3A_48, %while3A_47 : i32
      %while3A_50 = arith.addi %while3A_44, %while3A_49 : i32
      %while3A_51 = arith.constant 1 : i32
      scf.for %while3A_57 = %while3A_44 to %while3A_50 step %while3A_51  : i32 {
        %gt3A_58 = arith.constant 0 : i32
        %gt3A_59 = arith.cmpi sgt, %while3A_57, %gt3A_58 : i32
        %convert_element_type3A_60 = arith.extui %gt3A_59 : i1 to i32
        %cond3A_61 = arith.constant 0 : i32
        %cond3A_62 = arith.cmpi ne, %convert_element_type3A_60, %cond3A_61 : i32
        scf.if %cond3A_62 {
          %dma_wait3A = arith.constant 0 : i32
          %dma_wait3A_71 = arith.constant 0 : i32
          %dma_wait3A_72 = tpu.memref_slice %arg2[%dma_wait3A, %dma_wait3A_71] : memref<10000x128xf32, #tpu.memory_space<hbm>> -> memref<128x128xf32, #tpu.memory_space<hbm>>
          %dma_wait3A_73 = arith.constant 0 : i32
          %dma_wait3A_74 = arith.constant 0 : i32
          %dma_wait3A_75 = tpu.memref_slice %arg2[%dma_wait3A_73, %dma_wait3A_74] : memref<10000x128xf32, #tpu.memory_space<hbm>> -> memref<128x128xf32, #tpu.memory_space<hbm>>
          tpu.wait_dma2 semaphore(%arg18 : memref<!tpu.dma_semaphore, #tpu.memory_space<semaphore_mem>>) src(%dma_wait3A_75 : memref<128x128xf32, #tpu.memory_space<hbm>>) dst(%arg12 : memref<128x128xf32, #tpu.memory_space<vmem>>)
          %dma_wait3A_76 = arith.constant 0 : i32
          %dma_wait3A_77 = arith.constant 0 : i32
          %dma_wait3A_78 = tpu.memref_slice %arg2[%dma_wait3A_76, %dma_wait3A_77] : memref<10000x128xf32, #tpu.memory_space<hbm>> -> memref<128x128xf32, #tpu.memory_space<hbm>>
          %dma_wait3A_79 = arith.constant 0 : i32
          %dma_wait3A_80 = arith.constant 0 : i32
          %dma_wait3A_81 = tpu.memref_slice %arg2[%dma_wait3A_79, %dma_wait3A_80] : memref<10000x128xf32, #tpu.memory_space<hbm>> -> memref<128x128xf32, #tpu.memory_space<hbm>>
          tpu.wait_dma2 semaphore(%arg19 : memref<!tpu.dma_semaphore, #tpu.memory_space<semaphore_mem>>) src(%dma_wait3A_81 : memref<128x128xf32, #tpu.memory_space<hbm>>) dst(%arg13 : memref<128x128xf32, #tpu.memory_space<vmem>>)
        } else {
        }
        %mul3A_63 = arith.constant 40 : i32
        %mul3A_64 = arith.muli %while3A_57, %mul3A_63 : i32
        %add3A_65 = arith.addi %select_n3A_24, %mul3A_64 : i32
        %multiple_of3A = tpu.assume_multiple %add3A_65, 8 : i32
        "tpu.region"() ({
          %run_scoped3A = tpu.sem_alloc : memref<!tpu.dma_semaphore, #tpu.memory_space<semaphore_mem>>
          %dma_start3A = arith.constant 0 : i32
          %dma_start3A_71 = tpu.memref_slice %arg4[%multiple_of3A, %dma_start3A] : memref<5120x128xi32, #tpu.memory_space<hbm>> -> memref<40x128xi32, #tpu.memory_space<hbm>>
          %dma_start3A_72 = arith.constant 0 : i32
          %dma_start3A_73 = tpu.memref_slice %arg4[%multiple_of3A, %dma_start3A_72] : memref<5120x128xi32, #tpu.memory_space<hbm>> -> memref<40x128xi32, #tpu.memory_space<hbm>>
          tpu.enqueue_dma source(%dma_start3A_73 : memref<40x128xi32, #tpu.memory_space<hbm>>) target(%arg10 : memref<40x128xi32, #tpu.memory_space<vmem>>) target_semaphore(%run_scoped3A : memref<!tpu.dma_semaphore, #tpu.memory_space<semaphore_mem>>)
          %dma_wait3A = arith.constant 0 : i32
          %dma_wait3A_74 = tpu.memref_slice %arg4[%multiple_of3A, %dma_wait3A] : memref<5120x128xi32, #tpu.memory_space<hbm>> -> memref<40x128xi32, #tpu.memory_space<hbm>>
          %dma_wait3A_75 = arith.constant 0 : i32
          %dma_wait3A_76 = tpu.memref_slice %arg4[%multiple_of3A, %dma_wait3A_75] : memref<5120x128xi32, #tpu.memory_space<hbm>> -> memref<40x128xi32, #tpu.memory_space<hbm>>
          tpu.wait_dma2 semaphore(%run_scoped3A : memref<!tpu.dma_semaphore, #tpu.memory_space<semaphore_mem>>) src(%dma_wait3A_76 : memref<40x128xi32, #tpu.memory_space<hbm>>) dst(%arg10 : memref<40x128xi32, #tpu.memory_space<vmem>>)
          tpu.yield
        }) : () -> ()
        "tpu.region"() ({
          %run_scoped3A = tpu.sem_alloc : memref<!tpu.dma_semaphore, #tpu.memory_space<semaphore_mem>>
          %dma_start3A = arith.constant 0 : i32
          %dma_start3A_71 = tpu.memref_slice %arg5[%multiple_of3A, %dma_start3A] : memref<5120x128xi32, #tpu.memory_space<hbm>> -> memref<40x128xi32, #tpu.memory_space<hbm>>
          %dma_start3A_72 = arith.constant 0 : i32
          %dma_start3A_73 = tpu.memref_slice %arg5[%multiple_of3A, %dma_start3A_72] : memref<5120x128xi32, #tpu.memory_space<hbm>> -> memref<40x128xi32, #tpu.memory_space<hbm>>
          tpu.enqueue_dma source(%dma_start3A_73 : memref<40x128xi32, #tpu.memory_space<hbm>>) target(%arg11 : memref<40x128xi32, #tpu.memory_space<vmem>>) target_semaphore(%run_scoped3A : memref<!tpu.dma_semaphore, #tpu.memory_space<semaphore_mem>>)
          %dma_wait3A = arith.constant 0 : i32
          %dma_wait3A_74 = tpu.memref_slice %arg5[%multiple_of3A, %dma_wait3A] : memref<5120x128xi32, #tpu.memory_space<hbm>> -> memref<40x128xi32, #tpu.memory_space<hbm>>
          %dma_wait3A_75 = arith.constant 0 : i32
          %dma_wait3A_76 = tpu.memref_slice %arg5[%multiple_of3A, %dma_wait3A_75] : memref<5120x128xi32, #tpu.memory_space<hbm>> -> memref<40x128xi32, #tpu.memory_space<hbm>>
          tpu.wait_dma2 semaphore(%run_scoped3A : memref<!tpu.dma_semaphore, #tpu.memory_space<semaphore_mem>>) src(%dma_wait3A_76 : memref<40x128xi32, #tpu.memory_space<hbm>>) dst(%arg11 : memref<40x128xi32, #tpu.memory_space<vmem>>)
          tpu.yield
        }) : () -> ()
        %scan3A = arith.constant 0 : i32
        %scan3A_66 = arith.constant 0 : i32
        %scan3A_67 = arith.constant 20 : i32
        %scan3A_68 = arith.addi %scan3A_66, %scan3A_67 : i32
        %scan3A_69 = arith.constant 1 : i32
        scf.for %scan3A_71 = %scan3A_66 to %scan3A_68 step %scan3A_69  : i32 {
          %mul3A_72 = arith.constant 2 : i32
          %mul3A_73 = arith.muli %mul3A_72, %scan3A_71 : i32
          %mul3A_74 = arith.constant 2 : i32
          %mul3A_75 = arith.muli %mul3A_74, %scan3A_71 : i32
          %add3A_76 = arith.constant 1 : i32
          %add3A_77 = arith.addi %mul3A_75, %add3A_76 : i32
          %gt3A_78 = arith.constant 0 : i32
          %gt3A_79 = arith.cmpi sgt, %scan3A_71, %gt3A_78 : i32
          %convert_element_type3A_80 = arith.extui %gt3A_79 : i1 to i32
          %cond3A_81 = arith.constant 0 : i32
          %cond3A_82 = arith.cmpi ne, %convert_element_type3A_80, %cond3A_81 : i32
          scf.if %cond3A_82 {
            %dma_wait3A_117 = arith.constant 0 : i32
            %dma_wait3A_118 = arith.constant 0 : i32
            %dma_wait3A_119 = tpu.memref_slice %arg2[%dma_wait3A_117, %dma_wait3A_118] : memref<10000x128xf32, #tpu.memory_space<hbm>> -> memref<128x128xf32, #tpu.memory_space<hbm>>
            %dma_wait3A_120 = arith.constant 0 : i32
            %dma_wait3A_121 = arith.constant 0 : i32
            %dma_wait3A_122 = tpu.memref_slice %arg2[%dma_wait3A_120, %dma_wait3A_121] : memref<10000x128xf32, #tpu.memory_space<hbm>> -> memref<128x128xf32, #tpu.memory_space<hbm>>
            tpu.wait_dma2 semaphore(%arg18 : memref<!tpu.dma_semaphore, #tpu.memory_space<semaphore_mem>>) src(%dma_wait3A_122 : memref<128x128xf32, #tpu.memory_space<hbm>>) dst(%arg12 : memref<128x128xf32, #tpu.memory_space<vmem>>)
            %dma_wait3A_123 = arith.constant 0 : i32
            %dma_wait3A_124 = arith.constant 0 : i32
            %dma_wait3A_125 = tpu.memref_slice %arg2[%dma_wait3A_123, %dma_wait3A_124] : memref<10000x128xf32, #tpu.memory_space<hbm>> -> memref<128x128xf32, #tpu.memory_space<hbm>>
            %dma_wait3A_126 = arith.constant 0 : i32
            %dma_wait3A_127 = arith.constant 0 : i32
            %dma_wait3A_128 = tpu.memref_slice %arg2[%dma_wait3A_126, %dma_wait3A_127] : memref<10000x128xf32, #tpu.memory_space<hbm>> -> memref<128x128xf32, #tpu.memory_space<hbm>>
            tpu.wait_dma2 semaphore(%arg19 : memref<!tpu.dma_semaphore, #tpu.memory_space<semaphore_mem>>) src(%dma_wait3A_128 : memref<128x128xf32, #tpu.memory_space<hbm>>) dst(%arg13 : memref<128x128xf32, #tpu.memory_space<vmem>>)
          } else {
          }
          %dma_start3A = arith.constant 0 : i32
          %dma_start3A_83 = tpu.memref_slice %arg10[%mul3A_73, %dma_start3A] : memref<40x128xi32, #tpu.memory_space<vmem>> -> memref<1x128xi32, #tpu.memory_space<vmem>>
          %dma_start3A_84 = tpu.memref_squeeze %dma_start3A_83 : memref<1x128xi32, #tpu.memory_space<vmem>> -> memref<128xi32, #tpu.memory_space<vmem>>
          %dma_start3A_85 = arith.constant 0 : i32
          %dma_start3A_86 = arith.constant 0 : i32
          %dma_start3A_87 = tpu.memref_slice %arg2[%dma_start3A_85, %dma_start3A_86] : memref<10000x128xf32, #tpu.memory_space<hbm>> -> memref<10000x128xf32, #tpu.memory_space<hbm>>
          tpu.enqueue_indirect_dma source(%dma_start3A_87 : memref<10000x128xf32, #tpu.memory_space<hbm>>) target(%arg12 : memref<128x128xf32, #tpu.memory_space<vmem>>) offsets(%dma_start3A_84 : memref<128xi32, #tpu.memory_space<vmem>>) semaphore(%arg16 : memref<!tpu.dma_semaphore, #tpu.memory_space<semaphore_mem>>)
          %dma_start3A_88 = arith.constant 0 : i32
          %dma_start3A_89 = tpu.memref_slice %arg10[%add3A_77, %dma_start3A_88] : memref<40x128xi32, #tpu.memory_space<vmem>> -> memref<1x128xi32, #tpu.memory_space<vmem>>
          %dma_start3A_90 = tpu.memref_squeeze %dma_start3A_89 : memref<1x128xi32, #tpu.memory_space<vmem>> -> memref<128xi32, #tpu.memory_space<vmem>>
          %dma_start3A_91 = arith.constant 0 : i32
          %dma_start3A_92 = arith.constant 0 : i32
          %dma_start3A_93 = tpu.memref_slice %arg2[%dma_start3A_91, %dma_start3A_92] : memref<10000x128xf32, #tpu.memory_space<hbm>> -> memref<10000x128xf32, #tpu.memory_space<hbm>>
          tpu.enqueue_indirect_dma source(%dma_start3A_93 : memref<10000x128xf32, #tpu.memory_space<hbm>>) target(%arg13 : memref<128x128xf32, #tpu.memory_space<vmem>>) offsets(%dma_start3A_90 : memref<128xi32, #tpu.memory_space<vmem>>) semaphore(%arg17 : memref<!tpu.dma_semaphore, #tpu.memory_space<semaphore_mem>>)
          %dma_wait3A = arith.constant 0 : i32
          %dma_wait3A_94 = tpu.memref_slice %arg10[%mul3A_73, %dma_wait3A] : memref<40x128xi32, #tpu.memory_space<vmem>> -> memref<1x128xi32, #tpu.memory_space<vmem>>
          %dma_wait3A_95 = tpu.memref_squeeze %dma_wait3A_94 : memref<1x128xi32, #tpu.memory_space<vmem>> -> memref<128xi32, #tpu.memory_space<vmem>>
          %dma_wait3A_96 = arith.constant 0 : i32
          %dma_wait3A_97 = arith.constant 0 : i32
          %dma_wait3A_98 = tpu.memref_slice %arg2[%dma_wait3A_96, %dma_wait3A_97] : memref<10000x128xf32, #tpu.memory_space<hbm>> -> memref<10000x128xf32, #tpu.memory_space<hbm>>
          tpu.wait_indirect_dma semaphore(%arg16 : memref<!tpu.dma_semaphore, #tpu.memory_space<semaphore_mem>>) src(%dma_wait3A_98 : memref<10000x128xf32, #tpu.memory_space<hbm>>) dst(%arg12 : memref<128x128xf32, #tpu.memory_space<vmem>>)
          %dma_start3A_99 = arith.constant 0 : i32
          %dma_start3A_100 = tpu.memref_slice %arg11[%mul3A_73, %dma_start3A_99] : memref<40x128xi32, #tpu.memory_space<vmem>> -> memref<1x128xi32, #tpu.memory_space<vmem>>
          %dma_start3A_101 = tpu.memref_squeeze %dma_start3A_100 : memref<1x128xi32, #tpu.memory_space<vmem>> -> memref<128xi32, #tpu.memory_space<vmem>>
          %dma_start3A_102 = arith.constant 0 : i32
          %dma_start3A_103 = arith.constant 0 : i32
          %dma_start3A_104 = tpu.memref_slice %arg15[%dma_start3A_102, %dma_start3A_103] : memref<10112x128xf32, #tpu.memory_space<vmem_shared>> -> memref<10112x128xf32, #tpu.memory_space<vmem_shared>>
          tpu.enqueue_indirect_dma source(%arg12 : memref<128x128xf32, #tpu.memory_space<vmem>>) target(%dma_start3A_104 : memref<10112x128xf32, #tpu.memory_space<vmem_shared>>) offsets(%dma_start3A_101 : memref<128xi32, #tpu.memory_space<vmem>>) semaphore(%arg18 : memref<!tpu.dma_semaphore, #tpu.memory_space<semaphore_mem>>) {add = true}
          %dma_wait3A_105 = arith.constant 0 : i32
          %dma_wait3A_106 = tpu.memref_slice %arg10[%add3A_77, %dma_wait3A_105] : memref<40x128xi32, #tpu.memory_space<vmem>> -> memref<1x128xi32, #tpu.memory_space<vmem>>
          %dma_wait3A_107 = tpu.memref_squeeze %dma_wait3A_106 : memref<1x128xi32, #tpu.memory_space<vmem>> -> memref<128xi32, #tpu.memory_space<vmem>>
          %dma_wait3A_108 = arith.constant 0 : i32
          %dma_wait3A_109 = arith.constant 0 : i32
          %dma_wait3A_110 = tpu.memref_slice %arg2[%dma_wait3A_108, %dma_wait3A_109] : memref<10000x128xf32, #tpu.memory_space<hbm>> -> memref<10000x128xf32, #tpu.memory_space<hbm>>
          tpu.wait_indirect_dma semaphore(%arg17 : memref<!tpu.dma_semaphore, #tpu.memory_space<semaphore_mem>>) src(%dma_wait3A_110 : memref<10000x128xf32, #tpu.memory_space<hbm>>) dst(%arg13 : memref<128x128xf32, #tpu.memory_space<vmem>>)
          %dma_start3A_111 = arith.constant 0 : i32
          %dma_start3A_112 = tpu.memref_slice %arg11[%add3A_77, %dma_start3A_111] : memref<40x128xi32, #tpu.memory_space<vmem>> -> memref<1x128xi32, #tpu.memory_space<vmem>>
          %dma_start3A_113 = tpu.memref_squeeze %dma_start3A_112 : memref<1x128xi32, #tpu.memory_space<vmem>> -> memref<128xi32, #tpu.memory_space<vmem>>
          %dma_start3A_114 = arith.constant 0 : i32
          %dma_start3A_115 = arith.constant 0 : i32
          %dma_start3A_116 = tpu.memref_slice %arg15[%dma_start3A_114, %dma_start3A_115] : memref<10112x128xf32, #tpu.memory_space<vmem_shared>> -> memref<10112x128xf32, #tpu.memory_space<vmem_shared>>
          tpu.enqueue_indirect_dma source(%arg13 : memref<128x128xf32, #tpu.memory_space<vmem>>) target(%dma_start3A_116 : memref<10112x128xf32, #tpu.memory_space<vmem_shared>>) offsets(%dma_start3A_113 : memref<128xi32, #tpu.memory_space<vmem>>) semaphore(%arg19 : memref<!tpu.dma_semaphore, #tpu.memory_space<semaphore_mem>>) {add = true}
        }
        %scan3A_70 = arith.constant 20 : i32
      }
      %while3A_52 = arith.constant 1 : i32
      scf.for %while3A_57 = %while3A_50 to %while3A_46 step %while3A_52  : i32 {
        %gt3A_58 = arith.constant 0 : i32
        %gt3A_59 = arith.cmpi sgt, %while3A_57, %gt3A_58 : i32
        %convert_element_type3A_60 = arith.extui %gt3A_59 : i1 to i32
        %cond3A_61 = arith.constant 0 : i32
        %cond3A_62 = arith.cmpi ne, %convert_element_type3A_60, %cond3A_61 : i32
        scf.if %cond3A_62 {
          %dma_wait3A = arith.constant 0 : i32
          %dma_wait3A_71 = arith.constant 0 : i32
          %dma_wait3A_72 = tpu.memref_slice %arg2[%dma_wait3A, %dma_wait3A_71] : memref<10000x128xf32, #tpu.memory_space<hbm>> -> memref<128x128xf32, #tpu.memory_space<hbm>>
          %dma_wait3A_73 = arith.constant 0 : i32
          %dma_wait3A_74 = arith.constant 0 : i32
          %dma_wait3A_75 = tpu.memref_slice %arg2[%dma_wait3A_73, %dma_wait3A_74] : memref<10000x128xf32, #tpu.memory_space<hbm>> -> memref<128x128xf32, #tpu.memory_space<hbm>>
          tpu.wait_dma2 semaphore(%arg18 : memref<!tpu.dma_semaphore, #tpu.memory_space<semaphore_mem>>) src(%dma_wait3A_75 : memref<128x128xf32, #tpu.memory_space<hbm>>) dst(%arg12 : memref<128x128xf32, #tpu.memory_space<vmem>>)
          %dma_wait3A_76 = arith.constant 0 : i32
          %dma_wait3A_77 = arith.constant 0 : i32
          %dma_wait3A_78 = tpu.memref_slice %arg2[%dma_wait3A_76, %dma_wait3A_77] : memref<10000x128xf32, #tpu.memory_space<hbm>> -> memref<128x128xf32, #tpu.memory_space<hbm>>
          %dma_wait3A_79 = arith.constant 0 : i32
          %dma_wait3A_80 = arith.constant 0 : i32
          %dma_wait3A_81 = tpu.memref_slice %arg2[%dma_wait3A_79, %dma_wait3A_80] : memref<10000x128xf32, #tpu.memory_space<hbm>> -> memref<128x128xf32, #tpu.memory_space<hbm>>
          tpu.wait_dma2 semaphore(%arg19 : memref<!tpu.dma_semaphore, #tpu.memory_space<semaphore_mem>>) src(%dma_wait3A_81 : memref<128x128xf32, #tpu.memory_space<hbm>>) dst(%arg13 : memref<128x128xf32, #tpu.memory_space<vmem>>)
        } else {
        }
        %mul3A_63 = arith.constant 40 : i32
        %mul3A_64 = arith.muli %while3A_57, %mul3A_63 : i32
        %add3A_65 = arith.addi %select_n3A_24, %mul3A_64 : i32
        %multiple_of3A = tpu.assume_multiple %add3A_65, 8 : i32
        "tpu.region"() ({
          %run_scoped3A = tpu.sem_alloc : memref<!tpu.dma_semaphore, #tpu.memory_space<semaphore_mem>>
          %dma_start3A = arith.constant 0 : i32
          %dma_start3A_71 = tpu.memref_slice %arg4[%multiple_of3A, %dma_start3A] : memref<5120x128xi32, #tpu.memory_space<hbm>> -> memref<40x128xi32, #tpu.memory_space<hbm>>
          %dma_start3A_72 = arith.constant 0 : i32
          %dma_start3A_73 = tpu.memref_slice %arg4[%multiple_of3A, %dma_start3A_72] : memref<5120x128xi32, #tpu.memory_space<hbm>> -> memref<40x128xi32, #tpu.memory_space<hbm>>
          tpu.enqueue_dma source(%dma_start3A_73 : memref<40x128xi32, #tpu.memory_space<hbm>>) target(%arg10 : memref<40x128xi32, #tpu.memory_space<vmem>>) target_semaphore(%run_scoped3A : memref<!tpu.dma_semaphore, #tpu.memory_space<semaphore_mem>>)
          %dma_wait3A = arith.constant 0 : i32
          %dma_wait3A_74 = tpu.memref_slice %arg4[%multiple_of3A, %dma_wait3A] : memref<5120x128xi32, #tpu.memory_space<hbm>> -> memref<40x128xi32, #tpu.memory_space<hbm>>
          %dma_wait3A_75 = arith.constant 0 : i32
          %dma_wait3A_76 = tpu.memref_slice %arg4[%multiple_of3A, %dma_wait3A_75] : memref<5120x128xi32, #tpu.memory_space<hbm>> -> memref<40x128xi32, #tpu.memory_space<hbm>>
          tpu.wait_dma2 semaphore(%run_scoped3A : memref<!tpu.dma_semaphore, #tpu.memory_space<semaphore_mem>>) src(%dma_wait3A_76 : memref<40x128xi32, #tpu.memory_space<hbm>>) dst(%arg10 : memref<40x128xi32, #tpu.memory_space<vmem>>)
          tpu.yield
        }) : () -> ()
        "tpu.region"() ({
          %run_scoped3A = tpu.sem_alloc : memref<!tpu.dma_semaphore, #tpu.memory_space<semaphore_mem>>
          %dma_start3A = arith.constant 0 : i32
          %dma_start3A_71 = tpu.memref_slice %arg5[%multiple_of3A, %dma_start3A] : memref<5120x128xi32, #tpu.memory_space<hbm>> -> memref<40x128xi32, #tpu.memory_space<hbm>>
          %dma_start3A_72 = arith.constant 0 : i32
          %dma_start3A_73 = tpu.memref_slice %arg5[%multiple_of3A, %dma_start3A_72] : memref<5120x128xi32, #tpu.memory_space<hbm>> -> memref<40x128xi32, #tpu.memory_space<hbm>>
          tpu.enqueue_dma source(%dma_start3A_73 : memref<40x128xi32, #tpu.memory_space<hbm>>) target(%arg11 : memref<40x128xi32, #tpu.memory_space<vmem>>) target_semaphore(%run_scoped3A : memref<!tpu.dma_semaphore, #tpu.memory_space<semaphore_mem>>)
          %dma_wait3A = arith.constant 0 : i32
          %dma_wait3A_74 = tpu.memref_slice %arg5[%multiple_of3A, %dma_wait3A] : memref<5120x128xi32, #tpu.memory_space<hbm>> -> memref<40x128xi32, #tpu.memory_space<hbm>>
          %dma_wait3A_75 = arith.constant 0 : i32
          %dma_wait3A_76 = tpu.memref_slice %arg5[%multiple_of3A, %dma_wait3A_75] : memref<5120x128xi32, #tpu.memory_space<hbm>> -> memref<40x128xi32, #tpu.memory_space<hbm>>
          tpu.wait_dma2 semaphore(%run_scoped3A : memref<!tpu.dma_semaphore, #tpu.memory_space<semaphore_mem>>) src(%dma_wait3A_76 : memref<40x128xi32, #tpu.memory_space<hbm>>) dst(%arg11 : memref<40x128xi32, #tpu.memory_space<vmem>>)
          tpu.yield
        }) : () -> ()
        %scan3A = arith.constant 0 : i32
        %scan3A_66 = arith.constant 0 : i32
        %scan3A_67 = arith.constant 20 : i32
        %scan3A_68 = arith.addi %scan3A_66, %scan3A_67 : i32
        %scan3A_69 = arith.constant 1 : i32
        scf.for %scan3A_71 = %scan3A_66 to %scan3A_68 step %scan3A_69  : i32 {
          %mul3A_72 = arith.constant 2 : i32
          %mul3A_73 = arith.muli %mul3A_72, %scan3A_71 : i32
          %mul3A_74 = arith.constant 2 : i32
          %mul3A_75 = arith.muli %mul3A_74, %scan3A_71 : i32
          %add3A_76 = arith.constant 1 : i32
          %add3A_77 = arith.addi %mul3A_75, %add3A_76 : i32
          %gt3A_78 = arith.constant 0 : i32
          %gt3A_79 = arith.cmpi sgt, %scan3A_71, %gt3A_78 : i32
          %convert_element_type3A_80 = arith.extui %gt3A_79 : i1 to i32
          %cond3A_81 = arith.constant 0 : i32
          %cond3A_82 = arith.cmpi ne, %convert_element_type3A_80, %cond3A_81 : i32
          scf.if %cond3A_82 {
            %dma_wait3A_117 = arith.constant 0 : i32
            %dma_wait3A_118 = arith.constant 0 : i32
            %dma_wait3A_119 = tpu.memref_slice %arg2[%dma_wait3A_117, %dma_wait3A_118] : memref<10000x128xf32, #tpu.memory_space<hbm>> -> memref<128x128xf32, #tpu.memory_space<hbm>>
            %dma_wait3A_120 = arith.constant 0 : i32
            %dma_wait3A_121 = arith.constant 0 : i32
            %dma_wait3A_122 = tpu.memref_slice %arg2[%dma_wait3A_120, %dma_wait3A_121] : memref<10000x128xf32, #tpu.memory_space<hbm>> -> memref<128x128xf32, #tpu.memory_space<hbm>>
            tpu.wait_dma2 semaphore(%arg18 : memref<!tpu.dma_semaphore, #tpu.memory_space<semaphore_mem>>) src(%dma_wait3A_122 : memref<128x128xf32, #tpu.memory_space<hbm>>) dst(%arg12 : memref<128x128xf32, #tpu.memory_space<vmem>>)
            %dma_wait3A_123 = arith.constant 0 : i32
            %dma_wait3A_124 = arith.constant 0 : i32
            %dma_wait3A_125 = tpu.memref_slice %arg2[%dma_wait3A_123, %dma_wait3A_124] : memref<10000x128xf32, #tpu.memory_space<hbm>> -> memref<128x128xf32, #tpu.memory_space<hbm>>
            %dma_wait3A_126 = arith.constant 0 : i32
            %dma_wait3A_127 = arith.constant 0 : i32
            %dma_wait3A_128 = tpu.memref_slice %arg2[%dma_wait3A_126, %dma_wait3A_127] : memref<10000x128xf32, #tpu.memory_space<hbm>> -> memref<128x128xf32, #tpu.memory_space<hbm>>
            tpu.wait_dma2 semaphore(%arg19 : memref<!tpu.dma_semaphore, #tpu.memory_space<semaphore_mem>>) src(%dma_wait3A_128 : memref<128x128xf32, #tpu.memory_space<hbm>>) dst(%arg13 : memref<128x128xf32, #tpu.memory_space<vmem>>)
          } else {
          }
          %dma_start3A = arith.constant 0 : i32
          %dma_start3A_83 = tpu.memref_slice %arg10[%mul3A_73, %dma_start3A] : memref<40x128xi32, #tpu.memory_space<vmem>> -> memref<1x128xi32, #tpu.memory_space<vmem>>
          %dma_start3A_84 = tpu.memref_squeeze %dma_start3A_83 : memref<1x128xi32, #tpu.memory_space<vmem>> -> memref<128xi32, #tpu.memory_space<vmem>>
          %dma_start3A_85 = arith.constant 0 : i32
          %dma_start3A_86 = arith.constant 0 : i32
          %dma_start3A_87 = tpu.memref_slice %arg2[%dma_start3A_85, %dma_start3A_86] : memref<10000x128xf32, #tpu.memory_space<hbm>> -> memref<10000x128xf32, #tpu.memory_space<hbm>>
          tpu.enqueue_indirect_dma source(%dma_start3A_87 : memref<10000x128xf32, #tpu.memory_space<hbm>>) target(%arg12 : memref<128x128xf32, #tpu.memory_space<vmem>>) offsets(%dma_start3A_84 : memref<128xi32, #tpu.memory_space<vmem>>) semaphore(%arg16 : memref<!tpu.dma_semaphore, #tpu.memory_space<semaphore_mem>>)
          %dma_start3A_88 = arith.constant 0 : i32
          %dma_start3A_89 = tpu.memref_slice %arg10[%add3A_77, %dma_start3A_88] : memref<40x128xi32, #tpu.memory_space<vmem>> -> memref<1x128xi32, #tpu.memory_space<vmem>>
          %dma_start3A_90 = tpu.memref_squeeze %dma_start3A_89 : memref<1x128xi32, #tpu.memory_space<vmem>> -> memref<128xi32, #tpu.memory_space<vmem>>
          %dma_start3A_91 = arith.constant 0 : i32
          %dma_start3A_92 = arith.constant 0 : i32
          %dma_start3A_93 = tpu.memref_slice %arg2[%dma_start3A_91, %dma_start3A_92] : memref<10000x128xf32, #tpu.memory_space<hbm>> -> memref<10000x128xf32, #tpu.memory_space<hbm>>
          tpu.enqueue_indirect_dma source(%dma_start3A_93 : memref<10000x128xf32, #tpu.memory_space<hbm>>) target(%arg13 : memref<128x128xf32, #tpu.memory_space<vmem>>) offsets(%dma_start3A_90 : memref<128xi32, #tpu.memory_space<vmem>>) semaphore(%arg17 : memref<!tpu.dma_semaphore, #tpu.memory_space<semaphore_mem>>)
          %dma_wait3A = arith.constant 0 : i32
          %dma_wait3A_94 = tpu.memref_slice %arg10[%mul3A_73, %dma_wait3A] : memref<40x128xi32, #tpu.memory_space<vmem>> -> memref<1x128xi32, #tpu.memory_space<vmem>>
          %dma_wait3A_95 = tpu.memref_squeeze %dma_wait3A_94 : memref<1x128xi32, #tpu.memory_space<vmem>> -> memref<128xi32, #tpu.memory_space<vmem>>
          %dma_wait3A_96 = arith.constant 0 : i32
          %dma_wait3A_97 = arith.constant 0 : i32
          %dma_wait3A_98 = tpu.memref_slice %arg2[%dma_wait3A_96, %dma_wait3A_97] : memref<10000x128xf32, #tpu.memory_space<hbm>> -> memref<10000x128xf32, #tpu.memory_space<hbm>>
          tpu.wait_indirect_dma semaphore(%arg16 : memref<!tpu.dma_semaphore, #tpu.memory_space<semaphore_mem>>) src(%dma_wait3A_98 : memref<10000x128xf32, #tpu.memory_space<hbm>>) dst(%arg12 : memref<128x128xf32, #tpu.memory_space<vmem>>)
          %dma_start3A_99 = arith.constant 0 : i32
          %dma_start3A_100 = tpu.memref_slice %arg11[%mul3A_73, %dma_start3A_99] : memref<40x128xi32, #tpu.memory_space<vmem>> -> memref<1x128xi32, #tpu.memory_space<vmem>>
          %dma_start3A_101 = tpu.memref_squeeze %dma_start3A_100 : memref<1x128xi32, #tpu.memory_space<vmem>> -> memref<128xi32, #tpu.memory_space<vmem>>
          %dma_start3A_102 = arith.constant 0 : i32
          %dma_start3A_103 = arith.constant 0 : i32
          %dma_start3A_104 = tpu.memref_slice %arg15[%dma_start3A_102, %dma_start3A_103] : memref<10112x128xf32, #tpu.memory_space<vmem_shared>> -> memref<10112x128xf32, #tpu.memory_space<vmem_shared>>
          tpu.enqueue_indirect_dma source(%arg12 : memref<128x128xf32, #tpu.memory_space<vmem>>) target(%dma_start3A_104 : memref<10112x128xf32, #tpu.memory_space<vmem_shared>>) offsets(%dma_start3A_101 : memref<128xi32, #tpu.memory_space<vmem>>) semaphore(%arg18 : memref<!tpu.dma_semaphore, #tpu.memory_space<semaphore_mem>>) {add = true}
          %dma_wait3A_105 = arith.constant 0 : i32
          %dma_wait3A_106 = tpu.memref_slice %arg10[%add3A_77, %dma_wait3A_105] : memref<40x128xi32, #tpu.memory_space<vmem>> -> memref<1x128xi32, #tpu.memory_space<vmem>>
          %dma_wait3A_107 = tpu.memref_squeeze %dma_wait3A_106 : memref<1x128xi32, #tpu.memory_space<vmem>> -> memref<128xi32, #tpu.memory_space<vmem>>
          %dma_wait3A_108 = arith.constant 0 : i32
          %dma_wait3A_109 = arith.constant 0 : i32
          %dma_wait3A_110 = tpu.memref_slice %arg2[%dma_wait3A_108, %dma_wait3A_109] : memref<10000x128xf32, #tpu.memory_space<hbm>> -> memref<10000x128xf32, #tpu.memory_space<hbm>>
          tpu.wait_indirect_dma semaphore(%arg17 : memref<!tpu.dma_semaphore, #tpu.memory_space<semaphore_mem>>) src(%dma_wait3A_110 : memref<10000x128xf32, #tpu.memory_space<hbm>>) dst(%arg13 : memref<128x128xf32, #tpu.memory_space<vmem>>)
          %dma_start3A_111 = arith.constant 0 : i32
          %dma_start3A_112 = tpu.memref_slice %arg11[%add3A_77, %dma_start3A_111] : memref<40x128xi32, #tpu.memory_space<vmem>> -> memref<1x128xi32, #tpu.memory_space<vmem>>
          %dma_start3A_113 = tpu.memref_squeeze %dma_start3A_112 : memref<1x128xi32, #tpu.memory_space<vmem>> -> memref<128xi32, #tpu.memory_space<vmem>>
          %dma_start3A_114 = arith.constant 0 : i32
          %dma_start3A_115 = arith.constant 0 : i32
          %dma_start3A_116 = tpu.memref_slice %arg15[%dma_start3A_114, %dma_start3A_115] : memref<10112x128xf32, #tpu.memory_space<vmem_shared>> -> memref<10112x128xf32, #tpu.memory_space<vmem_shared>>
          tpu.enqueue_indirect_dma source(%arg13 : memref<128x128xf32, #tpu.memory_space<vmem>>) target(%dma_start3A_116 : memref<10112x128xf32, #tpu.memory_space<vmem_shared>>) offsets(%dma_start3A_113 : memref<128xi32, #tpu.memory_space<vmem>>) semaphore(%arg19 : memref<!tpu.dma_semaphore, #tpu.memory_space<semaphore_mem>>) {add = true}
        }
        %scan3A_70 = arith.constant 20 : i32
      }
      %gt3A = arith.constant 0 : i32
      %gt3A_53 = arith.cmpi sgt, %select_n3A, %gt3A : i32
      %convert_element_type3A_54 = arith.extui %gt3A_53 : i1 to i32
      %cond3A_55 = arith.constant 0 : i32
      %cond3A_56 = arith.cmpi ne, %convert_element_type3A_54, %cond3A_55 : i32
      scf.if %cond3A_56 {
        %dma_wait3A = arith.constant 0 : i32
        %dma_wait3A_57 = arith.constant 0 : i32
        %dma_wait3A_58 = tpu.memref_slice %arg2[%dma_wait3A, %dma_wait3A_57] : memref<10000x128xf32, #tpu.memory_space<hbm>> -> memref<128x128xf32, #tpu.memory_space<hbm>>
        %dma_wait3A_59 = arith.constant 0 : i32
        %dma_wait3A_60 = arith.constant 0 : i32
        %dma_wait3A_61 = tpu.memref_slice %arg2[%dma_wait3A_59, %dma_wait3A_60] : memref<10000x128xf32, #tpu.memory_space<hbm>> -> memref<128x128xf32, #tpu.memory_space<hbm>>
        tpu.wait_dma2 semaphore(%arg18 : memref<!tpu.dma_semaphore, #tpu.memory_space<semaphore_mem>>) src(%dma_wait3A_61 : memref<128x128xf32, #tpu.memory_space<hbm>>) dst(%arg12 : memref<128x128xf32, #tpu.memory_space<vmem>>)
        %dma_wait3A_62 = arith.constant 0 : i32
        %dma_wait3A_63 = arith.constant 0 : i32
        %dma_wait3A_64 = tpu.memref_slice %arg2[%dma_wait3A_62, %dma_wait3A_63] : memref<10000x128xf32, #tpu.memory_space<hbm>> -> memref<128x128xf32, #tpu.memory_space<hbm>>
        %dma_wait3A_65 = arith.constant 0 : i32
        %dma_wait3A_66 = arith.constant 0 : i32
        %dma_wait3A_67 = tpu.memref_slice %arg2[%dma_wait3A_65, %dma_wait3A_66] : memref<10000x128xf32, #tpu.memory_space<hbm>> -> memref<128x128xf32, #tpu.memory_space<hbm>>
        tpu.wait_dma2 semaphore(%arg19 : memref<!tpu.dma_semaphore, #tpu.memory_space<semaphore_mem>>) src(%dma_wait3A_67 : memref<128x128xf32, #tpu.memory_space<hbm>>) dst(%arg13 : memref<128x128xf32, #tpu.memory_space<vmem>>)
      } else {
      }
    } else {
    }
    %eq3A_28 = arith.constant 1 : i32
    %eq3A_29 = arith.cmpi eq, %arg0, %eq3A_28 : i32
    %convert_element_type3A_30 = arith.extui %eq3A_29 : i1 to i32
    %cond3A_31 = arith.constant 0 : i32
    %cond3A_32 = arith.cmpi ne, %convert_element_type3A_30, %cond3A_31 : i32
    scf.if %cond3A_32 {
      %while3A = arith.constant 0 : i32
      %while3A_44 = arith.constant 0 : i32
      %while3A_45 = arith.subi %select_n3A, %while3A_44 : i32
      %while3A_46 = arith.addi %while3A_44, %while3A_45 : i32
      %while3A_47 = arith.constant 1 : i32
      %while3A_48 = arith.divsi %while3A_45, %while3A_47 : i32
      %while3A_49 = arith.muli %while3A_48, %while3A_47 : i32
      %while3A_50 = arith.addi %while3A_44, %while3A_49 : i32
      %while3A_51 = arith.constant 1 : i32
      scf.for %while3A_57 = %while3A_44 to %while3A_50 step %while3A_51  : i32 {
        %gt3A_58 = arith.constant 0 : i32
        %gt3A_59 = arith.cmpi sgt, %while3A_57, %gt3A_58 : i32
        %convert_element_type3A_60 = arith.extui %gt3A_59 : i1 to i32
        %cond3A_61 = arith.constant 0 : i32
        %cond3A_62 = arith.cmpi ne, %convert_element_type3A_60, %cond3A_61 : i32
        scf.if %cond3A_62 {
          %dma_wait3A = arith.constant 0 : i32
          %dma_wait3A_71 = arith.constant 0 : i32
          %dma_wait3A_72 = tpu.memref_slice %arg3[%dma_wait3A, %dma_wait3A_71] : memref<10000x128xf32, #tpu.memory_space<hbm>> -> memref<128x128xf32, #tpu.memory_space<hbm>>
          %dma_wait3A_73 = arith.constant 0 : i32
          %dma_wait3A_74 = arith.constant 0 : i32
          %dma_wait3A_75 = tpu.memref_slice %arg3[%dma_wait3A_73, %dma_wait3A_74] : memref<10000x128xf32, #tpu.memory_space<hbm>> -> memref<128x128xf32, #tpu.memory_space<hbm>>
          tpu.wait_dma2 semaphore(%arg18 : memref<!tpu.dma_semaphore, #tpu.memory_space<semaphore_mem>>) src(%dma_wait3A_75 : memref<128x128xf32, #tpu.memory_space<hbm>>) dst(%arg12 : memref<128x128xf32, #tpu.memory_space<vmem>>)
          %dma_wait3A_76 = arith.constant 0 : i32
          %dma_wait3A_77 = arith.constant 0 : i32
          %dma_wait3A_78 = tpu.memref_slice %arg3[%dma_wait3A_76, %dma_wait3A_77] : memref<10000x128xf32, #tpu.memory_space<hbm>> -> memref<128x128xf32, #tpu.memory_space<hbm>>
          %dma_wait3A_79 = arith.constant 0 : i32
          %dma_wait3A_80 = arith.constant 0 : i32
          %dma_wait3A_81 = tpu.memref_slice %arg3[%dma_wait3A_79, %dma_wait3A_80] : memref<10000x128xf32, #tpu.memory_space<hbm>> -> memref<128x128xf32, #tpu.memory_space<hbm>>
          tpu.wait_dma2 semaphore(%arg19 : memref<!tpu.dma_semaphore, #tpu.memory_space<semaphore_mem>>) src(%dma_wait3A_81 : memref<128x128xf32, #tpu.memory_space<hbm>>) dst(%arg13 : memref<128x128xf32, #tpu.memory_space<vmem>>)
        } else {
        }
        %mul3A_63 = arith.constant 40 : i32
        %mul3A_64 = arith.muli %while3A_57, %mul3A_63 : i32
        %add3A_65 = arith.addi %select_n3A_24, %mul3A_64 : i32
        %multiple_of3A = tpu.assume_multiple %add3A_65, 8 : i32
        "tpu.region"() ({
          %run_scoped3A = tpu.sem_alloc : memref<!tpu.dma_semaphore, #tpu.memory_space<semaphore_mem>>
          %dma_start3A = arith.constant 0 : i32
          %dma_start3A_71 = tpu.memref_slice %arg4[%multiple_of3A, %dma_start3A] : memref<5120x128xi32, #tpu.memory_space<hbm>> -> memref<40x128xi32, #tpu.memory_space<hbm>>
          %dma_start3A_72 = arith.constant 0 : i32
          %dma_start3A_73 = tpu.memref_slice %arg4[%multiple_of3A, %dma_start3A_72] : memref<5120x128xi32, #tpu.memory_space<hbm>> -> memref<40x128xi32, #tpu.memory_space<hbm>>
          tpu.enqueue_dma source(%dma_start3A_73 : memref<40x128xi32, #tpu.memory_space<hbm>>) target(%arg10 : memref<40x128xi32, #tpu.memory_space<vmem>>) target_semaphore(%run_scoped3A : memref<!tpu.dma_semaphore, #tpu.memory_space<semaphore_mem>>)
          %dma_wait3A = arith.constant 0 : i32
          %dma_wait3A_74 = tpu.memref_slice %arg4[%multiple_of3A, %dma_wait3A] : memref<5120x128xi32, #tpu.memory_space<hbm>> -> memref<40x128xi32, #tpu.memory_space<hbm>>
          %dma_wait3A_75 = arith.constant 0 : i32
          %dma_wait3A_76 = tpu.memref_slice %arg4[%multiple_of3A, %dma_wait3A_75] : memref<5120x128xi32, #tpu.memory_space<hbm>> -> memref<40x128xi32, #tpu.memory_space<hbm>>
          tpu.wait_dma2 semaphore(%run_scoped3A : memref<!tpu.dma_semaphore, #tpu.memory_space<semaphore_mem>>) src(%dma_wait3A_76 : memref<40x128xi32, #tpu.memory_space<hbm>>) dst(%arg10 : memref<40x128xi32, #tpu.memory_space<vmem>>)
          tpu.yield
        }) : () -> ()
        "tpu.region"() ({
          %run_scoped3A = tpu.sem_alloc : memref<!tpu.dma_semaphore, #tpu.memory_space<semaphore_mem>>
          %dma_start3A = arith.constant 0 : i32
          %dma_start3A_71 = tpu.memref_slice %arg5[%multiple_of3A, %dma_start3A] : memref<5120x128xi32, #tpu.memory_space<hbm>> -> memref<40x128xi32, #tpu.memory_space<hbm>>
          %dma_start3A_72 = arith.constant 0 : i32
          %dma_start3A_73 = tpu.memref_slice %arg5[%multiple_of3A, %dma_start3A_72] : memref<5120x128xi32, #tpu.memory_space<hbm>> -> memref<40x128xi32, #tpu.memory_space<hbm>>
          tpu.enqueue_dma source(%dma_start3A_73 : memref<40x128xi32, #tpu.memory_space<hbm>>) target(%arg11 : memref<40x128xi32, #tpu.memory_space<vmem>>) target_semaphore(%run_scoped3A : memref<!tpu.dma_semaphore, #tpu.memory_space<semaphore_mem>>)
          %dma_wait3A = arith.constant 0 : i32
          %dma_wait3A_74 = tpu.memref_slice %arg5[%multiple_of3A, %dma_wait3A] : memref<5120x128xi32, #tpu.memory_space<hbm>> -> memref<40x128xi32, #tpu.memory_space<hbm>>
          %dma_wait3A_75 = arith.constant 0 : i32
          %dma_wait3A_76 = tpu.memref_slice %arg5[%multiple_of3A, %dma_wait3A_75] : memref<5120x128xi32, #tpu.memory_space<hbm>> -> memref<40x128xi32, #tpu.memory_space<hbm>>
          tpu.wait_dma2 semaphore(%run_scoped3A : memref<!tpu.dma_semaphore, #tpu.memory_space<semaphore_mem>>) src(%dma_wait3A_76 : memref<40x128xi32, #tpu.memory_space<hbm>>) dst(%arg11 : memref<40x128xi32, #tpu.memory_space<vmem>>)
          tpu.yield
        }) : () -> ()
        %scan3A = arith.constant 0 : i32
        %scan3A_66 = arith.constant 0 : i32
        %scan3A_67 = arith.constant 20 : i32
        %scan3A_68 = arith.addi %scan3A_66, %scan3A_67 : i32
        %scan3A_69 = arith.constant 1 : i32
        scf.for %scan3A_71 = %scan3A_66 to %scan3A_68 step %scan3A_69  : i32 {
          %mul3A_72 = arith.constant 2 : i32
          %mul3A_73 = arith.muli %mul3A_72, %scan3A_71 : i32
          %mul3A_74 = arith.constant 2 : i32
          %mul3A_75 = arith.muli %mul3A_74, %scan3A_71 : i32
          %add3A_76 = arith.constant 1 : i32
          %add3A_77 = arith.addi %mul3A_75, %add3A_76 : i32
          %gt3A_78 = arith.constant 0 : i32
          %gt3A_79 = arith.cmpi sgt, %scan3A_71, %gt3A_78 : i32
          %convert_element_type3A_80 = arith.extui %gt3A_79 : i1 to i32
          %cond3A_81 = arith.constant 0 : i32
          %cond3A_82 = arith.cmpi ne, %convert_element_type3A_80, %cond3A_81 : i32
          scf.if %cond3A_82 {
            %dma_wait3A_117 = arith.constant 0 : i32
            %dma_wait3A_118 = arith.constant 0 : i32
            %dma_wait3A_119 = tpu.memref_slice %arg3[%dma_wait3A_117, %dma_wait3A_118] : memref<10000x128xf32, #tpu.memory_space<hbm>> -> memref<128x128xf32, #tpu.memory_space<hbm>>
            %dma_wait3A_120 = arith.constant 0 : i32
            %dma_wait3A_121 = arith.constant 0 : i32
            %dma_wait3A_122 = tpu.memref_slice %arg3[%dma_wait3A_120, %dma_wait3A_121] : memref<10000x128xf32, #tpu.memory_space<hbm>> -> memref<128x128xf32, #tpu.memory_space<hbm>>
            tpu.wait_dma2 semaphore(%arg18 : memref<!tpu.dma_semaphore, #tpu.memory_space<semaphore_mem>>) src(%dma_wait3A_122 : memref<128x128xf32, #tpu.memory_space<hbm>>) dst(%arg12 : memref<128x128xf32, #tpu.memory_space<vmem>>)
            %dma_wait3A_123 = arith.constant 0 : i32
            %dma_wait3A_124 = arith.constant 0 : i32
            %dma_wait3A_125 = tpu.memref_slice %arg3[%dma_wait3A_123, %dma_wait3A_124] : memref<10000x128xf32, #tpu.memory_space<hbm>> -> memref<128x128xf32, #tpu.memory_space<hbm>>
            %dma_wait3A_126 = arith.constant 0 : i32
            %dma_wait3A_127 = arith.constant 0 : i32
            %dma_wait3A_128 = tpu.memref_slice %arg3[%dma_wait3A_126, %dma_wait3A_127] : memref<10000x128xf32, #tpu.memory_space<hbm>> -> memref<128x128xf32, #tpu.memory_space<hbm>>
            tpu.wait_dma2 semaphore(%arg19 : memref<!tpu.dma_semaphore, #tpu.memory_space<semaphore_mem>>) src(%dma_wait3A_128 : memref<128x128xf32, #tpu.memory_space<hbm>>) dst(%arg13 : memref<128x128xf32, #tpu.memory_space<vmem>>)
          } else {
          }
          %dma_start3A = arith.constant 0 : i32
          %dma_start3A_83 = tpu.memref_slice %arg10[%mul3A_73, %dma_start3A] : memref<40x128xi32, #tpu.memory_space<vmem>> -> memref<1x128xi32, #tpu.memory_space<vmem>>
          %dma_start3A_84 = tpu.memref_squeeze %dma_start3A_83 : memref<1x128xi32, #tpu.memory_space<vmem>> -> memref<128xi32, #tpu.memory_space<vmem>>
          %dma_start3A_85 = arith.constant 0 : i32
          %dma_start3A_86 = arith.constant 0 : i32
          %dma_start3A_87 = tpu.memref_slice %arg3[%dma_start3A_85, %dma_start3A_86] : memref<10000x128xf32, #tpu.memory_space<hbm>> -> memref<10000x128xf32, #tpu.memory_space<hbm>>
          tpu.enqueue_indirect_dma source(%dma_start3A_87 : memref<10000x128xf32, #tpu.memory_space<hbm>>) target(%arg12 : memref<128x128xf32, #tpu.memory_space<vmem>>) offsets(%dma_start3A_84 : memref<128xi32, #tpu.memory_space<vmem>>) semaphore(%arg16 : memref<!tpu.dma_semaphore, #tpu.memory_space<semaphore_mem>>)
          %dma_start3A_88 = arith.constant 0 : i32
          %dma_start3A_89 = tpu.memref_slice %arg10[%add3A_77, %dma_start3A_88] : memref<40x128xi32, #tpu.memory_space<vmem>> -> memref<1x128xi32, #tpu.memory_space<vmem>>
          %dma_start3A_90 = tpu.memref_squeeze %dma_start3A_89 : memref<1x128xi32, #tpu.memory_space<vmem>> -> memref<128xi32, #tpu.memory_space<vmem>>
          %dma_start3A_91 = arith.constant 0 : i32
          %dma_start3A_92 = arith.constant 0 : i32
          %dma_start3A_93 = tpu.memref_slice %arg3[%dma_start3A_91, %dma_start3A_92] : memref<10000x128xf32, #tpu.memory_space<hbm>> -> memref<10000x128xf32, #tpu.memory_space<hbm>>
          tpu.enqueue_indirect_dma source(%dma_start3A_93 : memref<10000x128xf32, #tpu.memory_space<hbm>>) target(%arg13 : memref<128x128xf32, #tpu.memory_space<vmem>>) offsets(%dma_start3A_90 : memref<128xi32, #tpu.memory_space<vmem>>) semaphore(%arg17 : memref<!tpu.dma_semaphore, #tpu.memory_space<semaphore_mem>>)
          %dma_wait3A = arith.constant 0 : i32
          %dma_wait3A_94 = tpu.memref_slice %arg10[%mul3A_73, %dma_wait3A] : memref<40x128xi32, #tpu.memory_space<vmem>> -> memref<1x128xi32, #tpu.memory_space<vmem>>
          %dma_wait3A_95 = tpu.memref_squeeze %dma_wait3A_94 : memref<1x128xi32, #tpu.memory_space<vmem>> -> memref<128xi32, #tpu.memory_space<vmem>>
          %dma_wait3A_96 = arith.constant 0 : i32
          %dma_wait3A_97 = arith.constant 0 : i32
          %dma_wait3A_98 = tpu.memref_slice %arg3[%dma_wait3A_96, %dma_wait3A_97] : memref<10000x128xf32, #tpu.memory_space<hbm>> -> memref<10000x128xf32, #tpu.memory_space<hbm>>
          tpu.wait_indirect_dma semaphore(%arg16 : memref<!tpu.dma_semaphore, #tpu.memory_space<semaphore_mem>>) src(%dma_wait3A_98 : memref<10000x128xf32, #tpu.memory_space<hbm>>) dst(%arg12 : memref<128x128xf32, #tpu.memory_space<vmem>>)
          %dma_start3A_99 = arith.constant 0 : i32
          %dma_start3A_100 = tpu.memref_slice %arg11[%mul3A_73, %dma_start3A_99] : memref<40x128xi32, #tpu.memory_space<vmem>> -> memref<1x128xi32, #tpu.memory_space<vmem>>
          %dma_start3A_101 = tpu.memref_squeeze %dma_start3A_100 : memref<1x128xi32, #tpu.memory_space<vmem>> -> memref<128xi32, #tpu.memory_space<vmem>>
          %dma_start3A_102 = arith.constant 0 : i32
          %dma_start3A_103 = arith.constant 0 : i32
          %dma_start3A_104 = tpu.memref_slice %arg15[%dma_start3A_102, %dma_start3A_103] : memref<10112x128xf32, #tpu.memory_space<vmem_shared>> -> memref<10112x128xf32, #tpu.memory_space<vmem_shared>>
          tpu.enqueue_indirect_dma source(%arg12 : memref<128x128xf32, #tpu.memory_space<vmem>>) target(%dma_start3A_104 : memref<10112x128xf32, #tpu.memory_space<vmem_shared>>) offsets(%dma_start3A_101 : memref<128xi32, #tpu.memory_space<vmem>>) semaphore(%arg18 : memref<!tpu.dma_semaphore, #tpu.memory_space<semaphore_mem>>) {add = true}
          %dma_wait3A_105 = arith.constant 0 : i32
          %dma_wait3A_106 = tpu.memref_slice %arg10[%add3A_77, %dma_wait3A_105] : memref<40x128xi32, #tpu.memory_space<vmem>> -> memref<1x128xi32, #tpu.memory_space<vmem>>
          %dma_wait3A_107 = tpu.memref_squeeze %dma_wait3A_106 : memref<1x128xi32, #tpu.memory_space<vmem>> -> memref<128xi32, #tpu.memory_space<vmem>>
          %dma_wait3A_108 = arith.constant 0 : i32
          %dma_wait3A_109 = arith.constant 0 : i32
          %dma_wait3A_110 = tpu.memref_slice %arg3[%dma_wait3A_108, %dma_wait3A_109] : memref<10000x128xf32, #tpu.memory_space<hbm>> -> memref<10000x128xf32, #tpu.memory_space<hbm>>
          tpu.wait_indirect_dma semaphore(%arg17 : memref<!tpu.dma_semaphore, #tpu.memory_space<semaphore_mem>>) src(%dma_wait3A_110 : memref<10000x128xf32, #tpu.memory_space<hbm>>) dst(%arg13 : memref<128x128xf32, #tpu.memory_space<vmem>>)
          %dma_start3A_111 = arith.constant 0 : i32
          %dma_start3A_112 = tpu.memref_slice %arg11[%add3A_77, %dma_start3A_111] : memref<40x128xi32, #tpu.memory_space<vmem>> -> memref<1x128xi32, #tpu.memory_space<vmem>>
          %dma_start3A_113 = tpu.memref_squeeze %dma_start3A_112 : memref<1x128xi32, #tpu.memory_space<vmem>> -> memref<128xi32, #tpu.memory_space<vmem>>
          %dma_start3A_114 = arith.constant 0 : i32
          %dma_start3A_115 = arith.constant 0 : i32
          %dma_start3A_116 = tpu.memref_slice %arg15[%dma_start3A_114, %dma_start3A_115] : memref<10112x128xf32, #tpu.memory_space<vmem_shared>> -> memref<10112x128xf32, #tpu.memory_space<vmem_shared>>
          tpu.enqueue_indirect_dma source(%arg13 : memref<128x128xf32, #tpu.memory_space<vmem>>) target(%dma_start3A_116 : memref<10112x128xf32, #tpu.memory_space<vmem_shared>>) offsets(%dma_start3A_113 : memref<128xi32, #tpu.memory_space<vmem>>) semaphore(%arg19 : memref<!tpu.dma_semaphore, #tpu.memory_space<semaphore_mem>>) {add = true}
        }
        %scan3A_70 = arith.constant 20 : i32
      }
      %while3A_52 = arith.constant 1 : i32
      scf.for %while3A_57 = %while3A_50 to %while3A_46 step %while3A_52  : i32 {
        %gt3A_58 = arith.constant 0 : i32
        %gt3A_59 = arith.cmpi sgt, %while3A_57, %gt3A_58 : i32
        %convert_element_type3A_60 = arith.extui %gt3A_59 : i1 to i32
        %cond3A_61 = arith.constant 0 : i32
        %cond3A_62 = arith.cmpi ne, %convert_element_type3A_60, %cond3A_61 : i32
        scf.if %cond3A_62 {
          %dma_wait3A = arith.constant 0 : i32
          %dma_wait3A_71 = arith.constant 0 : i32
          %dma_wait3A_72 = tpu.memref_slice %arg3[%dma_wait3A, %dma_wait3A_71] : memref<10000x128xf32, #tpu.memory_space<hbm>> -> memref<128x128xf32, #tpu.memory_space<hbm>>
          %dma_wait3A_73 = arith.constant 0 : i32
          %dma_wait3A_74 = arith.constant 0 : i32
          %dma_wait3A_75 = tpu.memref_slice %arg3[%dma_wait3A_73, %dma_wait3A_74] : memref<10000x128xf32, #tpu.memory_space<hbm>> -> memref<128x128xf32, #tpu.memory_space<hbm>>
          tpu.wait_dma2 semaphore(%arg18 : memref<!tpu.dma_semaphore, #tpu.memory_space<semaphore_mem>>) src(%dma_wait3A_75 : memref<128x128xf32, #tpu.memory_space<hbm>>) dst(%arg12 : memref<128x128xf32, #tpu.memory_space<vmem>>)
          %dma_wait3A_76 = arith.constant 0 : i32
          %dma_wait3A_77 = arith.constant 0 : i32
          %dma_wait3A_78 = tpu.memref_slice %arg3[%dma_wait3A_76, %dma_wait3A_77] : memref<10000x128xf32, #tpu.memory_space<hbm>> -> memref<128x128xf32, #tpu.memory_space<hbm>>
          %dma_wait3A_79 = arith.constant 0 : i32
          %dma_wait3A_80 = arith.constant 0 : i32
          %dma_wait3A_81 = tpu.memref_slice %arg3[%dma_wait3A_79, %dma_wait3A_80] : memref<10000x128xf32, #tpu.memory_space<hbm>> -> memref<128x128xf32, #tpu.memory_space<hbm>>
          tpu.wait_dma2 semaphore(%arg19 : memref<!tpu.dma_semaphore, #tpu.memory_space<semaphore_mem>>) src(%dma_wait3A_81 : memref<128x128xf32, #tpu.memory_space<hbm>>) dst(%arg13 : memref<128x128xf32, #tpu.memory_space<vmem>>)
        } else {
        }
        %mul3A_63 = arith.constant 40 : i32
        %mul3A_64 = arith.muli %while3A_57, %mul3A_63 : i32
        %add3A_65 = arith.addi %select_n3A_24, %mul3A_64 : i32
        %multiple_of3A = tpu.assume_multiple %add3A_65, 8 : i32
        "tpu.region"() ({
          %run_scoped3A = tpu.sem_alloc : memref<!tpu.dma_semaphore, #tpu.memory_space<semaphore_mem>>
          %dma_start3A = arith.constant 0 : i32
          %dma_start3A_71 = tpu.memref_slice %arg4[%multiple_of3A, %dma_start3A] : memref<5120x128xi32, #tpu.memory_space<hbm>> -> memref<40x128xi32, #tpu.memory_space<hbm>>
          %dma_start3A_72 = arith.constant 0 : i32
          %dma_start3A_73 = tpu.memref_slice %arg4[%multiple_of3A, %dma_start3A_72] : memref<5120x128xi32, #tpu.memory_space<hbm>> -> memref<40x128xi32, #tpu.memory_space<hbm>>
          tpu.enqueue_dma source(%dma_start3A_73 : memref<40x128xi32, #tpu.memory_space<hbm>>) target(%arg10 : memref<40x128xi32, #tpu.memory_space<vmem>>) target_semaphore(%run_scoped3A : memref<!tpu.dma_semaphore, #tpu.memory_space<semaphore_mem>>)
          %dma_wait3A = arith.constant 0 : i32
          %dma_wait3A_74 = tpu.memref_slice %arg4[%multiple_of3A, %dma_wait3A] : memref<5120x128xi32, #tpu.memory_space<hbm>> -> memref<40x128xi32, #tpu.memory_space<hbm>>
          %dma_wait3A_75 = arith.constant 0 : i32
          %dma_wait3A_76 = tpu.memref_slice %arg4[%multiple_of3A, %dma_wait3A_75] : memref<5120x128xi32, #tpu.memory_space<hbm>> -> memref<40x128xi32, #tpu.memory_space<hbm>>
          tpu.wait_dma2 semaphore(%run_scoped3A : memref<!tpu.dma_semaphore, #tpu.memory_space<semaphore_mem>>) src(%dma_wait3A_76 : memref<40x128xi32, #tpu.memory_space<hbm>>) dst(%arg10 : memref<40x128xi32, #tpu.memory_space<vmem>>)
          tpu.yield
        }) : () -> ()
        "tpu.region"() ({
          %run_scoped3A = tpu.sem_alloc : memref<!tpu.dma_semaphore, #tpu.memory_space<semaphore_mem>>
          %dma_start3A = arith.constant 0 : i32
          %dma_start3A_71 = tpu.memref_slice %arg5[%multiple_of3A, %dma_start3A] : memref<5120x128xi32, #tpu.memory_space<hbm>> -> memref<40x128xi32, #tpu.memory_space<hbm>>
          %dma_start3A_72 = arith.constant 0 : i32
          %dma_start3A_73 = tpu.memref_slice %arg5[%multiple_of3A, %dma_start3A_72] : memref<5120x128xi32, #tpu.memory_space<hbm>> -> memref<40x128xi32, #tpu.memory_space<hbm>>
          tpu.enqueue_dma source(%dma_start3A_73 : memref<40x128xi32, #tpu.memory_space<hbm>>) target(%arg11 : memref<40x128xi32, #tpu.memory_space<vmem>>) target_semaphore(%run_scoped3A : memref<!tpu.dma_semaphore, #tpu.memory_space<semaphore_mem>>)
          %dma_wait3A = arith.constant 0 : i32
          %dma_wait3A_74 = tpu.memref_slice %arg5[%multiple_of3A, %dma_wait3A] : memref<5120x128xi32, #tpu.memory_space<hbm>> -> memref<40x128xi32, #tpu.memory_space<hbm>>
          %dma_wait3A_75 = arith.constant 0 : i32
          %dma_wait3A_76 = tpu.memref_slice %arg5[%multiple_of3A, %dma_wait3A_75] : memref<5120x128xi32, #tpu.memory_space<hbm>> -> memref<40x128xi32, #tpu.memory_space<hbm>>
          tpu.wait_dma2 semaphore(%run_scoped3A : memref<!tpu.dma_semaphore, #tpu.memory_space<semaphore_mem>>) src(%dma_wait3A_76 : memref<40x128xi32, #tpu.memory_space<hbm>>) dst(%arg11 : memref<40x128xi32, #tpu.memory_space<vmem>>)
          tpu.yield
        }) : () -> ()
        %scan3A = arith.constant 0 : i32
        %scan3A_66 = arith.constant 0 : i32
        %scan3A_67 = arith.constant 20 : i32
        %scan3A_68 = arith.addi %scan3A_66, %scan3A_67 : i32
        %scan3A_69 = arith.constant 1 : i32
        scf.for %scan3A_71 = %scan3A_66 to %scan3A_68 step %scan3A_69  : i32 {
          %mul3A_72 = arith.constant 2 : i32
          %mul3A_73 = arith.muli %mul3A_72, %scan3A_71 : i32
          %mul3A_74 = arith.constant 2 : i32
          %mul3A_75 = arith.muli %mul3A_74, %scan3A_71 : i32
          %add3A_76 = arith.constant 1 : i32
          %add3A_77 = arith.addi %mul3A_75, %add3A_76 : i32
          %gt3A_78 = arith.constant 0 : i32
          %gt3A_79 = arith.cmpi sgt, %scan3A_71, %gt3A_78 : i32
          %convert_element_type3A_80 = arith.extui %gt3A_79 : i1 to i32
          %cond3A_81 = arith.constant 0 : i32
          %cond3A_82 = arith.cmpi ne, %convert_element_type3A_80, %cond3A_81 : i32
          scf.if %cond3A_82 {
            %dma_wait3A_117 = arith.constant 0 : i32
            %dma_wait3A_118 = arith.constant 0 : i32
            %dma_wait3A_119 = tpu.memref_slice %arg3[%dma_wait3A_117, %dma_wait3A_118] : memref<10000x128xf32, #tpu.memory_space<hbm>> -> memref<128x128xf32, #tpu.memory_space<hbm>>
            %dma_wait3A_120 = arith.constant 0 : i32
            %dma_wait3A_121 = arith.constant 0 : i32
            %dma_wait3A_122 = tpu.memref_slice %arg3[%dma_wait3A_120, %dma_wait3A_121] : memref<10000x128xf32, #tpu.memory_space<hbm>> -> memref<128x128xf32, #tpu.memory_space<hbm>>
            tpu.wait_dma2 semaphore(%arg18 : memref<!tpu.dma_semaphore, #tpu.memory_space<semaphore_mem>>) src(%dma_wait3A_122 : memref<128x128xf32, #tpu.memory_space<hbm>>) dst(%arg12 : memref<128x128xf32, #tpu.memory_space<vmem>>)
            %dma_wait3A_123 = arith.constant 0 : i32
            %dma_wait3A_124 = arith.constant 0 : i32
            %dma_wait3A_125 = tpu.memref_slice %arg3[%dma_wait3A_123, %dma_wait3A_124] : memref<10000x128xf32, #tpu.memory_space<hbm>> -> memref<128x128xf32, #tpu.memory_space<hbm>>
            %dma_wait3A_126 = arith.constant 0 : i32
            %dma_wait3A_127 = arith.constant 0 : i32
            %dma_wait3A_128 = tpu.memref_slice %arg3[%dma_wait3A_126, %dma_wait3A_127] : memref<10000x128xf32, #tpu.memory_space<hbm>> -> memref<128x128xf32, #tpu.memory_space<hbm>>
            tpu.wait_dma2 semaphore(%arg19 : memref<!tpu.dma_semaphore, #tpu.memory_space<semaphore_mem>>) src(%dma_wait3A_128 : memref<128x128xf32, #tpu.memory_space<hbm>>) dst(%arg13 : memref<128x128xf32, #tpu.memory_space<vmem>>)
          } else {
          }
          %dma_start3A = arith.constant 0 : i32
          %dma_start3A_83 = tpu.memref_slice %arg10[%mul3A_73, %dma_start3A] : memref<40x128xi32, #tpu.memory_space<vmem>> -> memref<1x128xi32, #tpu.memory_space<vmem>>
          %dma_start3A_84 = tpu.memref_squeeze %dma_start3A_83 : memref<1x128xi32, #tpu.memory_space<vmem>> -> memref<128xi32, #tpu.memory_space<vmem>>
          %dma_start3A_85 = arith.constant 0 : i32
          %dma_start3A_86 = arith.constant 0 : i32
          %dma_start3A_87 = tpu.memref_slice %arg3[%dma_start3A_85, %dma_start3A_86] : memref<10000x128xf32, #tpu.memory_space<hbm>> -> memref<10000x128xf32, #tpu.memory_space<hbm>>
          tpu.enqueue_indirect_dma source(%dma_start3A_87 : memref<10000x128xf32, #tpu.memory_space<hbm>>) target(%arg12 : memref<128x128xf32, #tpu.memory_space<vmem>>) offsets(%dma_start3A_84 : memref<128xi32, #tpu.memory_space<vmem>>) semaphore(%arg16 : memref<!tpu.dma_semaphore, #tpu.memory_space<semaphore_mem>>)
          %dma_start3A_88 = arith.constant 0 : i32
          %dma_start3A_89 = tpu.memref_slice %arg10[%add3A_77, %dma_start3A_88] : memref<40x128xi32, #tpu.memory_space<vmem>> -> memref<1x128xi32, #tpu.memory_space<vmem>>
          %dma_start3A_90 = tpu.memref_squeeze %dma_start3A_89 : memref<1x128xi32, #tpu.memory_space<vmem>> -> memref<128xi32, #tpu.memory_space<vmem>>
          %dma_start3A_91 = arith.constant 0 : i32
          %dma_start3A_92 = arith.constant 0 : i32
          %dma_start3A_93 = tpu.memref_slice %arg3[%dma_start3A_91, %dma_start3A_92] : memref<10000x128xf32, #tpu.memory_space<hbm>> -> memref<10000x128xf32, #tpu.memory_space<hbm>>
          tpu.enqueue_indirect_dma source(%dma_start3A_93 : memref<10000x128xf32, #tpu.memory_space<hbm>>) target(%arg13 : memref<128x128xf32, #tpu.memory_space<vmem>>) offsets(%dma_start3A_90 : memref<128xi32, #tpu.memory_space<vmem>>) semaphore(%arg17 : memref<!tpu.dma_semaphore, #tpu.memory_space<semaphore_mem>>)
          %dma_wait3A = arith.constant 0 : i32
          %dma_wait3A_94 = tpu.memref_slice %arg10[%mul3A_73, %dma_wait3A] : memref<40x128xi32, #tpu.memory_space<vmem>> -> memref<1x128xi32, #tpu.memory_space<vmem>>
          %dma_wait3A_95 = tpu.memref_squeeze %dma_wait3A_94 : memref<1x128xi32, #tpu.memory_space<vmem>> -> memref<128xi32, #tpu.memory_space<vmem>>
          %dma_wait3A_96 = arith.constant 0 : i32
          %dma_wait3A_97 = arith.constant 0 : i32
          %dma_wait3A_98 = tpu.memref_slice %arg3[%dma_wait3A_96, %dma_wait3A_97] : memref<10000x128xf32, #tpu.memory_space<hbm>> -> memref<10000x128xf32, #tpu.memory_space<hbm>>
          tpu.wait_indirect_dma semaphore(%arg16 : memref<!tpu.dma_semaphore, #tpu.memory_space<semaphore_mem>>) src(%dma_wait3A_98 : memref<10000x128xf32, #tpu.memory_space<hbm>>) dst(%arg12 : memref<128x128xf32, #tpu.memory_space<vmem>>)
          %dma_start3A_99 = arith.constant 0 : i32
          %dma_start3A_100 = tpu.memref_slice %arg11[%mul3A_73, %dma_start3A_99] : memref<40x128xi32, #tpu.memory_space<vmem>> -> memref<1x128xi32, #tpu.memory_space<vmem>>
          %dma_start3A_101 = tpu.memref_squeeze %dma_start3A_100 : memref<1x128xi32, #tpu.memory_space<vmem>> -> memref<128xi32, #tpu.memory_space<vmem>>
          %dma_start3A_102 = arith.constant 0 : i32
          %dma_start3A_103 = arith.constant 0 : i32
          %dma_start3A_104 = tpu.memref_slice %arg15[%dma_start3A_102, %dma_start3A_103] : memref<10112x128xf32, #tpu.memory_space<vmem_shared>> -> memref<10112x128xf32, #tpu.memory_space<vmem_shared>>
          tpu.enqueue_indirect_dma source(%arg12 : memref<128x128xf32, #tpu.memory_space<vmem>>) target(%dma_start3A_104 : memref<10112x128xf32, #tpu.memory_space<vmem_shared>>) offsets(%dma_start3A_101 : memref<128xi32, #tpu.memory_space<vmem>>) semaphore(%arg18 : memref<!tpu.dma_semaphore, #tpu.memory_space<semaphore_mem>>) {add = true}
          %dma_wait3A_105 = arith.constant 0 : i32
          %dma_wait3A_106 = tpu.memref_slice %arg10[%add3A_77, %dma_wait3A_105] : memref<40x128xi32, #tpu.memory_space<vmem>> -> memref<1x128xi32, #tpu.memory_space<vmem>>
          %dma_wait3A_107 = tpu.memref_squeeze %dma_wait3A_106 : memref<1x128xi32, #tpu.memory_space<vmem>> -> memref<128xi32, #tpu.memory_space<vmem>>
          %dma_wait3A_108 = arith.constant 0 : i32
          %dma_wait3A_109 = arith.constant 0 : i32
          %dma_wait3A_110 = tpu.memref_slice %arg3[%dma_wait3A_108, %dma_wait3A_109] : memref<10000x128xf32, #tpu.memory_space<hbm>> -> memref<10000x128xf32, #tpu.memory_space<hbm>>
          tpu.wait_indirect_dma semaphore(%arg17 : memref<!tpu.dma_semaphore, #tpu.memory_space<semaphore_mem>>) src(%dma_wait3A_110 : memref<10000x128xf32, #tpu.memory_space<hbm>>) dst(%arg13 : memref<128x128xf32, #tpu.memory_space<vmem>>)
          %dma_start3A_111 = arith.constant 0 : i32
          %dma_start3A_112 = tpu.memref_slice %arg11[%add3A_77, %dma_start3A_111] : memref<40x128xi32, #tpu.memory_space<vmem>> -> memref<1x128xi32, #tpu.memory_space<vmem>>
          %dma_start3A_113 = tpu.memref_squeeze %dma_start3A_112 : memref<1x128xi32, #tpu.memory_space<vmem>> -> memref<128xi32, #tpu.memory_space<vmem>>
          %dma_start3A_114 = arith.constant 0 : i32
          %dma_start3A_115 = arith.constant 0 : i32
          %dma_start3A_116 = tpu.memref_slice %arg15[%dma_start3A_114, %dma_start3A_115] : memref<10112x128xf32, #tpu.memory_space<vmem_shared>> -> memref<10112x128xf32, #tpu.memory_space<vmem_shared>>
          tpu.enqueue_indirect_dma source(%arg13 : memref<128x128xf32, #tpu.memory_space<vmem>>) target(%dma_start3A_116 : memref<10112x128xf32, #tpu.memory_space<vmem_shared>>) offsets(%dma_start3A_113 : memref<128xi32, #tpu.memory_space<vmem>>) semaphore(%arg19 : memref<!tpu.dma_semaphore, #tpu.memory_space<semaphore_mem>>) {add = true}
        }
        %scan3A_70 = arith.constant 20 : i32
      }
      %gt3A = arith.constant 0 : i32
      %gt3A_53 = arith.cmpi sgt, %select_n3A, %gt3A : i32
      %convert_element_type3A_54 = arith.extui %gt3A_53 : i1 to i32
      %cond3A_55 = arith.constant 0 : i32
      %cond3A_56 = arith.cmpi ne, %convert_element_type3A_54, %cond3A_55 : i32
      scf.if %cond3A_56 {
        %dma_wait3A = arith.constant 0 : i32
        %dma_wait3A_57 = arith.constant 0 : i32
        %dma_wait3A_58 = tpu.memref_slice %arg3[%dma_wait3A, %dma_wait3A_57] : memref<10000x128xf32, #tpu.memory_space<hbm>> -> memref<128x128xf32, #tpu.memory_space<hbm>>
        %dma_wait3A_59 = arith.constant 0 : i32
        %dma_wait3A_60 = arith.constant 0 : i32
        %dma_wait3A_61 = tpu.memref_slice %arg3[%dma_wait3A_59, %dma_wait3A_60] : memref<10000x128xf32, #tpu.memory_space<hbm>> -> memref<128x128xf32, #tpu.memory_space<hbm>>
        tpu.wait_dma2 semaphore(%arg18 : memref<!tpu.dma_semaphore, #tpu.memory_space<semaphore_mem>>) src(%dma_wait3A_61 : memref<128x128xf32, #tpu.memory_space<hbm>>) dst(%arg12 : memref<128x128xf32, #tpu.memory_space<vmem>>)
        %dma_wait3A_62 = arith.constant 0 : i32
        %dma_wait3A_63 = arith.constant 0 : i32
        %dma_wait3A_64 = tpu.memref_slice %arg3[%dma_wait3A_62, %dma_wait3A_63] : memref<10000x128xf32, #tpu.memory_space<hbm>> -> memref<128x128xf32, #tpu.memory_space<hbm>>
        %dma_wait3A_65 = arith.constant 0 : i32
        %dma_wait3A_66 = arith.constant 0 : i32
        %dma_wait3A_67 = tpu.memref_slice %arg3[%dma_wait3A_65, %dma_wait3A_66] : memref<10000x128xf32, #tpu.memory_space<hbm>> -> memref<128x128xf32, #tpu.memory_space<hbm>>
        tpu.wait_dma2 semaphore(%arg19 : memref<!tpu.dma_semaphore, #tpu.memory_space<semaphore_mem>>) src(%dma_wait3A_67 : memref<128x128xf32, #tpu.memory_space<hbm>>) dst(%arg13 : memref<128x128xf32, #tpu.memory_space<vmem>>)
      } else {
      }
    } else {
    }
    %barrier3A_33 = arith.constant 0 : index
    tpu.barrier barrier_id(%barrier3A_33)
    %eq3A_34 = arith.constant 0 : i32
    %eq3A_35 = arith.cmpi eq, %arg0, %eq3A_34 : i32
    %convert_element_type3A_36 = arith.extui %eq3A_35 : i1 to i32
    %cond3A_37 = arith.constant 0 : i32
    %cond3A_38 = arith.cmpi ne, %convert_element_type3A_36, %cond3A_37 : i32
    scf.if %cond3A_38 {
      %lt3A = arith.constant 15 : i32
      %lt3A_44 = arith.cmpi slt, %arg1, %lt3A : i32
      %convert_element_type3A_45 = arith.extui %lt3A_44 : i1 to i32
      %cond3A_46 = arith.constant 0 : i32
      %cond3A_47 = arith.cmpi ne, %convert_element_type3A_45, %cond3A_46 : i32
      scf.if %cond3A_47 {
        %mul3A_53 = arith.constant 640 : i32
        %mul3A_54 = arith.muli %arg1, %mul3A_53 : i32
        %mul3A_55 = arith.constant 640 : i32
        %mul3A_56 = arith.muli %arg1, %mul3A_55 : i32
        "tpu.region"() ({
          %run_scoped3A = tpu.sem_alloc : memref<!tpu.dma_semaphore, #tpu.memory_space<semaphore_mem>>
          %dma_start3A = arith.constant 0 : i32
          %dma_start3A_57 = tpu.memref_slice %arg8[%mul3A_56, %dma_start3A] : memref<10000x128xf32, #tpu.memory_space<hbm>> -> memref<640x128xf32, #tpu.memory_space<hbm>>
          %dma_start3A_58 = arith.constant 0 : i32
          %dma_start3A_59 = tpu.memref_slice %arg15[%mul3A_54, %dma_start3A_58] : memref<10112x128xf32, #tpu.memory_space<vmem_shared>> -> memref<640x128xf32, #tpu.memory_space<vmem_shared>>
          tpu.enqueue_dma source(%dma_start3A_59 : memref<640x128xf32, #tpu.memory_space<vmem_shared>>) target(%dma_start3A_57 : memref<640x128xf32, #tpu.memory_space<hbm>>) target_semaphore(%run_scoped3A : memref<!tpu.dma_semaphore, #tpu.memory_space<semaphore_mem>>)
          %dma_wait3A = arith.constant 0 : i32
          %dma_wait3A_60 = tpu.memref_slice %arg8[%mul3A_56, %dma_wait3A] : memref<10000x128xf32, #tpu.memory_space<hbm>> -> memref<640x128xf32, #tpu.memory_space<hbm>>
          %dma_wait3A_61 = arith.constant 0 : i32
          %dma_wait3A_62 = tpu.memref_slice %arg15[%mul3A_54, %dma_wait3A_61] : memref<10112x128xf32, #tpu.memory_space<vmem_shared>> -> memref<640x128xf32, #tpu.memory_space<vmem_shared>>
          tpu.wait_dma2 semaphore(%run_scoped3A : memref<!tpu.dma_semaphore, #tpu.memory_space<semaphore_mem>>) src(%dma_wait3A_62 : memref<640x128xf32, #tpu.memory_space<vmem_shared>>) dst(%dma_wait3A_60 : memref<640x128xf32, #tpu.memory_space<hbm>>)
          tpu.yield
        }) : () -> ()
      } else {
      }
      %eq3A_48 = arith.constant 15 : i32
      %eq3A_49 = arith.cmpi eq, %arg1, %eq3A_48 : i32
      %convert_element_type3A_50 = arith.extui %eq3A_49 : i1 to i32
      %cond3A_51 = arith.constant 0 : i32
      %cond3A_52 = arith.cmpi ne, %convert_element_type3A_50, %cond3A_51 : i32
      scf.if %cond3A_52 {
        "tpu.region"() ({
          %run_scoped3A = tpu.sem_alloc : memref<!tpu.dma_semaphore, #tpu.memory_space<semaphore_mem>>
          %dma_start3A = arith.constant 9600 : i32
          %dma_start3A_53 = arith.constant 0 : i32
          %dma_start3A_54 = tpu.memref_slice %arg8[%dma_start3A, %dma_start3A_53] : memref<10000x128xf32, #tpu.memory_space<hbm>> -> memref<400x128xf32, #tpu.memory_space<hbm>>
          %dma_start3A_55 = arith.constant 9600 : i32
          %dma_start3A_56 = arith.constant 0 : i32
          %dma_start3A_57 = tpu.memref_slice %arg15[%dma_start3A_55, %dma_start3A_56] : memref<10112x128xf32, #tpu.memory_space<vmem_shared>> -> memref<400x128xf32, #tpu.memory_space<vmem_shared>>
          tpu.enqueue_dma source(%dma_start3A_57 : memref<400x128xf32, #tpu.memory_space<vmem_shared>>) target(%dma_start3A_54 : memref<400x128xf32, #tpu.memory_space<hbm>>) target_semaphore(%run_scoped3A : memref<!tpu.dma_semaphore, #tpu.memory_space<semaphore_mem>>)
          %dma_wait3A = arith.constant 9600 : i32
          %dma_wait3A_58 = arith.constant 0 : i32
          %dma_wait3A_59 = tpu.memref_slice %arg8[%dma_wait3A, %dma_wait3A_58] : memref<10000x128xf32, #tpu.memory_space<hbm>> -> memref<400x128xf32, #tpu.memory_space<hbm>>
          %dma_wait3A_60 = arith.constant 9600 : i32
          %dma_wait3A_61 = arith.constant 0 : i32
          %dma_wait3A_62 = tpu.memref_slice %arg15[%dma_wait3A_60, %dma_wait3A_61] : memref<10112x128xf32, #tpu.memory_space<vmem_shared>> -> memref<400x128xf32, #tpu.memory_space<vmem_shared>>
          tpu.wait_dma2 semaphore(%run_scoped3A : memref<!tpu.dma_semaphore, #tpu.memory_space<semaphore_mem>>) src(%dma_wait3A_62 : memref<400x128xf32, #tpu.memory_space<vmem_shared>>) dst(%dma_wait3A_59 : memref<400x128xf32, #tpu.memory_space<hbm>>)
          tpu.yield
        }) : () -> ()
      } else {
      }
    } else {
    }
    %eq3A_39 = arith.constant 1 : i32
    %eq3A_40 = arith.cmpi eq, %arg0, %eq3A_39 : i32
    %convert_element_type3A_41 = arith.extui %eq3A_40 : i1 to i32
    %cond3A_42 = arith.constant 0 : i32
    %cond3A_43 = arith.cmpi ne, %convert_element_type3A_41, %cond3A_42 : i32
    scf.if %cond3A_43 {
      %lt3A = arith.constant 15 : i32
      %lt3A_44 = arith.cmpi slt, %arg1, %lt3A : i32
      %convert_element_type3A_45 = arith.extui %lt3A_44 : i1 to i32
      %cond3A_46 = arith.constant 0 : i32
      %cond3A_47 = arith.cmpi ne, %convert_element_type3A_45, %cond3A_46 : i32
      scf.if %cond3A_47 {
        %mul3A_53 = arith.constant 640 : i32
        %mul3A_54 = arith.muli %arg1, %mul3A_53 : i32
        %mul3A_55 = arith.constant 640 : i32
        %mul3A_56 = arith.muli %arg1, %mul3A_55 : i32
        "tpu.region"() ({
          %run_scoped3A = tpu.sem_alloc : memref<!tpu.dma_semaphore, #tpu.memory_space<semaphore_mem>>
          %dma_start3A = arith.constant 0 : i32
          %dma_start3A_57 = tpu.memref_slice %arg9[%mul3A_56, %dma_start3A] : memref<10000x128xf32, #tpu.memory_space<hbm>> -> memref<640x128xf32, #tpu.memory_space<hbm>>
          %dma_start3A_58 = arith.constant 0 : i32
          %dma_start3A_59 = tpu.memref_slice %arg15[%mul3A_54, %dma_start3A_58] : memref<10112x128xf32, #tpu.memory_space<vmem_shared>> -> memref<640x128xf32, #tpu.memory_space<vmem_shared>>
          tpu.enqueue_dma source(%dma_start3A_59 : memref<640x128xf32, #tpu.memory_space<vmem_shared>>) target(%dma_start3A_57 : memref<640x128xf32, #tpu.memory_space<hbm>>) target_semaphore(%run_scoped3A : memref<!tpu.dma_semaphore, #tpu.memory_space<semaphore_mem>>)
          %dma_wait3A = arith.constant 0 : i32
          %dma_wait3A_60 = tpu.memref_slice %arg9[%mul3A_56, %dma_wait3A] : memref<10000x128xf32, #tpu.memory_space<hbm>> -> memref<640x128xf32, #tpu.memory_space<hbm>>
          %dma_wait3A_61 = arith.constant 0 : i32
          %dma_wait3A_62 = tpu.memref_slice %arg15[%mul3A_54, %dma_wait3A_61] : memref<10112x128xf32, #tpu.memory_space<vmem_shared>> -> memref<640x128xf32, #tpu.memory_space<vmem_shared>>
          tpu.wait_dma2 semaphore(%run_scoped3A : memref<!tpu.dma_semaphore, #tpu.memory_space<semaphore_mem>>) src(%dma_wait3A_62 : memref<640x128xf32, #tpu.memory_space<vmem_shared>>) dst(%dma_wait3A_60 : memref<640x128xf32, #tpu.memory_space<hbm>>)
          tpu.yield
        }) : () -> ()
      } else {
      }
      %eq3A_48 = arith.constant 15 : i32
      %eq3A_49 = arith.cmpi eq, %arg1, %eq3A_48 : i32
      %convert_element_type3A_50 = arith.extui %eq3A_49 : i1 to i32
      %cond3A_51 = arith.constant 0 : i32
      %cond3A_52 = arith.cmpi ne, %convert_element_type3A_50, %cond3A_51 : i32
      scf.if %cond3A_52 {
        "tpu.region"() ({
          %run_scoped3A = tpu.sem_alloc : memref<!tpu.dma_semaphore, #tpu.memory_space<semaphore_mem>>
          %dma_start3A = arith.constant 9600 : i32
          %dma_start3A_53 = arith.constant 0 : i32
          %dma_start3A_54 = tpu.memref_slice %arg9[%dma_start3A, %dma_start3A_53] : memref<10000x128xf32, #tpu.memory_space<hbm>> -> memref<400x128xf32, #tpu.memory_space<hbm>>
          %dma_start3A_55 = arith.constant 9600 : i32
          %dma_start3A_56 = arith.constant 0 : i32
          %dma_start3A_57 = tpu.memref_slice %arg15[%dma_start3A_55, %dma_start3A_56] : memref<10112x128xf32, #tpu.memory_space<vmem_shared>> -> memref<400x128xf32, #tpu.memory_space<vmem_shared>>
          tpu.enqueue_dma source(%dma_start3A_57 : memref<400x128xf32, #tpu.memory_space<vmem_shared>>) target(%dma_start3A_54 : memref<400x128xf32, #tpu.memory_space<hbm>>) target_semaphore(%run_scoped3A : memref<!tpu.dma_semaphore, #tpu.memory_space<semaphore_mem>>)
          %dma_wait3A = arith.constant 9600 : i32
          %dma_wait3A_58 = arith.constant 0 : i32
          %dma_wait3A_59 = tpu.memref_slice %arg9[%dma_wait3A, %dma_wait3A_58] : memref<10000x128xf32, #tpu.memory_space<hbm>> -> memref<400x128xf32, #tpu.memory_space<hbm>>
          %dma_wait3A_60 = arith.constant 9600 : i32
          %dma_wait3A_61 = arith.constant 0 : i32
          %dma_wait3A_62 = tpu.memref_slice %arg15[%dma_wait3A_60, %dma_wait3A_61] : memref<10112x128xf32, #tpu.memory_space<vmem_shared>> -> memref<400x128xf32, #tpu.memory_space<vmem_shared>>
          tpu.wait_dma2 semaphore(%run_scoped3A : memref<!tpu.dma_semaphore, #tpu.memory_space<semaphore_mem>>) src(%dma_wait3A_62 : memref<400x128xf32, #tpu.memory_space<vmem_shared>>) dst(%dma_wait3A_59 : memref<400x128xf32, #tpu.memory_space<hbm>>)
          tpu.yield
        }) : () -> ()
      } else {
      }
    } else {
    }
    return
  }
}

#map = affine_map<(d0, d1) -> (0, 0)>
#map1 = affine_map<(d0, d1) -> (0)>
module attributes {stable_mosaic.version = 14 : i64} {
  func.func @k(%arg0: i32, %arg1: i32, %arg2: memref<10000x128xf32, #tpu.memory_space<hbm>>, %arg3: memref<10000x128xf32, #tpu.memory_space<hbm>>, %arg4: memref<5120x128xi32, #tpu.memory_space<hbm>>, %arg5: memref<5120x128xi32, #tpu.memory_space<hbm>>, %arg6: memref<10112x128xf32, #tpu.memory_space<hbm>>, %arg7: memref<16xi32, #tpu.memory_space<hbm>>, %arg8: memref<10000x128xf32, #tpu.memory_space<hbm>>, %arg9: memref<10000x128xf32, #tpu.memory_space<hbm>>, %arg10: memref<40x128xi32, #tpu.memory_space<vmem>>, %arg11: memref<40x128xi32, #tpu.memory_space<vmem>>, %arg12: memref<128x128xf32, #tpu.memory_space<vmem>>, %arg13: memref<128x128xf32, #tpu.memory_space<vmem>>, %arg14: memref<16xi32, #tpu.memory_space<vmem>>, %arg15: memref<10112x128xf32, #tpu.memory_space<vmem_shared>>, %arg16: memref<!tpu.dma_semaphore, #tpu.memory_space<semaphore_mem>>, %arg17: memref<!tpu.dma_semaphore, #tpu.memory_space<semaphore_mem>>, %arg18: memref<!tpu.dma_semaphore, #tpu.memory_space<semaphore_mem>>, %arg19: memref<!tpu.dma_semaphore, #tpu.memory_space<semaphore_mem>>) attributes {dimension_semantics = [#tpu.dimension_semantics<core_parallel>, #tpu.dimension_semantics<subcore_parallel>], iteration_bounds = array<i64: 2, 16>, scalar_prefetch = 0 : i64, scratch_operands = 10 : i64, tpu.core_type = #tpu.core_type<sc_vector_subcore>, window_params = [{transform_indices = #map}, {transform_indices = #map}, {transform_indices = #map}, {transform_indices = #map}, {transform_indices = #map}, {transform_indices = #map1}, {transform_indices = #map}, {transform_indices = #map}]} {
    %mul3A = arith.constant 632 : i32
    %mul3A_0 = arith.muli %arg1, %mul3A : i32
    %mul3A_1 = arith.constant 632 : i32
    %mul3A_2 = arith.muli %arg1, %mul3A_1 : i32
    "tpu.region"() ({
      %run_scoped3A = tpu.sem_alloc : memref<!tpu.dma_semaphore, #tpu.memory_space<semaphore_mem>>
      %dma_start3A = arith.constant 0 : i32
      %dma_start3A_44 = tpu.memref_slice %arg15[%mul3A_2, %dma_start3A] : memref<10112x128xf32, #tpu.memory_space<vmem_shared>> -> memref<632x128xf32, #tpu.memory_space<vmem_shared>>
      %dma_start3A_45 = arith.constant 0 : i32
      %dma_start3A_46 = tpu.memref_slice %arg6[%mul3A_0, %dma_start3A_45] : memref<10112x128xf32, #tpu.memory_space<hbm>> -> memref<632x128xf32, #tpu.memory_space<hbm>>
      tpu.enqueue_dma source(%dma_start3A_46 : memref<632x128xf32, #tpu.memory_space<hbm>>) target(%dma_start3A_44 : memref<632x128xf32, #tpu.memory_space<vmem_shared>>) target_semaphore(%run_scoped3A : memref<!tpu.dma_semaphore, #tpu.memory_space<semaphore_mem>>)
      %dma_wait3A = arith.constant 0 : i32
      %dma_wait3A_47 = tpu.memref_slice %arg15[%mul3A_2, %dma_wait3A] : memref<10112x128xf32, #tpu.memory_space<vmem_shared>> -> memref<632x128xf32, #tpu.memory_space<vmem_shared>>
      %dma_wait3A_48 = arith.constant 0 : i32
      %dma_wait3A_49 = tpu.memref_slice %arg6[%mul3A_0, %dma_wait3A_48] : memref<10112x128xf32, #tpu.memory_space<hbm>> -> memref<632x128xf32, #tpu.memory_space<hbm>>
      tpu.wait_dma2 semaphore(%run_scoped3A : memref<!tpu.dma_semaphore, #tpu.memory_space<semaphore_mem>>) src(%dma_wait3A_49 : memref<632x128xf32, #tpu.memory_space<hbm>>) dst(%dma_wait3A_47 : memref<632x128xf32, #tpu.memory_space<vmem_shared>>)
      tpu.yield
    }) : () -> ()
    "tpu.region"() ({
      %run_scoped3A = tpu.sem_alloc : memref<!tpu.dma_semaphore, #tpu.memory_space<semaphore_mem>>
      tpu.enqueue_dma source(%arg7 : memref<16xi32, #tpu.memory_space<hbm>>) target(%arg14 : memref<16xi32, #tpu.memory_space<vmem>>) target_semaphore(%run_scoped3A : memref<!tpu.dma_semaphore, #tpu.memory_space<semaphore_mem>>)
      tpu.wait_dma2 semaphore(%run_scoped3A : memref<!tpu.dma_semaphore, #tpu.memory_space<semaphore_mem>>) src(%arg7 : memref<16xi32, #tpu.memory_space<hbm>>) dst(%arg14 : memref<16xi32, #tpu.memory_space<vmem>>)
      tpu.yield
    }) : () -> ()
    %get3A = arith.constant 0 : index
    %get3A_3 = tpu.vector_load %arg14[%get3A] {strides = array<i32>} : memref<16xi32, #tpu.memory_space<vmem>>, vector<16xi32>,
    %get3A_4 = vector.shape_cast %get3A_3 : vector<16xi32> to vector<16xi32>
    %eq3A = arith.constant 0 : i32
    %eq3A_5 = arith.cmpi eq, %arg0, %eq3A : i32
    %slice3A = vector.extract_strided_slice %get3A_4 {offsets = [0], sizes = [1], strides = [1]} : vector<16xi32> to vector<1xi32>
    %squeeze3A = vector.extract %slice3A[0] : i32 from vector<1xi32>
    %slice3A_6 = vector.extract_strided_slice %get3A_4 {offsets = [1], sizes = [1], strides = [1]} : vector<16xi32> to vector<1xi32>
    %squeeze3A_7 = vector.extract %slice3A_6[0] : i32 from vector<1xi32>
    %select_n3A = arith.select %eq3A_5, %squeeze3A, %squeeze3A_7 : i32
    %eq3A_8 = arith.constant 0 : i32
    %eq3A_9 = arith.cmpi eq, %arg0, %eq3A_8 : i32
    %mul3A_10 = arith.constant 40 : i32
    %mul3A_11 = arith.muli %arg1, %mul3A_10 : i32
    %slice3A_12 = vector.extract_strided_slice %get3A_4 {offsets = [0], sizes = [1], strides = [1]} : vector<16xi32> to vector<1xi32>
    %squeeze3A_13 = vector.extract %slice3A_12[0] : i32 from vector<1xi32>
    %mul3A_14 = arith.muli %mul3A_11, %squeeze3A_13 : i32
    %slice3A_15 = vector.extract_strided_slice %get3A_4 {offsets = [0], sizes = [1], strides = [1]} : vector<16xi32> to vector<1xi32>
    %squeeze3A_16 = vector.extract %slice3A_15[0] : i32 from vector<1xi32>
    %mul3A_17 = arith.constant 640 : i32
    %mul3A_18 = arith.muli %mul3A_17, %squeeze3A_16 : i32
    %mul3A_19 = arith.constant 40 : i32
    %mul3A_20 = arith.muli %arg1, %mul3A_19 : i32
    %slice3A_21 = vector.extract_strided_slice %get3A_4 {offsets = [1], sizes = [1], strides = [1]} : vector<16xi32> to vector<1xi32>
    %squeeze3A_22 = vector.extract %slice3A_21[0] : i32 from vector<1xi32>
    %mul3A_23 = arith.muli %mul3A_20, %squeeze3A_22 : i32
    %add3A = arith.addi %mul3A_18, %mul3A_23 : i32
    %select_n3A_24 = arith.select %eq3A_9, %mul3A_14, %add3A : i32
    %barrier3A = arith.constant 0 : index
    tpu.barrier barrier_id(%barrier3A)
    %eq3A_25 = arith.constant 0 : i32
    %eq3A_26 = arith.cmpi eq, %arg0, %eq3A_25 : i32
    %convert_element_type3A = arith.extui %eq3A_26 : i1 to i32
    %cond3A = arith.constant 0 : i32
    %cond3A_27 = arith.cmpi ne, %convert_element_type3A, %cond3A : i32
    scf.if %cond3A_27 {
      %while3A = arith.constant 0 : i32
      %while3A_44 = arith.constant 0 : i32
      %while3A_45 = arith.subi %select_n3A, %while3A_44 : i32
      %while3A_46 = arith.addi %while3A_44, %while3A_45 : i32
      %while3A_47 = arith.constant 1 : i32
      %while3A_48 = arith.divsi %while3A_45, %while3A_47 : i32
      %while3A_49 = arith.muli %while3A_48, %while3A_47 : i32
      %while3A_50 = arith.addi %while3A_44, %while3A_49 : i32
      %while3A_51 = arith.constant 1 : i32
      scf.for %while3A_57 = %while3A_44 to %while3A_50 step %while3A_51  : i32 {
        %gt3A_58 = arith.constant 0 : i32
        %gt3A_59 = arith.cmpi sgt, %while3A_57, %gt3A_58 : i32
        %convert_element_type3A_60 = arith.extui %gt3A_59 : i1 to i32
        %cond3A_61 = arith.constant 0 : i32
        %cond3A_62 = arith.cmpi ne, %convert_element_type3A_60, %cond3A_61 : i32
        scf.if %cond3A_62 {
          %dma_wait3A = arith.constant 0 : i32
          %dma_wait3A_71 = arith.constant 0 : i32
          %dma_wait3A_72 = tpu.memref_slice %arg2[%dma_wait3A, %dma_wait3A_71] : memref<10000x128xf32, #tpu.memory_space<hbm>> -> memref<128x128xf32, #tpu.memory_space<hbm>>
          %dma_wait3A_73 = arith.constant 0 : i32
          %dma_wait3A_74 = arith.constant 0 : i32
          %dma_wait3A_75 = tpu.memref_slice %arg2[%dma_wait3A_73, %dma_wait3A_74] : memref<10000x128xf32, #tpu.memory_space<hbm>> -> memref<128x128xf32, #tpu.memory_space<hbm>>
          tpu.wait_dma2 semaphore(%arg18 : memref<!tpu.dma_semaphore, #tpu.memory_space<semaphore_mem>>) src(%dma_wait3A_75 : memref<128x128xf32, #tpu.memory_space<hbm>>) dst(%arg12 : memref<128x128xf32, #tpu.memory_space<vmem>>)
          %dma_wait3A_76 = arith.constant 0 : i32
          %dma_wait3A_77 = arith.constant 0 : i32
          %dma_wait3A_78 = tpu.memref_slice %arg2[%dma_wait3A_76, %dma_wait3A_77] : memref<10000x128xf32, #tpu.memory_space<hbm>> -> memref<128x128xf32, #tpu.memory_space<hbm>>
          %dma_wait3A_79 = arith.constant 0 : i32
          %dma_wait3A_80 = arith.constant 0 : i32
          %dma_wait3A_81 = tpu.memref_slice %arg2[%dma_wait3A_79, %dma_wait3A_80] : memref<10000x128xf32, #tpu.memory_space<hbm>> -> memref<128x128xf32, #tpu.memory_space<hbm>>
          tpu.wait_dma2 semaphore(%arg19 : memref<!tpu.dma_semaphore, #tpu.memory_space<semaphore_mem>>) src(%dma_wait3A_81 : memref<128x128xf32, #tpu.memory_space<hbm>>) dst(%arg13 : memref<128x128xf32, #tpu.memory_space<vmem>>)
        } else {
        }
        %mul3A_63 = arith.constant 40 : i32
        %mul3A_64 = arith.muli %while3A_57, %mul3A_63 : i32
        %add3A_65 = arith.addi %select_n3A_24, %mul3A_64 : i32
        %multiple_of3A = tpu.assume_multiple %add3A_65, 8 : i32
        "tpu.region"() ({
          %run_scoped3A = tpu.sem_alloc : memref<!tpu.dma_semaphore, #tpu.memory_space<semaphore_mem>>
          %dma_start3A = arith.constant 0 : i32
          %dma_start3A_71 = tpu.memref_slice %arg4[%multiple_of3A, %dma_start3A] : memref<5120x128xi32, #tpu.memory_space<hbm>> -> memref<40x128xi32, #tpu.memory_space<hbm>>
          %dma_start3A_72 = arith.constant 0 : i32
          %dma_start3A_73 = tpu.memref_slice %arg4[%multiple_of3A, %dma_start3A_72] : memref<5120x128xi32, #tpu.memory_space<hbm>> -> memref<40x128xi32, #tpu.memory_space<hbm>>
          tpu.enqueue_dma source(%dma_start3A_73 : memref<40x128xi32, #tpu.memory_space<hbm>>) target(%arg10 : memref<40x128xi32, #tpu.memory_space<vmem>>) target_semaphore(%run_scoped3A : memref<!tpu.dma_semaphore, #tpu.memory_space<semaphore_mem>>)
          %dma_wait3A = arith.constant 0 : i32
          %dma_wait3A_74 = tpu.memref_slice %arg4[%multiple_of3A, %dma_wait3A] : memref<5120x128xi32, #tpu.memory_space<hbm>> -> memref<40x128xi32, #tpu.memory_space<hbm>>
          %dma_wait3A_75 = arith.constant 0 : i32
          %dma_wait3A_76 = tpu.memref_slice %arg4[%multiple_of3A, %dma_wait3A_75] : memref<5120x128xi32, #tpu.memory_space<hbm>> -> memref<40x128xi32, #tpu.memory_space<hbm>>
          tpu.wait_dma2 semaphore(%run_scoped3A : memref<!tpu.dma_semaphore, #tpu.memory_space<semaphore_mem>>) src(%dma_wait3A_76 : memref<40x128xi32, #tpu.memory_space<hbm>>) dst(%arg10 : memref<40x128xi32, #tpu.memory_space<vmem>>)
          tpu.yield
        }) : () -> ()
        "tpu.region"() ({
          %run_scoped3A = tpu.sem_alloc : memref<!tpu.dma_semaphore, #tpu.memory_space<semaphore_mem>>
          %dma_start3A = arith.constant 0 : i32
          %dma_start3A_71 = tpu.memref_slice %arg5[%multiple_of3A, %dma_start3A] : memref<5120x128xi32, #tpu.memory_space<hbm>> -> memref<40x128xi32, #tpu.memory_space<hbm>>
          %dma_start3A_72 = arith.constant 0 : i32
          %dma_start3A_73 = tpu.memref_slice %arg5[%multiple_of3A, %dma_start3A_72] : memref<5120x128xi32, #tpu.memory_space<hbm>> -> memref<40x128xi32, #tpu.memory_space<hbm>>
          tpu.enqueue_dma source(%dma_start3A_73 : memref<40x128xi32, #tpu.memory_space<hbm>>) target(%arg11 : memref<40x128xi32, #tpu.memory_space<vmem>>) target_semaphore(%run_scoped3A : memref<!tpu.dma_semaphore, #tpu.memory_space<semaphore_mem>>)
          %dma_wait3A = arith.constant 0 : i32
          %dma_wait3A_74 = tpu.memref_slice %arg5[%multiple_of3A, %dma_wait3A] : memref<5120x128xi32, #tpu.memory_space<hbm>> -> memref<40x128xi32, #tpu.memory_space<hbm>>
          %dma_wait3A_75 = arith.constant 0 : i32
          %dma_wait3A_76 = tpu.memref_slice %arg5[%multiple_of3A, %dma_wait3A_75] : memref<5120x128xi32, #tpu.memory_space<hbm>> -> memref<40x128xi32, #tpu.memory_space<hbm>>
          tpu.wait_dma2 semaphore(%run_scoped3A : memref<!tpu.dma_semaphore, #tpu.memory_space<semaphore_mem>>) src(%dma_wait3A_76 : memref<40x128xi32, #tpu.memory_space<hbm>>) dst(%arg11 : memref<40x128xi32, #tpu.memory_space<vmem>>)
          tpu.yield
        }) : () -> ()
        %scan3A = arith.constant 0 : i32
        %scan3A_66 = arith.constant 0 : i32
        %scan3A_67 = arith.constant 20 : i32
        %scan3A_68 = arith.addi %scan3A_66, %scan3A_67 : i32
        %scan3A_69 = arith.constant 1 : i32
        scf.for %scan3A_71 = %scan3A_66 to %scan3A_68 step %scan3A_69  : i32 {
          %mul3A_72 = arith.constant 2 : i32
          %mul3A_73 = arith.muli %mul3A_72, %scan3A_71 : i32
          %mul3A_74 = arith.constant 2 : i32
          %mul3A_75 = arith.muli %mul3A_74, %scan3A_71 : i32
          %add3A_76 = arith.constant 1 : i32
          %add3A_77 = arith.addi %mul3A_75, %add3A_76 : i32
          %gt3A_78 = arith.constant 0 : i32
          %gt3A_79 = arith.cmpi sgt, %scan3A_71, %gt3A_78 : i32
          %convert_element_type3A_80 = arith.extui %gt3A_79 : i1 to i32
          %cond3A_81 = arith.constant 0 : i32
          %cond3A_82 = arith.cmpi ne, %convert_element_type3A_80, %cond3A_81 : i32
          scf.if %cond3A_82 {
            %dma_wait3A_117 = arith.constant 0 : i32
            %dma_wait3A_118 = arith.constant 0 : i32
            %dma_wait3A_119 = tpu.memref_slice %arg2[%dma_wait3A_117, %dma_wait3A_118] : memref<10000x128xf32, #tpu.memory_space<hbm>> -> memref<128x128xf32, #tpu.memory_space<hbm>>
            %dma_wait3A_120 = arith.constant 0 : i32
            %dma_wait3A_121 = arith.constant 0 : i32
            %dma_wait3A_122 = tpu.memref_slice %arg2[%dma_wait3A_120, %dma_wait3A_121] : memref<10000x128xf32, #tpu.memory_space<hbm>> -> memref<128x128xf32, #tpu.memory_space<hbm>>
            tpu.wait_dma2 semaphore(%arg18 : memref<!tpu.dma_semaphore, #tpu.memory_space<semaphore_mem>>) src(%dma_wait3A_122 : memref<128x128xf32, #tpu.memory_space<hbm>>) dst(%arg12 : memref<128x128xf32, #tpu.memory_space<vmem>>)
            %dma_wait3A_123 = arith.constant 0 : i32
            %dma_wait3A_124 = arith.constant 0 : i32
            %dma_wait3A_125 = tpu.memref_slice %arg2[%dma_wait3A_123, %dma_wait3A_124] : memref<10000x128xf32, #tpu.memory_space<hbm>> -> memref<128x128xf32, #tpu.memory_space<hbm>>
            %dma_wait3A_126 = arith.constant 0 : i32
            %dma_wait3A_127 = arith.constant 0 : i32
            %dma_wait3A_128 = tpu.memref_slice %arg2[%dma_wait3A_126, %dma_wait3A_127] : memref<10000x128xf32, #tpu.memory_space<hbm>> -> memref<128x128xf32, #tpu.memory_space<hbm>>
            tpu.wait_dma2 semaphore(%arg19 : memref<!tpu.dma_semaphore, #tpu.memory_space<semaphore_mem>>) src(%dma_wait3A_128 : memref<128x128xf32, #tpu.memory_space<hbm>>) dst(%arg13 : memref<128x128xf32, #tpu.memory_space<vmem>>)
          } else {
          }
          %dma_start3A = arith.constant 0 : i32
          %dma_start3A_83 = tpu.memref_slice %arg10[%mul3A_73, %dma_start3A] : memref<40x128xi32, #tpu.memory_space<vmem>> -> memref<1x128xi32, #tpu.memory_space<vmem>>
          %dma_start3A_84 = tpu.memref_squeeze %dma_start3A_83 : memref<1x128xi32, #tpu.memory_space<vmem>> -> memref<128xi32, #tpu.memory_space<vmem>>
          %dma_start3A_85 = arith.constant 0 : i32
          %dma_start3A_86 = arith.constant 0 : i32
          %dma_start3A_87 = tpu.memref_slice %arg2[%dma_start3A_85, %dma_start3A_86] : memref<10000x128xf32, #tpu.memory_space<hbm>> -> memref<10000x128xf32, #tpu.memory_space<hbm>>
          tpu.enqueue_indirect_dma source(%dma_start3A_87 : memref<10000x128xf32, #tpu.memory_space<hbm>>) target(%arg12 : memref<128x128xf32, #tpu.memory_space<vmem>>) offsets(%dma_start3A_84 : memref<128xi32, #tpu.memory_space<vmem>>) semaphore(%arg16 : memref<!tpu.dma_semaphore, #tpu.memory_space<semaphore_mem>>)
          %dma_start3A_88 = arith.constant 0 : i32
          %dma_start3A_89 = tpu.memref_slice %arg10[%add3A_77, %dma_start3A_88] : memref<40x128xi32, #tpu.memory_space<vmem>> -> memref<1x128xi32, #tpu.memory_space<vmem>>
          %dma_start3A_90 = tpu.memref_squeeze %dma_start3A_89 : memref<1x128xi32, #tpu.memory_space<vmem>> -> memref<128xi32, #tpu.memory_space<vmem>>
          %dma_start3A_91 = arith.constant 0 : i32
          %dma_start3A_92 = arith.constant 0 : i32
          %dma_start3A_93 = tpu.memref_slice %arg2[%dma_start3A_91, %dma_start3A_92] : memref<10000x128xf32, #tpu.memory_space<hbm>> -> memref<10000x128xf32, #tpu.memory_space<hbm>>
          tpu.enqueue_indirect_dma source(%dma_start3A_93 : memref<10000x128xf32, #tpu.memory_space<hbm>>) target(%arg13 : memref<128x128xf32, #tpu.memory_space<vmem>>) offsets(%dma_start3A_90 : memref<128xi32, #tpu.memory_space<vmem>>) semaphore(%arg17 : memref<!tpu.dma_semaphore, #tpu.memory_space<semaphore_mem>>)
          %dma_wait3A = arith.constant 0 : i32
          %dma_wait3A_94 = tpu.memref_slice %arg10[%mul3A_73, %dma_wait3A] : memref<40x128xi32, #tpu.memory_space<vmem>> -> memref<1x128xi32, #tpu.memory_space<vmem>>
          %dma_wait3A_95 = tpu.memref_squeeze %dma_wait3A_94 : memref<1x128xi32, #tpu.memory_space<vmem>> -> memref<128xi32, #tpu.memory_space<vmem>>
          %dma_wait3A_96 = arith.constant 0 : i32
          %dma_wait3A_97 = arith.constant 0 : i32
          %dma_wait3A_98 = tpu.memref_slice %arg2[%dma_wait3A_96, %dma_wait3A_97] : memref<10000x128xf32, #tpu.memory_space<hbm>> -> memref<10000x128xf32, #tpu.memory_space<hbm>>
          tpu.wait_indirect_dma semaphore(%arg16 : memref<!tpu.dma_semaphore, #tpu.memory_space<semaphore_mem>>) src(%dma_wait3A_98 : memref<10000x128xf32, #tpu.memory_space<hbm>>) dst(%arg12 : memref<128x128xf32, #tpu.memory_space<vmem>>)
          %dma_start3A_99 = arith.constant 0 : i32
          %dma_start3A_100 = tpu.memref_slice %arg11[%mul3A_73, %dma_start3A_99] : memref<40x128xi32, #tpu.memory_space<vmem>> -> memref<1x128xi32, #tpu.memory_space<vmem>>
          %dma_start3A_101 = tpu.memref_squeeze %dma_start3A_100 : memref<1x128xi32, #tpu.memory_space<vmem>> -> memref<128xi32, #tpu.memory_space<vmem>>
          %dma_start3A_102 = arith.constant 0 : i32
          %dma_start3A_103 = arith.constant 0 : i32
          %dma_start3A_104 = tpu.memref_slice %arg15[%dma_start3A_102, %dma_start3A_103] : memref<10112x128xf32, #tpu.memory_space<vmem_shared>> -> memref<10112x128xf32, #tpu.memory_space<vmem_shared>>
          tpu.enqueue_indirect_dma source(%arg12 : memref<128x128xf32, #tpu.memory_space<vmem>>) target(%dma_start3A_104 : memref<10112x128xf32, #tpu.memory_space<vmem_shared>>) offsets(%dma_start3A_101 : memref<128xi32, #tpu.memory_space<vmem>>) semaphore(%arg18 : memref<!tpu.dma_semaphore, #tpu.memory_space<semaphore_mem>>) {add = true}
          %dma_wait3A_105 = arith.constant 0 : i32
          %dma_wait3A_106 = tpu.memref_slice %arg10[%add3A_77, %dma_wait3A_105] : memref<40x128xi32, #tpu.memory_space<vmem>> -> memref<1x128xi32, #tpu.memory_space<vmem>>
          %dma_wait3A_107 = tpu.memref_squeeze %dma_wait3A_106 : memref<1x128xi32, #tpu.memory_space<vmem>> -> memref<128xi32, #tpu.memory_space<vmem>>
          %dma_wait3A_108 = arith.constant 0 : i32
          %dma_wait3A_109 = arith.constant 0 : i32
          %dma_wait3A_110 = tpu.memref_slice %arg2[%dma_wait3A_108, %dma_wait3A_109] : memref<10000x128xf32, #tpu.memory_space<hbm>> -> memref<10000x128xf32, #tpu.memory_space<hbm>>
          tpu.wait_indirect_dma semaphore(%arg17 : memref<!tpu.dma_semaphore, #tpu.memory_space<semaphore_mem>>) src(%dma_wait3A_110 : memref<10000x128xf32, #tpu.memory_space<hbm>>) dst(%arg13 : memref<128x128xf32, #tpu.memory_space<vmem>>)
          %dma_start3A_111 = arith.constant 0 : i32
          %dma_start3A_112 = tpu.memref_slice %arg11[%add3A_77, %dma_start3A_111] : memref<40x128xi32, #tpu.memory_space<vmem>> -> memref<1x128xi32, #tpu.memory_space<vmem>>
          %dma_start3A_113 = tpu.memref_squeeze %dma_start3A_112 : memref<1x128xi32, #tpu.memory_space<vmem>> -> memref<128xi32, #tpu.memory_space<vmem>>
          %dma_start3A_114 = arith.constant 0 : i32
          %dma_start3A_115 = arith.constant 0 : i32
          %dma_start3A_116 = tpu.memref_slice %arg15[%dma_start3A_114, %dma_start3A_115] : memref<10112x128xf32, #tpu.memory_space<vmem_shared>> -> memref<10112x128xf32, #tpu.memory_space<vmem_shared>>
          tpu.enqueue_indirect_dma source(%arg13 : memref<128x128xf32, #tpu.memory_space<vmem>>) target(%dma_start3A_116 : memref<10112x128xf32, #tpu.memory_space<vmem_shared>>) offsets(%dma_start3A_113 : memref<128xi32, #tpu.memory_space<vmem>>) semaphore(%arg19 : memref<!tpu.dma_semaphore, #tpu.memory_space<semaphore_mem>>) {add = true}
        }
        %scan3A_70 = arith.constant 20 : i32
      }
      %while3A_52 = arith.constant 1 : i32
      scf.for %while3A_57 = %while3A_50 to %while3A_46 step %while3A_52  : i32 {
        %gt3A_58 = arith.constant 0 : i32
        %gt3A_59 = arith.cmpi sgt, %while3A_57, %gt3A_58 : i32
        %convert_element_type3A_60 = arith.extui %gt3A_59 : i1 to i32
        %cond3A_61 = arith.constant 0 : i32
        %cond3A_62 = arith.cmpi ne, %convert_element_type3A_60, %cond3A_61 : i32
        scf.if %cond3A_62 {
          %dma_wait3A = arith.constant 0 : i32
          %dma_wait3A_71 = arith.constant 0 : i32
          %dma_wait3A_72 = tpu.memref_slice %arg2[%dma_wait3A, %dma_wait3A_71] : memref<10000x128xf32, #tpu.memory_space<hbm>> -> memref<128x128xf32, #tpu.memory_space<hbm>>
          %dma_wait3A_73 = arith.constant 0 : i32
          %dma_wait3A_74 = arith.constant 0 : i32
          %dma_wait3A_75 = tpu.memref_slice %arg2[%dma_wait3A_73, %dma_wait3A_74] : memref<10000x128xf32, #tpu.memory_space<hbm>> -> memref<128x128xf32, #tpu.memory_space<hbm>>
          tpu.wait_dma2 semaphore(%arg18 : memref<!tpu.dma_semaphore, #tpu.memory_space<semaphore_mem>>) src(%dma_wait3A_75 : memref<128x128xf32, #tpu.memory_space<hbm>>) dst(%arg12 : memref<128x128xf32, #tpu.memory_space<vmem>>)
          %dma_wait3A_76 = arith.constant 0 : i32
          %dma_wait3A_77 = arith.constant 0 : i32
          %dma_wait3A_78 = tpu.memref_slice %arg2[%dma_wait3A_76, %dma_wait3A_77] : memref<10000x128xf32, #tpu.memory_space<hbm>> -> memref<128x128xf32, #tpu.memory_space<hbm>>
          %dma_wait3A_79 = arith.constant 0 : i32
          %dma_wait3A_80 = arith.constant 0 : i32
          %dma_wait3A_81 = tpu.memref_slice %arg2[%dma_wait3A_79, %dma_wait3A_80] : memref<10000x128xf32, #tpu.memory_space<hbm>> -> memref<128x128xf32, #tpu.memory_space<hbm>>
          tpu.wait_dma2 semaphore(%arg19 : memref<!tpu.dma_semaphore, #tpu.memory_space<semaphore_mem>>) src(%dma_wait3A_81 : memref<128x128xf32, #tpu.memory_space<hbm>>) dst(%arg13 : memref<128x128xf32, #tpu.memory_space<vmem>>)
        } else {
        }
        %mul3A_63 = arith.constant 40 : i32
        %mul3A_64 = arith.muli %while3A_57, %mul3A_63 : i32
        %add3A_65 = arith.addi %select_n3A_24, %mul3A_64 : i32
        %multiple_of3A = tpu.assume_multiple %add3A_65, 8 : i32
        "tpu.region"() ({
          %run_scoped3A = tpu.sem_alloc : memref<!tpu.dma_semaphore, #tpu.memory_space<semaphore_mem>>
          %dma_start3A = arith.constant 0 : i32
          %dma_start3A_71 = tpu.memref_slice %arg4[%multiple_of3A, %dma_start3A] : memref<5120x128xi32, #tpu.memory_space<hbm>> -> memref<40x128xi32, #tpu.memory_space<hbm>>
          %dma_start3A_72 = arith.constant 0 : i32
          %dma_start3A_73 = tpu.memref_slice %arg4[%multiple_of3A, %dma_start3A_72] : memref<5120x128xi32, #tpu.memory_space<hbm>> -> memref<40x128xi32, #tpu.memory_space<hbm>>
          tpu.enqueue_dma source(%dma_start3A_73 : memref<40x128xi32, #tpu.memory_space<hbm>>) target(%arg10 : memref<40x128xi32, #tpu.memory_space<vmem>>) target_semaphore(%run_scoped3A : memref<!tpu.dma_semaphore, #tpu.memory_space<semaphore_mem>>)
          %dma_wait3A = arith.constant 0 : i32
          %dma_wait3A_74 = tpu.memref_slice %arg4[%multiple_of3A, %dma_wait3A] : memref<5120x128xi32, #tpu.memory_space<hbm>> -> memref<40x128xi32, #tpu.memory_space<hbm>>
          %dma_wait3A_75 = arith.constant 0 : i32
          %dma_wait3A_76 = tpu.memref_slice %arg4[%multiple_of3A, %dma_wait3A_75] : memref<5120x128xi32, #tpu.memory_space<hbm>> -> memref<40x128xi32, #tpu.memory_space<hbm>>
          tpu.wait_dma2 semaphore(%run_scoped3A : memref<!tpu.dma_semaphore, #tpu.memory_space<semaphore_mem>>) src(%dma_wait3A_76 : memref<40x128xi32, #tpu.memory_space<hbm>>) dst(%arg10 : memref<40x128xi32, #tpu.memory_space<vmem>>)
          tpu.yield
        }) : () -> ()
        "tpu.region"() ({
          %run_scoped3A = tpu.sem_alloc : memref<!tpu.dma_semaphore, #tpu.memory_space<semaphore_mem>>
          %dma_start3A = arith.constant 0 : i32
          %dma_start3A_71 = tpu.memref_slice %arg5[%multiple_of3A, %dma_start3A] : memref<5120x128xi32, #tpu.memory_space<hbm>> -> memref<40x128xi32, #tpu.memory_space<hbm>>
          %dma_start3A_72 = arith.constant 0 : i32
          %dma_start3A_73 = tpu.memref_slice %arg5[%multiple_of3A, %dma_start3A_72] : memref<5120x128xi32, #tpu.memory_space<hbm>> -> memref<40x128xi32, #tpu.memory_space<hbm>>
          tpu.enqueue_dma source(%dma_start3A_73 : memref<40x128xi32, #tpu.memory_space<hbm>>) target(%arg11 : memref<40x128xi32, #tpu.memory_space<vmem>>) target_semaphore(%run_scoped3A : memref<!tpu.dma_semaphore, #tpu.memory_space<semaphore_mem>>)
          %dma_wait3A = arith.constant 0 : i32
          %dma_wait3A_74 = tpu.memref_slice %arg5[%multiple_of3A, %dma_wait3A] : memref<5120x128xi32, #tpu.memory_space<hbm>> -> memref<40x128xi32, #tpu.memory_space<hbm>>
          %dma_wait3A_75 = arith.constant 0 : i32
          %dma_wait3A_76 = tpu.memref_slice %arg5[%multiple_of3A, %dma_wait3A_75] : memref<5120x128xi32, #tpu.memory_space<hbm>> -> memref<40x128xi32, #tpu.memory_space<hbm>>
          tpu.wait_dma2 semaphore(%run_scoped3A : memref<!tpu.dma_semaphore, #tpu.memory_space<semaphore_mem>>) src(%dma_wait3A_76 : memref<40x128xi32, #tpu.memory_space<hbm>>) dst(%arg11 : memref<40x128xi32, #tpu.memory_space<vmem>>)
          tpu.yield
        }) : () -> ()
        %scan3A = arith.constant 0 : i32
        %scan3A_66 = arith.constant 0 : i32
        %scan3A_67 = arith.constant 20 : i32
        %scan3A_68 = arith.addi %scan3A_66, %scan3A_67 : i32
        %scan3A_69 = arith.constant 1 : i32
        scf.for %scan3A_71 = %scan3A_66 to %scan3A_68 step %scan3A_69  : i32 {
          %mul3A_72 = arith.constant 2 : i32
          %mul3A_73 = arith.muli %mul3A_72, %scan3A_71 : i32
          %mul3A_74 = arith.constant 2 : i32
          %mul3A_75 = arith.muli %mul3A_74, %scan3A_71 : i32
          %add3A_76 = arith.constant 1 : i32
          %add3A_77 = arith.addi %mul3A_75, %add3A_76 : i32
          %gt3A_78 = arith.constant 0 : i32
          %gt3A_79 = arith.cmpi sgt, %scan3A_71, %gt3A_78 : i32
          %convert_element_type3A_80 = arith.extui %gt3A_79 : i1 to i32
          %cond3A_81 = arith.constant 0 : i32
          %cond3A_82 = arith.cmpi ne, %convert_element_type3A_80, %cond3A_81 : i32
          scf.if %cond3A_82 {
            %dma_wait3A_117 = arith.constant 0 : i32
            %dma_wait3A_118 = arith.constant 0 : i32
            %dma_wait3A_119 = tpu.memref_slice %arg2[%dma_wait3A_117, %dma_wait3A_118] : memref<10000x128xf32, #tpu.memory_space<hbm>> -> memref<128x128xf32, #tpu.memory_space<hbm>>
            %dma_wait3A_120 = arith.constant 0 : i32
            %dma_wait3A_121 = arith.constant 0 : i32
            %dma_wait3A_122 = tpu.memref_slice %arg2[%dma_wait3A_120, %dma_wait3A_121] : memref<10000x128xf32, #tpu.memory_space<hbm>> -> memref<128x128xf32, #tpu.memory_space<hbm>>
            tpu.wait_dma2 semaphore(%arg18 : memref<!tpu.dma_semaphore, #tpu.memory_space<semaphore_mem>>) src(%dma_wait3A_122 : memref<128x128xf32, #tpu.memory_space<hbm>>) dst(%arg12 : memref<128x128xf32, #tpu.memory_space<vmem>>)
            %dma_wait3A_123 = arith.constant 0 : i32
            %dma_wait3A_124 = arith.constant 0 : i32
            %dma_wait3A_125 = tpu.memref_slice %arg2[%dma_wait3A_123, %dma_wait3A_124] : memref<10000x128xf32, #tpu.memory_space<hbm>> -> memref<128x128xf32, #tpu.memory_space<hbm>>
            %dma_wait3A_126 = arith.constant 0 : i32
            %dma_wait3A_127 = arith.constant 0 : i32
            %dma_wait3A_128 = tpu.memref_slice %arg2[%dma_wait3A_126, %dma_wait3A_127] : memref<10000x128xf32, #tpu.memory_space<hbm>> -> memref<128x128xf32, #tpu.memory_space<hbm>>
            tpu.wait_dma2 semaphore(%arg19 : memref<!tpu.dma_semaphore, #tpu.memory_space<semaphore_mem>>) src(%dma_wait3A_128 : memref<128x128xf32, #tpu.memory_space<hbm>>) dst(%arg13 : memref<128x128xf32, #tpu.memory_space<vmem>>)
          } else {
          }
          %dma_start3A = arith.constant 0 : i32
          %dma_start3A_83 = tpu.memref_slice %arg10[%mul3A_73, %dma_start3A] : memref<40x128xi32, #tpu.memory_space<vmem>> -> memref<1x128xi32, #tpu.memory_space<vmem>>
          %dma_start3A_84 = tpu.memref_squeeze %dma_start3A_83 : memref<1x128xi32, #tpu.memory_space<vmem>> -> memref<128xi32, #tpu.memory_space<vmem>>
          %dma_start3A_85 = arith.constant 0 : i32
          %dma_start3A_86 = arith.constant 0 : i32
          %dma_start3A_87 = tpu.memref_slice %arg2[%dma_start3A_85, %dma_start3A_86] : memref<10000x128xf32, #tpu.memory_space<hbm>> -> memref<10000x128xf32, #tpu.memory_space<hbm>>
          tpu.enqueue_indirect_dma source(%dma_start3A_87 : memref<10000x128xf32, #tpu.memory_space<hbm>>) target(%arg12 : memref<128x128xf32, #tpu.memory_space<vmem>>) offsets(%dma_start3A_84 : memref<128xi32, #tpu.memory_space<vmem>>) semaphore(%arg16 : memref<!tpu.dma_semaphore, #tpu.memory_space<semaphore_mem>>)
          %dma_start3A_88 = arith.constant 0 : i32
          %dma_start3A_89 = tpu.memref_slice %arg10[%add3A_77, %dma_start3A_88] : memref<40x128xi32, #tpu.memory_space<vmem>> -> memref<1x128xi32, #tpu.memory_space<vmem>>
          %dma_start3A_90 = tpu.memref_squeeze %dma_start3A_89 : memref<1x128xi32, #tpu.memory_space<vmem>> -> memref<128xi32, #tpu.memory_space<vmem>>
          %dma_start3A_91 = arith.constant 0 : i32
          %dma_start3A_92 = arith.constant 0 : i32
          %dma_start3A_93 = tpu.memref_slice %arg2[%dma_start3A_91, %dma_start3A_92] : memref<10000x128xf32, #tpu.memory_space<hbm>> -> memref<10000x128xf32, #tpu.memory_space<hbm>>
          tpu.enqueue_indirect_dma source(%dma_start3A_93 : memref<10000x128xf32, #tpu.memory_space<hbm>>) target(%arg13 : memref<128x128xf32, #tpu.memory_space<vmem>>) offsets(%dma_start3A_90 : memref<128xi32, #tpu.memory_space<vmem>>) semaphore(%arg17 : memref<!tpu.dma_semaphore, #tpu.memory_space<semaphore_mem>>)
          %dma_wait3A = arith.constant 0 : i32
          %dma_wait3A_94 = tpu.memref_slice %arg10[%mul3A_73, %dma_wait3A] : memref<40x128xi32, #tpu.memory_space<vmem>> -> memref<1x128xi32, #tpu.memory_space<vmem>>
          %dma_wait3A_95 = tpu.memref_squeeze %dma_wait3A_94 : memref<1x128xi32, #tpu.memory_space<vmem>> -> memref<128xi32, #tpu.memory_space<vmem>>
          %dma_wait3A_96 = arith.constant 0 : i32
          %dma_wait3A_97 = arith.constant 0 : i32
          %dma_wait3A_98 = tpu.memref_slice %arg2[%dma_wait3A_96, %dma_wait3A_97] : memref<10000x128xf32, #tpu.memory_space<hbm>> -> memref<10000x128xf32, #tpu.memory_space<hbm>>
          tpu.wait_indirect_dma semaphore(%arg16 : memref<!tpu.dma_semaphore, #tpu.memory_space<semaphore_mem>>) src(%dma_wait3A_98 : memref<10000x128xf32, #tpu.memory_space<hbm>>) dst(%arg12 : memref<128x128xf32, #tpu.memory_space<vmem>>)
          %dma_start3A_99 = arith.constant 0 : i32
          %dma_start3A_100 = tpu.memref_slice %arg11[%mul3A_73, %dma_start3A_99] : memref<40x128xi32, #tpu.memory_space<vmem>> -> memref<1x128xi32, #tpu.memory_space<vmem>>
          %dma_start3A_101 = tpu.memref_squeeze %dma_start3A_100 : memref<1x128xi32, #tpu.memory_space<vmem>> -> memref<128xi32, #tpu.memory_space<vmem>>
          %dma_start3A_102 = arith.constant 0 : i32
          %dma_start3A_103 = arith.constant 0 : i32
          %dma_start3A_104 = tpu.memref_slice %arg15[%dma_start3A_102, %dma_start3A_103] : memref<10112x128xf32, #tpu.memory_space<vmem_shared>> -> memref<10112x128xf32, #tpu.memory_space<vmem_shared>>
          tpu.enqueue_indirect_dma source(%arg12 : memref<128x128xf32, #tpu.memory_space<vmem>>) target(%dma_start3A_104 : memref<10112x128xf32, #tpu.memory_space<vmem_shared>>) offsets(%dma_start3A_101 : memref<128xi32, #tpu.memory_space<vmem>>) semaphore(%arg18 : memref<!tpu.dma_semaphore, #tpu.memory_space<semaphore_mem>>) {add = true}
          %dma_wait3A_105 = arith.constant 0 : i32
          %dma_wait3A_106 = tpu.memref_slice %arg10[%add3A_77, %dma_wait3A_105] : memref<40x128xi32, #tpu.memory_space<vmem>> -> memref<1x128xi32, #tpu.memory_space<vmem>>
          %dma_wait3A_107 = tpu.memref_squeeze %dma_wait3A_106 : memref<1x128xi32, #tpu.memory_space<vmem>> -> memref<128xi32, #tpu.memory_space<vmem>>
          %dma_wait3A_108 = arith.constant 0 : i32
          %dma_wait3A_109 = arith.constant 0 : i32
          %dma_wait3A_110 = tpu.memref_slice %arg2[%dma_wait3A_108, %dma_wait3A_109] : memref<10000x128xf32, #tpu.memory_space<hbm>> -> memref<10000x128xf32, #tpu.memory_space<hbm>>
          tpu.wait_indirect_dma semaphore(%arg17 : memref<!tpu.dma_semaphore, #tpu.memory_space<semaphore_mem>>) src(%dma_wait3A_110 : memref<10000x128xf32, #tpu.memory_space<hbm>>) dst(%arg13 : memref<128x128xf32, #tpu.memory_space<vmem>>)
          %dma_start3A_111 = arith.constant 0 : i32
          %dma_start3A_112 = tpu.memref_slice %arg11[%add3A_77, %dma_start3A_111] : memref<40x128xi32, #tpu.memory_space<vmem>> -> memref<1x128xi32, #tpu.memory_space<vmem>>
          %dma_start3A_113 = tpu.memref_squeeze %dma_start3A_112 : memref<1x128xi32, #tpu.memory_space<vmem>> -> memref<128xi32, #tpu.memory_space<vmem>>
          %dma_start3A_114 = arith.constant 0 : i32
          %dma_start3A_115 = arith.constant 0 : i32
          %dma_start3A_116 = tpu.memref_slice %arg15[%dma_start3A_114, %dma_start3A_115] : memref<10112x128xf32, #tpu.memory_space<vmem_shared>> -> memref<10112x128xf32, #tpu.memory_space<vmem_shared>>
          tpu.enqueue_indirect_dma source(%arg13 : memref<128x128xf32, #tpu.memory_space<vmem>>) target(%dma_start3A_116 : memref<10112x128xf32, #tpu.memory_space<vmem_shared>>) offsets(%dma_start3A_113 : memref<128xi32, #tpu.memory_space<vmem>>) semaphore(%arg19 : memref<!tpu.dma_semaphore, #tpu.memory_space<semaphore_mem>>) {add = true}
        }
        %scan3A_70 = arith.constant 20 : i32
      }
      %gt3A = arith.constant 0 : i32
      %gt3A_53 = arith.cmpi sgt, %select_n3A, %gt3A : i32
      %convert_element_type3A_54 = arith.extui %gt3A_53 : i1 to i32
      %cond3A_55 = arith.constant 0 : i32
      %cond3A_56 = arith.cmpi ne, %convert_element_type3A_54, %cond3A_55 : i32
      scf.if %cond3A_56 {
        %dma_wait3A = arith.constant 0 : i32
        %dma_wait3A_57 = arith.constant 0 : i32
        %dma_wait3A_58 = tpu.memref_slice %arg2[%dma_wait3A, %dma_wait3A_57] : memref<10000x128xf32, #tpu.memory_space<hbm>> -> memref<128x128xf32, #tpu.memory_space<hbm>>
        %dma_wait3A_59 = arith.constant 0 : i32
        %dma_wait3A_60 = arith.constant 0 : i32
        %dma_wait3A_61 = tpu.memref_slice %arg2[%dma_wait3A_59, %dma_wait3A_60] : memref<10000x128xf32, #tpu.memory_space<hbm>> -> memref<128x128xf32, #tpu.memory_space<hbm>>
        tpu.wait_dma2 semaphore(%arg18 : memref<!tpu.dma_semaphore, #tpu.memory_space<semaphore_mem>>) src(%dma_wait3A_61 : memref<128x128xf32, #tpu.memory_space<hbm>>) dst(%arg12 : memref<128x128xf32, #tpu.memory_space<vmem>>)
        %dma_wait3A_62 = arith.constant 0 : i32
        %dma_wait3A_63 = arith.constant 0 : i32
        %dma_wait3A_64 = tpu.memref_slice %arg2[%dma_wait3A_62, %dma_wait3A_63] : memref<10000x128xf32, #tpu.memory_space<hbm>> -> memref<128x128xf32, #tpu.memory_space<hbm>>
        %dma_wait3A_65 = arith.constant 0 : i32
        %dma_wait3A_66 = arith.constant 0 : i32
        %dma_wait3A_67 = tpu.memref_slice %arg2[%dma_wait3A_65, %dma_wait3A_66] : memref<10000x128xf32, #tpu.memory_space<hbm>> -> memref<128x128xf32, #tpu.memory_space<hbm>>
        tpu.wait_dma2 semaphore(%arg19 : memref<!tpu.dma_semaphore, #tpu.memory_space<semaphore_mem>>) src(%dma_wait3A_67 : memref<128x128xf32, #tpu.memory_space<hbm>>) dst(%arg13 : memref<128x128xf32, #tpu.memory_space<vmem>>)
      } else {
      }
    } else {
    }
    %eq3A_28 = arith.constant 1 : i32
    %eq3A_29 = arith.cmpi eq, %arg0, %eq3A_28 : i32
    %convert_element_type3A_30 = arith.extui %eq3A_29 : i1 to i32
    %cond3A_31 = arith.constant 0 : i32
    %cond3A_32 = arith.cmpi ne, %convert_element_type3A_30, %cond3A_31 : i32
    scf.if %cond3A_32 {
      %while3A = arith.constant 0 : i32
      %while3A_44 = arith.constant 0 : i32
      %while3A_45 = arith.subi %select_n3A, %while3A_44 : i32
      %while3A_46 = arith.addi %while3A_44, %while3A_45 : i32
      %while3A_47 = arith.constant 1 : i32
      %while3A_48 = arith.divsi %while3A_45, %while3A_47 : i32
      %while3A_49 = arith.muli %while3A_48, %while3A_47 : i32
      %while3A_50 = arith.addi %while3A_44, %while3A_49 : i32
      %while3A_51 = arith.constant 1 : i32
      scf.for %while3A_57 = %while3A_44 to %while3A_50 step %while3A_51  : i32 {
        %gt3A_58 = arith.constant 0 : i32
        %gt3A_59 = arith.cmpi sgt, %while3A_57, %gt3A_58 : i32
        %convert_element_type3A_60 = arith.extui %gt3A_59 : i1 to i32
        %cond3A_61 = arith.constant 0 : i32
        %cond3A_62 = arith.cmpi ne, %convert_element_type3A_60, %cond3A_61 : i32
        scf.if %cond3A_62 {
          %dma_wait3A = arith.constant 0 : i32
          %dma_wait3A_71 = arith.constant 0 : i32
          %dma_wait3A_72 = tpu.memref_slice %arg3[%dma_wait3A, %dma_wait3A_71] : memref<10000x128xf32, #tpu.memory_space<hbm>> -> memref<128x128xf32, #tpu.memory_space<hbm>>
          %dma_wait3A_73 = arith.constant 0 : i32
          %dma_wait3A_74 = arith.constant 0 : i32
          %dma_wait3A_75 = tpu.memref_slice %arg3[%dma_wait3A_73, %dma_wait3A_74] : memref<10000x128xf32, #tpu.memory_space<hbm>> -> memref<128x128xf32, #tpu.memory_space<hbm>>
          tpu.wait_dma2 semaphore(%arg18 : memref<!tpu.dma_semaphore, #tpu.memory_space<semaphore_mem>>) src(%dma_wait3A_75 : memref<128x128xf32, #tpu.memory_space<hbm>>) dst(%arg12 : memref<128x128xf32, #tpu.memory_space<vmem>>)
          %dma_wait3A_76 = arith.constant 0 : i32
          %dma_wait3A_77 = arith.constant 0 : i32
          %dma_wait3A_78 = tpu.memref_slice %arg3[%dma_wait3A_76, %dma_wait3A_77] : memref<10000x128xf32, #tpu.memory_space<hbm>> -> memref<128x128xf32, #tpu.memory_space<hbm>>
          %dma_wait3A_79 = arith.constant 0 : i32
          %dma_wait3A_80 = arith.constant 0 : i32
          %dma_wait3A_81 = tpu.memref_slice %arg3[%dma_wait3A_79, %dma_wait3A_80] : memref<10000x128xf32, #tpu.memory_space<hbm>> -> memref<128x128xf32, #tpu.memory_space<hbm>>
          tpu.wait_dma2 semaphore(%arg19 : memref<!tpu.dma_semaphore, #tpu.memory_space<semaphore_mem>>) src(%dma_wait3A_81 : memref<128x128xf32, #tpu.memory_space<hbm>>) dst(%arg13 : memref<128x128xf32, #tpu.memory_space<vmem>>)
        } else {
        }
        %mul3A_63 = arith.constant 40 : i32
        %mul3A_64 = arith.muli %while3A_57, %mul3A_63 : i32
        %add3A_65 = arith.addi %select_n3A_24, %mul3A_64 : i32
        %multiple_of3A = tpu.assume_multiple %add3A_65, 8 : i32
        "tpu.region"() ({
          %run_scoped3A = tpu.sem_alloc : memref<!tpu.dma_semaphore, #tpu.memory_space<semaphore_mem>>
          %dma_start3A = arith.constant 0 : i32
          %dma_start3A_71 = tpu.memref_slice %arg4[%multiple_of3A, %dma_start3A] : memref<5120x128xi32, #tpu.memory_space<hbm>> -> memref<40x128xi32, #tpu.memory_space<hbm>>
          %dma_start3A_72 = arith.constant 0 : i32
          %dma_start3A_73 = tpu.memref_slice %arg4[%multiple_of3A, %dma_start3A_72] : memref<5120x128xi32, #tpu.memory_space<hbm>> -> memref<40x128xi32, #tpu.memory_space<hbm>>
          tpu.enqueue_dma source(%dma_start3A_73 : memref<40x128xi32, #tpu.memory_space<hbm>>) target(%arg10 : memref<40x128xi32, #tpu.memory_space<vmem>>) target_semaphore(%run_scoped3A : memref<!tpu.dma_semaphore, #tpu.memory_space<semaphore_mem>>)
          %dma_wait3A = arith.constant 0 : i32
          %dma_wait3A_74 = tpu.memref_slice %arg4[%multiple_of3A, %dma_wait3A] : memref<5120x128xi32, #tpu.memory_space<hbm>> -> memref<40x128xi32, #tpu.memory_space<hbm>>
          %dma_wait3A_75 = arith.constant 0 : i32
          %dma_wait3A_76 = tpu.memref_slice %arg4[%multiple_of3A, %dma_wait3A_75] : memref<5120x128xi32, #tpu.memory_space<hbm>> -> memref<40x128xi32, #tpu.memory_space<hbm>>
          tpu.wait_dma2 semaphore(%run_scoped3A : memref<!tpu.dma_semaphore, #tpu.memory_space<semaphore_mem>>) src(%dma_wait3A_76 : memref<40x128xi32, #tpu.memory_space<hbm>>) dst(%arg10 : memref<40x128xi32, #tpu.memory_space<vmem>>)
          tpu.yield
        }) : () -> ()
        "tpu.region"() ({
          %run_scoped3A = tpu.sem_alloc : memref<!tpu.dma_semaphore, #tpu.memory_space<semaphore_mem>>
          %dma_start3A = arith.constant 0 : i32
          %dma_start3A_71 = tpu.memref_slice %arg5[%multiple_of3A, %dma_start3A] : memref<5120x128xi32, #tpu.memory_space<hbm>> -> memref<40x128xi32, #tpu.memory_space<hbm>>
          %dma_start3A_72 = arith.constant 0 : i32
          %dma_start3A_73 = tpu.memref_slice %arg5[%multiple_of3A, %dma_start3A_72] : memref<5120x128xi32, #tpu.memory_space<hbm>> -> memref<40x128xi32, #tpu.memory_space<hbm>>
          tpu.enqueue_dma source(%dma_start3A_73 : memref<40x128xi32, #tpu.memory_space<hbm>>) target(%arg11 : memref<40x128xi32, #tpu.memory_space<vmem>>) target_semaphore(%run_scoped3A : memref<!tpu.dma_semaphore, #tpu.memory_space<semaphore_mem>>)
          %dma_wait3A = arith.constant 0 : i32
          %dma_wait3A_74 = tpu.memref_slice %arg5[%multiple_of3A, %dma_wait3A] : memref<5120x128xi32, #tpu.memory_space<hbm>> -> memref<40x128xi32, #tpu.memory_space<hbm>>
          %dma_wait3A_75 = arith.constant 0 : i32
          %dma_wait3A_76 = tpu.memref_slice %arg5[%multiple_of3A, %dma_wait3A_75] : memref<5120x128xi32, #tpu.memory_space<hbm>> -> memref<40x128xi32, #tpu.memory_space<hbm>>
          tpu.wait_dma2 semaphore(%run_scoped3A : memref<!tpu.dma_semaphore, #tpu.memory_space<semaphore_mem>>) src(%dma_wait3A_76 : memref<40x128xi32, #tpu.memory_space<hbm>>) dst(%arg11 : memref<40x128xi32, #tpu.memory_space<vmem>>)
          tpu.yield
        }) : () -> ()
        %scan3A = arith.constant 0 : i32
        %scan3A_66 = arith.constant 0 : i32
        %scan3A_67 = arith.constant 20 : i32
        %scan3A_68 = arith.addi %scan3A_66, %scan3A_67 : i32
        %scan3A_69 = arith.constant 1 : i32
        scf.for %scan3A_71 = %scan3A_66 to %scan3A_68 step %scan3A_69  : i32 {
          %mul3A_72 = arith.constant 2 : i32
          %mul3A_73 = arith.muli %mul3A_72, %scan3A_71 : i32
          %mul3A_74 = arith.constant 2 : i32
          %mul3A_75 = arith.muli %mul3A_74, %scan3A_71 : i32
          %add3A_76 = arith.constant 1 : i32
          %add3A_77 = arith.addi %mul3A_75, %add3A_76 : i32
          %gt3A_78 = arith.constant 0 : i32
          %gt3A_79 = arith.cmpi sgt, %scan3A_71, %gt3A_78 : i32
          %convert_element_type3A_80 = arith.extui %gt3A_79 : i1 to i32
          %cond3A_81 = arith.constant 0 : i32
          %cond3A_82 = arith.cmpi ne, %convert_element_type3A_80, %cond3A_81 : i32
          scf.if %cond3A_82 {
            %dma_wait3A_117 = arith.constant 0 : i32
            %dma_wait3A_118 = arith.constant 0 : i32
            %dma_wait3A_119 = tpu.memref_slice %arg3[%dma_wait3A_117, %dma_wait3A_118] : memref<10000x128xf32, #tpu.memory_space<hbm>> -> memref<128x128xf32, #tpu.memory_space<hbm>>
            %dma_wait3A_120 = arith.constant 0 : i32
            %dma_wait3A_121 = arith.constant 0 : i32
            %dma_wait3A_122 = tpu.memref_slice %arg3[%dma_wait3A_120, %dma_wait3A_121] : memref<10000x128xf32, #tpu.memory_space<hbm>> -> memref<128x128xf32, #tpu.memory_space<hbm>>
            tpu.wait_dma2 semaphore(%arg18 : memref<!tpu.dma_semaphore, #tpu.memory_space<semaphore_mem>>) src(%dma_wait3A_122 : memref<128x128xf32, #tpu.memory_space<hbm>>) dst(%arg12 : memref<128x128xf32, #tpu.memory_space<vmem>>)
            %dma_wait3A_123 = arith.constant 0 : i32
            %dma_wait3A_124 = arith.constant 0 : i32
            %dma_wait3A_125 = tpu.memref_slice %arg3[%dma_wait3A_123, %dma_wait3A_124] : memref<10000x128xf32, #tpu.memory_space<hbm>> -> memref<128x128xf32, #tpu.memory_space<hbm>>
            %dma_wait3A_126 = arith.constant 0 : i32
            %dma_wait3A_127 = arith.constant 0 : i32
            %dma_wait3A_128 = tpu.memref_slice %arg3[%dma_wait3A_126, %dma_wait3A_127] : memref<10000x128xf32, #tpu.memory_space<hbm>> -> memref<128x128xf32, #tpu.memory_space<hbm>>
            tpu.wait_dma2 semaphore(%arg19 : memref<!tpu.dma_semaphore, #tpu.memory_space<semaphore_mem>>) src(%dma_wait3A_128 : memref<128x128xf32, #tpu.memory_space<hbm>>) dst(%arg13 : memref<128x128xf32, #tpu.memory_space<vmem>>)
          } else {
          }
          %dma_start3A = arith.constant 0 : i32
          %dma_start3A_83 = tpu.memref_slice %arg10[%mul3A_73, %dma_start3A] : memref<40x128xi32, #tpu.memory_space<vmem>> -> memref<1x128xi32, #tpu.memory_space<vmem>>
          %dma_start3A_84 = tpu.memref_squeeze %dma_start3A_83 : memref<1x128xi32, #tpu.memory_space<vmem>> -> memref<128xi32, #tpu.memory_space<vmem>>
          %dma_start3A_85 = arith.constant 0 : i32
          %dma_start3A_86 = arith.constant 0 : i32
          %dma_start3A_87 = tpu.memref_slice %arg3[%dma_start3A_85, %dma_start3A_86] : memref<10000x128xf32, #tpu.memory_space<hbm>> -> memref<10000x128xf32, #tpu.memory_space<hbm>>
          tpu.enqueue_indirect_dma source(%dma_start3A_87 : memref<10000x128xf32, #tpu.memory_space<hbm>>) target(%arg12 : memref<128x128xf32, #tpu.memory_space<vmem>>) offsets(%dma_start3A_84 : memref<128xi32, #tpu.memory_space<vmem>>) semaphore(%arg16 : memref<!tpu.dma_semaphore, #tpu.memory_space<semaphore_mem>>)
          %dma_start3A_88 = arith.constant 0 : i32
          %dma_start3A_89 = tpu.memref_slice %arg10[%add3A_77, %dma_start3A_88] : memref<40x128xi32, #tpu.memory_space<vmem>> -> memref<1x128xi32, #tpu.memory_space<vmem>>
          %dma_start3A_90 = tpu.memref_squeeze %dma_start3A_89 : memref<1x128xi32, #tpu.memory_space<vmem>> -> memref<128xi32, #tpu.memory_space<vmem>>
          %dma_start3A_91 = arith.constant 0 : i32
          %dma_start3A_92 = arith.constant 0 : i32
          %dma_start3A_93 = tpu.memref_slice %arg3[%dma_start3A_91, %dma_start3A_92] : memref<10000x128xf32, #tpu.memory_space<hbm>> -> memref<10000x128xf32, #tpu.memory_space<hbm>>
          tpu.enqueue_indirect_dma source(%dma_start3A_93 : memref<10000x128xf32, #tpu.memory_space<hbm>>) target(%arg13 : memref<128x128xf32, #tpu.memory_space<vmem>>) offsets(%dma_start3A_90 : memref<128xi32, #tpu.memory_space<vmem>>) semaphore(%arg17 : memref<!tpu.dma_semaphore, #tpu.memory_space<semaphore_mem>>)
          %dma_wait3A = arith.constant 0 : i32
          %dma_wait3A_94 = tpu.memref_slice %arg10[%mul3A_73, %dma_wait3A] : memref<40x128xi32, #tpu.memory_space<vmem>> -> memref<1x128xi32, #tpu.memory_space<vmem>>
          %dma_wait3A_95 = tpu.memref_squeeze %dma_wait3A_94 : memref<1x128xi32, #tpu.memory_space<vmem>> -> memref<128xi32, #tpu.memory_space<vmem>>
          %dma_wait3A_96 = arith.constant 0 : i32
          %dma_wait3A_97 = arith.constant 0 : i32
          %dma_wait3A_98 = tpu.memref_slice %arg3[%dma_wait3A_96, %dma_wait3A_97] : memref<10000x128xf32, #tpu.memory_space<hbm>> -> memref<10000x128xf32, #tpu.memory_space<hbm>>
          tpu.wait_indirect_dma semaphore(%arg16 : memref<!tpu.dma_semaphore, #tpu.memory_space<semaphore_mem>>) src(%dma_wait3A_98 : memref<10000x128xf32, #tpu.memory_space<hbm>>) dst(%arg12 : memref<128x128xf32, #tpu.memory_space<vmem>>)
          %dma_start3A_99 = arith.constant 0 : i32
          %dma_start3A_100 = tpu.memref_slice %arg11[%mul3A_73, %dma_start3A_99] : memref<40x128xi32, #tpu.memory_space<vmem>> -> memref<1x128xi32, #tpu.memory_space<vmem>>
          %dma_start3A_101 = tpu.memref_squeeze %dma_start3A_100 : memref<1x128xi32, #tpu.memory_space<vmem>> -> memref<128xi32, #tpu.memory_space<vmem>>
          %dma_start3A_102 = arith.constant 0 : i32
          %dma_start3A_103 = arith.constant 0 : i32
          %dma_start3A_104 = tpu.memref_slice %arg15[%dma_start3A_102, %dma_start3A_103] : memref<10112x128xf32, #tpu.memory_space<vmem_shared>> -> memref<10112x128xf32, #tpu.memory_space<vmem_shared>>
          tpu.enqueue_indirect_dma source(%arg12 : memref<128x128xf32, #tpu.memory_space<vmem>>) target(%dma_start3A_104 : memref<10112x128xf32, #tpu.memory_space<vmem_shared>>) offsets(%dma_start3A_101 : memref<128xi32, #tpu.memory_space<vmem>>) semaphore(%arg18 : memref<!tpu.dma_semaphore, #tpu.memory_space<semaphore_mem>>) {add = true}
          %dma_wait3A_105 = arith.constant 0 : i32
          %dma_wait3A_106 = tpu.memref_slice %arg10[%add3A_77, %dma_wait3A_105] : memref<40x128xi32, #tpu.memory_space<vmem>> -> memref<1x128xi32, #tpu.memory_space<vmem>>
          %dma_wait3A_107 = tpu.memref_squeeze %dma_wait3A_106 : memref<1x128xi32, #tpu.memory_space<vmem>> -> memref<128xi32, #tpu.memory_space<vmem>>
          %dma_wait3A_108 = arith.constant 0 : i32
          %dma_wait3A_109 = arith.constant 0 : i32
          %dma_wait3A_110 = tpu.memref_slice %arg3[%dma_wait3A_108, %dma_wait3A_109] : memref<10000x128xf32, #tpu.memory_space<hbm>> -> memref<10000x128xf32, #tpu.memory_space<hbm>>
          tpu.wait_indirect_dma semaphore(%arg17 : memref<!tpu.dma_semaphore, #tpu.memory_space<semaphore_mem>>) src(%dma_wait3A_110 : memref<10000x128xf32, #tpu.memory_space<hbm>>) dst(%arg13 : memref<128x128xf32, #tpu.memory_space<vmem>>)
          %dma_start3A_111 = arith.constant 0 : i32
          %dma_start3A_112 = tpu.memref_slice %arg11[%add3A_77, %dma_start3A_111] : memref<40x128xi32, #tpu.memory_space<vmem>> -> memref<1x128xi32, #tpu.memory_space<vmem>>
          %dma_start3A_113 = tpu.memref_squeeze %dma_start3A_112 : memref<1x128xi32, #tpu.memory_space<vmem>> -> memref<128xi32, #tpu.memory_space<vmem>>
          %dma_start3A_114 = arith.constant 0 : i32
          %dma_start3A_115 = arith.constant 0 : i32
          %dma_start3A_116 = tpu.memref_slice %arg15[%dma_start3A_114, %dma_start3A_115] : memref<10112x128xf32, #tpu.memory_space<vmem_shared>> -> memref<10112x128xf32, #tpu.memory_space<vmem_shared>>
          tpu.enqueue_indirect_dma source(%arg13 : memref<128x128xf32, #tpu.memory_space<vmem>>) target(%dma_start3A_116 : memref<10112x128xf32, #tpu.memory_space<vmem_shared>>) offsets(%dma_start3A_113 : memref<128xi32, #tpu.memory_space<vmem>>) semaphore(%arg19 : memref<!tpu.dma_semaphore, #tpu.memory_space<semaphore_mem>>) {add = true}
        }
        %scan3A_70 = arith.constant 20 : i32
      }
      %while3A_52 = arith.constant 1 : i32
      scf.for %while3A_57 = %while3A_50 to %while3A_46 step %while3A_52  : i32 {
        %gt3A_58 = arith.constant 0 : i32
        %gt3A_59 = arith.cmpi sgt, %while3A_57, %gt3A_58 : i32
        %convert_element_type3A_60 = arith.extui %gt3A_59 : i1 to i32
        %cond3A_61 = arith.constant 0 : i32
        %cond3A_62 = arith.cmpi ne, %convert_element_type3A_60, %cond3A_61 : i32
        scf.if %cond3A_62 {
          %dma_wait3A = arith.constant 0 : i32
          %dma_wait3A_71 = arith.constant 0 : i32
          %dma_wait3A_72 = tpu.memref_slice %arg3[%dma_wait3A, %dma_wait3A_71] : memref<10000x128xf32, #tpu.memory_space<hbm>> -> memref<128x128xf32, #tpu.memory_space<hbm>>
          %dma_wait3A_73 = arith.constant 0 : i32
          %dma_wait3A_74 = arith.constant 0 : i32
          %dma_wait3A_75 = tpu.memref_slice %arg3[%dma_wait3A_73, %dma_wait3A_74] : memref<10000x128xf32, #tpu.memory_space<hbm>> -> memref<128x128xf32, #tpu.memory_space<hbm>>
          tpu.wait_dma2 semaphore(%arg18 : memref<!tpu.dma_semaphore, #tpu.memory_space<semaphore_mem>>) src(%dma_wait3A_75 : memref<128x128xf32, #tpu.memory_space<hbm>>) dst(%arg12 : memref<128x128xf32, #tpu.memory_space<vmem>>)
          %dma_wait3A_76 = arith.constant 0 : i32
          %dma_wait3A_77 = arith.constant 0 : i32
          %dma_wait3A_78 = tpu.memref_slice %arg3[%dma_wait3A_76, %dma_wait3A_77] : memref<10000x128xf32, #tpu.memory_space<hbm>> -> memref<128x128xf32, #tpu.memory_space<hbm>>
          %dma_wait3A_79 = arith.constant 0 : i32
          %dma_wait3A_80 = arith.constant 0 : i32
          %dma_wait3A_81 = tpu.memref_slice %arg3[%dma_wait3A_79, %dma_wait3A_80] : memref<10000x128xf32, #tpu.memory_space<hbm>> -> memref<128x128xf32, #tpu.memory_space<hbm>>
          tpu.wait_dma2 semaphore(%arg19 : memref<!tpu.dma_semaphore, #tpu.memory_space<semaphore_mem>>) src(%dma_wait3A_81 : memref<128x128xf32, #tpu.memory_space<hbm>>) dst(%arg13 : memref<128x128xf32, #tpu.memory_space<vmem>>)
        } else {
        }
        %mul3A_63 = arith.constant 40 : i32
        %mul3A_64 = arith.muli %while3A_57, %mul3A_63 : i32
        %add3A_65 = arith.addi %select_n3A_24, %mul3A_64 : i32
        %multiple_of3A = tpu.assume_multiple %add3A_65, 8 : i32
        "tpu.region"() ({
          %run_scoped3A = tpu.sem_alloc : memref<!tpu.dma_semaphore, #tpu.memory_space<semaphore_mem>>
          %dma_start3A = arith.constant 0 : i32
          %dma_start3A_71 = tpu.memref_slice %arg4[%multiple_of3A, %dma_start3A] : memref<5120x128xi32, #tpu.memory_space<hbm>> -> memref<40x128xi32, #tpu.memory_space<hbm>>
          %dma_start3A_72 = arith.constant 0 : i32
          %dma_start3A_73 = tpu.memref_slice %arg4[%multiple_of3A, %dma_start3A_72] : memref<5120x128xi32, #tpu.memory_space<hbm>> -> memref<40x128xi32, #tpu.memory_space<hbm>>
          tpu.enqueue_dma source(%dma_start3A_73 : memref<40x128xi32, #tpu.memory_space<hbm>>) target(%arg10 : memref<40x128xi32, #tpu.memory_space<vmem>>) target_semaphore(%run_scoped3A : memref<!tpu.dma_semaphore, #tpu.memory_space<semaphore_mem>>)
          %dma_wait3A = arith.constant 0 : i32
          %dma_wait3A_74 = tpu.memref_slice %arg4[%multiple_of3A, %dma_wait3A] : memref<5120x128xi32, #tpu.memory_space<hbm>> -> memref<40x128xi32, #tpu.memory_space<hbm>>
          %dma_wait3A_75 = arith.constant 0 : i32
          %dma_wait3A_76 = tpu.memref_slice %arg4[%multiple_of3A, %dma_wait3A_75] : memref<5120x128xi32, #tpu.memory_space<hbm>> -> memref<40x128xi32, #tpu.memory_space<hbm>>
          tpu.wait_dma2 semaphore(%run_scoped3A : memref<!tpu.dma_semaphore, #tpu.memory_space<semaphore_mem>>) src(%dma_wait3A_76 : memref<40x128xi32, #tpu.memory_space<hbm>>) dst(%arg10 : memref<40x128xi32, #tpu.memory_space<vmem>>)
          tpu.yield
        }) : () -> ()
        "tpu.region"() ({
          %run_scoped3A = tpu.sem_alloc : memref<!tpu.dma_semaphore, #tpu.memory_space<semaphore_mem>>
          %dma_start3A = arith.constant 0 : i32
          %dma_start3A_71 = tpu.memref_slice %arg5[%multiple_of3A, %dma_start3A] : memref<5120x128xi32, #tpu.memory_space<hbm>> -> memref<40x128xi32, #tpu.memory_space<hbm>>
          %dma_start3A_72 = arith.constant 0 : i32
          %dma_start3A_73 = tpu.memref_slice %arg5[%multiple_of3A, %dma_start3A_72] : memref<5120x128xi32, #tpu.memory_space<hbm>> -> memref<40x128xi32, #tpu.memory_space<hbm>>
          tpu.enqueue_dma source(%dma_start3A_73 : memref<40x128xi32, #tpu.memory_space<hbm>>) target(%arg11 : memref<40x128xi32, #tpu.memory_space<vmem>>) target_semaphore(%run_scoped3A : memref<!tpu.dma_semaphore, #tpu.memory_space<semaphore_mem>>)
          %dma_wait3A = arith.constant 0 : i32
          %dma_wait3A_74 = tpu.memref_slice %arg5[%multiple_of3A, %dma_wait3A] : memref<5120x128xi32, #tpu.memory_space<hbm>> -> memref<40x128xi32, #tpu.memory_space<hbm>>
          %dma_wait3A_75 = arith.constant 0 : i32
          %dma_wait3A_76 = tpu.memref_slice %arg5[%multiple_of3A, %dma_wait3A_75] : memref<5120x128xi32, #tpu.memory_space<hbm>> -> memref<40x128xi32, #tpu.memory_space<hbm>>
          tpu.wait_dma2 semaphore(%run_scoped3A : memref<!tpu.dma_semaphore, #tpu.memory_space<semaphore_mem>>) src(%dma_wait3A_76 : memref<40x128xi32, #tpu.memory_space<hbm>>) dst(%arg11 : memref<40x128xi32, #tpu.memory_space<vmem>>)
          tpu.yield
        }) : () -> ()
        %scan3A = arith.constant 0 : i32
        %scan3A_66 = arith.constant 0 : i32
        %scan3A_67 = arith.constant 20 : i32
        %scan3A_68 = arith.addi %scan3A_66, %scan3A_67 : i32
        %scan3A_69 = arith.constant 1 : i32
        scf.for %scan3A_71 = %scan3A_66 to %scan3A_68 step %scan3A_69  : i32 {
          %mul3A_72 = arith.constant 2 : i32
          %mul3A_73 = arith.muli %mul3A_72, %scan3A_71 : i32
          %mul3A_74 = arith.constant 2 : i32
          %mul3A_75 = arith.muli %mul3A_74, %scan3A_71 : i32
          %add3A_76 = arith.constant 1 : i32
          %add3A_77 = arith.addi %mul3A_75, %add3A_76 : i32
          %gt3A_78 = arith.constant 0 : i32
          %gt3A_79 = arith.cmpi sgt, %scan3A_71, %gt3A_78 : i32
          %convert_element_type3A_80 = arith.extui %gt3A_79 : i1 to i32
          %cond3A_81 = arith.constant 0 : i32
          %cond3A_82 = arith.cmpi ne, %convert_element_type3A_80, %cond3A_81 : i32
          scf.if %cond3A_82 {
            %dma_wait3A_117 = arith.constant 0 : i32
            %dma_wait3A_118 = arith.constant 0 : i32
            %dma_wait3A_119 = tpu.memref_slice %arg3[%dma_wait3A_117, %dma_wait3A_118] : memref<10000x128xf32, #tpu.memory_space<hbm>> -> memref<128x128xf32, #tpu.memory_space<hbm>>
            %dma_wait3A_120 = arith.constant 0 : i32
            %dma_wait3A_121 = arith.constant 0 : i32
            %dma_wait3A_122 = tpu.memref_slice %arg3[%dma_wait3A_120, %dma_wait3A_121] : memref<10000x128xf32, #tpu.memory_space<hbm>> -> memref<128x128xf32, #tpu.memory_space<hbm>>
            tpu.wait_dma2 semaphore(%arg18 : memref<!tpu.dma_semaphore, #tpu.memory_space<semaphore_mem>>) src(%dma_wait3A_122 : memref<128x128xf32, #tpu.memory_space<hbm>>) dst(%arg12 : memref<128x128xf32, #tpu.memory_space<vmem>>)
            %dma_wait3A_123 = arith.constant 0 : i32
            %dma_wait3A_124 = arith.constant 0 : i32
            %dma_wait3A_125 = tpu.memref_slice %arg3[%dma_wait3A_123, %dma_wait3A_124] : memref<10000x128xf32, #tpu.memory_space<hbm>> -> memref<128x128xf32, #tpu.memory_space<hbm>>
            %dma_wait3A_126 = arith.constant 0 : i32
            %dma_wait3A_127 = arith.constant 0 : i32
            %dma_wait3A_128 = tpu.memref_slice %arg3[%dma_wait3A_126, %dma_wait3A_127] : memref<10000x128xf32, #tpu.memory_space<hbm>> -> memref<128x128xf32, #tpu.memory_space<hbm>>
            tpu.wait_dma2 semaphore(%arg19 : memref<!tpu.dma_semaphore, #tpu.memory_space<semaphore_mem>>) src(%dma_wait3A_128 : memref<128x128xf32, #tpu.memory_space<hbm>>) dst(%arg13 : memref<128x128xf32, #tpu.memory_space<vmem>>)
          } else {
          }
          %dma_start3A = arith.constant 0 : i32
          %dma_start3A_83 = tpu.memref_slice %arg10[%mul3A_73, %dma_start3A] : memref<40x128xi32, #tpu.memory_space<vmem>> -> memref<1x128xi32, #tpu.memory_space<vmem>>
          %dma_start3A_84 = tpu.memref_squeeze %dma_start3A_83 : memref<1x128xi32, #tpu.memory_space<vmem>> -> memref<128xi32, #tpu.memory_space<vmem>>
          %dma_start3A_85 = arith.constant 0 : i32
          %dma_start3A_86 = arith.constant 0 : i32
          %dma_start3A_87 = tpu.memref_slice %arg3[%dma_start3A_85, %dma_start3A_86] : memref<10000x128xf32, #tpu.memory_space<hbm>> -> memref<10000x128xf32, #tpu.memory_space<hbm>>
          tpu.enqueue_indirect_dma source(%dma_start3A_87 : memref<10000x128xf32, #tpu.memory_space<hbm>>) target(%arg12 : memref<128x128xf32, #tpu.memory_space<vmem>>) offsets(%dma_start3A_84 : memref<128xi32, #tpu.memory_space<vmem>>) semaphore(%arg16 : memref<!tpu.dma_semaphore, #tpu.memory_space<semaphore_mem>>)
          %dma_start3A_88 = arith.constant 0 : i32
          %dma_start3A_89 = tpu.memref_slice %arg10[%add3A_77, %dma_start3A_88] : memref<40x128xi32, #tpu.memory_space<vmem>> -> memref<1x128xi32, #tpu.memory_space<vmem>>
          %dma_start3A_90 = tpu.memref_squeeze %dma_start3A_89 : memref<1x128xi32, #tpu.memory_space<vmem>> -> memref<128xi32, #tpu.memory_space<vmem>>
          %dma_start3A_91 = arith.constant 0 : i32
          %dma_start3A_92 = arith.constant 0 : i32
          %dma_start3A_93 = tpu.memref_slice %arg3[%dma_start3A_91, %dma_start3A_92] : memref<10000x128xf32, #tpu.memory_space<hbm>> -> memref<10000x128xf32, #tpu.memory_space<hbm>>
          tpu.enqueue_indirect_dma source(%dma_start3A_93 : memref<10000x128xf32, #tpu.memory_space<hbm>>) target(%arg13 : memref<128x128xf32, #tpu.memory_space<vmem>>) offsets(%dma_start3A_90 : memref<128xi32, #tpu.memory_space<vmem>>) semaphore(%arg17 : memref<!tpu.dma_semaphore, #tpu.memory_space<semaphore_mem>>)
          %dma_wait3A = arith.constant 0 : i32
          %dma_wait3A_94 = tpu.memref_slice %arg10[%mul3A_73, %dma_wait3A] : memref<40x128xi32, #tpu.memory_space<vmem>> -> memref<1x128xi32, #tpu.memory_space<vmem>>
          %dma_wait3A_95 = tpu.memref_squeeze %dma_wait3A_94 : memref<1x128xi32, #tpu.memory_space<vmem>> -> memref<128xi32, #tpu.memory_space<vmem>>
          %dma_wait3A_96 = arith.constant 0 : i32
          %dma_wait3A_97 = arith.constant 0 : i32
          %dma_wait3A_98 = tpu.memref_slice %arg3[%dma_wait3A_96, %dma_wait3A_97] : memref<10000x128xf32, #tpu.memory_space<hbm>> -> memref<10000x128xf32, #tpu.memory_space<hbm>>
          tpu.wait_indirect_dma semaphore(%arg16 : memref<!tpu.dma_semaphore, #tpu.memory_space<semaphore_mem>>) src(%dma_wait3A_98 : memref<10000x128xf32, #tpu.memory_space<hbm>>) dst(%arg12 : memref<128x128xf32, #tpu.memory_space<vmem>>)
          %dma_start3A_99 = arith.constant 0 : i32
          %dma_start3A_100 = tpu.memref_slice %arg11[%mul3A_73, %dma_start3A_99] : memref<40x128xi32, #tpu.memory_space<vmem>> -> memref<1x128xi32, #tpu.memory_space<vmem>>
          %dma_start3A_101 = tpu.memref_squeeze %dma_start3A_100 : memref<1x128xi32, #tpu.memory_space<vmem>> -> memref<128xi32, #tpu.memory_space<vmem>>
          %dma_start3A_102 = arith.constant 0 : i32
          %dma_start3A_103 = arith.constant 0 : i32
          %dma_start3A_104 = tpu.memref_slice %arg15[%dma_start3A_102, %dma_start3A_103] : memref<10112x128xf32, #tpu.memory_space<vmem_shared>> -> memref<10112x128xf32, #tpu.memory_space<vmem_shared>>
          tpu.enqueue_indirect_dma source(%arg12 : memref<128x128xf32, #tpu.memory_space<vmem>>) target(%dma_start3A_104 : memref<10112x128xf32, #tpu.memory_space<vmem_shared>>) offsets(%dma_start3A_101 : memref<128xi32, #tpu.memory_space<vmem>>) semaphore(%arg18 : memref<!tpu.dma_semaphore, #tpu.memory_space<semaphore_mem>>) {add = true}
          %dma_wait3A_105 = arith.constant 0 : i32
          %dma_wait3A_106 = tpu.memref_slice %arg10[%add3A_77, %dma_wait3A_105] : memref<40x128xi32, #tpu.memory_space<vmem>> -> memref<1x128xi32, #tpu.memory_space<vmem>>
          %dma_wait3A_107 = tpu.memref_squeeze %dma_wait3A_106 : memref<1x128xi32, #tpu.memory_space<vmem>> -> memref<128xi32, #tpu.memory_space<vmem>>
          %dma_wait3A_108 = arith.constant 0 : i32
          %dma_wait3A_109 = arith.constant 0 : i32
          %dma_wait3A_110 = tpu.memref_slice %arg3[%dma_wait3A_108, %dma_wait3A_109] : memref<10000x128xf32, #tpu.memory_space<hbm>> -> memref<10000x128xf32, #tpu.memory_space<hbm>>
          tpu.wait_indirect_dma semaphore(%arg17 : memref<!tpu.dma_semaphore, #tpu.memory_space<semaphore_mem>>) src(%dma_wait3A_110 : memref<10000x128xf32, #tpu.memory_space<hbm>>) dst(%arg13 : memref<128x128xf32, #tpu.memory_space<vmem>>)
          %dma_start3A_111 = arith.constant 0 : i32
          %dma_start3A_112 = tpu.memref_slice %arg11[%add3A_77, %dma_start3A_111] : memref<40x128xi32, #tpu.memory_space<vmem>> -> memref<1x128xi32, #tpu.memory_space<vmem>>
          %dma_start3A_113 = tpu.memref_squeeze %dma_start3A_112 : memref<1x128xi32, #tpu.memory_space<vmem>> -> memref<128xi32, #tpu.memory_space<vmem>>
          %dma_start3A_114 = arith.constant 0 : i32
          %dma_start3A_115 = arith.constant 0 : i32
          %dma_start3A_116 = tpu.memref_slice %arg15[%dma_start3A_114, %dma_start3A_115] : memref<10112x128xf32, #tpu.memory_space<vmem_shared>> -> memref<10112x128xf32, #tpu.memory_space<vmem_shared>>
          tpu.enqueue_indirect_dma source(%arg13 : memref<128x128xf32, #tpu.memory_space<vmem>>) target(%dma_start3A_116 : memref<10112x128xf32, #tpu.memory_space<vmem_shared>>) offsets(%dma_start3A_113 : memref<128xi32, #tpu.memory_space<vmem>>) semaphore(%arg19 : memref<!tpu.dma_semaphore, #tpu.memory_space<semaphore_mem>>) {add = true}
        }
        %scan3A_70 = arith.constant 20 : i32
      }
      %gt3A = arith.constant 0 : i32
      %gt3A_53 = arith.cmpi sgt, %select_n3A, %gt3A : i32
      %convert_element_type3A_54 = arith.extui %gt3A_53 : i1 to i32
      %cond3A_55 = arith.constant 0 : i32
      %cond3A_56 = arith.cmpi ne, %convert_element_type3A_54, %cond3A_55 : i32
      scf.if %cond3A_56 {
        %dma_wait3A = arith.constant 0 : i32
        %dma_wait3A_57 = arith.constant 0 : i32
        %dma_wait3A_58 = tpu.memref_slice %arg3[%dma_wait3A, %dma_wait3A_57] : memref<10000x128xf32, #tpu.memory_space<hbm>> -> memref<128x128xf32, #tpu.memory_space<hbm>>
        %dma_wait3A_59 = arith.constant 0 : i32
        %dma_wait3A_60 = arith.constant 0 : i32
        %dma_wait3A_61 = tpu.memref_slice %arg3[%dma_wait3A_59, %dma_wait3A_60] : memref<10000x128xf32, #tpu.memory_space<hbm>> -> memref<128x128xf32, #tpu.memory_space<hbm>>
        tpu.wait_dma2 semaphore(%arg18 : memref<!tpu.dma_semaphore, #tpu.memory_space<semaphore_mem>>) src(%dma_wait3A_61 : memref<128x128xf32, #tpu.memory_space<hbm>>) dst(%arg12 : memref<128x128xf32, #tpu.memory_space<vmem>>)
        %dma_wait3A_62 = arith.constant 0 : i32
        %dma_wait3A_63 = arith.constant 0 : i32
        %dma_wait3A_64 = tpu.memref_slice %arg3[%dma_wait3A_62, %dma_wait3A_63] : memref<10000x128xf32, #tpu.memory_space<hbm>> -> memref<128x128xf32, #tpu.memory_space<hbm>>
        %dma_wait3A_65 = arith.constant 0 : i32
        %dma_wait3A_66 = arith.constant 0 : i32
        %dma_wait3A_67 = tpu.memref_slice %arg3[%dma_wait3A_65, %dma_wait3A_66] : memref<10000x128xf32, #tpu.memory_space<hbm>> -> memref<128x128xf32, #tpu.memory_space<hbm>>
        tpu.wait_dma2 semaphore(%arg19 : memref<!tpu.dma_semaphore, #tpu.memory_space<semaphore_mem>>) src(%dma_wait3A_67 : memref<128x128xf32, #tpu.memory_space<hbm>>) dst(%arg13 : memref<128x128xf32, #tpu.memory_space<vmem>>)
      } else {
      }
    } else {
    }
    %barrier3A_33 = arith.constant 0 : index
    tpu.barrier barrier_id(%barrier3A_33)
    %eq3A_34 = arith.constant 0 : i32
    %eq3A_35 = arith.cmpi eq, %arg0, %eq3A_34 : i32
    %convert_element_type3A_36 = arith.extui %eq3A_35 : i1 to i32
    %cond3A_37 = arith.constant 0 : i32
    %cond3A_38 = arith.cmpi ne, %convert_element_type3A_36, %cond3A_37 : i32
    scf.if %cond3A_38 {
      %lt3A = arith.constant 15 : i32
      %lt3A_44 = arith.cmpi slt, %arg1, %lt3A : i32
      %convert_element_type3A_45 = arith.extui %lt3A_44 : i1 to i32
      %cond3A_46 = arith.constant 0 : i32
      %cond3A_47 = arith.cmpi ne, %convert_element_type3A_45, %cond3A_46 : i32
      scf.if %cond3A_47 {
        %mul3A_53 = arith.constant 640 : i32
        %mul3A_54 = arith.muli %arg1, %mul3A_53 : i32
        %mul3A_55 = arith.constant 640 : i32
        %mul3A_56 = arith.muli %arg1, %mul3A_55 : i32
        "tpu.region"() ({
          %run_scoped3A = tpu.sem_alloc : memref<!tpu.dma_semaphore, #tpu.memory_space<semaphore_mem>>
          %dma_start3A = arith.constant 0 : i32
          %dma_start3A_57 = tpu.memref_slice %arg8[%mul3A_56, %dma_start3A] : memref<10000x128xf32, #tpu.memory_space<hbm>> -> memref<640x128xf32, #tpu.memory_space<hbm>>
          %dma_start3A_58 = arith.constant 0 : i32
          %dma_start3A_59 = tpu.memref_slice %arg15[%mul3A_54, %dma_start3A_58] : memref<10112x128xf32, #tpu.memory_space<vmem_shared>> -> memref<640x128xf32, #tpu.memory_space<vmem_shared>>
          tpu.enqueue_dma source(%dma_start3A_59 : memref<640x128xf32, #tpu.memory_space<vmem_shared>>) target(%dma_start3A_57 : memref<640x128xf32, #tpu.memory_space<hbm>>) target_semaphore(%run_scoped3A : memref<!tpu.dma_semaphore, #tpu.memory_space<semaphore_mem>>)
          %dma_wait3A = arith.constant 0 : i32
          %dma_wait3A_60 = tpu.memref_slice %arg8[%mul3A_56, %dma_wait3A] : memref<10000x128xf32, #tpu.memory_space<hbm>> -> memref<640x128xf32, #tpu.memory_space<hbm>>
          %dma_wait3A_61 = arith.constant 0 : i32
          %dma_wait3A_62 = tpu.memref_slice %arg15[%mul3A_54, %dma_wait3A_61] : memref<10112x128xf32, #tpu.memory_space<vmem_shared>> -> memref<640x128xf32, #tpu.memory_space<vmem_shared>>
          tpu.wait_dma2 semaphore(%run_scoped3A : memref<!tpu.dma_semaphore, #tpu.memory_space<semaphore_mem>>) src(%dma_wait3A_62 : memref<640x128xf32, #tpu.memory_space<vmem_shared>>) dst(%dma_wait3A_60 : memref<640x128xf32, #tpu.memory_space<hbm>>)
          tpu.yield
        }) : () -> ()
      } else {
      }
      %eq3A_48 = arith.constant 15 : i32
      %eq3A_49 = arith.cmpi eq, %arg1, %eq3A_48 : i32
      %convert_element_type3A_50 = arith.extui %eq3A_49 : i1 to i32
      %cond3A_51 = arith.constant 0 : i32
      %cond3A_52 = arith.cmpi ne, %convert_element_type3A_50, %cond3A_51 : i32
      scf.if %cond3A_52 {
        "tpu.region"() ({
          %run_scoped3A = tpu.sem_alloc : memref<!tpu.dma_semaphore, #tpu.memory_space<semaphore_mem>>
          %dma_start3A = arith.constant 9600 : i32
          %dma_start3A_53 = arith.constant 0 : i32
          %dma_start3A_54 = tpu.memref_slice %arg8[%dma_start3A, %dma_start3A_53] : memref<10000x128xf32, #tpu.memory_space<hbm>> -> memref<400x128xf32, #tpu.memory_space<hbm>>
          %dma_start3A_55 = arith.constant 9600 : i32
          %dma_start3A_56 = arith.constant 0 : i32
          %dma_start3A_57 = tpu.memref_slice %arg15[%dma_start3A_55, %dma_start3A_56] : memref<10112x128xf32, #tpu.memory_space<vmem_shared>> -> memref<400x128xf32, #tpu.memory_space<vmem_shared>>
          tpu.enqueue_dma source(%dma_start3A_57 : memref<400x128xf32, #tpu.memory_space<vmem_shared>>) target(%dma_start3A_54 : memref<400x128xf32, #tpu.memory_space<hbm>>) target_semaphore(%run_scoped3A : memref<!tpu.dma_semaphore, #tpu.memory_space<semaphore_mem>>)
          %dma_wait3A = arith.constant 9600 : i32
          %dma_wait3A_58 = arith.constant 0 : i32
          %dma_wait3A_59 = tpu.memref_slice %arg8[%dma_wait3A, %dma_wait3A_58] : memref<10000x128xf32, #tpu.memory_space<hbm>> -> memref<400x128xf32, #tpu.memory_space<hbm>>
          %dma_wait3A_60 = arith.constant 9600 : i32
          %dma_wait3A_61 = arith.constant 0 : i32
          %dma_wait3A_62 = tpu.memref_slice %arg15[%dma_wait3A_60, %dma_wait3A_61] : memref<10112x128xf32, #tpu.memory_space<vmem_shared>> -> memref<400x128xf32, #tpu.memory_space<vmem_shared>>
          tpu.wait_dma2 semaphore(%run_scoped3A : memref<!tpu.dma_semaphore, #tpu.memory_space<semaphore_mem>>) src(%dma_wait3A_62 : memref<400x128xf32, #tpu.memory_space<vmem_shared>>) dst(%dma_wait3A_59 : memref<400x128xf32, #tpu.memory_space<hbm>>)
          tpu.yield
        }) : () -> ()
      } else {
      }
    } else {
    }
    %eq3A_39 = arith.constant 1 : i32
    %eq3A_40 = arith.cmpi eq, %arg0, %eq3A_39 : i32
    %convert_element_type3A_41 = arith.extui %eq3A_40 : i1 to i32
    %cond3A_42 = arith.constant 0 : i32
    %cond3A_43 = arith.cmpi ne, %convert_element_type3A_41, %cond3A_42 : i32
    scf.if %cond3A_43 {
      %lt3A = arith.constant 15 : i32
      %lt3A_44 = arith.cmpi slt, %arg1, %lt3A : i32
      %convert_element_type3A_45 = arith.extui %lt3A_44 : i1 to i32
      %cond3A_46 = arith.constant 0 : i32
      %cond3A_47 = arith.cmpi ne, %convert_element_type3A_45, %cond3A_46 : i32
      scf.if %cond3A_47 {
        %mul3A_53 = arith.constant 640 : i32
        %mul3A_54 = arith.muli %arg1, %mul3A_53 : i32
        %mul3A_55 = arith.constant 640 : i32
        %mul3A_56 = arith.muli %arg1, %mul3A_55 : i32
        "tpu.region"() ({
          %run_scoped3A = tpu.sem_alloc : memref<!tpu.dma_semaphore, #tpu.memory_space<semaphore_mem>>
          %dma_start3A = arith.constant 0 : i32
          %dma_start3A_57 = tpu.memref_slice %arg9[%mul3A_56, %dma_start3A] : memref<10000x128xf32, #tpu.memory_space<hbm>> -> memref<640x128xf32, #tpu.memory_space<hbm>>
          %dma_start3A_58 = arith.constant 0 : i32
          %dma_start3A_59 = tpu.memref_slice %arg15[%mul3A_54, %dma_start3A_58] : memref<10112x128xf32, #tpu.memory_space<vmem_shared>> -> memref<640x128xf32, #tpu.memory_space<vmem_shared>>
          tpu.enqueue_dma source(%dma_start3A_59 : memref<640x128xf32, #tpu.memory_space<vmem_shared>>) target(%dma_start3A_57 : memref<640x128xf32, #tpu.memory_space<hbm>>) target_semaphore(%run_scoped3A : memref<!tpu.dma_semaphore, #tpu.memory_space<semaphore_mem>>)
          %dma_wait3A = arith.constant 0 : i32
          %dma_wait3A_60 = tpu.memref_slice %arg9[%mul3A_56, %dma_wait3A] : memref<10000x128xf32, #tpu.memory_space<hbm>> -> memref<640x128xf32, #tpu.memory_space<hbm>>
          %dma_wait3A_61 = arith.constant 0 : i32
          %dma_wait3A_62 = tpu.memref_slice %arg15[%mul3A_54, %dma_wait3A_61] : memref<10112x128xf32, #tpu.memory_space<vmem_shared>> -> memref<640x128xf32, #tpu.memory_space<vmem_shared>>
          tpu.wait_dma2 semaphore(%run_scoped3A : memref<!tpu.dma_semaphore, #tpu.memory_space<semaphore_mem>>) src(%dma_wait3A_62 : memref<640x128xf32, #tpu.memory_space<vmem_shared>>) dst(%dma_wait3A_60 : memref<640x128xf32, #tpu.memory_space<hbm>>)
          tpu.yield
        }) : () -> ()
      } else {
      }
      %eq3A_48 = arith.constant 15 : i32
      %eq3A_49 = arith.cmpi eq, %arg1, %eq3A_48 : i32
      %convert_element_type3A_50 = arith.extui %eq3A_49 : i1 to i32
      %cond3A_51 = arith.constant 0 : i32
      %cond3A_52 = arith.cmpi ne, %convert_element_type3A_50, %cond3A_51 : i32
      scf.if %cond3A_52 {
        "tpu.region"() ({
          %run_scoped3A = tpu.sem_alloc : memref<!tpu.dma_semaphore, #tpu.memory_space<semaphore_mem>>
          %dma_start3A = arith.constant 9600 : i32
          %dma_start3A_53 = arith.constant 0 : i32
          %dma_start3A_54 = tpu.memref_slice %arg9[%dma_start3A, %dma_start3A_53] : memref<10000x128xf32, #tpu.memory_space<hbm>> -> memref<400x128xf32, #tpu.memory_space<hbm>>
          %dma_start3A_55 = arith.constant 9600 : i32
          %dma_start3A_56 = arith.constant 0 : i32
          %dma_start3A_57 = tpu.memref_slice %arg15[%dma_start3A_55, %dma_start3A_56] : memref<10112x128xf32, #tpu.memory_space<vmem_shared>> -> memref<400x128xf32, #tpu.memory_space<vmem_shared>>
          tpu.enqueue_dma source(%dma_start3A_57 : memref<400x128xf32, #tpu.memory_space<vmem_shared>>) target(%dma_start3A_54 : memref<400x128xf32, #tpu.memory_space<hbm>>) target_semaphore(%run_scoped3A : memref<!tpu.dma_semaphore, #tpu.memory_space<semaphore_mem>>)
          %dma_wait3A = arith.constant 9600 : i32
          %dma_wait3A_58 = arith.constant 0 : i32
          %dma_wait3A_59 = tpu.memref_slice %arg9[%dma_wait3A, %dma_wait3A_58] : memref<10000x128xf32, #tpu.memory_space<hbm>> -> memref<400x128xf32, #tpu.memory_space<hbm>>
          %dma_wait3A_60 = arith.constant 9600 : i32
          %dma_wait3A_61 = arith.constant 0 : i32
          %dma_wait3A_62 = tpu.memref_slice %arg15[%dma_wait3A_60, %dma_wait3A_61] : memref<10112x128xf32, #tpu.memory_space<vmem_shared>> -> memref<400x128xf32, #tpu.memory_space<vmem_shared>>
          tpu.wait_dma2 semaphore(%run_scoped3A : memref<!tpu.dma_semaphore, #tpu.memory_space<semaphore_mem>>) src(%dma_wait3A_62 : memref<400x128xf32, #tpu.memory_space<vmem_shared>>) dst(%dma_wait3A_59 : memref<400x128xf32, #tpu.memory_space<hbm>>)
          tpu.yield
        }) : () -> ()
      } else {
      }
    } else {
    }
    return
  }
}

module attributes {stable_mosaic.version = 14 : i64} {
  func.func @body(%arg0: i32, %arg1: memref<1000x128xf32, #tpu.memory_space<vmem>>, %arg2: memref<1000x128xf32, #tpu.memory_space<vmem>>, %arg3: memref<1000x128xf32, #tpu.memory_space<vmem>>, %arg4: memref<128x256xf32, #tpu.memory_space<vmem>>, %arg5: memref<1x256xf32, #tpu.memory_space<vmem>>, %arg6: memref<256x256xf32, #tpu.memory_space<vmem>>, %arg7: memref<1x256xf32, #tpu.memory_space<vmem>>, %arg8: memref<1000x256xf32, #tpu.memory_space<vmem>>, %arg9: memref<1x256xf32, #tpu.memory_space<vmem>>, %arg10: memref<1x256xf32, #tpu.memory_space<vmem>>) attributes {dimension_semantics = [#tpu.dimension_semantics<arbitrary>], iteration_bounds = array<i64: 10>, scalar_prefetch = 0 : i64, scratch_operands = 0 : i64, tpu.core_type = #tpu.core_type<tc>, window_params = [{transform_indices = @transform_0, window_bounds = array<i64: 1000, 128>}, {transform_indices = @transform_1, window_bounds = array<i64: 1000, 128>}, {transform_indices = @transform_2, window_bounds = array<i64: 1000, 128>}, {pipeline_mode = #tpu.pipeline_mode<synchronous>, transform_indices = @transform_3, window_bounds = array<i64: 128, 256>}, {pipeline_mode = #tpu.pipeline_mode<synchronous>, transform_indices = @transform_4, window_bounds = array<i64: 1, 256>}, {pipeline_mode = #tpu.pipeline_mode<synchronous>, transform_indices = @transform_5, window_bounds = array<i64: 256, 256>}, {pipeline_mode = #tpu.pipeline_mode<synchronous>, transform_indices = @transform_6, window_bounds = array<i64: 1, 256>}, {transform_indices = @transform_7, window_bounds = array<i64: 1000, 256>}, {pipeline_mode = #tpu.pipeline_mode<synchronous>, transform_indices = @transform_8, window_bounds = array<i64: 1, 256>}, {pipeline_mode = #tpu.pipeline_mode<synchronous>, transform_indices = @transform_9, window_bounds = array<i64: 1, 256>}]} {
    %get3A = arith.constant 0 : index
    %get3A_0 = arith.constant 0 : index
    %get3A_1 = vector.load %arg2[%get3A, %get3A_0] : memref<1000x128xf32, #tpu.memory_space<vmem>>, vector<1000x128xf32>
    %get3A_2 = arith.constant 0 : index
    %get3A_3 = arith.constant 0 : index
    %get3A_4 = vector.load %arg3[%get3A_2, %get3A_3] : memref<1000x128xf32, #tpu.memory_space<vmem>>, vector<1000x128xf32>
    %add3A = arith.addf %get3A_1, %get3A_4 : vector<1000x128xf32>
    %get3A_5 = arith.constant 0 : index
    %get3A_6 = arith.constant 0 : index
    %get3A_7 = vector.load %arg1[%get3A_5, %get3A_6] : memref<1000x128xf32, #tpu.memory_space<vmem>>, vector<1000x128xf32>
    %add3A_8 = arith.addf %get3A_7, %add3A : vector<1000x128xf32>
    %get3A_9 = arith.constant 0 : index
    %get3A_10 = arith.constant 0 : index
    %get3A_11 = vector.load %arg4[%get3A_9, %get3A_10] : memref<128x256xf32, #tpu.memory_space<vmem>>, vector<128x256xf32>
    %dot_general3A = arith.constant dense<0.000000e+00> : vector<1000x256xf32>
    %dot_general3A_12 = tpu.matmul %add3A_8, %get3A_11, %dot_general3A {dimension_numbers = #tpu.dot_dimension_numbers<[1], [0], [0], [1], [0, 0, 1, 1], [], []>, transpose_lhs_hint = false} : vector<1000x128xf32>, vector<128x256xf32>, vector<1000x256xf32> -> vector<1000x256xf32>
    %get3A_13 = arith.constant 0 : index
    %get3A_14 = arith.constant 0 : index
    %get3A_15 = vector.load %arg5[%get3A_13, %get3A_14] : memref<1x256xf32, #tpu.memory_space<vmem>>, vector<1x256xf32>
    %add3A_16 = vector.broadcast %get3A_15 : vector<1x256xf32> to vector<1000x256xf32>
    %add3A_17 = arith.addf %dot_general3A_12, %add3A_16 : vector<1000x256xf32>
    %max3A = arith.constant 0.000000e+00 : f32
    %max3A_18 = vector.broadcast %max3A : f32 to vector<1000x256xf32>
    %max3A_19 = arith.maximumf %add3A_17, %max3A_18 : vector<1000x256xf32>
    %get3A_20 = arith.constant 0 : index
    %get3A_21 = arith.constant 0 : index
    %get3A_22 = vector.load %arg6[%get3A_20, %get3A_21] : memref<256x256xf32, #tpu.memory_space<vmem>>, vector<256x256xf32>
    %dot_general3A_23 = arith.constant dense<0.000000e+00> : vector<1000x256xf32>
    %dot_general3A_24 = tpu.matmul %max3A_19, %get3A_22, %dot_general3A_23 {dimension_numbers = #tpu.dot_dimension_numbers<[1], [0], [0], [1], [0, 0, 1, 1], [], []>, transpose_lhs_hint = false} : vector<1000x256xf32>, vector<256x256xf32>, vector<1000x256xf32> -> vector<1000x256xf32>
    %get3A_25 = arith.constant 0 : index
    %get3A_26 = arith.constant 0 : index
    %get3A_27 = vector.load %arg7[%get3A_25, %get3A_26] : memref<1x256xf32, #tpu.memory_space<vmem>>, vector<1x256xf32>
    %add3A_28 = vector.broadcast %get3A_27 : vector<1x256xf32> to vector<1000x256xf32>
    %add3A_29 = arith.addf %dot_general3A_24, %add3A_28 : vector<1000x256xf32>
    %max3A_30 = arith.constant 0.000000e+00 : f32
    %max3A_31 = vector.broadcast %max3A_30 : f32 to vector<1000x256xf32>
    %max3A_32 = arith.maximumf %add3A_29, %max3A_31 : vector<1000x256xf32>
    %swap3A = arith.constant 0 : index
    %swap3A_33 = arith.constant 0 : index
    %swap3A_34 = vector.load %arg8[%swap3A, %swap3A_33] : memref<1000x256xf32, #tpu.memory_space<vmem>>, vector<1000x256xf32>
    tpu.vector_store %arg8[%swap3A, %swap3A_33], %max3A_32 {strides = array<i32>} : memref<1000x256xf32, #tpu.memory_space<vmem>>, vector<1000x256xf32>,
    %eq3A = arith.constant 0 : i32
    %eq3A_35 = arith.cmpi eq, %arg0, %eq3A : i32
    %convert_element_type3A = arith.extui %eq3A_35 : i1 to i32
    %cond3A = arith.constant 0 : i32
    %cond3A_36 = arith.cmpi ne, %convert_element_type3A, %cond3A : i32
    scf.if %cond3A_36 {
      %broadcast_in_dim3A_55 = arith.constant 0.000000e+00 : f32
      %broadcast_in_dim3A_56 = vector.broadcast %broadcast_in_dim3A_55 : f32 to vector<1x256xf32>
      %swap3A_57 = arith.constant 0 : index
      %swap3A_58 = arith.constant 0 : index
      %swap3A_59 = vector.load %arg9[%swap3A_57, %swap3A_58] : memref<1x256xf32, #tpu.memory_space<vmem>>, vector<1x256xf32>
      tpu.vector_store %arg9[%swap3A_57, %swap3A_58], %broadcast_in_dim3A_56 {strides = array<i32>} : memref<1x256xf32, #tpu.memory_space<vmem>>, vector<1x256xf32>,
      %broadcast_in_dim3A_60 = arith.constant 0.000000e+00 : f32
      %broadcast_in_dim3A_61 = vector.broadcast %broadcast_in_dim3A_60 : f32 to vector<1x256xf32>
      %swap3A_62 = arith.constant 0 : index
      %swap3A_63 = arith.constant 0 : index
      %swap3A_64 = vector.load %arg10[%swap3A_62, %swap3A_63] : memref<1x256xf32, #tpu.memory_space<vmem>>, vector<1x256xf32>
      tpu.vector_store %arg10[%swap3A_62, %swap3A_63], %broadcast_in_dim3A_61 {strides = array<i32>} : memref<1x256xf32, #tpu.memory_space<vmem>>, vector<1x256xf32>,
    } else {
    }
    %get3A_37 = arith.constant 0 : index
    %get3A_38 = arith.constant 0 : index
    %get3A_39 = vector.load %arg9[%get3A_37, %get3A_38] : memref<1x256xf32, #tpu.memory_space<vmem>>, vector<1x256xf32>
    %reduce_sum3A = arith.constant dense<0.000000e+00> : vector<256xf32>
    %reduce_sum3A_40 = vector.multi_reduction <add>, %max3A_32, %reduce_sum3A [0] : vector<1000x256xf32> to vector<256xf32>
    %broadcast_in_dim3A = vector.shape_cast %reduce_sum3A_40 : vector<256xf32> to vector<1x256xf32>
    %add3A_41 = arith.addf %get3A_39, %broadcast_in_dim3A : vector<1x256xf32>
    %swap3A_42 = arith.constant 0 : index
    %swap3A_43 = arith.constant 0 : index
    %swap3A_44 = vector.load %arg9[%swap3A_42, %swap3A_43] : memref<1x256xf32, #tpu.memory_space<vmem>>, vector<1x256xf32>
    tpu.vector_store %arg9[%swap3A_42, %swap3A_43], %add3A_41 {strides = array<i32>} : memref<1x256xf32, #tpu.memory_space<vmem>>, vector<1x256xf32>,
    %get3A_45 = arith.constant 0 : index
    %get3A_46 = arith.constant 0 : index
    %get3A_47 = vector.load %arg10[%get3A_45, %get3A_46] : memref<1x256xf32, #tpu.memory_space<vmem>>, vector<1x256xf32>
    %mul3A = arith.mulf %max3A_32, %max3A_32 : vector<1000x256xf32>
    %reduce_sum3A_48 = arith.constant dense<0.000000e+00> : vector<256xf32>
    %reduce_sum3A_49 = vector.multi_reduction <add>, %mul3A, %reduce_sum3A_48 [0] : vector<1000x256xf32> to vector<256xf32>
    %broadcast_in_dim3A_50 = vector.shape_cast %reduce_sum3A_49 : vector<256xf32> to vector<1x256xf32>
    %add3A_51 = arith.addf %get3A_47, %broadcast_in_dim3A_50 : vector<1x256xf32>
    %swap3A_52 = arith.constant 0 : index
    %swap3A_53 = arith.constant 0 : index
    %swap3A_54 = vector.load %arg10[%swap3A_52, %swap3A_53] : memref<1x256xf32, #tpu.memory_space<vmem>>, vector<1x256xf32>
    tpu.vector_store %arg10[%swap3A_52, %swap3A_53], %add3A_51 {strides = array<i32>} : memref<1x256xf32, #tpu.memory_space<vmem>>, vector<1x256xf32>,
    return
  }
  func.func @transform_0(%arg0: i32) -> (i32, i32) {
    %c0_i32 = arith.constant 0 : i32
    %c0_i32_0 = arith.constant 0 : i32
    return %arg0, %c0_i32 : i32, i32
  }
  func.func @transform_1(%arg0: i32) -> (i32, i32) {
    %c0_i32 = arith.constant 0 : i32
    %c0_i32_0 = arith.constant 0 : i32
    return %arg0, %c0_i32 : i32, i32
  }
  func.func @transform_2(%arg0: i32) -> (i32, i32) {
    %c0_i32 = arith.constant 0 : i32
    %c0_i32_0 = arith.constant 0 : i32
    return %arg0, %c0_i32 : i32, i32
  }
  func.func @transform_3(%arg0: i32) -> (i32, i32) {
    %c0_i32 = arith.constant 0 : i32
    %c0_i32_0 = arith.constant 0 : i32
    %c0_i32_1 = arith.constant 0 : i32
    return %c0_i32, %c0_i32_0 : i32, i32
  }
  func.func @transform_4(%arg0: i32) -> (i32, i32) {
    %c0_i32 = arith.constant 0 : i32
    %c0_i32_0 = arith.constant 0 : i32
    %c0_i32_1 = arith.constant 0 : i32
    return %c0_i32, %c0_i32_0 : i32, i32
  }
  func.func @transform_5(%arg0: i32) -> (i32, i32) {
    %c0_i32 = arith.constant 0 : i32
    %c0_i32_0 = arith.constant 0 : i32
    %c0_i32_1 = arith.constant 0 : i32
    return %c0_i32, %c0_i32_0 : i32, i32
  }
  func.func @transform_6(%arg0: i32) -> (i32, i32) {
    %c0_i32 = arith.constant 0 : i32
    %c0_i32_0 = arith.constant 0 : i32
    %c0_i32_1 = arith.constant 0 : i32
    return %c0_i32, %c0_i32_0 : i32, i32
  }
  func.func @transform_7(%arg0: i32) -> (i32, i32) {
    %c0_i32 = arith.constant 0 : i32
    %c0_i32_0 = arith.constant 0 : i32
    return %arg0, %c0_i32 : i32, i32
  }
  func.func @transform_8(%arg0: i32) -> (i32, i32) {
    %c0_i32 = arith.constant 0 : i32
    %c0_i32_0 = arith.constant 0 : i32
    %c0_i32_1 = arith.constant 0 : i32
    return %c0_i32, %c0_i32_0 : i32, i32
  }
  func.func @transform_9(%arg0: i32) -> (i32, i32) {
    %c0_i32 = arith.constant 0 : i32
    %c0_i32_0 = arith.constant 0 : i32
    %c0_i32_1 = arith.constant 0 : i32
    return %c0_i32, %c0_i32_0 : i32, i32
  }
}

module attributes {stable_mosaic.version = 14 : i64} {
  func.func @body(%arg0: i32, %arg1: memref<1000x256xf32, #tpu.memory_space<vmem>>, %arg2: memref<1x256xf32, #tpu.memory_space<vmem>>, %arg3: memref<1x256xf32, #tpu.memory_space<vmem>>, %arg4: memref<1000x1xi32, #tpu.memory_space<vmem>>, %arg5: memref<1000x256xf32, #tpu.memory_space<vmem>>, %arg6: memref<1000x128xf32, #tpu.memory_space<vmem>>, %arg7: memref<1000x128xf32, #tpu.memory_space<vmem>>, %arg8: memref<128x256xf32, #tpu.memory_space<vmem>>) attributes {dimension_semantics = [#tpu.dimension_semantics<arbitrary>], iteration_bounds = array<i64: 10>, scalar_prefetch = 0 : i64, scratch_operands = 0 : i64, tpu.core_type = #tpu.core_type<tc>, window_params = [{transform_indices = @transform_0, window_bounds = array<i64: 1000, 256>}, {pipeline_mode = #tpu.pipeline_mode<synchronous>, transform_indices = @transform_1, window_bounds = array<i64: 1, 256>}, {pipeline_mode = #tpu.pipeline_mode<synchronous>, transform_indices = @transform_2, window_bounds = array<i64: 1, 256>}, {transform_indices = @transform_3, window_bounds = array<i64: 1000, 1>}, {transform_indices = @transform_4, window_bounds = array<i64: 1000, 256>}, {transform_indices = @transform_5, window_bounds = array<i64: 1000, 128>}, {transform_indices = @transform_6, window_bounds = array<i64: 1000, 128>}, {pipeline_mode = #tpu.pipeline_mode<synchronous>, transform_indices = @transform_7, window_bounds = array<i64: 128, 256>}]} {
    %get3A = arith.constant 0 : index
    %get3A_0 = arith.constant 0 : index
    %get3A_1 = vector.load %arg2[%get3A, %get3A_0] : memref<1x256xf32, #tpu.memory_space<vmem>>, vector<1x256xf32>
    %mul3A = arith.constant 9.99999974E-5 : f32
    %mul3A_2 = vector.broadcast %mul3A : f32 to vector<1x256xf32>
    %mul3A_3 = arith.mulf %get3A_1, %mul3A_2 : vector<1x256xf32>
    %get3A_4 = arith.constant 0 : index
    %get3A_5 = arith.constant 0 : index
    %get3A_6 = vector.load %arg3[%get3A_4, %get3A_5] : memref<1x256xf32, #tpu.memory_space<vmem>>, vector<1x256xf32>
    %mul3A_7 = arith.constant 9.99999974E-5 : f32
    %mul3A_8 = vector.broadcast %mul3A_7 : f32 to vector<1x256xf32>
    %mul3A_9 = arith.mulf %get3A_6, %mul3A_8 : vector<1x256xf32>
    %mul3A_10 = arith.mulf %mul3A_3, %mul3A_3 : vector<1x256xf32>
    %sub3A = arith.subf %mul3A_9, %mul3A_10 : vector<1x256xf32>
    %add3A = arith.constant 9.99999974E-6 : f32
    %add3A_11 = vector.broadcast %add3A : f32 to vector<1x256xf32>
    %add3A_12 = arith.addf %sub3A, %add3A_11 : vector<1x256xf32>
    %rsqrt3A = math.rsqrt %add3A_12 : vector<1x256xf32>
    %get3A_13 = arith.constant 0 : index
    %get3A_14 = arith.constant 0 : index
    %get3A_15 = vector.load %arg1[%get3A_13, %get3A_14] : memref<1000x256xf32, #tpu.memory_space<vmem>>, vector<1000x256xf32>
    %sub3A_16 = vector.broadcast %mul3A_3 : vector<1x256xf32> to vector<1000x256xf32>
    %sub3A_17 = arith.subf %get3A_15, %sub3A_16 : vector<1000x256xf32>
    %mul3A_18 = vector.broadcast %rsqrt3A : vector<1x256xf32> to vector<1000x256xf32>
    %mul3A_19 = arith.mulf %sub3A_17, %mul3A_18 : vector<1000x256xf32>
    %swap3A = arith.constant 0 : index
    %swap3A_20 = arith.constant 0 : index
    %swap3A_21 = vector.load %arg5[%swap3A, %swap3A_20] : memref<1000x256xf32, #tpu.memory_space<vmem>>, vector<1000x256xf32>
    tpu.vector_store %arg5[%swap3A, %swap3A_20], %mul3A_19 {strides = array<i32>} : memref<1000x256xf32, #tpu.memory_space<vmem>>, vector<1000x256xf32>,
    %slice3A = vector.extract_strided_slice %mul3A_19 {offsets = [0, 0], sizes = [1000, 128], strides = [1, 1]} : vector<1000x256xf32> to vector<1000x128xf32>
    %swap3A_22 = arith.constant 0 : index
    %swap3A_23 = arith.constant 0 : index
    %swap3A_24 = vector.load %arg6[%swap3A_22, %swap3A_23] : memref<1000x128xf32, #tpu.memory_space<vmem>>, vector<1000x128xf32>
    tpu.vector_store %arg6[%swap3A_22, %swap3A_23], %slice3A {strides = array<i32>} : memref<1000x128xf32, #tpu.memory_space<vmem>>, vector<1000x128xf32>,
    %slice3A_25 = vector.extract_strided_slice %mul3A_19 {offsets = [0, 128], sizes = [1000, 128], strides = [1, 1]} : vector<1000x256xf32> to vector<1000x128xf32>
    %swap3A_26 = arith.constant 0 : index
    %swap3A_27 = arith.constant 0 : index
    %swap3A_28 = vector.load %arg7[%swap3A_26, %swap3A_27] : memref<1000x128xf32, #tpu.memory_space<vmem>>, vector<1000x128xf32>
    tpu.vector_store %arg7[%swap3A_26, %swap3A_27], %slice3A_25 {strides = array<i32>} : memref<1000x128xf32, #tpu.memory_space<vmem>>, vector<1000x128xf32>,
    %get3A_29 = arith.constant 0 : index
    %get3A_30 = arith.constant 0 : index
    %get3A_31 = vector.load %arg4[%get3A_29, %get3A_30] : memref<1000x1xi32, #tpu.memory_space<vmem>>, vector<1000x1xi32>
    %iota3A = tpu.iota {dimensions = array<i32: 1>} : vector<1000x128xi32>
    %eq3A = vector.broadcast %get3A_31 : vector<1000x1xi32> to vector<1000x128xi32>
    %eq3A_32 = arith.cmpi eq, %eq3A, %iota3A : vector<1000x128xi32>
    %convert_element_type3A = arith.extui %eq3A_32 : vector<1000x128xi1> to vector<1000x128xi32>
    %convert_element_type3A_33 = arith.sitofp %convert_element_type3A : vector<1000x128xi32> to vector<1000x128xf32>
    %eq3A_34 = arith.constant 0 : i32
    %eq3A_35 = arith.cmpi eq, %arg0, %eq3A_34 : i32
    %convert_element_type3A_36 = arith.extui %eq3A_35 : i1 to i32
    %cond3A = arith.constant 0 : i32
    %cond3A_37 = arith.cmpi ne, %convert_element_type3A_36, %cond3A : i32
    scf.if %cond3A_37 {
      %broadcast_in_dim3A = arith.constant 0.000000e+00 : f32
      %broadcast_in_dim3A_46 = vector.broadcast %broadcast_in_dim3A : f32 to vector<128x256xf32>
      %swap3A_47 = arith.constant 0 : index
      %swap3A_48 = arith.constant 0 : index
      %swap3A_49 = vector.load %arg8[%swap3A_47, %swap3A_48] : memref<128x256xf32, #tpu.memory_space<vmem>>, vector<128x256xf32>
      tpu.vector_store %arg8[%swap3A_47, %swap3A_48], %broadcast_in_dim3A_46 {strides = array<i32>} : memref<128x256xf32, #tpu.memory_space<vmem>>, vector<128x256xf32>,
    } else {
    }
    %get3A_38 = arith.constant 0 : index
    %get3A_39 = arith.constant 0 : index
    %get3A_40 = vector.load %arg8[%get3A_38, %get3A_39] : memref<128x256xf32, #tpu.memory_space<vmem>>, vector<128x256xf32>
    %dot_general3A = arith.constant dense<0.000000e+00> : vector<128x256xf32>
    %dot_general3A_41 = tpu.matmul %convert_element_type3A_33, %mul3A_19, %dot_general3A {dimension_numbers = #tpu.dot_dimension_numbers<[0], [0], [1], [1], [0, 1, 1, 1], [], []>, transpose_lhs_hint = false} : vector<1000x128xf32>, vector<1000x256xf32>, vector<128x256xf32> -> vector<128x256xf32>
    %add3A_42 = arith.addf %get3A_40, %dot_general3A_41 : vector<128x256xf32>
    %swap3A_43 = arith.constant 0 : index
    %swap3A_44 = arith.constant 0 : index
    %swap3A_45 = vector.load %arg8[%swap3A_43, %swap3A_44] : memref<128x256xf32, #tpu.memory_space<vmem>>, vector<128x256xf32>
    tpu.vector_store %arg8[%swap3A_43, %swap3A_44], %add3A_42 {strides = array<i32>} : memref<128x256xf32, #tpu.memory_space<vmem>>, vector<128x256xf32>,
    return
  }
  func.func @transform_0(%arg0: i32) -> (i32, i32) {
    %c0_i32 = arith.constant 0 : i32
    %c0_i32_0 = arith.constant 0 : i32
    return %arg0, %c0_i32 : i32, i32
  }
  func.func @transform_1(%arg0: i32) -> (i32, i32) {
    %c0_i32 = arith.constant 0 : i32
    %c0_i32_0 = arith.constant 0 : i32
    %c0_i32_1 = arith.constant 0 : i32
    return %c0_i32, %c0_i32_0 : i32, i32
  }
  func.func @transform_2(%arg0: i32) -> (i32, i32) {
    %c0_i32 = arith.constant 0 : i32
    %c0_i32_0 = arith.constant 0 : i32
    %c0_i32_1 = arith.constant 0 : i32
    return %c0_i32, %c0_i32_0 : i32, i32
  }
  func.func @transform_3(%arg0: i32) -> (i32, i32) {
    %c0_i32 = arith.constant 0 : i32
    %c0_i32_0 = arith.constant 0 : i32
    return %arg0, %c0_i32 : i32, i32
  }
  func.func @transform_4(%arg0: i32) -> (i32, i32) {
    %c0_i32 = arith.constant 0 : i32
    %c0_i32_0 = arith.constant 0 : i32
    return %arg0, %c0_i32 : i32, i32
  }
  func.func @transform_5(%arg0: i32) -> (i32, i32) {
    %c0_i32 = arith.constant 0 : i32
    %c0_i32_0 = arith.constant 0 : i32
    return %arg0, %c0_i32 : i32, i32
  }
  func.func @transform_6(%arg0: i32) -> (i32, i32) {
    %c0_i32 = arith.constant 0 : i32
    %c0_i32_0 = arith.constant 0 : i32
    return %arg0, %c0_i32 : i32, i32
  }
  func.func @transform_7(%arg0: i32) -> (i32, i32) {
    %c0_i32 = arith.constant 0 : i32
    %c0_i32_0 = arith.constant 0 : i32
    %c0_i32_1 = arith.constant 0 : i32
    return %c0_i32, %c0_i32_0 : i32, i32
  }
}

module attributes {stable_mosaic.version = 14 : i64} {
  func.func @body(%arg0: i32, %arg1: memref<1000x256xf32, #tpu.memory_space<vmem>>, %arg2: memref<1000x128xf32, #tpu.memory_space<vmem>>, %arg3: memref<1000x128xf32, #tpu.memory_space<vmem>>, %arg4: memref<256x256xf32, #tpu.memory_space<vmem>>, %arg5: memref<1x256xf32, #tpu.memory_space<vmem>>, %arg6: memref<256x256xf32, #tpu.memory_space<vmem>>, %arg7: memref<1x256xf32, #tpu.memory_space<vmem>>, %arg8: memref<1000x256xf32, #tpu.memory_space<vmem>>, %arg9: memref<1x256xf32, #tpu.memory_space<vmem>>, %arg10: memref<1x256xf32, #tpu.memory_space<vmem>>) attributes {dimension_semantics = [#tpu.dimension_semantics<arbitrary>], iteration_bounds = array<i64: 10>, scalar_prefetch = 0 : i64, scratch_operands = 0 : i64, tpu.core_type = #tpu.core_type<tc>, window_params = [{transform_indices = @transform_0, window_bounds = array<i64: 1000, 256>}, {transform_indices = @transform_1, window_bounds = array<i64: 1000, 128>}, {transform_indices = @transform_2, window_bounds = array<i64: 1000, 128>}, {pipeline_mode = #tpu.pipeline_mode<synchronous>, transform_indices = @transform_3, window_bounds = array<i64: 256, 256>}, {pipeline_mode = #tpu.pipeline_mode<synchronous>, transform_indices = @transform_4, window_bounds = array<i64: 1, 256>}, {pipeline_mode = #tpu.pipeline_mode<synchronous>, transform_indices = @transform_5, window_bounds = array<i64: 256, 256>}, {pipeline_mode = #tpu.pipeline_mode<synchronous>, transform_indices = @transform_6, window_bounds = array<i64: 1, 256>}, {transform_indices = @transform_7, window_bounds = array<i64: 1000, 256>}, {pipeline_mode = #tpu.pipeline_mode<synchronous>, transform_indices = @transform_8, window_bounds = array<i64: 1, 256>}, {pipeline_mode = #tpu.pipeline_mode<synchronous>, transform_indices = @transform_9, window_bounds = array<i64: 1, 256>}]} {
    %get3A = arith.constant 0 : index
    %get3A_0 = arith.constant 0 : index
    %get3A_1 = vector.load %arg2[%get3A, %get3A_0] : memref<1000x128xf32, #tpu.memory_space<vmem>>, vector<1000x128xf32>
    %get3A_2 = arith.constant 0 : index
    %get3A_3 = arith.constant 0 : index
    %get3A_4 = vector.load %arg3[%get3A_2, %get3A_3] : memref<1000x128xf32, #tpu.memory_space<vmem>>, vector<1000x128xf32>
    %concatenate3A = tpu.concatenate %get3A_1, %get3A_4 in 1 : vector<1000x128xf32>, vector<1000x128xf32> -> vector<1000x256xf32>
    %get3A_5 = arith.constant 0 : index
    %get3A_6 = arith.constant 0 : index
    %get3A_7 = vector.load %arg1[%get3A_5, %get3A_6] : memref<1000x256xf32, #tpu.memory_space<vmem>>, vector<1000x256xf32>
    %add3A = arith.addf %get3A_7, %concatenate3A : vector<1000x256xf32>
    %get3A_8 = arith.constant 0 : index
    %get3A_9 = arith.constant 0 : index
    %get3A_10 = vector.load %arg4[%get3A_8, %get3A_9] : memref<256x256xf32, #tpu.memory_space<vmem>>, vector<256x256xf32>
    %dot_general3A = arith.constant dense<0.000000e+00> : vector<1000x256xf32>
    %dot_general3A_11 = tpu.matmul %add3A, %get3A_10, %dot_general3A {dimension_numbers = #tpu.dot_dimension_numbers<[1], [0], [0], [1], [0, 0, 1, 1], [], []>, transpose_lhs_hint = false} : vector<1000x256xf32>, vector<256x256xf32>, vector<1000x256xf32> -> vector<1000x256xf32>
    %get3A_12 = arith.constant 0 : index
    %get3A_13 = arith.constant 0 : index
    %get3A_14 = vector.load %arg5[%get3A_12, %get3A_13] : memref<1x256xf32, #tpu.memory_space<vmem>>, vector<1x256xf32>
    %add3A_15 = vector.broadcast %get3A_14 : vector<1x256xf32> to vector<1000x256xf32>
    %add3A_16 = arith.addf %dot_general3A_11, %add3A_15 : vector<1000x256xf32>
    %max3A = arith.constant 0.000000e+00 : f32
    %max3A_17 = vector.broadcast %max3A : f32 to vector<1000x256xf32>
    %max3A_18 = arith.maximumf %add3A_16, %max3A_17 : vector<1000x256xf32>
    %get3A_19 = arith.constant 0 : index
    %get3A_20 = arith.constant 0 : index
    %get3A_21 = vector.load %arg6[%get3A_19, %get3A_20] : memref<256x256xf32, #tpu.memory_space<vmem>>, vector<256x256xf32>
    %dot_general3A_22 = arith.constant dense<0.000000e+00> : vector<1000x256xf32>
    %dot_general3A_23 = tpu.matmul %max3A_18, %get3A_21, %dot_general3A_22 {dimension_numbers = #tpu.dot_dimension_numbers<[1], [0], [0], [1], [0, 0, 1, 1], [], []>, transpose_lhs_hint = false} : vector<1000x256xf32>, vector<256x256xf32>, vector<1000x256xf32> -> vector<1000x256xf32>
    %get3A_24 = arith.constant 0 : index
    %get3A_25 = arith.constant 0 : index
    %get3A_26 = vector.load %arg7[%get3A_24, %get3A_25] : memref<1x256xf32, #tpu.memory_space<vmem>>, vector<1x256xf32>
    %add3A_27 = vector.broadcast %get3A_26 : vector<1x256xf32> to vector<1000x256xf32>
    %add3A_28 = arith.addf %dot_general3A_23, %add3A_27 : vector<1000x256xf32>
    %max3A_29 = arith.constant 0.000000e+00 : f32
    %max3A_30 = vector.broadcast %max3A_29 : f32 to vector<1000x256xf32>
    %max3A_31 = arith.maximumf %add3A_28, %max3A_30 : vector<1000x256xf32>
    %swap3A = arith.constant 0 : index
    %swap3A_32 = arith.constant 0 : index
    %swap3A_33 = vector.load %arg8[%swap3A, %swap3A_32] : memref<1000x256xf32, #tpu.memory_space<vmem>>, vector<1000x256xf32>
    tpu.vector_store %arg8[%swap3A, %swap3A_32], %max3A_31 {strides = array<i32>} : memref<1000x256xf32, #tpu.memory_space<vmem>>, vector<1000x256xf32>,
    %eq3A = arith.constant 0 : i32
    %eq3A_34 = arith.cmpi eq, %arg0, %eq3A : i32
    %convert_element_type3A = arith.extui %eq3A_34 : i1 to i32
    %cond3A = arith.constant 0 : i32
    %cond3A_35 = arith.cmpi ne, %convert_element_type3A, %cond3A : i32
    scf.if %cond3A_35 {
      %broadcast_in_dim3A_54 = arith.constant 0.000000e+00 : f32
      %broadcast_in_dim3A_55 = vector.broadcast %broadcast_in_dim3A_54 : f32 to vector<1x256xf32>
      %swap3A_56 = arith.constant 0 : index
      %swap3A_57 = arith.constant 0 : index
      %swap3A_58 = vector.load %arg9[%swap3A_56, %swap3A_57] : memref<1x256xf32, #tpu.memory_space<vmem>>, vector<1x256xf32>
      tpu.vector_store %arg9[%swap3A_56, %swap3A_57], %broadcast_in_dim3A_55 {strides = array<i32>} : memref<1x256xf32, #tpu.memory_space<vmem>>, vector<1x256xf32>,
      %broadcast_in_dim3A_59 = arith.constant 0.000000e+00 : f32
      %broadcast_in_dim3A_60 = vector.broadcast %broadcast_in_dim3A_59 : f32 to vector<1x256xf32>
      %swap3A_61 = arith.constant 0 : index
      %swap3A_62 = arith.constant 0 : index
      %swap3A_63 = vector.load %arg10[%swap3A_61, %swap3A_62] : memref<1x256xf32, #tpu.memory_space<vmem>>, vector<1x256xf32>
      tpu.vector_store %arg10[%swap3A_61, %swap3A_62], %broadcast_in_dim3A_60 {strides = array<i32>} : memref<1x256xf32, #tpu.memory_space<vmem>>, vector<1x256xf32>,
    } else {
    }
    %get3A_36 = arith.constant 0 : index
    %get3A_37 = arith.constant 0 : index
    %get3A_38 = vector.load %arg9[%get3A_36, %get3A_37] : memref<1x256xf32, #tpu.memory_space<vmem>>, vector<1x256xf32>
    %reduce_sum3A = arith.constant dense<0.000000e+00> : vector<256xf32>
    %reduce_sum3A_39 = vector.multi_reduction <add>, %max3A_31, %reduce_sum3A [0] : vector<1000x256xf32> to vector<256xf32>
    %broadcast_in_dim3A = vector.shape_cast %reduce_sum3A_39 : vector<256xf32> to vector<1x256xf32>
    %add3A_40 = arith.addf %get3A_38, %broadcast_in_dim3A : vector<1x256xf32>
    %swap3A_41 = arith.constant 0 : index
    %swap3A_42 = arith.constant 0 : index
    %swap3A_43 = vector.load %arg9[%swap3A_41, %swap3A_42] : memref<1x256xf32, #tpu.memory_space<vmem>>, vector<1x256xf32>
    tpu.vector_store %arg9[%swap3A_41, %swap3A_42], %add3A_40 {strides = array<i32>} : memref<1x256xf32, #tpu.memory_space<vmem>>, vector<1x256xf32>,
    %get3A_44 = arith.constant 0 : index
    %get3A_45 = arith.constant 0 : index
    %get3A_46 = vector.load %arg10[%get3A_44, %get3A_45] : memref<1x256xf32, #tpu.memory_space<vmem>>, vector<1x256xf32>
    %mul3A = arith.mulf %max3A_31, %max3A_31 : vector<1000x256xf32>
    %reduce_sum3A_47 = arith.constant dense<0.000000e+00> : vector<256xf32>
    %reduce_sum3A_48 = vector.multi_reduction <add>, %mul3A, %reduce_sum3A_47 [0] : vector<1000x256xf32> to vector<256xf32>
    %broadcast_in_dim3A_49 = vector.shape_cast %reduce_sum3A_48 : vector<256xf32> to vector<1x256xf32>
    %add3A_50 = arith.addf %get3A_46, %broadcast_in_dim3A_49 : vector<1x256xf32>
    %swap3A_51 = arith.constant 0 : index
    %swap3A_52 = arith.constant 0 : index
    %swap3A_53 = vector.load %arg10[%swap3A_51, %swap3A_52] : memref<1x256xf32, #tpu.memory_space<vmem>>, vector<1x256xf32>
    tpu.vector_store %arg10[%swap3A_51, %swap3A_52], %add3A_50 {strides = array<i32>} : memref<1x256xf32, #tpu.memory_space<vmem>>, vector<1x256xf32>,
    return
  }
  func.func @transform_0(%arg0: i32) -> (i32, i32) {
    %c0_i32 = arith.constant 0 : i32
    %c0_i32_0 = arith.constant 0 : i32
    return %arg0, %c0_i32 : i32, i32
  }
  func.func @transform_1(%arg0: i32) -> (i32, i32) {
    %c0_i32 = arith.constant 0 : i32
    %c0_i32_0 = arith.constant 0 : i32
    return %arg0, %c0_i32 : i32, i32
  }
  func.func @transform_2(%arg0: i32) -> (i32, i32) {
    %c0_i32 = arith.constant 0 : i32
    %c0_i32_0 = arith.constant 0 : i32
    return %arg0, %c0_i32 : i32, i32
  }
  func.func @transform_3(%arg0: i32) -> (i32, i32) {
    %c0_i32 = arith.constant 0 : i32
    %c0_i32_0 = arith.constant 0 : i32
    %c0_i32_1 = arith.constant 0 : i32
    return %c0_i32, %c0_i32_0 : i32, i32
  }
  func.func @transform_4(%arg0: i32) -> (i32, i32) {
    %c0_i32 = arith.constant 0 : i32
    %c0_i32_0 = arith.constant 0 : i32
    %c0_i32_1 = arith.constant 0 : i32
    return %c0_i32, %c0_i32_0 : i32, i32
  }
  func.func @transform_5(%arg0: i32) -> (i32, i32) {
    %c0_i32 = arith.constant 0 : i32
    %c0_i32_0 = arith.constant 0 : i32
    %c0_i32_1 = arith.constant 0 : i32
    return %c0_i32, %c0_i32_0 : i32, i32
  }
  func.func @transform_6(%arg0: i32) -> (i32, i32) {
    %c0_i32 = arith.constant 0 : i32
    %c0_i32_0 = arith.constant 0 : i32
    %c0_i32_1 = arith.constant 0 : i32
    return %c0_i32, %c0_i32_0 : i32, i32
  }
  func.func @transform_7(%arg0: i32) -> (i32, i32) {
    %c0_i32 = arith.constant 0 : i32
    %c0_i32_0 = arith.constant 0 : i32
    return %arg0, %c0_i32 : i32, i32
  }
  func.func @transform_8(%arg0: i32) -> (i32, i32) {
    %c0_i32 = arith.constant 0 : i32
    %c0_i32_0 = arith.constant 0 : i32
    %c0_i32_1 = arith.constant 0 : i32
    return %c0_i32, %c0_i32_0 : i32, i32
  }
  func.func @transform_9(%arg0: i32) -> (i32, i32) {
    %c0_i32 = arith.constant 0 : i32
    %c0_i32_0 = arith.constant 0 : i32
    %c0_i32_1 = arith.constant 0 : i32
    return %c0_i32, %c0_i32_0 : i32, i32
  }
}

module attributes {stable_mosaic.version = 14 : i64} {
  func.func @body(%arg0: i32, %arg1: memref<1000x256xf32, #tpu.memory_space<vmem>>, %arg2: memref<1x256xf32, #tpu.memory_space<vmem>>, %arg3: memref<1x256xf32, #tpu.memory_space<vmem>>, %arg4: memref<1000x1xi32, #tpu.memory_space<vmem>>, %arg5: memref<1000x256xf32, #tpu.memory_space<vmem>>, %arg6: memref<1000x128xf32, #tpu.memory_space<vmem>>, %arg7: memref<1000x128xf32, #tpu.memory_space<vmem>>, %arg8: memref<128x256xf32, #tpu.memory_space<vmem>>) attributes {dimension_semantics = [#tpu.dimension_semantics<arbitrary>], iteration_bounds = array<i64: 10>, scalar_prefetch = 0 : i64, scratch_operands = 0 : i64, tpu.core_type = #tpu.core_type<tc>, window_params = [{transform_indices = @transform_0, window_bounds = array<i64: 1000, 256>}, {pipeline_mode = #tpu.pipeline_mode<synchronous>, transform_indices = @transform_1, window_bounds = array<i64: 1, 256>}, {pipeline_mode = #tpu.pipeline_mode<synchronous>, transform_indices = @transform_2, window_bounds = array<i64: 1, 256>}, {transform_indices = @transform_3, window_bounds = array<i64: 1000, 1>}, {transform_indices = @transform_4, window_bounds = array<i64: 1000, 256>}, {transform_indices = @transform_5, window_bounds = array<i64: 1000, 128>}, {transform_indices = @transform_6, window_bounds = array<i64: 1000, 128>}, {pipeline_mode = #tpu.pipeline_mode<synchronous>, transform_indices = @transform_7, window_bounds = array<i64: 128, 256>}]} {
    %get3A = arith.constant 0 : index
    %get3A_0 = arith.constant 0 : index
    %get3A_1 = vector.load %arg2[%get3A, %get3A_0] : memref<1x256xf32, #tpu.memory_space<vmem>>, vector<1x256xf32>
    %mul3A = arith.constant 9.99999974E-5 : f32
    %mul3A_2 = vector.broadcast %mul3A : f32 to vector<1x256xf32>
    %mul3A_3 = arith.mulf %get3A_1, %mul3A_2 : vector<1x256xf32>
    %get3A_4 = arith.constant 0 : index
    %get3A_5 = arith.constant 0 : index
    %get3A_6 = vector.load %arg3[%get3A_4, %get3A_5] : memref<1x256xf32, #tpu.memory_space<vmem>>, vector<1x256xf32>
    %mul3A_7 = arith.constant 9.99999974E-5 : f32
    %mul3A_8 = vector.broadcast %mul3A_7 : f32 to vector<1x256xf32>
    %mul3A_9 = arith.mulf %get3A_6, %mul3A_8 : vector<1x256xf32>
    %mul3A_10 = arith.mulf %mul3A_3, %mul3A_3 : vector<1x256xf32>
    %sub3A = arith.subf %mul3A_9, %mul3A_10 : vector<1x256xf32>
    %add3A = arith.constant 9.99999974E-6 : f32
    %add3A_11 = vector.broadcast %add3A : f32 to vector<1x256xf32>
    %add3A_12 = arith.addf %sub3A, %add3A_11 : vector<1x256xf32>
    %rsqrt3A = math.rsqrt %add3A_12 : vector<1x256xf32>
    %get3A_13 = arith.constant 0 : index
    %get3A_14 = arith.constant 0 : index
    %get3A_15 = vector.load %arg1[%get3A_13, %get3A_14] : memref<1000x256xf32, #tpu.memory_space<vmem>>, vector<1000x256xf32>
    %sub3A_16 = vector.broadcast %mul3A_3 : vector<1x256xf32> to vector<1000x256xf32>
    %sub3A_17 = arith.subf %get3A_15, %sub3A_16 : vector<1000x256xf32>
    %mul3A_18 = vector.broadcast %rsqrt3A : vector<1x256xf32> to vector<1000x256xf32>
    %mul3A_19 = arith.mulf %sub3A_17, %mul3A_18 : vector<1000x256xf32>
    %swap3A = arith.constant 0 : index
    %swap3A_20 = arith.constant 0 : index
    %swap3A_21 = vector.load %arg5[%swap3A, %swap3A_20] : memref<1000x256xf32, #tpu.memory_space<vmem>>, vector<1000x256xf32>
    tpu.vector_store %arg5[%swap3A, %swap3A_20], %mul3A_19 {strides = array<i32>} : memref<1000x256xf32, #tpu.memory_space<vmem>>, vector<1000x256xf32>,
    %slice3A = vector.extract_strided_slice %mul3A_19 {offsets = [0, 0], sizes = [1000, 128], strides = [1, 1]} : vector<1000x256xf32> to vector<1000x128xf32>
    %swap3A_22 = arith.constant 0 : index
    %swap3A_23 = arith.constant 0 : index
    %swap3A_24 = vector.load %arg6[%swap3A_22, %swap3A_23] : memref<1000x128xf32, #tpu.memory_space<vmem>>, vector<1000x128xf32>
    tpu.vector_store %arg6[%swap3A_22, %swap3A_23], %slice3A {strides = array<i32>} : memref<1000x128xf32, #tpu.memory_space<vmem>>, vector<1000x128xf32>,
    %slice3A_25 = vector.extract_strided_slice %mul3A_19 {offsets = [0, 128], sizes = [1000, 128], strides = [1, 1]} : vector<1000x256xf32> to vector<1000x128xf32>
    %swap3A_26 = arith.constant 0 : index
    %swap3A_27 = arith.constant 0 : index
    %swap3A_28 = vector.load %arg7[%swap3A_26, %swap3A_27] : memref<1000x128xf32, #tpu.memory_space<vmem>>, vector<1000x128xf32>
    tpu.vector_store %arg7[%swap3A_26, %swap3A_27], %slice3A_25 {strides = array<i32>} : memref<1000x128xf32, #tpu.memory_space<vmem>>, vector<1000x128xf32>,
    %get3A_29 = arith.constant 0 : index
    %get3A_30 = arith.constant 0 : index
    %get3A_31 = vector.load %arg4[%get3A_29, %get3A_30] : memref<1000x1xi32, #tpu.memory_space<vmem>>, vector<1000x1xi32>
    %iota3A = tpu.iota {dimensions = array<i32: 1>} : vector<1000x128xi32>
    %eq3A = vector.broadcast %get3A_31 : vector<1000x1xi32> to vector<1000x128xi32>
    %eq3A_32 = arith.cmpi eq, %eq3A, %iota3A : vector<1000x128xi32>
    %convert_element_type3A = arith.extui %eq3A_32 : vector<1000x128xi1> to vector<1000x128xi32>
    %convert_element_type3A_33 = arith.sitofp %convert_element_type3A : vector<1000x128xi32> to vector<1000x128xf32>
    %eq3A_34 = arith.constant 0 : i32
    %eq3A_35 = arith.cmpi eq, %arg0, %eq3A_34 : i32
    %convert_element_type3A_36 = arith.extui %eq3A_35 : i1 to i32
    %cond3A = arith.constant 0 : i32
    %cond3A_37 = arith.cmpi ne, %convert_element_type3A_36, %cond3A : i32
    scf.if %cond3A_37 {
      %broadcast_in_dim3A = arith.constant 0.000000e+00 : f32
      %broadcast_in_dim3A_46 = vector.broadcast %broadcast_in_dim3A : f32 to vector<128x256xf32>
      %swap3A_47 = arith.constant 0 : index
      %swap3A_48 = arith.constant 0 : index
      %swap3A_49 = vector.load %arg8[%swap3A_47, %swap3A_48] : memref<128x256xf32, #tpu.memory_space<vmem>>, vector<128x256xf32>
      tpu.vector_store %arg8[%swap3A_47, %swap3A_48], %broadcast_in_dim3A_46 {strides = array<i32>} : memref<128x256xf32, #tpu.memory_space<vmem>>, vector<128x256xf32>,
    } else {
    }
    %get3A_38 = arith.constant 0 : index
    %get3A_39 = arith.constant 0 : index
    %get3A_40 = vector.load %arg8[%get3A_38, %get3A_39] : memref<128x256xf32, #tpu.memory_space<vmem>>, vector<128x256xf32>
    %dot_general3A = arith.constant dense<0.000000e+00> : vector<128x256xf32>
    %dot_general3A_41 = tpu.matmul %convert_element_type3A_33, %mul3A_19, %dot_general3A {dimension_numbers = #tpu.dot_dimension_numbers<[0], [0], [1], [1], [0, 1, 1, 1], [], []>, transpose_lhs_hint = false} : vector<1000x128xf32>, vector<1000x256xf32>, vector<128x256xf32> -> vector<128x256xf32>
    %add3A_42 = arith.addf %get3A_40, %dot_general3A_41 : vector<128x256xf32>
    %swap3A_43 = arith.constant 0 : index
    %swap3A_44 = arith.constant 0 : index
    %swap3A_45 = vector.load %arg8[%swap3A_43, %swap3A_44] : memref<128x256xf32, #tpu.memory_space<vmem>>, vector<128x256xf32>
    tpu.vector_store %arg8[%swap3A_43, %swap3A_44], %add3A_42 {strides = array<i32>} : memref<128x256xf32, #tpu.memory_space<vmem>>, vector<128x256xf32>,
    return
  }
  func.func @transform_0(%arg0: i32) -> (i32, i32) {
    %c0_i32 = arith.constant 0 : i32
    %c0_i32_0 = arith.constant 0 : i32
    return %arg0, %c0_i32 : i32, i32
  }
  func.func @transform_1(%arg0: i32) -> (i32, i32) {
    %c0_i32 = arith.constant 0 : i32
    %c0_i32_0 = arith.constant 0 : i32
    %c0_i32_1 = arith.constant 0 : i32
    return %c0_i32, %c0_i32_0 : i32, i32
  }
  func.func @transform_2(%arg0: i32) -> (i32, i32) {
    %c0_i32 = arith.constant 0 : i32
    %c0_i32_0 = arith.constant 0 : i32
    %c0_i32_1 = arith.constant 0 : i32
    return %c0_i32, %c0_i32_0 : i32, i32
  }
  func.func @transform_3(%arg0: i32) -> (i32, i32) {
    %c0_i32 = arith.constant 0 : i32
    %c0_i32_0 = arith.constant 0 : i32
    return %arg0, %c0_i32 : i32, i32
  }
  func.func @transform_4(%arg0: i32) -> (i32, i32) {
    %c0_i32 = arith.constant 0 : i32
    %c0_i32_0 = arith.constant 0 : i32
    return %arg0, %c0_i32 : i32, i32
  }
  func.func @transform_5(%arg0: i32) -> (i32, i32) {
    %c0_i32 = arith.constant 0 : i32
    %c0_i32_0 = arith.constant 0 : i32
    return %arg0, %c0_i32 : i32, i32
  }
  func.func @transform_6(%arg0: i32) -> (i32, i32) {
    %c0_i32 = arith.constant 0 : i32
    %c0_i32_0 = arith.constant 0 : i32
    return %arg0, %c0_i32 : i32, i32
  }
  func.func @transform_7(%arg0: i32) -> (i32, i32) {
    %c0_i32 = arith.constant 0 : i32
    %c0_i32_0 = arith.constant 0 : i32
    %c0_i32_1 = arith.constant 0 : i32
    return %c0_i32, %c0_i32_0 : i32, i32
  }
}

module attributes {stable_mosaic.version = 14 : i64} {
  func.func @body(%arg0: memref<128x768xf32, #tpu.memory_space<vmem>>, %arg1: memref<768x768xf32, #tpu.memory_space<vmem>>, %arg2: memref<1x768xf32, #tpu.memory_space<vmem>>, %arg3: memref<768x768xf32, #tpu.memory_space<vmem>>, %arg4: memref<1x768xf32, #tpu.memory_space<vmem>>, %arg5: memref<768x768xf32, #tpu.memory_space<vmem>>, %arg6: memref<1x768xf32, #tpu.memory_space<vmem>>, %arg7: memref<768x768xf32, #tpu.memory_space<vmem>>, %arg8: memref<1x768xf32, #tpu.memory_space<vmem>>, %arg9: memref<128x768xf32, #tpu.memory_space<vmem>>) attributes {dimension_semantics = [], scalar_prefetch = 0 : i64, scratch_operands = 0 : i64, tpu.core_type = #tpu.core_type<tc>} {
    %get3A = arith.constant 0 : index
    %get3A_0 = arith.constant 0 : index
    %get3A_1 = vector.load %arg0[%get3A, %get3A_0] : memref<128x768xf32, #tpu.memory_space<vmem>>, vector<128x768xf32>
    %get3A_2 = arith.constant 0 : index
    %get3A_3 = arith.constant 0 : index
    %get3A_4 = vector.load %arg1[%get3A_2, %get3A_3] : memref<768x768xf32, #tpu.memory_space<vmem>>, vector<768x768xf32>
    %dot_general3A = arith.constant dense<0.000000e+00> : vector<128x768xf32>
    %dot_general3A_5 = tpu.matmul %get3A_1, %get3A_4, %dot_general3A {dimension_numbers = #tpu.dot_dimension_numbers<[1], [0], [0], [1], [0, 0, 1, 1], [], []>, transpose_lhs_hint = false} : vector<128x768xf32>, vector<768x768xf32>, vector<128x768xf32> -> vector<128x768xf32>
    %get3A_6 = arith.constant 0 : index
    %get3A_7 = arith.constant 0 : index
    %get3A_8 = vector.load %arg2[%get3A_6, %get3A_7] : memref<1x768xf32, #tpu.memory_space<vmem>>, vector<1x768xf32>
    %add3A = vector.broadcast %get3A_8 : vector<1x768xf32> to vector<128x768xf32>
    %add3A_9 = arith.addf %dot_general3A_5, %add3A : vector<128x768xf32>
    %max3A = arith.constant 0.000000e+00 : f32
    %max3A_10 = vector.broadcast %max3A : f32 to vector<128x768xf32>
    %max3A_11 = arith.maximumf %add3A_9, %max3A_10 : vector<128x768xf32>
    %get3A_12 = arith.constant 0 : index
    %get3A_13 = arith.constant 0 : index
    %get3A_14 = vector.load %arg3[%get3A_12, %get3A_13] : memref<768x768xf32, #tpu.memory_space<vmem>>, vector<768x768xf32>
    %dot_general3A_15 = arith.constant dense<0.000000e+00> : vector<128x768xf32>
    %dot_general3A_16 = tpu.matmul %max3A_11, %get3A_14, %dot_general3A_15 {dimension_numbers = #tpu.dot_dimension_numbers<[1], [0], [0], [1], [0, 0, 1, 1], [], []>, transpose_lhs_hint = false} : vector<128x768xf32>, vector<768x768xf32>, vector<128x768xf32> -> vector<128x768xf32>
    %get3A_17 = arith.constant 0 : index
    %get3A_18 = arith.constant 0 : index
    %get3A_19 = vector.load %arg4[%get3A_17, %get3A_18] : memref<1x768xf32, #tpu.memory_space<vmem>>, vector<1x768xf32>
    %add3A_20 = vector.broadcast %get3A_19 : vector<1x768xf32> to vector<128x768xf32>
    %add3A_21 = arith.addf %dot_general3A_16, %add3A_20 : vector<128x768xf32>
    %max3A_22 = arith.constant 0.000000e+00 : f32
    %max3A_23 = vector.broadcast %max3A_22 : f32 to vector<128x768xf32>
    %max3A_24 = arith.maximumf %add3A_21, %max3A_23 : vector<128x768xf32>
    %get3A_25 = arith.constant 0 : index
    %get3A_26 = arith.constant 0 : index
    %get3A_27 = vector.load %arg5[%get3A_25, %get3A_26] : memref<768x768xf32, #tpu.memory_space<vmem>>, vector<768x768xf32>
    %dot_general3A_28 = arith.constant dense<0.000000e+00> : vector<128x768xf32>
    %dot_general3A_29 = tpu.matmul %max3A_24, %get3A_27, %dot_general3A_28 {dimension_numbers = #tpu.dot_dimension_numbers<[1], [0], [0], [1], [0, 0, 1, 1], [], []>, transpose_lhs_hint = false} : vector<128x768xf32>, vector<768x768xf32>, vector<128x768xf32> -> vector<128x768xf32>
    %get3A_30 = arith.constant 0 : index
    %get3A_31 = arith.constant 0 : index
    %get3A_32 = vector.load %arg6[%get3A_30, %get3A_31] : memref<1x768xf32, #tpu.memory_space<vmem>>, vector<1x768xf32>
    %add3A_33 = vector.broadcast %get3A_32 : vector<1x768xf32> to vector<128x768xf32>
    %add3A_34 = arith.addf %dot_general3A_29, %add3A_33 : vector<128x768xf32>
    %max3A_35 = arith.constant 0.000000e+00 : f32
    %max3A_36 = vector.broadcast %max3A_35 : f32 to vector<128x768xf32>
    %max3A_37 = arith.maximumf %add3A_34, %max3A_36 : vector<128x768xf32>
    %get3A_38 = arith.constant 0 : index
    %get3A_39 = arith.constant 0 : index
    %get3A_40 = vector.load %arg7[%get3A_38, %get3A_39] : memref<768x768xf32, #tpu.memory_space<vmem>>, vector<768x768xf32>
    %dot_general3A_41 = arith.constant dense<0.000000e+00> : vector<128x768xf32>
    %dot_general3A_42 = tpu.matmul %get3A_1, %get3A_40, %dot_general3A_41 {dimension_numbers = #tpu.dot_dimension_numbers<[1], [0], [0], [1], [0, 0, 1, 1], [], []>, transpose_lhs_hint = false} : vector<128x768xf32>, vector<768x768xf32>, vector<128x768xf32> -> vector<128x768xf32>
    %add3A_43 = arith.addf %max3A_37, %dot_general3A_42 : vector<128x768xf32>
    %get3A_44 = arith.constant 0 : index
    %get3A_45 = arith.constant 0 : index
    %get3A_46 = vector.load %arg8[%get3A_44, %get3A_45] : memref<1x768xf32, #tpu.memory_space<vmem>>, vector<1x768xf32>
    %add3A_47 = vector.broadcast %get3A_46 : vector<1x768xf32> to vector<128x768xf32>
    %add3A_48 = arith.addf %add3A_43, %add3A_47 : vector<128x768xf32>
    %swap3A = arith.constant 0 : index
    %swap3A_49 = arith.constant 0 : index
    %swap3A_50 = vector.load %arg9[%swap3A, %swap3A_49] : memref<128x768xf32, #tpu.memory_space<vmem>>, vector<128x768xf32>
    tpu.vector_store %arg9[%swap3A, %swap3A_49], %add3A_48 {strides = array<i32>} : memref<128x768xf32, #tpu.memory_space<vmem>>, vector<128x768xf32>,
    return
  }
}

module attributes {stable_mosaic.version = 14 : i64} {
  func.func @body(%arg0: i32, %arg1: memref<1000x768xf32, #tpu.memory_space<vmem>>, %arg2: memref<768x768xf32, #tpu.memory_space<vmem>>, %arg3: memref<1x768xf32, #tpu.memory_space<vmem>>, %arg4: memref<768x768xf32, #tpu.memory_space<vmem>>, %arg5: memref<1x768xf32, #tpu.memory_space<vmem>>, %arg6: memref<768x768xf32, #tpu.memory_space<vmem>>, %arg7: memref<1x768xf32, #tpu.memory_space<vmem>>, %arg8: memref<768x768xf32, #tpu.memory_space<vmem>>, %arg9: memref<1x768xf32, #tpu.memory_space<vmem>>, %arg10: memref<128x768xf32, #tpu.memory_space<vmem>>, %arg11: memref<1000x1xi32, #tpu.memory_space<vmem>>, %arg12: memref<1x1xf32, #tpu.memory_space<vmem>>, %arg13: memref<2xf32, #tpu.memory_space<smem>>) attributes {dimension_semantics = [#tpu.dimension_semantics<arbitrary>], iteration_bounds = array<i64: 10>, scalar_prefetch = 0 : i64, scratch_operands = 1 : i64, tpu.core_type = #tpu.core_type<tc>, window_params = [{transform_indices = @transform_0, window_bounds = array<i64: 1000, 768>}, {pipeline_mode = #tpu.pipeline_mode<synchronous>, transform_indices = @transform_1, window_bounds = array<i64: 768, 768>}, {pipeline_mode = #tpu.pipeline_mode<synchronous>, transform_indices = @transform_2, window_bounds = array<i64: 1, 768>}, {pipeline_mode = #tpu.pipeline_mode<synchronous>, transform_indices = @transform_3, window_bounds = array<i64: 768, 768>}, {pipeline_mode = #tpu.pipeline_mode<synchronous>, transform_indices = @transform_4, window_bounds = array<i64: 1, 768>}, {pipeline_mode = #tpu.pipeline_mode<synchronous>, transform_indices = @transform_5, window_bounds = array<i64: 768, 768>}, {pipeline_mode = #tpu.pipeline_mode<synchronous>, transform_indices = @transform_6, window_bounds = array<i64: 1, 768>}, {pipeline_mode = #tpu.pipeline_mode<synchronous>, transform_indices = @transform_7, window_bounds = array<i64: 768, 768>}, {pipeline_mode = #tpu.pipeline_mode<synchronous>, transform_indices = @transform_8, window_bounds = array<i64: 1, 768>}, {pipeline_mode = #tpu.pipeline_mode<synchronous>, transform_indices = @transform_9, window_bounds = array<i64: 128, 768>}, {transform_indices = @transform_10, window_bounds = array<i64: 1000, 1>}, {pipeline_mode = #tpu.pipeline_mode<synchronous>, transform_indices = @transform_11, window_bounds = array<i64: 1, 1>}]} {
    %eq3A = arith.constant 0 : i32
    %eq3A_0 = arith.cmpi eq, %arg0, %eq3A : i32
    %convert_element_type3A = arith.extui %eq3A_0 : i1 to i32
    %cond3A = arith.constant 0 : i32
    %cond3A_1 = arith.cmpi ne, %convert_element_type3A, %cond3A : i32
    scf.if %cond3A_1 {
      %swap3A_118 = arith.constant 0.000000e+00 : f32
      %swap3A_119 = arith.constant 0 : index
      %swap3A_120 = memref.load %arg13[%swap3A_119] : memref<2xf32, #tpu.memory_space<smem>>
      memref.store %swap3A_118, %arg13[%swap3A_119] : memref<2xf32, #tpu.memory_space<smem>>
      %swap3A_121 = arith.constant 0.000000e+00 : f32
      %swap3A_122 = arith.constant 1 : index
      %swap3A_123 = memref.load %arg13[%swap3A_122] : memref<2xf32, #tpu.memory_space<smem>>
      memref.store %swap3A_121, %arg13[%swap3A_122] : memref<2xf32, #tpu.memory_space<smem>>
    } else {
    }
    %get3A = arith.constant 0 : index
    %get3A_2 = arith.constant 0 : index
    %get3A_3 = vector.load %arg1[%get3A, %get3A_2] : memref<1000x768xf32, #tpu.memory_space<vmem>>, vector<1000x768xf32>
    %get3A_4 = arith.constant 0 : index
    %get3A_5 = arith.constant 0 : index
    %get3A_6 = vector.load %arg2[%get3A_4, %get3A_5] : memref<768x768xf32, #tpu.memory_space<vmem>>, vector<768x768xf32>
    %dot_general3A = arith.constant dense<0.000000e+00> : vector<1000x768xf32>
    %dot_general3A_7 = tpu.matmul %get3A_3, %get3A_6, %dot_general3A {dimension_numbers = #tpu.dot_dimension_numbers<[1], [0], [0], [1], [0, 0, 1, 1], [], []>, transpose_lhs_hint = false} : vector<1000x768xf32>, vector<768x768xf32>, vector<1000x768xf32> -> vector<1000x768xf32>
    %get3A_8 = arith.constant 0 : index
    %get3A_9 = arith.constant 0 : index
    %get3A_10 = vector.load %arg3[%get3A_8, %get3A_9] : memref<1x768xf32, #tpu.memory_space<vmem>>, vector<1x768xf32>
    %add3A = vector.broadcast %get3A_10 : vector<1x768xf32> to vector<1000x768xf32>
    %add3A_11 = arith.addf %dot_general3A_7, %add3A : vector<1000x768xf32>
    %max3A = arith.constant 0.000000e+00 : f32
    %max3A_12 = vector.broadcast %max3A : f32 to vector<1000x768xf32>
    %max3A_13 = arith.maximumf %add3A_11, %max3A_12 : vector<1000x768xf32>
    %get3A_14 = arith.constant 0 : index
    %get3A_15 = arith.constant 0 : index
    %get3A_16 = vector.load %arg4[%get3A_14, %get3A_15] : memref<768x768xf32, #tpu.memory_space<vmem>>, vector<768x768xf32>
    %dot_general3A_17 = arith.constant dense<0.000000e+00> : vector<1000x768xf32>
    %dot_general3A_18 = tpu.matmul %max3A_13, %get3A_16, %dot_general3A_17 {dimension_numbers = #tpu.dot_dimension_numbers<[1], [0], [0], [1], [0, 0, 1, 1], [], []>, transpose_lhs_hint = false} : vector<1000x768xf32>, vector<768x768xf32>, vector<1000x768xf32> -> vector<1000x768xf32>
    %get3A_19 = arith.constant 0 : index
    %get3A_20 = arith.constant 0 : index
    %get3A_21 = vector.load %arg5[%get3A_19, %get3A_20] : memref<1x768xf32, #tpu.memory_space<vmem>>, vector<1x768xf32>
    %add3A_22 = vector.broadcast %get3A_21 : vector<1x768xf32> to vector<1000x768xf32>
    %add3A_23 = arith.addf %dot_general3A_18, %add3A_22 : vector<1000x768xf32>
    %max3A_24 = arith.constant 0.000000e+00 : f32
    %max3A_25 = vector.broadcast %max3A_24 : f32 to vector<1000x768xf32>
    %max3A_26 = arith.maximumf %add3A_23, %max3A_25 : vector<1000x768xf32>
    %get3A_27 = arith.constant 0 : index
    %get3A_28 = arith.constant 0 : index
    %get3A_29 = vector.load %arg6[%get3A_27, %get3A_28] : memref<768x768xf32, #tpu.memory_space<vmem>>, vector<768x768xf32>
    %dot_general3A_30 = arith.constant dense<0.000000e+00> : vector<1000x768xf32>
    %dot_general3A_31 = tpu.matmul %max3A_26, %get3A_29, %dot_general3A_30 {dimension_numbers = #tpu.dot_dimension_numbers<[1], [0], [0], [1], [0, 0, 1, 1], [], []>, transpose_lhs_hint = false} : vector<1000x768xf32>, vector<768x768xf32>, vector<1000x768xf32> -> vector<1000x768xf32>
    %get3A_32 = arith.constant 0 : index
    %get3A_33 = arith.constant 0 : index
    %get3A_34 = vector.load %arg7[%get3A_32, %get3A_33] : memref<1x768xf32, #tpu.memory_space<vmem>>, vector<1x768xf32>
    %add3A_35 = vector.broadcast %get3A_34 : vector<1x768xf32> to vector<1000x768xf32>
    %add3A_36 = arith.addf %dot_general3A_31, %add3A_35 : vector<1000x768xf32>
    %max3A_37 = arith.constant 0.000000e+00 : f32
    %max3A_38 = vector.broadcast %max3A_37 : f32 to vector<1000x768xf32>
    %max3A_39 = arith.maximumf %add3A_36, %max3A_38 : vector<1000x768xf32>
    %get3A_40 = arith.constant 0 : index
    %get3A_41 = arith.constant 0 : index
    %get3A_42 = vector.load %arg8[%get3A_40, %get3A_41] : memref<768x768xf32, #tpu.memory_space<vmem>>, vector<768x768xf32>
    %dot_general3A_43 = arith.constant dense<0.000000e+00> : vector<1000x768xf32>
    %dot_general3A_44 = tpu.matmul %get3A_3, %get3A_42, %dot_general3A_43 {dimension_numbers = #tpu.dot_dimension_numbers<[1], [0], [0], [1], [0, 0, 1, 1], [], []>, transpose_lhs_hint = false} : vector<1000x768xf32>, vector<768x768xf32>, vector<1000x768xf32> -> vector<1000x768xf32>
    %add3A_45 = arith.addf %max3A_39, %dot_general3A_44 : vector<1000x768xf32>
    %get3A_46 = arith.constant 0 : index
    %get3A_47 = arith.constant 0 : index
    %get3A_48 = vector.load %arg9[%get3A_46, %get3A_47] : memref<1x768xf32, #tpu.memory_space<vmem>>, vector<1x768xf32>
    %add3A_49 = vector.broadcast %get3A_48 : vector<1x768xf32> to vector<1000x768xf32>
    %add3A_50 = arith.addf %add3A_45, %add3A_49 : vector<1000x768xf32>
    %get3A_51 = arith.constant 0 : index
    %get3A_52 = arith.constant 0 : index
    %get3A_53 = vector.load %arg10[%get3A_51, %get3A_52] : memref<128x768xf32, #tpu.memory_space<vmem>>, vector<128x768xf32>
    %dot_general3A_54 = arith.constant dense<0.000000e+00> : vector<1000x128xf32>
    %dot_general3A_55 = tpu.matmul %add3A_50, %get3A_53, %dot_general3A_54 {dimension_numbers = #tpu.dot_dimension_numbers<[1], [1], [0], [0], [0, 0, 1, 0], [], []>, transpose_lhs_hint = false} : vector<1000x768xf32>, vector<128x768xf32>, vector<1000x128xf32> -> vector<1000x128xf32>
    %get3A_56 = arith.constant 0 : index
    %get3A_57 = arith.constant 0 : index
    %get3A_58 = vector.load %arg11[%get3A_56, %get3A_57] : memref<1000x1xi32, #tpu.memory_space<vmem>>, vector<1000x1xi32>
    %iota3A = tpu.iota {dimensions = array<i32: 1>} : vector<1000x128xi32>
    %eq3A_59 = vector.broadcast %get3A_58 : vector<1000x1xi32> to vector<1000x128xi32>
    %eq3A_60 = arith.cmpi eq, %eq3A_59, %iota3A : vector<1000x128xi32>
    %convert_element_type3A_61 = arith.extui %eq3A_60 : vector<1000x128xi1> to vector<1000x128xi32>
    %convert_element_type3A_62 = arith.sitofp %convert_element_type3A_61 : vector<1000x128xi32> to vector<1000x128xf32>
    %mul3A = arith.mulf %dot_general3A_55, %convert_element_type3A_62 : vector<1000x128xf32>
    %neg3A = arith.constant 0.000000e+00 : f32
    %neg3A_63 = vector.broadcast %neg3A : f32 to vector<1000x128xf32>
    %neg3A_64 = arith.subf %neg3A_63, %mul3A : vector<1000x128xf32>
    %max3A_65 = arith.constant 0.000000e+00 : f32
    %max3A_66 = vector.broadcast %max3A_65 : f32 to vector<1000x128xf32>
    %max3A_67 = arith.maximumf %neg3A_64, %max3A_66 : vector<1000x128xf32>
    %abs3A = math.absf %neg3A_64 : vector<1000x128xf32>
    %neg3A_68 = arith.constant 0.000000e+00 : f32
    %neg3A_69 = vector.broadcast %neg3A_68 : f32 to vector<1000x128xf32>
    %neg3A_70 = arith.subf %neg3A_69, %abs3A : vector<1000x128xf32>
    %exp3A = math.exp %neg3A_70 : vector<1000x128xf32>
    %log1p3A = math.log1p %exp3A : vector<1000x128xf32>
    %add3A_71 = arith.addf %max3A_67, %log1p3A : vector<1000x128xf32>
    %sub3A = arith.constant 0.693147182 : f32
    %sub3A_72 = vector.broadcast %sub3A : f32 to vector<1000x128xf32>
    %sub3A_73 = arith.subf %sub3A_72, %add3A_71 : vector<1000x128xf32>
    %reduce_sum3A = vector.shape_cast %sub3A_73 : vector<1000x128xf32> to vector<1x1000x128xf32>
    %reduce_sum3A_74 = arith.constant dense<0.000000e+00> : vector<1xf32>
    %reduce_sum3A_75 = vector.multi_reduction <add>, %reduce_sum3A, %reduce_sum3A_74 [1, 2] : vector<1x1000x128xf32> to vector<1xf32>
    %reduce_sum3A_76 = vector.shape_cast %reduce_sum3A_75 : vector<1xf32> to vector<1x1x1xf32>
    %reduce_sum3A_77 = vector.extract %reduce_sum3A_76[0, 0, 0] : f32 from vector<1x1x1xf32>
    %sub3A_78 = arith.constant 1.000000e+00 : f32
    %sub3A_79 = vector.broadcast %sub3A_78 : f32 to vector<1000x128xf32>
    %sub3A_80 = arith.subf %sub3A_79, %convert_element_type3A_62 : vector<1000x128xf32>
    %mul3A_81 = arith.mulf %dot_general3A_55, %sub3A_80 : vector<1000x128xf32>
    %neg3A_82 = arith.constant 0.000000e+00 : f32
    %neg3A_83 = vector.broadcast %neg3A_82 : f32 to vector<1000x128xf32>
    %neg3A_84 = arith.subf %neg3A_83, %mul3A_81 : vector<1000x128xf32>
    %max3A_85 = arith.constant 0.000000e+00 : f32
    %max3A_86 = vector.broadcast %max3A_85 : f32 to vector<1000x128xf32>
    %max3A_87 = arith.maximumf %neg3A_84, %max3A_86 : vector<1000x128xf32>
    %abs3A_88 = math.absf %neg3A_84 : vector<1000x128xf32>
    %neg3A_89 = arith.constant 0.000000e+00 : f32
    %neg3A_90 = vector.broadcast %neg3A_89 : f32 to vector<1000x128xf32>
    %neg3A_91 = arith.subf %neg3A_90, %abs3A_88 : vector<1000x128xf32>
    %exp3A_92 = math.exp %neg3A_91 : vector<1000x128xf32>
    %log1p3A_93 = math.log1p %exp3A_92 : vector<1000x128xf32>
    %add3A_94 = arith.addf %max3A_87, %log1p3A_93 : vector<1000x128xf32>
    %add3A_95 = arith.addf %add3A_94, %mul3A_81 : vector<1000x128xf32>
    %sub3A_96 = arith.constant 0.693147182 : f32
    %sub3A_97 = vector.broadcast %sub3A_96 : f32 to vector<1000x128xf32>
    %sub3A_98 = arith.subf %add3A_95, %sub3A_97 : vector<1000x128xf32>
    %reduce_sum3A_99 = vector.shape_cast %sub3A_98 : vector<1000x128xf32> to vector<1x1000x128xf32>
    %reduce_sum3A_100 = arith.constant dense<0.000000e+00> : vector<1xf32>
    %reduce_sum3A_101 = vector.multi_reduction <add>, %reduce_sum3A_99, %reduce_sum3A_100 [1, 2] : vector<1x1000x128xf32> to vector<1xf32>
    %reduce_sum3A_102 = vector.shape_cast %reduce_sum3A_101 : vector<1xf32> to vector<1x1x1xf32>
    %reduce_sum3A_103 = vector.extract %reduce_sum3A_102[0, 0, 0] : f32 from vector<1x1x1xf32>
    %get3A_104 = arith.constant 0 : index
    %get3A_105 = memref.load %arg13[%get3A_104] : memref<2xf32, #tpu.memory_space<smem>>
    %add3A_106 = arith.addf %get3A_105, %reduce_sum3A_77 : f32
    %swap3A = arith.constant 0 : index
    %swap3A_107 = memref.load %arg13[%swap3A] : memref<2xf32, #tpu.memory_space<smem>>
    memref.store %add3A_106, %arg13[%swap3A] : memref<2xf32, #tpu.memory_space<smem>>
    %get3A_108 = arith.constant 1 : index
    %get3A_109 = memref.load %arg13[%get3A_108] : memref<2xf32, #tpu.memory_space<smem>>
    %add3A_110 = arith.addf %get3A_109, %reduce_sum3A_103 : f32
    %swap3A_111 = arith.constant 1 : index
    %swap3A_112 = memref.load %arg13[%swap3A_111] : memref<2xf32, #tpu.memory_space<smem>>
    memref.store %add3A_110, %arg13[%swap3A_111] : memref<2xf32, #tpu.memory_space<smem>>
    %eq3A_113 = arith.constant 9 : i32
    %eq3A_114 = arith.cmpi eq, %arg0, %eq3A_113 : i32
    %convert_element_type3A_115 = arith.extui %eq3A_114 : i1 to i32
    %cond3A_116 = arith.constant 0 : i32
    %cond3A_117 = arith.cmpi ne, %convert_element_type3A_115, %cond3A_116 : i32
    scf.if %cond3A_117 {
      %get3A_118 = arith.constant 1 : index
      %get3A_119 = memref.load %arg13[%get3A_118] : memref<2xf32, #tpu.memory_space<smem>>
      %div3A = arith.constant 1.270000e+06 : f32
      %div3A_120 = arith.divf %get3A_119, %div3A : f32
      %get3A_121 = arith.constant 0 : index
      %get3A_122 = memref.load %arg13[%get3A_121] : memref<2xf32, #tpu.memory_space<smem>>
      %div3A_123 = arith.constant 1.000000e+04 : f32
      %div3A_124 = arith.divf %get3A_122, %div3A_123 : f32
      %sub3A_125 = arith.subf %div3A_120, %div3A_124 : f32
      %reshape3A = vector.broadcast %sub3A_125 : f32 to vector<1x1xf32>
      %swap3A_126 = arith.constant 0 : index
      %swap3A_127 = arith.constant 0 : index
      %swap3A_128 = vector.load %arg12[%swap3A_126, %swap3A_127] : memref<1x1xf32, #tpu.memory_space<vmem>>, vector<1x1xf32>
      tpu.vector_store %arg12[%swap3A_126, %swap3A_127], %reshape3A {strides = array<i32>} : memref<1x1xf32, #tpu.memory_space<vmem>>, vector<1x1xf32>,
    } else {
    }
    return
  }
  func.func @transform_0(%arg0: i32) -> (i32, i32) {
    %c0_i32 = arith.constant 0 : i32
    %c0_i32_0 = arith.constant 0 : i32
    return %arg0, %c0_i32 : i32, i32
  }
  func.func @transform_1(%arg0: i32) -> (i32, i32) {
    %c0_i32 = arith.constant 0 : i32
    %c0_i32_0 = arith.constant 0 : i32
    %c0_i32_1 = arith.constant 0 : i32
    return %c0_i32, %c0_i32_0 : i32, i32
  }
  func.func @transform_2(%arg0: i32) -> (i32, i32) {
    %c0_i32 = arith.constant 0 : i32
    %c0_i32_0 = arith.constant 0 : i32
    %c0_i32_1 = arith.constant 0 : i32
    return %c0_i32, %c0_i32_0 : i32, i32
  }
  func.func @transform_3(%arg0: i32) -> (i32, i32) {
    %c0_i32 = arith.constant 0 : i32
    %c0_i32_0 = arith.constant 0 : i32
    %c0_i32_1 = arith.constant 0 : i32
    return %c0_i32, %c0_i32_0 : i32, i32
  }
  func.func @transform_4(%arg0: i32) -> (i32, i32) {
    %c0_i32 = arith.constant 0 : i32
    %c0_i32_0 = arith.constant 0 : i32
    %c0_i32_1 = arith.constant 0 : i32
    return %c0_i32, %c0_i32_0 : i32, i32
  }
  func.func @transform_5(%arg0: i32) -> (i32, i32) {
    %c0_i32 = arith.constant 0 : i32
    %c0_i32_0 = arith.constant 0 : i32
    %c0_i32_1 = arith.constant 0 : i32
    return %c0_i32, %c0_i32_0 : i32, i32
  }
  func.func @transform_6(%arg0: i32) -> (i32, i32) {
    %c0_i32 = arith.constant 0 : i32
    %c0_i32_0 = arith.constant 0 : i32
    %c0_i32_1 = arith.constant 0 : i32
    return %c0_i32, %c0_i32_0 : i32, i32
  }
  func.func @transform_7(%arg0: i32) -> (i32, i32) {
    %c0_i32 = arith.constant 0 : i32
    %c0_i32_0 = arith.constant 0 : i32
    %c0_i32_1 = arith.constant 0 : i32
    return %c0_i32, %c0_i32_0 : i32, i32
  }
  func.func @transform_8(%arg0: i32) -> (i32, i32) {
    %c0_i32 = arith.constant 0 : i32
    %c0_i32_0 = arith.constant 0 : i32
    %c0_i32_1 = arith.constant 0 : i32
    return %c0_i32, %c0_i32_0 : i32, i32
  }
  func.func @transform_9(%arg0: i32) -> (i32, i32) {
    %c0_i32 = arith.constant 0 : i32
    %c0_i32_0 = arith.constant 0 : i32
    %c0_i32_1 = arith.constant 0 : i32
    return %c0_i32, %c0_i32_0 : i32, i32
  }
  func.func @transform_10(%arg0: i32) -> (i32, i32) {
    %c0_i32 = arith.constant 0 : i32
    %c0_i32_0 = arith.constant 0 : i32
    return %arg0, %c0_i32 : i32, i32
  }
  func.func @transform_11(%arg0: i32) -> (i32, i32) {
    %c0_i32 = arith.constant 0 : i32
    %c0_i32_0 = arith.constant 0 : i32
    %c0_i32_1 = arith.constant 0 : i32
    return %c0_i32, %c0_i32_0 : i32, i32
  }
}

</mosaic_0001>

<sc_bundles>
// kernel: kernel.13.cloned.1.call-start
scs
__scs_entry_jumppad:
0x0: {  	(pc) =	sbr.rel $0x88, $3  }
0x1: {  	(tag) =	ssettag $0x0;
	lr =	simm.s32 $0x1  }
0x2: {  	[smem:$0x3F82] =	sst lr;
	_ =	strace $0xD0000000  }
0x3: {  	_ = 	snop  }
0x4: {  	_ = 	snop  }
0x5: {  	_ = 	snop  }
0x6: {  	_ = 	snop  }
0x7: {  	_ = 	snop  }
__scs_overlays_trampoline_lowered:
0x8: {  	[smem:$0x3F91] =	sst s0  }
0x9: {  	[smem:$0x3F92] =	sst s1  }
0xa: {  	[smem:$0x3F93] =	sst s2  }
0xb: {  	[smem:$0x3F94] =	sst s3  }
0xc: {  	[smem:$0x3F95] =	sst s4  }
0xd: {  	[smem:$0x3F96] =	sst s5  }
0xe: {  	[smem:$0x3F97] =	sst s6  }
0xf: {  	[smem:$0x3F98] =	sst s7  }
0x10: {  	[smem:$0x3F99] =	sst s8  }
0x11: {  	[smem:$0x3F9A] =	sst s9;
	s0 =	simm.s32 @!p0 $0x0  }
0x12: {  	s1 =	sld [smem:$0x3F80];
	s0 =	simm.s32 @p0 $0x1  }
0x13: {  	[smem:$0x3F9B] =	sst s0;
	s0 =	simm.s32 @!p1 $0x0  }
0x14: {  	s2 =	sld [smem:$0x3F7F];
	s0 =	simm.s32 @p1 $0x1  }
0x15: {  	[smem:$0x3F9C] =	sst s0;
	s0 =	simm.s32 @!p2 $0x0  }
0x16: {  	s3 =	sld [smem:$0x3FDB];
	s0 =	simm.s32 @p2 $0x1  }
0x17: {  	s4 =	simm.s32 $0x1BF5;
	[smem:$0x3F9E] =	sst s0  }
0x18: {  	s0 =	sld [smem:$0x3F81];
	_ =	swait.ge [sflag:s4], $0x0  }
0x19: {  	s7 =	sld [smem:$0x3F82]  }
0x1a: {  	s8 =	sadd.s32 $0xFFFFE003, lr  }
0x1b: {  	s9 =	sadd.s32 $0xFFFFFEF7, lr;
	s5 =	simm.s32 $0xFFFFFFFF;
	p2 =	slt.u32 s8, $0xFFFFF086  }
0x1c: {  	p1 =	slt.u32 s9, $0xF7A;
	s5 =	simm.s32 @!p2 $0x0  }
0x1d: {  	s5 =	simm.s32 @p1 $0x1;
	p0 =	seq.s32 s7, s2  }
0x1e: {  	s7 =	smul.u32 @!p0 $0xF7A, s2;
	p2 =	seq.s32 @!p0 s5, $0x0  }
0x1f: {  	s9 =	smul.u32 $0xF7A, s1;
	s8 =	simm.s32 @!p0 $0x1BF5;
	p2 =	por !p2, p0  }
0x20: {  	[sflag:s8] =	ssyncset.s32 @!p0 $0xFFFFF086;
	s6 =	sadd.s32 @!p0 s3, s7;
	s7 =	simm.s32 @!p0 $0x108  }
0x21: {  	s3 =	sadd.s32 s3, s9;
	s6 =	sadd.s32 @!p0 $0x88, s6;
	s7 =	simm.s32 @p2 $0x1082  }
0x22: {  	[simem:s7], [sflag:s8] =	dma.local @!p0 [hbm:s6], $0xF7A  }
0x23: {  	s9 =	sor.u32 $0xD0000000, s2;
	s6 =	simm.s32 $0x108;
	_ =	swait.ge @!p0 [sflag:s8], $0x0  }
0x24: {  	s3 =	sadd.s32 $0x88, s3;
	s6 =	simm.s32 @!p1 $0x1082;
	[sflag:s4] =	ssyncset.s32 $0xFFFFF086  }
0x25: {  	[simem:s6], [sflag:s4] =	dma.local [hbm:s3], $0xF7A  }
0x26: {  	[smem:$0x3F82] =	sst s1;
	(tag) =	ssettag s2;
	_ =	strace s9  }
0x27: {  	s1 =	sld [smem:$0x3F92]  }
0x28: {  	s2 =	sld [smem:$0x3F93]  }
0x29: {  	s4 =	sld [smem:$0x3F95]  }
0x2a: {  	p0 =	seq.s32 s5, $0x0;
	s5 =	sld [smem:$0x3F96]  }
0x2b: {  	s6 =	sld [smem:$0x3F97]  }
0x2c: {  	s7 =	sld [smem:$0x3F98]  }
0x2d: {  	s3 =	simm.s32 $0x108;
	s8 =	sld [smem:$0x3F99]  }
0x2e: {  	s3 =	simm.s32 @!p0 $0x1082;
	s9 =	sld [smem:$0x3F9A]  }
0x2f: {  	lr =	sadd.s32 s0, s3;
	s0 =	sld [smem:$0x3F91]  }
0x30: {  	s3 =	sld [smem:$0x3F94]  }
0x31: {  	[smem:$0x3F9D] =	sst s10  }
0x32: {  	s10 =	sld [smem:$0x3F9B];
	_ =	sdelay $0x3  }
0x33: {  	p0 =	seq.s32 s10, $0x1;
	s10 =	sld [smem:$0x3F9D];
	_ =	sdelay $0x3  }
0x34: {  	[smem:$0x3F9D] =	sst s10  }
0x35: {  	s10 =	sld [smem:$0x3F9C];
	_ =	sdelay $0x3  }
0x36: {  	p1 =	seq.s32 s10, $0x1;
	s10 =	sld [smem:$0x3F9D];
	_ =	sdelay $0x3  }
0x37: {  	[smem:$0x3F9D] =	sst s10  }
0x38: {  	s10 =	sld [smem:$0x3F9E]  }
0x39: {  	_ = 	snop;
	(pc) =	sbr.ind lr, $3  }
0x3a: {  	_ = 	snop  }
0x3b: {  	_ = 	snop  }
0x3c: {  	p2 =	seq.s32 s10, $0x1;
	s10 =	sld [smem:$0x3F9D]  }
0x3d: {  	_ =	shalt  }
0x3e: {  	_ =	shalt  }
0x3f: {  	_ =	shalt  }
0x40: {  	_ =	shalt  }
0x41: {  	_ =	shalt  }
0x42: {  	_ =	shalt  }
0x43: {  	_ =	shalt  }
0x44: {  	_ =	shalt  }
0x45: {  	_ =	shalt  }
0x46: {  	_ =	shalt  }
0x47: {  	_ =	shalt  }
0x48: {  	_ =	shalt  }
0x49: {  	_ =	shalt  }
0x4a: {  	_ =	shalt  }
0x4b: {  	_ =	shalt  }
0x4c: {  	_ =	shalt  }
0x4d: {  	_ =	shalt  }
0x4e: {  	_ =	shalt  }
0x4f: {  	_ =	shalt  }
0x50: {  	_ =	shalt  }
0x51: {  	_ =	shalt  }
0x52: {  	_ =	shalt  }
0x53: {  	_ =	shalt  }
0x54: {  	_ =	shalt  }
0x55: {  	_ =	shalt  }
0x56: {  	_ =	shalt  }
0x57: {  	_ =	shalt  }
0x58: {  	_ =	shalt  }
0x59: {  	_ =	shalt  }
0x5a: {  	_ =	shalt  }
0x5b: {  	_ =	shalt  }
0x5c: {  	_ =	shalt  }
0x5d: {  	_ =	shalt  }
0x5e: {  	_ =	shalt  }
0x5f: {  	_ =	shalt  }
0x60: {  	_ =	shalt  }
0x61: {  	_ =	shalt  }
0x62: {  	_ =	shalt  }
0x63: {  	_ =	shalt  }
0x64: {  	_ =	shalt  }
0x65: {  	_ =	shalt  }
0x66: {  	_ =	shalt  }
0x67: {  	_ =	shalt  }
0x68: {  	_ =	shalt  }
0x69: {  	_ =	shalt  }
0x6a: {  	_ =	shalt  }
0x6b: {  	_ =	shalt  }
0x6c: {  	_ =	shalt  }
0x6d: {  	_ =	shalt  }
0x6e: {  	_ =	shalt  }
0x6f: {  	_ =	shalt  }
0x70: {  	_ =	shalt  }
0x71: {  	_ =	shalt  }
0x72: {  	_ =	shalt  }
0x73: {  	_ =	shalt  }
0x74: {  	_ =	shalt  }
0x75: {  	_ =	shalt  }
0x76: {  	_ =	shalt  }
0x77: {  	_ =	shalt  }
0x78: {  	_ =	shalt  }
0x79: {  	_ =	shalt  }
0x7a: {  	_ =	shalt  }
0x7b: {  	_ =	shalt  }
0x7c: {  	_ =	shalt  }
0x7d: {  	_ =	shalt  }
0x7e: {  	_ =	shalt  }
0x7f: {  	_ =	shalt  }
0x80: {  	_ =	shalt  }
0x81: {  	_ =	shalt  }
0x82: {  	_ =	shalt  }
0x83: {  	_ =	shalt  }
0x84: {  	_ =	shalt  }
0x85: {  	_ =	shalt  }
0x86: {  	_ =	shalt  }
0x87: {  	_ =	shalt  }
.Lfunc_end0:
.L_simem_size_0:
called_computation_lowered:
.L_overlay_start_0:
0x88: {  	s2 =	sld [smem:$0x3FD9]  }
0x89: {  	s3 =	sld [smem:$0x3FFE];
	_ =	sdelay $0x1  }
0x8a: {  	s1 =	srdreg.scid  }
0x8b: {  	s0 =	sand.u32 $0x1, s1  }
0x8c: {  	s17 =	sshll.u32 s0, $0xA;
	s2 =	sadd.s32 s3, s2  }
0x8d: {  	s2 =	sadd.s32 s2, s17  }
0x8e: {  	[smem:$0x3FA9] =	sst s2  }
0x8f: {  	_ = 	snop  }
0x90: {  	s2 =	sld [smem:$0x3FC9]  }
0x91: {  	s18 =	sld [smem:$0x3FD0];
	(tm) =	ssettm $0x1  }
0x92: {  	s4 =	sld [smem:$0x3FFB];
	_ =	sdelay $0x3  }
0x93: {  	_ =	strace s4  }
0x94: {  	s4 =	sld [smem:$0x3FFC];
	_ =	sdelay $0x3  }
0x95: {  	_ =	strace s4  }
0x96: {  	s4 =	sld [smem:$0x3FFD];
	_ =	sdelay $0x3  }
0x97: {  	_ =	strace s4  }
0x98: {  	_ =	strace $0x8FFFFFFF  }
0x99: {  	s19 =	sld [smem:$0x3FDB];
	_ =	sdelay $0x1  }
0x9a: {  	s5 =	simm.s32 $_scs_section_size  }
0x9b: {  	s6 =	simm.s32 $_size__tile_overlayer_lowered;
	s7 =	simm.s32 $_tile_overlayer_lowered  }
0x9c: {  	s22 =	simm.s32 $0x1BFF;
	s21 =	sshll.u32 s7, $0x1;
	s4 =	sadd.s32 s5, s19  }
0x9d: {  	s8 =	simm.s32 $0x0;
	s20 =	sshll.u32 s6, $0x1;
	s6 =	sadd.s32 s21, s4  }
0x9e: {  	[timem:s8], [sflag:s22] =	dma.local [hbm:s6], s20  }
0x9f: {  	_ =	swait.ge [sflag:s22], s20  }
0xa0: {  	s5 =	ssub.s32 $0x0, s20;
	[sflag:s22] =	ssyncset.done $0x0  }
0xa1: {  	[sflag:s22] =	ssyncadd.s32 s5;
	_ =	sdelay $0x1  }
0xa2: {  	s23 =	simm.s32 $0x1B8B  }
0xa3: {  	_ =	swait.ge [sflag:s23], $0x1  }
0xa4: {  	[sflag:s23] =	ssyncset.done $0x0  }
0xa5: {  	s25 =	simm.s32 $0x1B8E;
	s24 =	sld [smem:$0x3FFE];
	[sflag:s23] =	ssyncadd.s32 $0xFFFFFFFF  }
0xa6: {  	s26 =	simm.s32 $execute0_lowered;
	[smem:$0x3FD2] =	sst s25  }
0xa7: {  	s6 =	sshll.u32 s26, $0x1;
	_ =	strace $0x80000046;
	[dreg:$0x1] =	wrdreg $0xFFFFFFFF  }
0xa8: {  	s28 =	simm.s32 $_size_execute0_lowered;
	s4 =	sadd.s32 s4, s6;
	[dreg:$0x0] =	wrdreg $0x0  }
0xa9: {  	s6 =	sshll.u32 s28, $0x1;
	[dreg:$0x2] =	wrdreg s4  }
0xaa: {  	[dreg:$0x3] =	wrdreg s6  }
0xab: {  	[dreg:$0x4] =	wrdreg $0xC0  }
0xac: {  	_ =	task [dreg:s8], $0x5FFFF  }
0xad: {  	[dreg:$0x1] =	wrdreg $0xFFFFFFFF  }
0xae: {  	[dreg:$0x0] =	wrdreg $0x60  }
0xaf: {  	[dreg:$0x2] =	wrdreg s2  }
0xb0: {  	[dreg:$0x3] =	wrdreg s24  }
0xb1: {  	[dreg:$0x4] =	wrdreg s18  }
0xb2: {  	[dreg:$0x5] =	wrdreg $0xA8800  }
0xb3: {  	[dreg:$0x6] =	wrdreg $0x9  }
0xb4: {  	_ =	task.clear_ibuf [dreg:s8], $0x7FFFF;
	_ =	strace $0x90000046  }
0xb5: {  	s29 =	simm.s32 $0x9;
	_ =	strace $0x80000048  }
0xb6: {  	_ =	swait.ge [sflag:s29], $0x1  }
0xb7: {  	[sflag:s29] =	ssyncadd.s32 $0xFFFFFFFF  }
0xb8: {  	_ =	strace $0x90000048  }
0xb9: {  	_ =	sfence  }
0xba: {  	s30 =	sld [smem:$0x0];
	_ =	sdelay $0x2  }
0xbb: {  	s31 =	sshll.u32 s1, $0xD;
	s1 =	sshrl.u32 s1, $0x2  }
0xbc: {  	s3 =	sand.u32 $0x4000, s31;
	s1 =	sadd.s32 s1, s30  }
0xbd: {  	s0 =	sor.u32 s3, s0;
	s1 =	sshll.u32 s1, $0x11  }
0xbe: {  	s0 =	sor.u32 s1, s0  }
0xbf: {  	s0 =	sadd.s32 $0x8F2B, s0  }
0xc0: {  	[sflag:s0] =	ssyncadd.remote.s32 $0x1  }
0xc1: {  	_ =	sfence.sel $0xFFFF  }
0xc2: {  	[dreg:$0x0] =	wrdreg $0xFFFFFFFF;
	(pc) =	sbr.abs _section_cstart, $3  }
0xc3: {  	[dreg:$0x1] =	wrdreg $0xFFFFFFFF  }
0xc4: {  	_ =	task.clear_ibuf [dreg:s8], $0x2FFFF;
	_ =	strace $0x9FFFFFFF  }
0xc5: {  	(tm) =	ssettm $0x7FFFFFFF  }
tec
execute0_lowered:
.L_overlay_start_1:
0x0: {  	(tag) =	ssettag $0x1  }
0x1: {  	s1 =	rddreg [dreg:$0x0]  }
0x2: {  	s0 =	rddreg [dreg:$0x1]  }
0x3: {  	s3 =	rddreg [dreg:$0x3]  }
0x4: {  	s5 =	simm.s32 $0x0;
	s14 =	stileid.u32;
	s4 =	srdreg.scid  }
0x5: {  	s19 =	simm.s32 $0x5;
	s21 =	simm.s32 $0x1400;
	s22 =	simm.s32 $0x80  }
0x6: {  	s28 =	simm.s32 $0x1480;
	s29 =	simm.s32 $0x3;
	s2 =	smul.u32 $0x2780, s14  }
0x7: {  	s30 =	simm.s32 $0x4;
	s31 =	simm.s32 $0x0;
	s8 =	smul.u32 $0x4F000, s14  }
0x8: {  	[smem:$0x7FF] =	sst s5;
	s6 =	sadd.s32 $0x8800, s0;
	s9 =	smul.u32 $0x2800, s14  }
0x9: {  	s7 =	sadd.s32 $0x1C800, s0;
	s4 =	sand.u32 $0x1, s4;
	s12 =	smul.u32 $0x50000, s14  }
0xa: {  	s23 =	sshll.u32 s14, $0x6;
	s13 =	sadd.s32 $0x12C000, s3;
	s26 =	sadd.s32 $0xA4A00, s0  }
0xb: {  	s16 =	sadd.s32 $0x7D800, s0;
	p1 =	seq.s32 s14, $0xF;
	_ =	strace $0x80000047  }
0xc: {  	s10 =	ssub.s32 $0x2, s4;
	[dreg:$0x6] =	wrdreg s26;
	p0 =	seq.s32 s4, $0x0  }
0xd: {  	s26 =	simm.s32 $0x2;
	s2 =	sadd.s32 s2, s0;
	s11 =	sshrl.u32 s10, $0x1  }
0xe: {  	s8 =	sshrl.u32 s8, $0x2;
	s15 =	sadd.s32 s9, s0;
	s24 =	sshrl.u32 s12, $0x2  }
.Ltmp0:
0xf: {  	s9 =	sor.u32 $0x1C05, s23;
	s23 =	simm.s32 $0x2800;
	(pc) =	sbr.rel .LBB2_1-.Ltmp0, $4  }
0x10: {  	s17 =	ssub.s32 s10, s11;
	s18 =	sadd.s32 s8, s3;
	s8 =	sadd.s32 $0x30800, s2  }
0x11: {  	s10 =	smul.u32 $0x28, s14;
	s11 =	sadd.s32 s24, s3;
	s25 =	sadd.s32 $0x7F200, s15  }
0x12: {  	s15 =	sadd.s32 $0x58000, s15;
	s24 =	simm.s32 $0x6800;
	[dreg:$0x5] =	wrdreg s25  }
0x13: {  	s17 =	smax.u32 s17, $0x1;
	s18 =	sshrl.u32 s18, $0x3;
	s25 =	simm.s32 $0x1  }
.LBB2_13:
0x14: {  	[bflag:$0x0] =	sbarrier.arrive $0xFFFF;
	s0 =	sshrl.u32 @p1 s13, $0x3  }
0x15: {  	[hbm:s16], [sflag:s9] =	dma.local @p1 [spmem:s0], $0x1900  }
0x16: {  	s0 =	simm.s32 @p1 $0x5  }
0x17: {  	_ =	swait.ge @p1 [sflag:s0], $0x1900  }
0x18: {  	[sflag:s0] =	ssyncset.done @p1 $0x0  }
0x19: {  	[sflag:s0] =	ssyncadd.s32 @p1 $0xFFFFE700;
	s0 =	sshrl.u32 @!p1 s11, $0x3  }
0x1a: {  	[hbm:s15], [sflag:s9] =	dma.local @!p1 [spmem:s0], $0x2800  }
0x1b: {  	s0 =	simm.s32 @!p1 $0x5  }
0x1c: {  	_ =	swait.ge @!p1 [sflag:s0], $0x2800  }
0x1d: {  	[sflag:s0] =	ssyncset.done @!p1 $0x0  }
0x1e: {  	[sflag:s0] =	ssyncadd.s32 @!p1 $0xFFFFD800  }
.LBB2_14:
0x1f: {  	s31 =	sadd.s32 $0x1, s31  }
0x20: {  	p2 =	sne.s32 s31, s17  }
.Ltmp1:
0x21: {  	_ = 	snop;
	(pc) =	sbr.rel @!p2 .LBB2_15-.Ltmp1, $1  }
0x22: {  	_ =	sdelay $0x3  }
.LBB2_1:
0x23: {  	[spmem:s18], [sflag:s9] =	dma.local [hbm:s8], $0x2780  }
0x24: {  	_ =	swait.ge [sflag:s19], $0x2780  }
0x25: {  	[sflag:s19] =	ssyncset.done $0x0  }
0x26: {  	[sflag:s19] =	ssyncadd.s32 $0xFFFFD880  }
0x27: {  	s2 =	simm.s32 $0xA800;
	s0 =	rddreg [dreg:$0x2]  }
0x28: {  	[tilespmem:s2], [sflag:$0x5] =	stream.linear.gather [hbm4b:s0+s5], $0x80, $0x38;
	[tilespmem:$0x1E480] =	vst v63  }
0x29: {  	_ =	swait.ge [sflag:s19], $0x80  }
0x2a: {  	[sflag:s19] =	ssyncset.done $0x0  }
0x2b: {  	[sflag:s19] =	ssyncadd.s32 $0xFFFFFF80  }
0x2c: {  	v0 =	vld [tilespmem:$0xA800];
	_ =	sdelay $0x4  }
0x2d: {  	(v2sf) =	vpush v0, $0x0;
	_ =	sdelay $0x1  }
0x2e: {  	(v2sf) =	vpush v0, $0x1;
	_ =	sdelay $0xc  }
0x2f: {  	s2 =	spop (v2sf)  }
0x30: {  	s4 =	smul.u32 $0x280, s2  }
.Ltmp2:
0x31: {  	s20 =	spop (v2sf);
	(pc) =	sbr.rel @!p0 .LBB2_2-.Ltmp2, $4  }
0x32: {  	s12 =	smul.u32 s10, s20  }
0x33: {  	s14 =	smul.u32 s10, s2  }
0x34: {  	s0 =	smov.u32 s20;
	[bflag:$0x0] =	sbarrier.arrive $0xFFFF;
	s4 =	sadd.s32 s12, s4  }
0x35: {  	s0 =	smov.u32 @p0 s2;
	s4 =	smov.u32 @p0 s14  }
0x36: {  	p2 =	slt.s32 s2, $0x1  }
.Ltmp3:
0x37: {  	_ = 	snop;
	(pc) =	sbr.rel @p2 .LBB2_13-.Ltmp3, $2  }
0x38: {  	_ =	sdelay $0x2  }
0x39: {  	s2 =	simm.s32 $0x0  }
.LBB2_9:
0x3a: {  	p2 =	seq.s32 s2, $0x0  }
0x3b: {  	s12 =	simm.s32 @!p2 $0x3  }
0x3c: {  	_ =	swait.ge @!p2 [sflag:s12], $0x4000  }
0x3d: {  	s14 =	smul.u32 $0x28, s2;
	[sflag:s12] =	ssyncset.done @!p2 $0x0  }
0x3e: {  	[sflag:s12] =	ssyncadd.s32 @!p2 $0xFFFFC000;
	s12 =	simm.s32 @!p2 $0x4  }
0x3f: {  	s14 =	sadd.s32 s4, s14;
	_ =	swait.ge @!p2 [sflag:s12], $0x4000  }
0x40: {  	s14 =	sshll.u32 s14, $0x4;
	[sflag:s12] =	ssyncset.done @!p2 $0x0  }
0x41: {  	s20 =	sadd.s32 s6, s14;
	[sflag:s12] =	ssyncadd.s32 @!p2 $0xFFFFC000  }
0x42: {  	[tilespmem:s5], [sflag:$0x5] =	stream.linear.gather [hbm4b:s20+s5], $0x1400, $0x38;
	[tilespmem:$0x1E480] =	vst v63  }
0x43: {  	_ =	swait.ge [sflag:s19], $0x1400  }
0x44: {  	[sflag:s19] =	ssyncset.done $0x0  }
0x45: {  	s14 =	sadd.s32 s7, s14;
	[sflag:s19] =	ssyncadd.s32 $0xFFFFEC00  }
0x46: {  	[tilespmem:s21], [sflag:$0x5] =	stream.linear.gather [hbm4b:s14+s5], $0x1400, $0x38;
	[tilespmem:$0x1E480] =	vst v63  }
0x47: {  	_ =	swait.ge [sflag:s19], $0x1400  }
0x48: {  	[sflag:s19] =	ssyncset.done $0x0  }
0x49: {  	[sflag:s19] =	ssyncadd.s32 $0xFFFFEC00  }
0x4a: {  	[tilespmem:s23], [sflag:$0x1] =	stream.indirect.gather [hbm4b:s1+s22], $0x80, s5, s22, $0xb8;
	[tilespmem:$0x1E480] =	vst v63  }
0x4b: {  	_ = 	snop  }
0x4c: {  	[tilespmem:s24], [sflag:$0x2] =	stream.indirect.gather [hbm4b:s1+s22], $0x80, s22, s22, $0xb8;
	[tilespmem:$0x1E480] =	vst v63  }
0x4d: {  	_ =	swait.ge [sflag:s25], $0x4000  }
0x4e: {  	[sflag:s25] =	ssyncset.done $0x0  }
0x4f: {  	[sflag:s25] =	ssyncadd.s32 $0xFFFFC000  }
0x50: {  	[spmem:s3] =	stream.indirect.scatter.add.f32 [tilespmem:s23], [sflag:$0x3], $0x80, s21, s22, $0xb8;
	[tilespmem:$0x1E480] =	vst v63  }
0x51: {  	_ =	swait.ge [sflag:s26], $0x4000  }
0x52: {  	[sflag:s26] =	ssyncset.done $0x0  }
0x53: {  	[sflag:s26] =	ssyncadd.s32 $0xFFFFC000  }
0x54: {  	[spmem:s3] =	stream.indirect.scatter.add.f32 [tilespmem:s24], [sflag:$0x4], $0x80, s28, s22, $0xb8;
	[tilespmem:$0x1E480] =	vst v63  }
0x55: {  	_ =	swait.ge [sflag:s29], $0x4000  }
0x56: {  	[sflag:s29] =	ssyncset.done $0x0  }
0x57: {  	[sflag:s29] =	ssyncadd.s32 $0xFFFFC000  }
0x58: {  	_ =	swait.ge [sflag:s30], $0x4000  }
0x59: {  	[sflag:s30] =	ssyncset.done $0x0  }
0x5a: {  	s20 =	simm.s32 $0x100;
	[sflag:s30] =	ssyncadd.s32 $0xFFFFC000  }
0x5b: {  	[tilespmem:s23], [sflag:$0x1] =	stream.indirect.gather [hbm4b:s1+s22], $0x80, s20, s22, $0xb8;
	[tilespmem:$0x1E480] =	vst v63  }
0x5c: {  	s14 =	simm.s32 $0x180  }
0x5d: {  	[tilespmem:s24], [sflag:$0x2] =	stream.indirect.gather [hbm4b:s1+s22], $0x80, s14, s22, $0xb8;
	[tilespmem:$0x1E480] =	vst v63  }
0x5e: {  	_ =	swait.ge [sflag:s25], $0x4000  }
0x5f: {  	[sflag:s25] =	ssyncset.done $0x0  }
0x60: {  	s20 =	simm.s32 $0x1500;
	[sflag:s25] =	ssyncadd.s32 $0xFFFFC000  }
0x61: {  	[spmem:s3] =	stream.indirect.scatter.add.f32 [tilespmem:s23], [sflag:$0x3], $0x80, s20, s22, $0xb8;
	[tilespmem:$0x1E480] =	vst v63  }
0x62: {  	_ =	swait.ge [sflag:s26], $0x4000  }
0x63: {  	[sflag:s26] =	ssyncset.done $0x0  }
0x64: {  	s12 =	simm.s32 $0x1580;
	s20 =	simm.s32 $0xFFFFB800;
	[sflag:s26] =	ssyncadd.s32 $0xFFFFC000  }
.LBB2_10:
0x65: {  	[spmem:s3] =	stream.indirect.scatter.add.f32 [tilespmem:s24], [sflag:$0x4], $0x80, s12, s22, $0xb8;
	[tilespmem:$0x1E480] =	vst v63  }
0x66: {  	s12 =	smov.u32 s20  }
0x67: {  	p2 =	sne.s32 s20, $0xFFFFFC00;
	s20 =	sadd.s32 $0x400, s20;
	_ =	swait.ge [sflag:s29], $0x4000  }
0x68: {  	[sflag:s29] =	ssyncset.done $0x0  }
0x69: {  	[sflag:s29] =	ssyncadd.s32 $0xFFFFC000  }
0x6a: {  	_ =	swait.ge [sflag:s30], $0x4000  }
0x6b: {  	s12 =	sshra.s32 s12, $0x2;
	[sflag:s30] =	ssyncset.done $0x0  }
0x6c: {  	s14 =	sadd.s32 $0x1400, s12;
	[sflag:s30] =	ssyncadd.s32 $0xFFFFC000  }
0x6d: {  	[tilespmem:s23], [sflag:$0x1] =	stream.indirect.gather [hbm4b:s1+s22], $0x80, s14, s22, $0xb8;
	[tilespmem:$0x1E480] =	vst v63  }
0x6e: {  	s14 =	sadd.s32 $0x1480, s12  }
0x6f: {  	[tilespmem:s24], [sflag:$0x2] =	stream.indirect.gather [hbm4b:s1+s22], $0x80, s14, s22, $0xb8;
	[tilespmem:$0x1E480] =	vst v63  }
0x70: {  	_ =	swait.ge [sflag:s25], $0x4000  }
0x71: {  	[sflag:s25] =	ssyncset.done $0x0  }
.Ltmp4:
0x72: {  	s14 =	sadd.s32 $0x2800, s12;
	[sflag:s25] =	ssyncadd.s32 $0xFFFFC000;
	(pc) =	sbr.rel @p2 .LBB2_10-.Ltmp4, $4  }
0x73: {  	[spmem:s3] =	stream.indirect.scatter.add.f32 [tilespmem:s23], [sflag:$0x3], $0x80, s14, s22, $0xb8;
	[tilespmem:$0x1E480] =	vst v63  }
0x74: {  	_ =	swait.ge [sflag:s26], $0x4000  }
0x75: {  	[sflag:s26] =	ssyncset.done $0x0  }
0x76: {  	s12 =	sadd.s32 $0x2880, s12;
	[sflag:s26] =	ssyncadd.s32 $0xFFFFC000  }
0x77: {  	s2 =	sadd.s32 $0x1, s2  }
0x78: {  	p2 =	sne.s32 s2, s0  }
.Ltmp5:
0x79: {  	_ = 	snop;
	(pc) =	sbr.rel @p2 .LBB2_9-.Ltmp5, $2  }
0x7a: {  	_ =	sdelay $0x2  }
0x7b: {  	[spmem:s3] =	stream.indirect.scatter.add.f32 [tilespmem:s24], [sflag:$0x4], $0x80, s12, s22, $0xb8;
	[tilespmem:$0x1E480] =	vst v63  }
0x7c: {  	_ =	swait.ge [sflag:s29], $0x4000  }
.Ltmp6:
0x7d: {  	[sflag:s29] =	ssyncset.done $0x0;
	(pc) =	sbr.rel .LBB2_13-.Ltmp6, $4  }
0x7e: {  	[sflag:s29] =	ssyncadd.s32 $0xFFFFC000  }
0x7f: {  	_ =	swait.ge [sflag:s30], $0x4000  }
0x80: {  	[sflag:s30] =	ssyncset.done $0x0  }
0x81: {  	[sflag:s30] =	ssyncadd.s32 $0xFFFFC000  }
.LBB2_2:
0x82: {  	p2 =	sgt.s32 s20, $0x0  }
.Ltmp7:
0x83: {  	_ = 	snop;
	(pc) =	sbr.rel @!p2 .LBB2_7-.Ltmp7, $2  }
0x84: {  	_ =	sdelay $0x2  }
0x85: {  	s2 =	simm.s32 $0x0  }
.LBB2_3:
0x86: {  	p2 =	seq.s32 s2, $0x0  }
0x87: {  	s12 =	simm.s32 @!p2 $0x3  }
0x88: {  	_ =	swait.ge @!p2 [sflag:s12], $0x4000  }
0x89: {  	s14 =	smul.u32 $0x28, s2;
	[sflag:s12] =	ssyncset.done @!p2 $0x0  }
0x8a: {  	[sflag:s12] =	ssyncadd.s32 @!p2 $0xFFFFC000;
	s12 =	simm.s32 @!p2 $0x4  }
0x8b: {  	s14 =	sadd.s32 s4, s14;
	_ =	swait.ge @!p2 [sflag:s12], $0x4000  }
0x8c: {  	s14 =	sshll.u32 s14, $0x4;
	[sflag:s12] =	ssyncset.done @!p2 $0x0  }
0x8d: {  	s20 =	sadd.s32 s6, s14;
	[sflag:s12] =	ssyncadd.s32 @!p2 $0xFFFFC000  }
0x8e: {  	[tilespmem:s5], [sflag:$0x5] =	stream.linear.gather [hbm4b:s20+s5], $0x1400, $0x38;
	[tilespmem:$0x1E480] =	vst v63  }
0x8f: {  	_ =	swait.ge [sflag:s19], $0x1400  }
0x90: {  	[sflag:s19] =	ssyncset.done $0x0  }
0x91: {  	s14 =	sadd.s32 s7, s14;
	[sflag:s19] =	ssyncadd.s32 $0xFFFFEC00  }
0x92: {  	[tilespmem:s21], [sflag:$0x5] =	stream.linear.gather [hbm4b:s14+s5], $0x1400, $0x38;
	[tilespmem:$0x1E480] =	vst v63  }
0x93: {  	_ =	swait.ge [sflag:s19], $0x1400  }
0x94: {  	[sflag:s19] =	ssyncset.done $0x0  }
0x95: {  	[sflag:s19] =	ssyncadd.s32 $0xFFFFEC00  }
0x96: {  	[tilespmem:s23], [sflag:$0x1] =	stream.indirect.gather [hbm4b:s1+s22], $0x80, s5, s22, $0xb8;
	[tilespmem:$0x1E480] =	vst v63  }
0x97: {  	_ = 	snop  }
0x98: {  	[tilespmem:s24], [sflag:$0x2] =	stream.indirect.gather [hbm4b:s1+s22], $0x80, s22, s22, $0xb8;
	[tilespmem:$0x1E480] =	vst v63  }
0x99: {  	_ =	swait.ge [sflag:s25], $0x4000  }
0x9a: {  	[sflag:s25] =	ssyncset.done $0x0  }
0x9b: {  	[sflag:s25] =	ssyncadd.s32 $0xFFFFC000  }
0x9c: {  	[spmem:s3] =	stream.indirect.scatter.add.f32 [tilespmem:s23], [sflag:$0x3], $0x80, s21, s22, $0xb8;
	[tilespmem:$0x1E480] =	vst v63  }
0x9d: {  	_ =	swait.ge [sflag:s26], $0x4000  }
0x9e: {  	[sflag:s26] =	ssyncset.done $0x0  }
0x9f: {  	[sflag:s26] =	ssyncadd.s32 $0xFFFFC000  }
0xa0: {  	[spmem:s3] =	stream.indirect.scatter.add.f32 [tilespmem:s24], [sflag:$0x4], $0x80, s28, s22, $0xb8;
	[tilespmem:$0x1E480] =	vst v63  }
0xa1: {  	_ =	swait.ge [sflag:s29], $0x4000  }
0xa2: {  	[sflag:s29] =	ssyncset.done $0x0  }
0xa3: {  	[sflag:s29] =	ssyncadd.s32 $0xFFFFC000  }
0xa4: {  	_ =	swait.ge [sflag:s30], $0x4000  }
0xa5: {  	[sflag:s30] =	ssyncset.done $0x0  }
0xa6: {  	s20 =	simm.s32 $0x100;
	[sflag:s30] =	ssyncadd.s32 $0xFFFFC000  }
0xa7: {  	[tilespmem:s23], [sflag:$0x1] =	stream.indirect.gather [hbm4b:s1+s22], $0x80, s20, s22, $0xb8;
	[tilespmem:$0x1E480] =	vst v63  }
0xa8: {  	s14 =	simm.s32 $0x180  }
0xa9: {  	[tilespmem:s24], [sflag:$0x2] =	stream.indirect.gather [hbm4b:s1+s22], $0x80, s14, s22, $0xb8;
	[tilespmem:$0x1E480] =	vst v63  }
0xaa: {  	_ =	swait.ge [sflag:s25], $0x4000  }
0xab: {  	[sflag:s25] =	ssyncset.done $0x0  }
0xac: {  	s20 =	simm.s32 $0x1500;
	[sflag:s25] =	ssyncadd.s32 $0xFFFFC000  }
0xad: {  	[spmem:s3] =	stream.indirect.scatter.add.f32 [tilespmem:s23], [sflag:$0x3], $0x80, s20, s22, $0xb8;
	[tilespmem:$0x1E480] =	vst v63  }
0xae: {  	_ =	swait.ge [sflag:s26], $0x4000  }
0xaf: {  	[sflag:s26] =	ssyncset.done $0x0  }
0xb0: {  	s12 =	simm.s32 $0x1580;
	s20 =	simm.s32 $0xFFFFB800;
	[sflag:s26] =	ssyncadd.s32 $0xFFFFC000  }
.LBB2_4:
0xb1: {  	[spmem:s3] =	stream.indirect.scatter.add.f32 [tilespmem:s24], [sflag:$0x4], $0x80, s12, s22, $0xb8;
	[tilespmem:$0x1E480] =	vst v63  }
0xb2: {  	s12 =	smov.u32 s20  }
0xb3: {  	p2 =	sne.s32 s20, $0xFFFFFC00;
	s20 =	sadd.s32 $0x400, s20;
	_ =	swait.ge [sflag:s29], $0x4000  }
0xb4: {  	[sflag:s29] =	ssyncset.done $0x0  }
0xb5: {  	[sflag:s29] =	ssyncadd.s32 $0xFFFFC000  }
0xb6: {  	_ =	swait.ge [sflag:s30], $0x4000  }
0xb7: {  	s12 =	sshra.s32 s12, $0x2;
	[sflag:s30] =	ssyncset.done $0x0  }
0xb8: {  	s14 =	sadd.s32 $0x1400, s12;
	[sflag:s30] =	ssyncadd.s32 $0xFFFFC000  }
0xb9: {  	[tilespmem:s23], [sflag:$0x1] =	stream.indirect.gather [hbm4b:s1+s22], $0x80, s14, s22, $0xb8;
	[tilespmem:$0x1E480] =	vst v63  }
0xba: {  	s14 =	sadd.s32 $0x1480, s12  }
0xbb: {  	[tilespmem:s24], [sflag:$0x2] =	stream.indirect.gather [hbm4b:s1+s22], $0x80, s14, s22, $0xb8;
	[tilespmem:$0x1E480] =	vst v63  }
0xbc: {  	_ =	swait.ge [sflag:s25], $0x4000  }
0xbd: {  	[sflag:s25] =	ssyncset.done $0x0  }
.Ltmp8:
0xbe: {  	s14 =	sadd.s32 $0x2800, s12;
	[sflag:s25] =	ssyncadd.s32 $0xFFFFC000;
	(pc) =	sbr.rel @p2 .LBB2_4-.Ltmp8, $4  }
0xbf: {  	[spmem:s3] =	stream.indirect.scatter.add.f32 [tilespmem:s23], [sflag:$0x3], $0x80, s14, s22, $0xb8;
	[tilespmem:$0x1E480] =	vst v63  }
0xc0: {  	_ =	swait.ge [sflag:s26], $0x4000  }
0xc1: {  	[sflag:s26] =	ssyncset.done $0x0  }
0xc2: {  	s12 =	sadd.s32 $0x2880, s12;
	[sflag:s26] =	ssyncadd.s32 $0xFFFFC000  }
0xc3: {  	s2 =	sadd.s32 $0x1, s2  }
0xc4: {  	p2 =	sne.s32 s2, s0  }
.Ltmp9:
0xc5: {  	_ = 	snop;
	(pc) =	sbr.rel @p2 .LBB2_3-.Ltmp9, $2  }
0xc6: {  	_ =	sdelay $0x2  }
0xc7: {  	[spmem:s3] =	stream.indirect.scatter.add.f32 [tilespmem:s24], [sflag:$0x4], $0x80, s12, s22, $0xb8;
	[tilespmem:$0x1E480] =	vst v63  }
0xc8: {  	_ =	swait.ge [sflag:s29], $0x4000  }
0xc9: {  	[sflag:s29] =	ssyncset.done $0x0  }
0xca: {  	[sflag:s29] =	ssyncadd.s32 $0xFFFFC000  }
0xcb: {  	_ =	swait.ge [sflag:s30], $0x4000  }
0xcc: {  	[sflag:s30] =	ssyncset.done $0x0  }
0xcd: {  	[sflag:s30] =	ssyncadd.s32 $0xFFFFC000  }
.LBB2_7:
0xce: {  	[bflag:$0x0] =	sbarrier.arrive $0xFFFF  }
0xcf: {  	s0 =	sshrl.u32 @p1 s13, $0x3;
	s2 =	rddreg [dreg:$0x6]  }
0xd0: {  	[hbm:s2], [sflag:s9] =	dma.local @p1 [spmem:s0], $0x1900  }
0xd1: {  	s0 =	simm.s32 @p1 $0x5  }
0xd2: {  	_ =	swait.ge @p1 [sflag:s0], $0x1900  }
0xd3: {  	[sflag:s0] =	ssyncset.done @p1 $0x0  }
0xd4: {  	s2 =	rddreg [dreg:$0x5];
	[sflag:s0] =	ssyncadd.s32 @p1 $0xFFFFE700;
	s0 =	sshrl.u32 @!p1 s11, $0x3  }
0xd5: {  	[hbm:s2], [sflag:s9] =	dma.local @!p1 [spmem:s0], $0x2800  }
.Ltmp10:
0xd6: {  	_ = 	snop;
	(pc) =	sbr.rel .LBB2_14-.Ltmp10, $4  }
0xd7: {  	s0 =	simm.s32 @!p1 $0x5  }
0xd8: {  	_ =	swait.ge @!p1 [sflag:s0], $0x2800  }
0xd9: {  	[sflag:s0] =	ssyncset.done @!p1 $0x0  }
0xda: {  	[sflag:s0] =	ssyncadd.s32 @!p1 $0xFFFFD800  }
.LBB2_15:
0xdb: {  	_ =	sfence.sel $0x180000  }
0xdc: {  	[bflag:$0x0] =	sbarrier.arrive $0xFFFF  }
0xdd: {  	_ =	strace $0x90000047  }
0xde: {  	s0 =	stileid.u32;
	[bflag:$0x2] =	sbarrier.arrive $0xFFFF  }
0xdf: {  	p0 =	sne.s32 s0, $0x0;
	s0 =	rddreg [dreg:$0x4]  }
0xe0: {  	s0 =	sadd.s32 @!p0 $0x100000, s0  }
0xe1: {  	[sflag:s0] =	ssyncadd.tile.s32 @!p0 $0x1;
	_ =	shalt  }
.Lfunc_end2:
_tile_overlayer_lowered:
.L_overlay_start_2:
0xe2: {  	(tag) =	ssettag $0x2  }
0xe3: {  	s0 =	rddreg [dreg:$0x0];
	s2 =	stileid.u32  }
0xe4: {  	s1 =	rddreg [dreg:$0x1];
	p0 =	sne.s32 s2, $0x0  }
0xe5: {  	s3 =	rddreg [dreg:$0x2];
	[bflag:$0x3] =	sbarrier.arrive $0xFFFF;
	s2 =	simm.s32 @!p0 $0x1C05  }
0xe6: {  	[timem:s3], [sflag:s2] =	dma.local @!p0 [hbm:s0], s1  }
0xe7: {  	s0 =	simm.s32 @!p0 $0x5  }
0xe8: {  	_ =	swait.ge @!p0 [sflag:s0], s1  }
0xe9: {  	s1 =	ssub.s32 @!p0 $0x0, s1;
	[sflag:s0] =	ssyncset.done @!p0 $0x0  }
0xea: {  	[sflag:s0] =	ssyncadd.s32 @!p0 s1  }
0xeb: {  	[bflag:$0x3] =	sbarrier.arrive $0xFFFF  }
0xec: {  	_ =	shalt  }

// kernel: kernel.16.cloned.1.call-start
scs
__scs_entry_jumppad:
0x0: {  	(pc) =	sbr.rel $0x88, $3  }
0x1: {  	(tag) =	ssettag $0x0;
	lr =	simm.s32 $0x1  }
0x2: {  	[smem:$0x3F82] =	sst lr;
	_ =	strace $0xD0000000  }
0x3: {  	_ = 	snop  }
0x4: {  	_ = 	snop  }
0x5: {  	_ = 	snop  }
0x6: {  	_ = 	snop  }
0x7: {  	_ = 	snop  }
__scs_overlays_trampoline_lowered:
0x8: {  	[smem:$0x3F91] =	sst s0  }
0x9: {  	[smem:$0x3F92] =	sst s1  }
0xa: {  	[smem:$0x3F93] =	sst s2  }
0xb: {  	[smem:$0x3F94] =	sst s3  }
0xc: {  	[smem:$0x3F95] =	sst s4  }
0xd: {  	[smem:$0x3F96] =	sst s5  }
0xe: {  	[smem:$0x3F97] =	sst s6  }
0xf: {  	[smem:$0x3F98] =	sst s7  }
0x10: {  	[smem:$0x3F99] =	sst s8  }
0x11: {  	[smem:$0x3F9A] =	sst s9;
	s0 =	simm.s32 @!p0 $0x0  }
0x12: {  	s1 =	sld [smem:$0x3F80];
	s0 =	simm.s32 @p0 $0x1  }
0x13: {  	[smem:$0x3F9B] =	sst s0;
	s0 =	simm.s32 @!p1 $0x0  }
0x14: {  	s2 =	sld [smem:$0x3F7F];
	s0 =	simm.s32 @p1 $0x1  }
0x15: {  	[smem:$0x3F9C] =	sst s0;
	s0 =	simm.s32 @!p2 $0x0  }
0x16: {  	s3 =	sld [smem:$0x3FDB];
	s0 =	simm.s32 @p2 $0x1  }
0x17: {  	s4 =	simm.s32 $0x1BF5;
	[smem:$0x3F9E] =	sst s0  }
0x18: {  	s0 =	sld [smem:$0x3F81];
	_ =	swait.ge [sflag:s4], $0x0  }
0x19: {  	s7 =	sld [smem:$0x3F82]  }
0x1a: {  	s8 =	sadd.s32 $0xFFFFE003, lr  }
0x1b: {  	s9 =	sadd.s32 $0xFFFFFEF7, lr;
	s5 =	simm.s32 $0xFFFFFFFF;
	p2 =	slt.u32 s8, $0xFFFFF086  }
0x1c: {  	p1 =	slt.u32 s9, $0xF7A;
	s5 =	simm.s32 @!p2 $0x0  }
0x1d: {  	s5 =	simm.s32 @p1 $0x1;
	p0 =	seq.s32 s7, s2  }
0x1e: {  	s7 =	smul.u32 @!p0 $0xF7A, s2;
	p2 =	seq.s32 @!p0 s5, $0x0  }
0x1f: {  	s9 =	smul.u32 $0xF7A, s1;
	s8 =	simm.s32 @!p0 $0x1BF5;
	p2 =	por !p2, p0  }
0x20: {  	[sflag:s8] =	ssyncset.s32 @!p0 $0xFFFFF086;
	s6 =	sadd.s32 @!p0 s3, s7;
	s7 =	simm.s32 @!p0 $0x108  }
0x21: {  	s3 =	sadd.s32 s3, s9;
	s6 =	sadd.s32 @!p0 $0x88, s6;
	s7 =	simm.s32 @p2 $0x1082  }
0x22: {  	[simem:s7], [sflag:s8] =	dma.local @!p0 [hbm:s6], $0xF7A  }
0x23: {  	s9 =	sor.u32 $0xD0000000, s2;
	s6 =	simm.s32 $0x108;
	_ =	swait.ge @!p0 [sflag:s8], $0x0  }
0x24: {  	s3 =	sadd.s32 $0x88, s3;
	s6 =	simm.s32 @!p1 $0x1082;
	[sflag:s4] =	ssyncset.s32 $0xFFFFF086  }
0x25: {  	[simem:s6], [sflag:s4] =	dma.local [hbm:s3], $0xF7A  }
0x26: {  	[smem:$0x3F82] =	sst s1;
	(tag) =	ssettag s2;
	_ =	strace s9  }
0x27: {  	s1 =	sld [smem:$0x3F92]  }
0x28: {  	s2 =	sld [smem:$0x3F93]  }
0x29: {  	s4 =	sld [smem:$0x3F95]  }
0x2a: {  	p0 =	seq.s32 s5, $0x0;
	s5 =	sld [smem:$0x3F96]  }
0x2b: {  	s6 =	sld [smem:$0x3F97]  }
0x2c: {  	s7 =	sld [smem:$0x3F98]  }
0x2d: {  	s3 =	simm.s32 $0x108;
	s8 =	sld [smem:$0x3F99]  }
0x2e: {  	s3 =	simm.s32 @!p0 $0x1082;
	s9 =	sld [smem:$0x3F9A]  }
0x2f: {  	lr =	sadd.s32 s0, s3;
	s0 =	sld [smem:$0x3F91]  }
0x30: {  	s3 =	sld [smem:$0x3F94]  }
0x31: {  	[smem:$0x3F9D] =	sst s10  }
0x32: {  	s10 =	sld [smem:$0x3F9B];
	_ =	sdelay $0x3  }
0x33: {  	p0 =	seq.s32 s10, $0x1;
	s10 =	sld [smem:$0x3F9D];
	_ =	sdelay $0x3  }
0x34: {  	[smem:$0x3F9D] =	sst s10  }
0x35: {  	s10 =	sld [smem:$0x3F9C];
	_ =	sdelay $0x3  }
0x36: {  	p1 =	seq.s32 s10, $0x1;
	s10 =	sld [smem:$0x3F9D];
	_ =	sdelay $0x3  }
0x37: {  	[smem:$0x3F9D] =	sst s10  }
0x38: {  	s10 =	sld [smem:$0x3F9E]  }
0x39: {  	_ = 	snop;
	(pc) =	sbr.ind lr, $3  }
0x3a: {  	_ = 	snop  }
0x3b: {  	_ = 	snop  }
0x3c: {  	p2 =	seq.s32 s10, $0x1;
	s10 =	sld [smem:$0x3F9D]  }
0x3d: {  	_ =	shalt  }
0x3e: {  	_ =	shalt  }
0x3f: {  	_ =	shalt  }
0x40: {  	_ =	shalt  }
0x41: {  	_ =	shalt  }
0x42: {  	_ =	shalt  }
0x43: {  	_ =	shalt  }
0x44: {  	_ =	shalt  }
0x45: {  	_ =	shalt  }
0x46: {  	_ =	shalt  }
0x47: {  	_ =	shalt  }
0x48: {  	_ =	shalt  }
0x49: {  	_ =	shalt  }
0x4a: {  	_ =	shalt  }
0x4b: {  	_ =	shalt  }
0x4c: {  	_ =	shalt  }
0x4d: {  	_ =	shalt  }
0x4e: {  	_ =	shalt  }
0x4f: {  	_ =	shalt  }
0x50: {  	_ =	shalt  }
0x51: {  	_ =	shalt  }
0x52: {  	_ =	shalt  }
0x53: {  	_ =	shalt  }
0x54: {  	_ =	shalt  }
0x55: {  	_ =	shalt  }
0x56: {  	_ =	shalt  }
0x57: {  	_ =	shalt  }
0x58: {  	_ =	shalt  }
0x59: {  	_ =	shalt  }
0x5a: {  	_ =	shalt  }
0x5b: {  	_ =	shalt  }
0x5c: {  	_ =	shalt  }
0x5d: {  	_ =	shalt  }
0x5e: {  	_ =	shalt  }
0x5f: {  	_ =	shalt  }
0x60: {  	_ =	shalt  }
0x61: {  	_ =	shalt  }
0x62: {  	_ =	shalt  }
0x63: {  	_ =	shalt  }
0x64: {  	_ =	shalt  }
0x65: {  	_ =	shalt  }
0x66: {  	_ =	shalt  }
0x67: {  	_ =	shalt  }
0x68: {  	_ =	shalt  }
0x69: {  	_ =	shalt  }
0x6a: {  	_ =	shalt  }
0x6b: {  	_ =	shalt  }
0x6c: {  	_ =	shalt  }
0x6d: {  	_ =	shalt  }
0x6e: {  	_ =	shalt  }
0x6f: {  	_ =	shalt  }
0x70: {  	_ =	shalt  }
0x71: {  	_ =	shalt  }
0x72: {  	_ =	shalt  }
0x73: {  	_ =	shalt  }
0x74: {  	_ =	shalt  }
0x75: {  	_ =	shalt  }
0x76: {  	_ =	shalt  }
0x77: {  	_ =	shalt  }
0x78: {  	_ =	shalt  }
0x79: {  	_ =	shalt  }
0x7a: {  	_ =	shalt  }
0x7b: {  	_ =	shalt  }
0x7c: {  	_ =	shalt  }
0x7d: {  	_ =	shalt  }
0x7e: {  	_ =	shalt  }
0x7f: {  	_ =	shalt  }
0x80: {  	_ =	shalt  }
0x81: {  	_ =	shalt  }
0x82: {  	_ =	shalt  }
0x83: {  	_ =	shalt  }
0x84: {  	_ =	shalt  }
0x85: {  	_ =	shalt  }
0x86: {  	_ =	shalt  }
0x87: {  	_ =	shalt  }
.Lfunc_end0:
.L_simem_size_0:
called_computation.1_lowered:
.L_overlay_start_0:
0x88: {  	s2 =	sld [smem:$0x3FD9]  }
0x89: {  	s3 =	sld [smem:$0x3FFE];
	_ =	sdelay $0x1  }
0x8a: {  	s1 =	srdreg.scid  }
0x8b: {  	s0 =	sand.u32 $0x1, s1  }
0x8c: {  	s17 =	sshll.u32 s0, $0xA;
	s2 =	sadd.s32 s3, s2  }
0x8d: {  	s2 =	sadd.s32 s2, s17  }
0x8e: {  	[smem:$0x3FA9] =	sst s2  }
0x8f: {  	_ = 	snop  }
0x90: {  	s2 =	sld [smem:$0x3FD0];
	(tm) =	ssettm $0x1  }
0x91: {  	s18 =	sld [smem:$0x3FFB];
	_ =	sdelay $0x3  }
0x92: {  	_ =	strace s18  }
0x93: {  	s3 =	sld [smem:$0x3FFC];
	_ =	sdelay $0x3  }
0x94: {  	_ =	strace s3  }
0x95: {  	s3 =	sld [smem:$0x3FFD];
	_ =	sdelay $0x3  }
0x96: {  	_ =	strace s3  }
0x97: {  	_ =	strace $0x8FFFFFFF  }
0x98: {  	s19 =	sld [smem:$0x3FDB];
	_ =	sdelay $0x1  }
0x99: {  	s4 =	simm.s32 $_scs_section_size  }
0x9a: {  	s5 =	simm.s32 $_size__tile_overlayer_lowered;
	s6 =	simm.s32 $_tile_overlayer_lowered  }
0x9b: {  	s22 =	simm.s32 $0x1BFF;
	s21 =	sshll.u32 s6, $0x1;
	s3 =	sadd.s32 s4, s19  }
0x9c: {  	s7 =	simm.s32 $0x0;
	s20 =	sshll.u32 s5, $0x1;
	s5 =	sadd.s32 s21, s3  }
0x9d: {  	[timem:s7], [sflag:s22] =	dma.local [hbm:s5], s20  }
0x9e: {  	_ =	swait.ge [sflag:s22], s20  }
0x9f: {  	s4 =	ssub.s32 $0x0, s20;
	[sflag:s22] =	ssyncset.done $0x0  }
0xa0: {  	[sflag:s22] =	ssyncadd.s32 s4;
	_ =	sdelay $0x1  }
0xa1: {  	s23 =	simm.s32 $0x1B8B  }
0xa2: {  	_ =	swait.ge [sflag:s23], $0x1  }
0xa3: {  	[sflag:s23] =	ssyncset.done $0x0  }
0xa4: {  	s25 =	simm.s32 $0x1B8E;
	s24 =	sld [smem:$0x3FFE];
	[sflag:s23] =	ssyncadd.s32 $0xFFFFFFFF  }
0xa5: {  	s26 =	simm.s32 $execute0_lowered;
	[smem:$0x3FD2] =	sst s25  }
0xa6: {  	s5 =	sshll.u32 s26, $0x1;
	_ =	strace $0x80000049;
	[dreg:$0x1] =	wrdreg $0xFFFFFFFF  }
0xa7: {  	s28 =	simm.s32 $_size_execute0_lowered;
	s3 =	sadd.s32 s3, s5;
	[dreg:$0x0] =	wrdreg $0x0  }
0xa8: {  	s5 =	sshll.u32 s28, $0x1;
	[dreg:$0x2] =	wrdreg s3  }
0xa9: {  	[dreg:$0x3] =	wrdreg s5  }
0xaa: {  	[dreg:$0x4] =	wrdreg $0xC0  }
0xab: {  	_ =	task [dreg:s7], $0x5FFFF  }
0xac: {  	[dreg:$0x1] =	wrdreg $0xFFFFFFFF  }
0xad: {  	[dreg:$0x0] =	wrdreg $0x60  }
0xae: {  	[dreg:$0x2] =	wrdreg s24  }
0xaf: {  	[dreg:$0x3] =	wrdreg s2  }
0xb0: {  	[dreg:$0x4] =	wrdreg $0xA8800  }
0xb1: {  	[dreg:$0x5] =	wrdreg $0x9  }
0xb2: {  	_ =	task.clear_ibuf [dreg:s7], $0x6FFFF;
	_ =	strace $0x90000049  }
0xb3: {  	s29 =	simm.s32 $0x9;
	_ =	strace $0x8000004B  }
0xb4: {  	_ =	swait.ge [sflag:s29], $0x1  }
0xb5: {  	[sflag:s29] =	ssyncadd.s32 $0xFFFFFFFF  }
0xb6: {  	_ =	strace $0x9000004B  }
0xb7: {  	_ =	sfence  }
0xb8: {  	s30 =	sld [smem:$0x0];
	_ =	sdelay $0x2  }
0xb9: {  	s31 =	sshll.u32 s1, $0xD;
	s1 =	sshrl.u32 s1, $0x2  }
0xba: {  	s3 =	sand.u32 $0x4000, s31;
	s1 =	sadd.s32 s1, s30  }
0xbb: {  	s0 =	sor.u32 s3, s0;
	s1 =	sshll.u32 s1, $0x11  }
0xbc: {  	s0 =	sor.u32 s1, s0  }
0xbd: {  	s0 =	sadd.s32 $0x8F2B, s0  }
0xbe: {  	[sflag:s0] =	ssyncadd.remote.s32 $0x1  }
0xbf: {  	_ =	sfence.sel $0xFFFF  }
0xc0: {  	[dreg:$0x0] =	wrdreg $0xFFFFFFFF;
	(pc) =	sbr.abs _section_cstart, $3  }
0xc1: {  	[dreg:$0x1] =	wrdreg $0xFFFFFFFF  }
0xc2: {  	_ =	task.clear_ibuf [dreg:s7], $0x2FFFF;
	_ =	strace $0x9FFFFFFF  }
0xc3: {  	(tm) =	ssettm $0x7FFFFFFF  }
tec
execute0_lowered:
.L_overlay_start_1:
0x0: {  	(tag) =	ssettag $0x1  }
0x1: {  	s0 =	rddreg [dreg:$0x0]  }
0x2: {  	s2 =	rddreg [dreg:$0x2]  }
0x3: {  	s3 =	simm.s32 $0x0;
	s16 =	stileid.u32;
	s4 =	srdreg.scid  }
0x4: {  	s20 =	simm.s32 $0x5;
	s28 =	simm.s32 $0x2;
	s29 =	simm.s32 $0x1480  }
0x5: {  	s30 =	simm.s32 $0x3;
	s31 =	simm.s32 $0x4;
	s1 =	smul.u32 $0x2780, s16  }
0x6: {  	[smem:$0x7FF] =	sst s3;
	s5 =	sadd.s32 $0x58000, s0;
	s9 =	smul.u32 $0x4F000, s16  }
0x7: {  	s6 =	sadd.s32 $0xF4400, s0;
	s7 =	sadd.s32 $0x8800, s0;
	s10 =	smul.u32 $0x2800, s16  }
0x8: {  	s8 =	sadd.s32 $0x1C800, s0;
	s4 =	sand.u32 $0x1, s4;
	s13 =	smul.u32 $0x50000, s16  }
0x9: {  	s22 =	sshll.u32 s16, $0x6;
	s14 =	sadd.s32 $0x12C000, s2;
	s17 =	sadd.s32 $0x140E00, s0  }
0xa: {  	s25 =	sadd.s32 $0x168000, s0;
	p1 =	seq.s32 s16, $0xF;
	_ =	strace $0x8000004A  }
0xb: {  	s11 =	ssub.s32 $0x2, s4;
	[dreg:$0x5] =	wrdreg s25;
	p0 =	seq.s32 s4, $0x0  }
0xc: {  	s25 =	simm.s32 $0x6800;
	s1 =	sadd.s32 s1, s0;
	s12 =	sshrl.u32 s11, $0x1  }
0xd: {  	s9 =	sshrl.u32 s9, $0x2;
	s15 =	sadd.s32 s10, s0;
	s23 =	sshrl.u32 s13, $0x2  }
0xe: {  	s10 =	sor.u32 $0x1C05, s22;
	s22 =	simm.s32 $0x1400;
	s0 =	simm.s32 $0x0  }
.Ltmp0:
0xf: {  	s18 =	ssub.s32 s11, s12;
	s19 =	sadd.s32 s9, s2;
	(pc) =	sbr.rel .LBB2_1-.Ltmp0, $4  }
0x10: {  	s9 =	sadd.s32 $0x30800, s1;
	s11 =	smul.u32 $0x28, s16;
	s24 =	sadd.s32 $0x142800, s15  }
0x11: {  	s12 =	sadd.s32 s23, s2;
	s26 =	sadd.s32 $0x11B600, s15;
	[dreg:$0x4] =	wrdreg s24  }
0x12: {  	s23 =	simm.s32 $0x80;
	[dreg:$0x6] =	wrdreg s26;
	s18 =	smax.u32 s18, $0x1  }
0x13: {  	s19 =	sshrl.u32 s19, $0x3;
	s24 =	simm.s32 $0x2800;
	s26 =	simm.s32 $0x1  }
.LBB2_13:
0x14: {  	[bflag:$0x0] =	sbarrier.arrive $0xFFFF;
	s1 =	sshrl.u32 @p1 s14, $0x3  }
0x15: {  	[hbm:s17], [sflag:s10] =	dma.local @p1 [spmem:s1], $0x1900  }
0x16: {  	s1 =	simm.s32 @p1 $0x5  }
0x17: {  	_ =	swait.ge @p1 [sflag:s1], $0x1900  }
0x18: {  	[sflag:s1] =	ssyncset.done @p1 $0x0  }
0x19: {  	s4 =	rddreg [dreg:$0x6];
	[sflag:s1] =	ssyncadd.s32 @p1 $0xFFFFE700;
	s1 =	sshrl.u32 @!p1 s12, $0x3  }
0x1a: {  	[hbm:s4], [sflag:s10] =	dma.local @!p1 [spmem:s1], $0x2800  }
0x1b: {  	s1 =	simm.s32 @!p1 $0x5  }
0x1c: {  	_ =	swait.ge @!p1 [sflag:s1], $0x2800  }
0x1d: {  	[sflag:s1] =	ssyncset.done @!p1 $0x0  }
0x1e: {  	[sflag:s1] =	ssyncadd.s32 @!p1 $0xFFFFD800  }
.LBB2_14:
0x1f: {  	s0 =	sadd.s32 $0x1, s0  }
0x20: {  	p2 =	sne.s32 s0, s18  }
.Ltmp1:
0x21: {  	_ = 	snop;
	(pc) =	sbr.rel @!p2 .LBB2_15-.Ltmp1, $1  }
0x22: {  	_ =	sdelay $0x3  }
.LBB2_1:
0x23: {  	[spmem:s19], [sflag:s10] =	dma.local [hbm:s9], $0x2780  }
0x24: {  	_ =	swait.ge [sflag:s20], $0x2780  }
0x25: {  	[sflag:s20] =	ssyncset.done $0x0  }
0x26: {  	[sflag:s20] =	ssyncadd.s32 $0xFFFFD880  }
0x27: {  	s4 =	simm.s32 $0xA800;
	s1 =	rddreg [dreg:$0x1]  }
0x28: {  	[tilespmem:s4], [sflag:$0x5] =	stream.linear.gather [hbm4b:s1+s3], $0x80, $0x38;
	[tilespmem:$0x1E480] =	vst v63  }
0x29: {  	_ =	swait.ge [sflag:s20], $0x80  }
0x2a: {  	[sflag:s20] =	ssyncset.done $0x0  }
0x2b: {  	[sflag:s20] =	ssyncadd.s32 $0xFFFFFF80  }
0x2c: {  	v0 =	vld [tilespmem:$0xA800];
	_ =	sdelay $0x4  }
0x2d: {  	(v2sf) =	vpush v0, $0x0;
	_ =	sdelay $0x1  }
0x2e: {  	(v2sf) =	vpush v0, $0x1;
	_ =	sdelay $0xc  }
0x2f: {  	s13 =	spop (v2sf)  }
0x30: {  	s1 =	smul.u32 $0x280, s13  }
.Ltmp2:
0x31: {  	s21 =	spop (v2sf);
	(pc) =	sbr.rel @!p0 .LBB2_2-.Ltmp2, $4  }
0x32: {  	s15 =	smul.u32 s11, s21  }
0x33: {  	s16 =	smul.u32 s11, s13  }
0x34: {  	s4 =	smov.u32 s21;
	[bflag:$0x0] =	sbarrier.arrive $0xFFFF;
	s1 =	sadd.s32 s15, s1  }
0x35: {  	s4 =	smov.u32 @p0 s13;
	s1 =	smov.u32 @p0 s16  }
0x36: {  	p2 =	slt.s32 s13, $0x1  }
.Ltmp3:
0x37: {  	_ = 	snop;
	(pc) =	sbr.rel @p2 .LBB2_13-.Ltmp3, $2  }
0x38: {  	_ =	sdelay $0x2  }
0x39: {  	s21 =	simm.s32 $0x0  }
.LBB2_9:
0x3a: {  	p2 =	seq.s32 s21, $0x0  }
0x3b: {  	s13 =	simm.s32 @!p2 $0x3  }
0x3c: {  	_ =	swait.ge @!p2 [sflag:s13], $0x4000  }
0x3d: {  	s15 =	smul.u32 $0x28, s21;
	[sflag:s13] =	ssyncset.done @!p2 $0x0  }
0x3e: {  	[sflag:s13] =	ssyncadd.s32 @!p2 $0xFFFFC000;
	s13 =	simm.s32 @!p2 $0x4  }
0x3f: {  	s15 =	sadd.s32 s1, s15;
	_ =	swait.ge @!p2 [sflag:s13], $0x4000  }
0x40: {  	s15 =	sshll.u32 s15, $0x4;
	[sflag:s13] =	ssyncset.done @!p2 $0x0  }
0x41: {  	s16 =	sadd.s32 s7, s15;
	[sflag:s13] =	ssyncadd.s32 @!p2 $0xFFFFC000  }
0x42: {  	[tilespmem:s3], [sflag:$0x5] =	stream.linear.gather [hbm4b:s16+s3], $0x1400, $0x38;
	[tilespmem:$0x1E480] =	vst v63  }
0x43: {  	_ =	swait.ge [sflag:s20], $0x1400  }
0x44: {  	[sflag:s20] =	ssyncset.done $0x0  }
0x45: {  	s15 =	sadd.s32 s8, s15;
	[sflag:s20] =	ssyncadd.s32 $0xFFFFEC00  }
0x46: {  	[tilespmem:s22], [sflag:$0x5] =	stream.linear.gather [hbm4b:s15+s3], $0x1400, $0x38;
	[tilespmem:$0x1E480] =	vst v63  }
0x47: {  	_ =	swait.ge [sflag:s20], $0x1400  }
0x48: {  	[sflag:s20] =	ssyncset.done $0x0  }
0x49: {  	[sflag:s20] =	ssyncadd.s32 $0xFFFFEC00  }
0x4a: {  	[tilespmem:s24], [sflag:$0x1] =	stream.indirect.gather [hbm4b:s5+s23], $0x80, s3, s23, $0xb8;
	[tilespmem:$0x1E480] =	vst v63  }
0x4b: {  	_ = 	snop  }
0x4c: {  	[tilespmem:s25], [sflag:$0x2] =	stream.indirect.gather [hbm4b:s5+s23], $0x80, s23, s23, $0xb8;
	[tilespmem:$0x1E480] =	vst v63  }
0x4d: {  	_ =	swait.ge [sflag:s26], $0x4000  }
0x4e: {  	[sflag:s26] =	ssyncset.done $0x0  }
0x4f: {  	[sflag:s26] =	ssyncadd.s32 $0xFFFFC000  }
0x50: {  	[spmem:s2] =	stream.indirect.scatter.add.f32 [tilespmem:s24], [sflag:$0x3], $0x80, s22, s23, $0xb8;
	[tilespmem:$0x1E480] =	vst v63  }
0x51: {  	_ =	swait.ge [sflag:s28], $0x4000  }
0x52: {  	[sflag:s28] =	ssyncset.done $0x0  }
0x53: {  	[sflag:s28] =	ssyncadd.s32 $0xFFFFC000  }
0x54: {  	[spmem:s2] =	stream.indirect.scatter.add.f32 [tilespmem:s25], [sflag:$0x4], $0x80, s29, s23, $0xb8;
	[tilespmem:$0x1E480] =	vst v63  }
0x55: {  	_ =	swait.ge [sflag:s30], $0x4000  }
0x56: {  	[sflag:s30] =	ssyncset.done $0x0  }
0x57: {  	[sflag:s30] =	ssyncadd.s32 $0xFFFFC000  }
0x58: {  	_ =	swait.ge [sflag:s31], $0x4000  }
0x59: {  	[sflag:s31] =	ssyncset.done $0x0  }
0x5a: {  	s16 =	simm.s32 $0x100;
	[sflag:s31] =	ssyncadd.s32 $0xFFFFC000  }
0x5b: {  	[tilespmem:s24], [sflag:$0x1] =	stream.indirect.gather [hbm4b:s5+s23], $0x80, s16, s23, $0xb8;
	[tilespmem:$0x1E480] =	vst v63  }
0x5c: {  	s15 =	simm.s32 $0x180  }
0x5d: {  	[tilespmem:s25], [sflag:$0x2] =	stream.indirect.gather [hbm4b:s5+s23], $0x80, s15, s23, $0xb8;
	[tilespmem:$0x1E480] =	vst v63  }
0x5e: {  	_ =	swait.ge [sflag:s26], $0x4000  }
0x5f: {  	[sflag:s26] =	ssyncset.done $0x0  }
0x60: {  	s16 =	simm.s32 $0x1500;
	[sflag:s26] =	ssyncadd.s32 $0xFFFFC000  }
0x61: {  	[spmem:s2] =	stream.indirect.scatter.add.f32 [tilespmem:s24], [sflag:$0x3], $0x80, s16, s23, $0xb8;
	[tilespmem:$0x1E480] =	vst v63  }
0x62: {  	_ =	swait.ge [sflag:s28], $0x4000  }
0x63: {  	[sflag:s28] =	ssyncset.done $0x0  }
0x64: {  	s13 =	simm.s32 $0xFFFFB800;
	s15 =	simm.s32 $0x1580;
	[sflag:s28] =	ssyncadd.s32 $0xFFFFC000  }
.LBB2_10:
0x65: {  	[spmem:s2] =	stream.indirect.scatter.add.f32 [tilespmem:s25], [sflag:$0x4], $0x80, s15, s23, $0xb8;
	[tilespmem:$0x1E480] =	vst v63  }
0x66: {  	s15 =	smov.u32 s13  }
0x67: {  	p2 =	sne.s32 s13, $0xFFFFFC00;
	s13 =	sadd.s32 $0x400, s13;
	_ =	swait.ge [sflag:s30], $0x4000  }
0x68: {  	[sflag:s30] =	ssyncset.done $0x0  }
0x69: {  	[sflag:s30] =	ssyncadd.s32 $0xFFFFC000  }
0x6a: {  	_ =	swait.ge [sflag:s31], $0x4000  }
0x6b: {  	s15 =	sshra.s32 s15, $0x2;
	[sflag:s31] =	ssyncset.done $0x0  }
0x6c: {  	s16 =	sadd.s32 $0x1400, s15;
	[sflag:s31] =	ssyncadd.s32 $0xFFFFC000  }
0x6d: {  	[tilespmem:s24], [sflag:$0x1] =	stream.indirect.gather [hbm4b:s5+s23], $0x80, s16, s23, $0xb8;
	[tilespmem:$0x1E480] =	vst v63  }
0x6e: {  	s16 =	sadd.s32 $0x1480, s15  }
0x6f: {  	[tilespmem:s25], [sflag:$0x2] =	stream.indirect.gather [hbm4b:s5+s23], $0x80, s16, s23, $0xb8;
	[tilespmem:$0x1E480] =	vst v63  }
0x70: {  	_ =	swait.ge [sflag:s26], $0x4000  }
0x71: {  	[sflag:s26] =	ssyncset.done $0x0  }
.Ltmp4:
0x72: {  	s16 =	sadd.s32 $0x2800, s15;
	[sflag:s26] =	ssyncadd.s32 $0xFFFFC000;
	(pc) =	sbr.rel @p2 .LBB2_10-.Ltmp4, $4  }
0x73: {  	[spmem:s2] =	stream.indirect.scatter.add.f32 [tilespmem:s24], [sflag:$0x3], $0x80, s16, s23, $0xb8;
	[tilespmem:$0x1E480] =	vst v63  }
0x74: {  	_ =	swait.ge [sflag:s28], $0x4000  }
0x75: {  	[sflag:s28] =	ssyncset.done $0x0  }
0x76: {  	s15 =	sadd.s32 $0x2880, s15;
	[sflag:s28] =	ssyncadd.s32 $0xFFFFC000  }
0x77: {  	s21 =	sadd.s32 $0x1, s21  }
0x78: {  	p2 =	sne.s32 s21, s4  }
.Ltmp5:
0x79: {  	_ = 	snop;
	(pc) =	sbr.rel @p2 .LBB2_9-.Ltmp5, $2  }
0x7a: {  	_ =	sdelay $0x2  }
0x7b: {  	[spmem:s2] =	stream.indirect.scatter.add.f32 [tilespmem:s25], [sflag:$0x4], $0x80, s15, s23, $0xb8;
	[tilespmem:$0x1E480] =	vst v63  }
0x7c: {  	_ =	swait.ge [sflag:s30], $0x4000  }
.Ltmp6:
0x7d: {  	[sflag:s30] =	ssyncset.done $0x0;
	(pc) =	sbr.rel .LBB2_13-.Ltmp6, $4  }
0x7e: {  	[sflag:s30] =	ssyncadd.s32 $0xFFFFC000  }
0x7f: {  	_ =	swait.ge [sflag:s31], $0x4000  }
0x80: {  	[sflag:s31] =	ssyncset.done $0x0  }
0x81: {  	[sflag:s31] =	ssyncadd.s32 $0xFFFFC000  }
.LBB2_2:
0x82: {  	p2 =	sgt.s32 s21, $0x0  }
.Ltmp7:
0x83: {  	_ = 	snop;
	(pc) =	sbr.rel @!p2 .LBB2_7-.Ltmp7, $2  }
0x84: {  	_ =	sdelay $0x2  }
0x85: {  	s21 =	simm.s32 $0x0  }
.LBB2_3:
0x86: {  	p2 =	seq.s32 s21, $0x0  }
0x87: {  	s13 =	simm.s32 @!p2 $0x3  }
0x88: {  	_ =	swait.ge @!p2 [sflag:s13], $0x4000  }
0x89: {  	s15 =	smul.u32 $0x28, s21;
	[sflag:s13] =	ssyncset.done @!p2 $0x0  }
0x8a: {  	[sflag:s13] =	ssyncadd.s32 @!p2 $0xFFFFC000;
	s13 =	simm.s32 @!p2 $0x4  }
0x8b: {  	s15 =	sadd.s32 s1, s15;
	_ =	swait.ge @!p2 [sflag:s13], $0x4000  }
0x8c: {  	s15 =	sshll.u32 s15, $0x4;
	[sflag:s13] =	ssyncset.done @!p2 $0x0  }
0x8d: {  	s16 =	sadd.s32 s7, s15;
	[sflag:s13] =	ssyncadd.s32 @!p2 $0xFFFFC000  }
0x8e: {  	[tilespmem:s3], [sflag:$0x5] =	stream.linear.gather [hbm4b:s16+s3], $0x1400, $0x38;
	[tilespmem:$0x1E480] =	vst v63  }
0x8f: {  	_ =	swait.ge [sflag:s20], $0x1400  }
0x90: {  	[sflag:s20] =	ssyncset.done $0x0  }
0x91: {  	s15 =	sadd.s32 s8, s15;
	[sflag:s20] =	ssyncadd.s32 $0xFFFFEC00  }
0x92: {  	[tilespmem:s22], [sflag:$0x5] =	stream.linear.gather [hbm4b:s15+s3], $0x1400, $0x38;
	[tilespmem:$0x1E480] =	vst v63  }
0x93: {  	_ =	swait.ge [sflag:s20], $0x1400  }
0x94: {  	[sflag:s20] =	ssyncset.done $0x0  }
0x95: {  	[sflag:s20] =	ssyncadd.s32 $0xFFFFEC00  }
0x96: {  	[tilespmem:s24], [sflag:$0x1] =	stream.indirect.gather [hbm4b:s6+s23], $0x80, s3, s23, $0xb8;
	[tilespmem:$0x1E480] =	vst v63  }
0x97: {  	_ = 	snop  }
0x98: {  	[tilespmem:s25], [sflag:$0x2] =	stream.indirect.gather [hbm4b:s6+s23], $0x80, s23, s23, $0xb8;
	[tilespmem:$0x1E480] =	vst v63  }
0x99: {  	_ =	swait.ge [sflag:s26], $0x4000  }
0x9a: {  	[sflag:s26] =	ssyncset.done $0x0  }
0x9b: {  	[sflag:s26] =	ssyncadd.s32 $0xFFFFC000  }
0x9c: {  	[spmem:s2] =	stream.indirect.scatter.add.f32 [tilespmem:s24], [sflag:$0x3], $0x80, s22, s23, $0xb8;
	[tilespmem:$0x1E480] =	vst v63  }
0x9d: {  	_ =	swait.ge [sflag:s28], $0x4000  }
0x9e: {  	[sflag:s28] =	ssyncset.done $0x0  }
0x9f: {  	[sflag:s28] =	ssyncadd.s32 $0xFFFFC000  }
0xa0: {  	[spmem:s2] =	stream.indirect.scatter.add.f32 [tilespmem:s25], [sflag:$0x4], $0x80, s29, s23, $0xb8;
	[tilespmem:$0x1E480] =	vst v63  }
0xa1: {  	_ =	swait.ge [sflag:s30], $0x4000  }
0xa2: {  	[sflag:s30] =	ssyncset.done $0x0  }
0xa3: {  	[sflag:s30] =	ssyncadd.s32 $0xFFFFC000  }
0xa4: {  	_ =	swait.ge [sflag:s31], $0x4000  }
0xa5: {  	[sflag:s31] =	ssyncset.done $0x0  }
0xa6: {  	s16 =	simm.s32 $0x100;
	[sflag:s31] =	ssyncadd.s32 $0xFFFFC000  }
0xa7: {  	[tilespmem:s24], [sflag:$0x1] =	stream.indirect.gather [hbm4b:s6+s23], $0x80, s16, s23, $0xb8;
	[tilespmem:$0x1E480] =	vst v63  }
0xa8: {  	s15 =	simm.s32 $0x180  }
0xa9: {  	[tilespmem:s25], [sflag:$0x2] =	stream.indirect.gather [hbm4b:s6+s23], $0x80, s15, s23, $0xb8;
	[tilespmem:$0x1E480] =	vst v63  }
0xaa: {  	_ =	swait.ge [sflag:s26], $0x4000  }
0xab: {  	[sflag:s26] =	ssyncset.done $0x0  }
0xac: {  	s16 =	simm.s32 $0x1500;
	[sflag:s26] =	ssyncadd.s32 $0xFFFFC000  }
0xad: {  	[spmem:s2] =	stream.indirect.scatter.add.f32 [tilespmem:s24], [sflag:$0x3], $0x80, s16, s23, $0xb8;
	[tilespmem:$0x1E480] =	vst v63  }
0xae: {  	_ =	swait.ge [sflag:s28], $0x4000  }
0xaf: {  	[sflag:s28] =	ssyncset.done $0x0  }
0xb0: {  	s13 =	simm.s32 $0xFFFFB800;
	s15 =	simm.s32 $0x1580;
	[sflag:s28] =	ssyncadd.s32 $0xFFFFC000  }
.LBB2_4:
0xb1: {  	[spmem:s2] =	stream.indirect.scatter.add.f32 [tilespmem:s25], [sflag:$0x4], $0x80, s15, s23, $0xb8;
	[tilespmem:$0x1E480] =	vst v63  }
0xb2: {  	s15 =	smov.u32 s13  }
0xb3: {  	p2 =	sne.s32 s13, $0xFFFFFC00;
	s13 =	sadd.s32 $0x400, s13;
	_ =	swait.ge [sflag:s30], $0x4000  }
0xb4: {  	[sflag:s30] =	ssyncset.done $0x0  }
0xb5: {  	[sflag:s30] =	ssyncadd.s32 $0xFFFFC000  }
0xb6: {  	_ =	swait.ge [sflag:s31], $0x4000  }
0xb7: {  	s15 =	sshra.s32 s15, $0x2;
	[sflag:s31] =	ssyncset.done $0x0  }
0xb8: {  	s16 =	sadd.s32 $0x1400, s15;
	[sflag:s31] =	ssyncadd.s32 $0xFFFFC000  }
0xb9: {  	[tilespmem:s24], [sflag:$0x1] =	stream.indirect.gather [hbm4b:s6+s23], $0x80, s16, s23, $0xb8;
	[tilespmem:$0x1E480] =	vst v63  }
0xba: {  	s16 =	sadd.s32 $0x1480, s15  }
0xbb: {  	[tilespmem:s25], [sflag:$0x2] =	stream.indirect.gather [hbm4b:s6+s23], $0x80, s16, s23, $0xb8;
	[tilespmem:$0x1E480] =	vst v63  }
0xbc: {  	_ =	swait.ge [sflag:s26], $0x4000  }
0xbd: {  	[sflag:s26] =	ssyncset.done $0x0  }
.Ltmp8:
0xbe: {  	s16 =	sadd.s32 $0x2800, s15;
	[sflag:s26] =	ssyncadd.s32 $0xFFFFC000;
	(pc) =	sbr.rel @p2 .LBB2_4-.Ltmp8, $4  }
0xbf: {  	[spmem:s2] =	stream.indirect.scatter.add.f32 [tilespmem:s24], [sflag:$0x3], $0x80, s16, s23, $0xb8;
	[tilespmem:$0x1E480] =	vst v63  }
0xc0: {  	_ =	swait.ge [sflag:s28], $0x4000  }
0xc1: {  	[sflag:s28] =	ssyncset.done $0x0  }
0xc2: {  	s15 =	sadd.s32 $0x2880, s15;
	[sflag:s28] =	ssyncadd.s32 $0xFFFFC000  }
0xc3: {  	s21 =	sadd.s32 $0x1, s21  }
0xc4: {  	p2 =	sne.s32 s21, s4  }
.Ltmp9:
0xc5: {  	_ = 	snop;
	(pc) =	sbr.rel @p2 .LBB2_3-.Ltmp9, $2  }
0xc6: {  	_ =	sdelay $0x2  }
0xc7: {  	[spmem:s2] =	stream.indirect.scatter.add.f32 [tilespmem:s25], [sflag:$0x4], $0x80, s15, s23, $0xb8;
	[tilespmem:$0x1E480] =	vst v63  }
0xc8: {  	_ =	swait.ge [sflag:s30], $0x4000  }
0xc9: {  	[sflag:s30] =	ssyncset.done $0x0  }
0xca: {  	[sflag:s30] =	ssyncadd.s32 $0xFFFFC000  }
0xcb: {  	_ =	swait.ge [sflag:s31], $0x4000  }
0xcc: {  	[sflag:s31] =	ssyncset.done $0x0  }
0xcd: {  	[sflag:s31] =	ssyncadd.s32 $0xFFFFC000  }
.LBB2_7:
0xce: {  	[bflag:$0x0] =	sbarrier.arrive $0xFFFF  }
0xcf: {  	s1 =	sshrl.u32 @p1 s14, $0x3;
	s4 =	rddreg [dreg:$0x5]  }
0xd0: {  	[hbm:s4], [sflag:s10] =	dma.local @p1 [spmem:s1], $0x1900  }
0xd1: {  	s1 =	simm.s32 @p1 $0x5  }
0xd2: {  	_ =	swait.ge @p1 [sflag:s1], $0x1900  }
0xd3: {  	[sflag:s1] =	ssyncset.done @p1 $0x0  }
0xd4: {  	s4 =	rddreg [dreg:$0x4];
	[sflag:s1] =	ssyncadd.s32 @p1 $0xFFFFE700;
	s1 =	sshrl.u32 @!p1 s12, $0x3  }
0xd5: {  	[hbm:s4], [sflag:s10] =	dma.local @!p1 [spmem:s1], $0x2800  }
.Ltmp10:
0xd6: {  	_ = 	snop;
	(pc) =	sbr.rel .LBB2_14-.Ltmp10, $4  }
0xd7: {  	s1 =	simm.s32 @!p1 $0x5  }
0xd8: {  	_ =	swait.ge @!p1 [sflag:s1], $0x2800  }
0xd9: {  	[sflag:s1] =	ssyncset.done @!p1 $0x0  }
0xda: {  	[sflag:s1] =	ssyncadd.s32 @!p1 $0xFFFFD800  }
.LBB2_15:
0xdb: {  	_ =	sfence.sel $0x180000  }
0xdc: {  	[bflag:$0x0] =	sbarrier.arrive $0xFFFF  }
0xdd: {  	_ =	strace $0x9000004A  }
0xde: {  	s0 =	stileid.u32;
	[bflag:$0x2] =	sbarrier.arrive $0xFFFF  }
0xdf: {  	p0 =	sne.s32 s0, $0x0;
	s0 =	rddreg [dreg:$0x3]  }
0xe0: {  	s0 =	sadd.s32 @!p0 $0x100000, s0  }
0xe1: {  	[sflag:s0] =	ssyncadd.tile.s32 @!p0 $0x1;
	_ =	shalt  }
.Lfunc_end2:
_tile_overlayer_lowered:
.L_overlay_start_2:
0xe2: {  	(tag) =	ssettag $0x2  }
0xe3: {  	s0 =	rddreg [dreg:$0x0];
	s2 =	stileid.u32  }
0xe4: {  	s1 =	rddreg [dreg:$0x1];
	p0 =	sne.s32 s2, $0x0  }
0xe5: {  	s3 =	rddreg [dreg:$0x2];
	[bflag:$0x3] =	sbarrier.arrive $0xFFFF;
	s2 =	simm.s32 @!p0 $0x1C05  }
0xe6: {  	[timem:s3], [sflag:s2] =	dma.local @!p0 [hbm:s0], s1  }
0xe7: {  	s0 =	simm.s32 @!p0 $0x5  }
0xe8: {  	_ =	swait.ge @!p0 [sflag:s0], s1  }
0xe9: {  	s1 =	ssub.s32 @!p0 $0x0, s1;
	[sflag:s0] =	ssyncset.done @!p0 $0x0  }
0xea: {  	[sflag:s0] =	ssyncadd.s32 @!p0 s1  }
0xeb: {  	[bflag:$0x3] =	sbarrier.arrive $0xFFFF  }
0xec: {  	_ =	shalt  }

// kernel: kernel.19.cloned.1.call-start
scs
__scs_entry_jumppad:
0x0: {  	(pc) =	sbr.rel $0x88, $3  }
0x1: {  	(tag) =	ssettag $0x0;
	lr =	simm.s32 $0x1  }
0x2: {  	[smem:$0x3F82] =	sst lr;
	_ =	strace $0xD0000000  }
0x3: {  	_ = 	snop  }
0x4: {  	_ = 	snop  }
0x5: {  	_ = 	snop  }
0x6: {  	_ = 	snop  }
0x7: {  	_ = 	snop  }
__scs_overlays_trampoline_lowered:
0x8: {  	[smem:$0x3F91] =	sst s0  }
0x9: {  	[smem:$0x3F92] =	sst s1  }
0xa: {  	[smem:$0x3F93] =	sst s2  }
0xb: {  	[smem:$0x3F94] =	sst s3  }
0xc: {  	[smem:$0x3F95] =	sst s4  }
0xd: {  	[smem:$0x3F96] =	sst s5  }
0xe: {  	[smem:$0x3F97] =	sst s6  }
0xf: {  	[smem:$0x3F98] =	sst s7  }
0x10: {  	[smem:$0x3F99] =	sst s8  }
0x11: {  	[smem:$0x3F9A] =	sst s9;
	s0 =	simm.s32 @!p0 $0x0  }
0x12: {  	s1 =	sld [smem:$0x3F80];
	s0 =	simm.s32 @p0 $0x1  }
0x13: {  	[smem:$0x3F9B] =	sst s0;
	s0 =	simm.s32 @!p1 $0x0  }
0x14: {  	s2 =	sld [smem:$0x3F7F];
	s0 =	simm.s32 @p1 $0x1  }
0x15: {  	[smem:$0x3F9C] =	sst s0;
	s0 =	simm.s32 @!p2 $0x0  }
0x16: {  	s3 =	sld [smem:$0x3FDB];
	s0 =	simm.s32 @p2 $0x1  }
0x17: {  	s4 =	simm.s32 $0x1BF5;
	[smem:$0x3F9E] =	sst s0  }
0x18: {  	s0 =	sld [smem:$0x3F81];
	_ =	swait.ge [sflag:s4], $0x0  }
0x19: {  	s7 =	sld [smem:$0x3F82]  }
0x1a: {  	s8 =	sadd.s32 $0xFFFFE003, lr  }
0x1b: {  	s9 =	sadd.s32 $0xFFFFFEF7, lr;
	s5 =	simm.s32 $0xFFFFFFFF;
	p2 =	slt.u32 s8, $0xFFFFF086  }
0x1c: {  	p1 =	slt.u32 s9, $0xF7A;
	s5 =	simm.s32 @!p2 $0x0  }
0x1d: {  	s5 =	simm.s32 @p1 $0x1;
	p0 =	seq.s32 s7, s2  }
0x1e: {  	s7 =	smul.u32 @!p0 $0xF7A, s2;
	p2 =	seq.s32 @!p0 s5, $0x0  }
0x1f: {  	s9 =	smul.u32 $0xF7A, s1;
	s8 =	simm.s32 @!p0 $0x1BF5;
	p2 =	por !p2, p0  }
0x20: {  	[sflag:s8] =	ssyncset.s32 @!p0 $0xFFFFF086;
	s6 =	sadd.s32 @!p0 s3, s7;
	s7 =	simm.s32 @!p0 $0x108  }
0x21: {  	s3 =	sadd.s32 s3, s9;
	s6 =	sadd.s32 @!p0 $0x88, s6;
	s7 =	simm.s32 @p2 $0x1082  }
0x22: {  	[simem:s7], [sflag:s8] =	dma.local @!p0 [hbm:s6], $0xF7A  }
0x23: {  	s9 =	sor.u32 $0xD0000000, s2;
	s6 =	simm.s32 $0x108;
	_ =	swait.ge @!p0 [sflag:s8], $0x0  }
0x24: {  	s3 =	sadd.s32 $0x88, s3;
	s6 =	simm.s32 @!p1 $0x1082;
	[sflag:s4] =	ssyncset.s32 $0xFFFFF086  }
0x25: {  	[simem:s6], [sflag:s4] =	dma.local [hbm:s3], $0xF7A  }
0x26: {  	[smem:$0x3F82] =	sst s1;
	(tag) =	ssettag s2;
	_ =	strace s9  }
0x27: {  	s1 =	sld [smem:$0x3F92]  }
0x28: {  	s2 =	sld [smem:$0x3F93]  }
0x29: {  	s4 =	sld [smem:$0x3F95]  }
0x2a: {  	p0 =	seq.s32 s5, $0x0;
	s5 =	sld [smem:$0x3F96]  }
0x2b: {  	s6 =	sld [smem:$0x3F97]  }
0x2c: {  	s7 =	sld [smem:$0x3F98]  }
0x2d: {  	s3 =	simm.s32 $0x108;
	s8 =	sld [smem:$0x3F99]  }
0x2e: {  	s3 =	simm.s32 @!p0 $0x1082;
	s9 =	sld [smem:$0x3F9A]  }
0x2f: {  	lr =	sadd.s32 s0, s3;
	s0 =	sld [smem:$0x3F91]  }
0x30: {  	s3 =	sld [smem:$0x3F94]  }
0x31: {  	[smem:$0x3F9D] =	sst s10  }
0x32: {  	s10 =	sld [smem:$0x3F9B];
	_ =	sdelay $0x3  }
0x33: {  	p0 =	seq.s32 s10, $0x1;
	s10 =	sld [smem:$0x3F9D];
	_ =	sdelay $0x3  }
0x34: {  	[smem:$0x3F9D] =	sst s10  }
0x35: {  	s10 =	sld [smem:$0x3F9C];
	_ =	sdelay $0x3  }
0x36: {  	p1 =	seq.s32 s10, $0x1;
	s10 =	sld [smem:$0x3F9D];
	_ =	sdelay $0x3  }
0x37: {  	[smem:$0x3F9D] =	sst s10  }
0x38: {  	s10 =	sld [smem:$0x3F9E]  }
0x39: {  	_ = 	snop;
	(pc) =	sbr.ind lr, $3  }
0x3a: {  	_ = 	snop  }
0x3b: {  	_ = 	snop  }
0x3c: {  	p2 =	seq.s32 s10, $0x1;
	s10 =	sld [smem:$0x3F9D]  }
0x3d: {  	_ =	shalt  }
0x3e: {  	_ =	shalt  }
0x3f: {  	_ =	shalt  }
0x40: {  	_ =	shalt  }
0x41: {  	_ =	shalt  }
0x42: {  	_ =	shalt  }
0x43: {  	_ =	shalt  }
0x44: {  	_ =	shalt  }
0x45: {  	_ =	shalt  }
0x46: {  	_ =	shalt  }
0x47: {  	_ =	shalt  }
0x48: {  	_ =	shalt  }
0x49: {  	_ =	shalt  }
0x4a: {  	_ =	shalt  }
0x4b: {  	_ =	shalt  }
0x4c: {  	_ =	shalt  }
0x4d: {  	_ =	shalt  }
0x4e: {  	_ =	shalt  }
0x4f: {  	_ =	shalt  }
0x50: {  	_ =	shalt  }
0x51: {  	_ =	shalt  }
0x52: {  	_ =	shalt  }
0x53: {  	_ =	shalt  }
0x54: {  	_ =	shalt  }
0x55: {  	_ =	shalt  }
0x56: {  	_ =	shalt  }
0x57: {  	_ =	shalt  }
0x58: {  	_ =	shalt  }
0x59: {  	_ =	shalt  }
0x5a: {  	_ =	shalt  }
0x5b: {  	_ =	shalt  }
0x5c: {  	_ =	shalt  }
0x5d: {  	_ =	shalt  }
0x5e: {  	_ =	shalt  }
0x5f: {  	_ =	shalt  }
0x60: {  	_ =	shalt  }
0x61: {  	_ =	shalt  }
0x62: {  	_ =	shalt  }
0x63: {  	_ =	shalt  }
0x64: {  	_ =	shalt  }
0x65: {  	_ =	shalt  }
0x66: {  	_ =	shalt  }
0x67: {  	_ =	shalt  }
0x68: {  	_ =	shalt  }
0x69: {  	_ =	shalt  }
0x6a: {  	_ =	shalt  }
0x6b: {  	_ =	shalt  }
0x6c: {  	_ =	shalt  }
0x6d: {  	_ =	shalt  }
0x6e: {  	_ =	shalt  }
0x6f: {  	_ =	shalt  }
0x70: {  	_ =	shalt  }
0x71: {  	_ =	shalt  }
0x72: {  	_ =	shalt  }
0x73: {  	_ =	shalt  }
0x74: {  	_ =	shalt  }
0x75: {  	_ =	shalt  }
0x76: {  	_ =	shalt  }
0x77: {  	_ =	shalt  }
0x78: {  	_ =	shalt  }
0x79: {  	_ =	shalt  }
0x7a: {  	_ =	shalt  }
0x7b: {  	_ =	shalt  }
0x7c: {  	_ =	shalt  }
0x7d: {  	_ =	shalt  }
0x7e: {  	_ =	shalt  }
0x7f: {  	_ =	shalt  }
0x80: {  	_ =	shalt  }
0x81: {  	_ =	shalt  }
0x82: {  	_ =	shalt  }
0x83: {  	_ =	shalt  }
0x84: {  	_ =	shalt  }
0x85: {  	_ =	shalt  }
0x86: {  	_ =	shalt  }
0x87: {  	_ =	shalt  }
.Lfunc_end0:
.L_simem_size_0:
called_computation.2_lowered:
.L_overlay_start_0:
0x88: {  	s2 =	sld [smem:$0x3FD9]  }
0x89: {  	s3 =	sld [smem:$0x3FFE];
	_ =	sdelay $0x1  }
0x8a: {  	s1 =	srdreg.scid  }
0x8b: {  	s0 =	sand.u32 $0x1, s1  }
0x8c: {  	s16 =	sshll.u32 s0, $0xA;
	s2 =	sadd.s32 s3, s2  }
0x8d: {  	s2 =	sadd.s32 s2, s16  }
0x8e: {  	[smem:$0x3FA9] =	sst s2  }
0x8f: {  	_ = 	snop  }
0x90: {  	(tm) =	ssettm $0x1  }
0x91: {  	s17 =	sld [smem:$0x3FFB];
	_ =	sdelay $0x3  }
0x92: {  	_ =	strace s17  }
0x93: {  	s2 =	sld [smem:$0x3FFC];
	_ =	sdelay $0x3  }
0x94: {  	_ =	strace s2  }
0x95: {  	s2 =	sld [smem:$0x3FFD];
	_ =	sdelay $0x3  }
0x96: {  	_ =	strace s2  }
0x97: {  	_ =	strace $0x8FFFFFFF  }
0x98: {  	s18 =	sld [smem:$0x3FDB];
	_ =	sdelay $0x1  }
0x99: {  	s19 =	simm.s32 $_scs_section_size  }
0x9a: {  	s4 =	simm.s32 $_size__tile_overlayer_lowered;
	s5 =	simm.s32 $_tile_overlayer_lowered  }
0x9b: {  	s22 =	simm.s32 $0x1BFF;
	s21 =	sshll.u32 s5, $0x1;
	s2 =	sadd.s32 s19, s18  }
0x9c: {  	s6 =	simm.s32 $0x0;
	s20 =	sshll.u32 s4, $0x1;
	s4 =	sadd.s32 s21, s2  }
0x9d: {  	[timem:s6], [sflag:s22] =	dma.local [hbm:s4], s20  }
0x9e: {  	_ =	swait.ge [sflag:s22], s20  }
0x9f: {  	s3 =	ssub.s32 $0x0, s20;
	[sflag:s22] =	ssyncset.done $0x0  }
0xa0: {  	[sflag:s22] =	ssyncadd.s32 s3;
	_ =	sdelay $0x1  }
0xa1: {  	s23 =	simm.s32 $0x1B8B  }
0xa2: {  	_ =	swait.ge [sflag:s23], $0x1  }
0xa3: {  	[sflag:s23] =	ssyncset.done $0x0  }
0xa4: {  	s25 =	simm.s32 $0x1B8E;
	s24 =	sld [smem:$0x3FFE];
	[sflag:s23] =	ssyncadd.s32 $0xFFFFFFFF  }
0xa5: {  	s26 =	simm.s32 $execute0_lowered;
	[smem:$0x3FD2] =	sst s25  }
0xa6: {  	s4 =	sshll.u32 s26, $0x1;
	_ =	strace $0x8000004C;
	[dreg:$0x1] =	wrdreg $0xFFFFFFFF  }
0xa7: {  	s28 =	simm.s32 $_size_execute0_lowered;
	s2 =	sadd.s32 s2, s4;
	[dreg:$0x0] =	wrdreg $0x0  }
0xa8: {  	s4 =	sshll.u32 s28, $0x1;
	[dreg:$0x2] =	wrdreg s2  }
0xa9: {  	[dreg:$0x3] =	wrdreg s4  }
0xaa: {  	[dreg:$0x4] =	wrdreg $0xC0  }
0xab: {  	_ =	task [dreg:s6], $0x5FFFF  }
0xac: {  	[dreg:$0x1] =	wrdreg $0xFFFFFFFF  }
0xad: {  	[dreg:$0x0] =	wrdreg $0x60  }
0xae: {  	[dreg:$0x2] =	wrdreg s24  }
0xaf: {  	[dreg:$0x3] =	wrdreg $0xA8800  }
0xb0: {  	[dreg:$0x4] =	wrdreg $0x9  }
0xb1: {  	_ =	task.clear_ibuf [dreg:s6], $0x5FFFF;
	_ =	strace $0x9000004C  }
0xb2: {  	s29 =	simm.s32 $0x9;
	_ =	strace $0x8000004E  }
0xb3: {  	_ =	swait.ge [sflag:s29], $0x1  }
0xb4: {  	[sflag:s29] =	ssyncadd.s32 $0xFFFFFFFF  }
0xb5: {  	_ =	strace $0x9000004E  }
0xb6: {  	_ =	sfence  }
0xb7: {  	s30 =	sld [smem:$0x0];
	_ =	sdelay $0x2  }
0xb8: {  	s31 =	sshll.u32 s1, $0xD;
	s1 =	sshrl.u32 s1, $0x2  }
0xb9: {  	s3 =	sand.u32 $0x4000, s31;
	s1 =	sadd.s32 s1, s30  }
0xba: {  	s0 =	sor.u32 s3, s0;
	s1 =	sshll.u32 s1, $0x11  }
0xbb: {  	s0 =	sor.u32 s1, s0  }
0xbc: {  	s0 =	sadd.s32 $0x8F2B, s0  }
0xbd: {  	[sflag:s0] =	ssyncadd.remote.s32 $0x1  }
0xbe: {  	_ =	sfence.sel $0xFFFF  }
0xbf: {  	[dreg:$0x0] =	wrdreg $0xFFFFFFFF;
	(pc) =	sbr.abs _section_cstart, $3  }
0xc0: {  	[dreg:$0x1] =	wrdreg $0xFFFFFFFF  }
0xc1: {  	_ =	task.clear_ibuf [dreg:s6], $0x2FFFF;
	_ =	strace $0x9FFFFFFF  }
0xc2: {  	(tm) =	ssettm $0x7FFFFFFF  }
0xc3: {  	_ =	shalt  }
tec
execute0_lowered:
.L_overlay_start_1:
0x0: {  	(tag) =	ssettag $0x1  }
0x1: {  	s0 =	rddreg [dreg:$0x0]  }
0x2: {  	s1 =	rddreg [dreg:$0x1];
	s2 =	simm.s32 $0x0;
	s17 =	stileid.u32  }
0x3: {  	s3 =	srdreg.scid;
	s20 =	simm.s32 $0x5;
	s22 =	simm.s32 $0x1400  }
0x4: {  	s23 =	simm.s32 $0x80;
	s28 =	simm.s32 $0x2;
	s29 =	simm.s32 $0x1480  }
0x5: {  	s30 =	simm.s32 $0x3;
	s31 =	simm.s32 $0x4;
	[smem:$0x7FF] =	sst s2  }
0x6: {  	s4 =	sadd.s32 $0x58000, s0;
	s5 =	sadd.s32 $0xF4400, s0;
	s8 =	smul.u32 $0x2780, s17  }
0x7: {  	s6 =	sadd.s32 $0x8800, s0;
	s3 =	sand.u32 $0x1, s3;
	s9 =	smul.u32 $0x2800, s17  }
0x8: {  	s7 =	sadd.s32 $0x1C800, s0;
	s13 =	smul.u32 $0x4F000, s17;
	s25 =	sshll.u32 s17, $0x6  }
0x9: {  	s26 =	smul.u32 $0x50000, s17;
	s18 =	sadd.s32 $0x1DD200, s0;
	p1 =	seq.s32 s17, $0xF  }
0xa: {  	_ =	strace $0x8000004D;
	s10 =	ssub.s32 $0x2, s3;
	[dreg:$0x4] =	wrdreg s18  }
0xb: {  	p0 =	seq.s32 s3, $0x0;
	s11 =	sadd.s32 s8, s0;
	s12 =	sshrl.u32 s10, $0x1  }
0xc: {  	s8 =	sadd.s32 $0x7F200, s0;
	s15 =	sadd.s32 s9, s0;
	s24 =	sshrl.u32 s13, $0x2  }
0xd: {  	s13 =	sshrl.u32 s26, $0x2;
	s0 =	sadd.s32 $0x1B6000, s0;
	s26 =	simm.s32 $0x1  }
0xe: {  	s12 =	ssub.s32 s10, s12;
	s9 =	sadd.s32 $0x30800, s11;
	s11 =	smul.u32 $0x28, s17  }
.Ltmp0:
0xf: {  	s16 =	sadd.s32 s24, s1;
	s10 =	sor.u32 $0x1C05, s25;
	(pc) =	sbr.rel .LBB2_1-.Ltmp0, $4  }
0x10: {  	s14 =	sadd.s32 $0x1B7A00, s15;
	s13 =	sadd.s32 s13, s1;
	s15 =	sadd.s32 $0x190800, s15  }
0x11: {  	[dreg:$0x6] =	wrdreg s0;
	s24 =	simm.s32 $0x2800;
	s25 =	simm.s32 $0x6800  }
0x12: {  	s0 =	simm.s32 $0x0;
	[dreg:$0x3] =	wrdreg s14;
	s14 =	sadd.s32 $0x12C000, s1  }
0x13: {  	[dreg:$0x5] =	wrdreg s15;
	s18 =	smax.u32 s12, $0x1;
	s19 =	sshrl.u32 s16, $0x3  }
.LBB2_13:
0x14: {  	[bflag:$0x0] =	sbarrier.arrive $0xFFFF  }
0x15: {  	s3 =	sshrl.u32 @p1 s14, $0x3;
	s12 =	rddreg [dreg:$0x6]  }
0x16: {  	[hbm:s12], [sflag:s10] =	dma.local @p1 [spmem:s3], $0x1900  }
0x17: {  	s3 =	simm.s32 @p1 $0x5  }
0x18: {  	_ =	swait.ge @p1 [sflag:s3], $0x1900  }
0x19: {  	[sflag:s3] =	ssyncset.done @p1 $0x0  }
0x1a: {  	s12 =	rddreg [dreg:$0x5];
	[sflag:s3] =	ssyncadd.s32 @p1 $0xFFFFE700;
	s3 =	sshrl.u32 @!p1 s13, $0x3  }
0x1b: {  	[hbm:s12], [sflag:s10] =	dma.local @!p1 [spmem:s3], $0x2800  }
0x1c: {  	s3 =	simm.s32 @!p1 $0x5  }
0x1d: {  	_ =	swait.ge @!p1 [sflag:s3], $0x2800  }
0x1e: {  	[sflag:s3] =	ssyncset.done @!p1 $0x0  }
0x1f: {  	[sflag:s3] =	ssyncadd.s32 @!p1 $0xFFFFD800  }
.LBB2_14:
0x20: {  	s0 =	sadd.s32 $0x1, s0  }
0x21: {  	p2 =	sne.s32 s0, s18  }
.Ltmp1:
0x22: {  	_ = 	snop;
	(pc) =	sbr.rel @!p2 .LBB2_15-.Ltmp1, $1  }
0x23: {  	_ =	sdelay $0x3  }
.LBB2_1:
0x24: {  	[spmem:s19], [sflag:s10] =	dma.local [hbm:s9], $0x2780  }
0x25: {  	_ =	swait.ge [sflag:s20], $0x2780  }
0x26: {  	[sflag:s20] =	ssyncset.done $0x0  }
0x27: {  	s3 =	simm.s32 $0xA800;
	[sflag:s20] =	ssyncadd.s32 $0xFFFFD880  }
0x28: {  	[tilespmem:s3], [sflag:$0x5] =	stream.linear.gather [hbm4b:s8+s2], $0x80, $0x38;
	[tilespmem:$0x1E480] =	vst v63  }
0x29: {  	_ =	swait.ge [sflag:s20], $0x80  }
0x2a: {  	[sflag:s20] =	ssyncset.done $0x0  }
0x2b: {  	[sflag:s20] =	ssyncadd.s32 $0xFFFFFF80  }
0x2c: {  	v0 =	vld [tilespmem:$0xA800];
	_ =	sdelay $0x4  }
0x2d: {  	(v2sf) =	vpush v0, $0x0;
	_ =	sdelay $0x1  }
0x2e: {  	(v2sf) =	vpush v0, $0x1;
	_ =	sdelay $0xc  }
0x2f: {  	s15 =	spop (v2sf)  }
0x30: {  	s12 =	smul.u32 $0x280, s15  }
.Ltmp2:
0x31: {  	s21 =	spop (v2sf);
	(pc) =	sbr.rel @!p0 .LBB2_2-.Ltmp2, $4  }
0x32: {  	s16 =	smul.u32 s11, s21  }
0x33: {  	s17 =	smul.u32 s11, s15  }
0x34: {  	s3 =	smov.u32 s21;
	[bflag:$0x0] =	sbarrier.arrive $0xFFFF;
	s12 =	sadd.s32 s16, s12  }
0x35: {  	s3 =	smov.u32 @p0 s15;
	s12 =	smov.u32 @p0 s17  }
0x36: {  	p2 =	slt.s32 s15, $0x1  }
.Ltmp3:
0x37: {  	_ = 	snop;
	(pc) =	sbr.rel @p2 .LBB2_13-.Ltmp3, $2  }
0x38: {  	_ =	sdelay $0x2  }
0x39: {  	s21 =	simm.s32 $0x0  }
.LBB2_9:
0x3a: {  	p2 =	seq.s32 s21, $0x0  }
0x3b: {  	s15 =	simm.s32 @!p2 $0x3  }
0x3c: {  	_ =	swait.ge @!p2 [sflag:s15], $0x4000  }
0x3d: {  	s16 =	smul.u32 $0x28, s21;
	[sflag:s15] =	ssyncset.done @!p2 $0x0  }
0x3e: {  	[sflag:s15] =	ssyncadd.s32 @!p2 $0xFFFFC000;
	s15 =	simm.s32 @!p2 $0x4  }
0x3f: {  	s16 =	sadd.s32 s12, s16;
	_ =	swait.ge @!p2 [sflag:s15], $0x4000  }
0x40: {  	s16 =	sshll.u32 s16, $0x4;
	[sflag:s15] =	ssyncset.done @!p2 $0x0  }
0x41: {  	s17 =	sadd.s32 s6, s16;
	[sflag:s15] =	ssyncadd.s32 @!p2 $0xFFFFC000  }
0x42: {  	[tilespmem:s2], [sflag:$0x5] =	stream.linear.gather [hbm4b:s17+s2], $0x1400, $0x38;
	[tilespmem:$0x1E480] =	vst v63  }
0x43: {  	_ =	swait.ge [sflag:s20], $0x1400  }
0x44: {  	[sflag:s20] =	ssyncset.done $0x0  }
0x45: {  	s16 =	sadd.s32 s7, s16;
	[sflag:s20] =	ssyncadd.s32 $0xFFFFEC00  }
0x46: {  	[tilespmem:s22], [sflag:$0x5] =	stream.linear.gather [hbm4b:s16+s2], $0x1400, $0x38;
	[tilespmem:$0x1E480] =	vst v63  }
0x47: {  	_ =	swait.ge [sflag:s20], $0x1400  }
0x48: {  	[sflag:s20] =	ssyncset.done $0x0  }
0x49: {  	[sflag:s20] =	ssyncadd.s32 $0xFFFFEC00  }
0x4a: {  	[tilespmem:s24], [sflag:$0x1] =	stream.indirect.gather [hbm4b:s4+s23], $0x80, s2, s23, $0xb8;
	[tilespmem:$0x1E480] =	vst v63  }
0x4b: {  	_ = 	snop  }
0x4c: {  	[tilespmem:s25], [sflag:$0x2] =	stream.indirect.gather [hbm4b:s4+s23], $0x80, s23, s23, $0xb8;
	[tilespmem:$0x1E480] =	vst v63  }
0x4d: {  	_ =	swait.ge [sflag:s26], $0x4000  }
0x4e: {  	[sflag:s26] =	ssyncset.done $0x0  }
0x4f: {  	[sflag:s26] =	ssyncadd.s32 $0xFFFFC000  }
0x50: {  	[spmem:s1] =	stream.indirect.scatter.add.f32 [tilespmem:s24], [sflag:$0x3], $0x80, s22, s23, $0xb8;
	[tilespmem:$0x1E480] =	vst v63  }
0x51: {  	_ =	swait.ge [sflag:s28], $0x4000  }
0x52: {  	[sflag:s28] =	ssyncset.done $0x0  }
0x53: {  	[sflag:s28] =	ssyncadd.s32 $0xFFFFC000  }
0x54: {  	[spmem:s1] =	stream.indirect.scatter.add.f32 [tilespmem:s25], [sflag:$0x4], $0x80, s29, s23, $0xb8;
	[tilespmem:$0x1E480] =	vst v63  }
0x55: {  	_ =	swait.ge [sflag:s30], $0x4000  }
0x56: {  	[sflag:s30] =	ssyncset.done $0x0  }
0x57: {  	[sflag:s30] =	ssyncadd.s32 $0xFFFFC000  }
0x58: {  	_ =	swait.ge [sflag:s31], $0x4000  }
0x59: {  	[sflag:s31] =	ssyncset.done $0x0  }
0x5a: {  	s17 =	simm.s32 $0x100;
	[sflag:s31] =	ssyncadd.s32 $0xFFFFC000  }
0x5b: {  	[tilespmem:s24], [sflag:$0x1] =	stream.indirect.gather [hbm4b:s4+s23], $0x80, s17, s23, $0xb8;
	[tilespmem:$0x1E480] =	vst v63  }
0x5c: {  	s16 =	simm.s32 $0x180  }
0x5d: {  	[tilespmem:s25], [sflag:$0x2] =	stream.indirect.gather [hbm4b:s4+s23], $0x80, s16, s23, $0xb8;
	[tilespmem:$0x1E480] =	vst v63  }
0x5e: {  	_ =	swait.ge [sflag:s26], $0x4000  }
0x5f: {  	[sflag:s26] =	ssyncset.done $0x0  }
0x60: {  	s17 =	simm.s32 $0x1500;
	[sflag:s26] =	ssyncadd.s32 $0xFFFFC000  }
0x61: {  	[spmem:s1] =	stream.indirect.scatter.add.f32 [tilespmem:s24], [sflag:$0x3], $0x80, s17, s23, $0xb8;
	[tilespmem:$0x1E480] =	vst v63  }
0x62: {  	_ =	swait.ge [sflag:s28], $0x4000  }
0x63: {  	[sflag:s28] =	ssyncset.done $0x0  }
0x64: {  	s15 =	simm.s32 $0xFFFFB800;
	s16 =	simm.s32 $0x1580;
	[sflag:s28] =	ssyncadd.s32 $0xFFFFC000  }
.LBB2_10:
0x65: {  	[spmem:s1] =	stream.indirect.scatter.add.f32 [tilespmem:s25], [sflag:$0x4], $0x80, s16, s23, $0xb8;
	[tilespmem:$0x1E480] =	vst v63  }
0x66: {  	s16 =	smov.u32 s15  }
0x67: {  	p2 =	sne.s32 s15, $0xFFFFFC00;
	s15 =	sadd.s32 $0x400, s15;
	_ =	swait.ge [sflag:s30], $0x4000  }
0x68: {  	[sflag:s30] =	ssyncset.done $0x0  }
0x69: {  	[sflag:s30] =	ssyncadd.s32 $0xFFFFC000  }
0x6a: {  	_ =	swait.ge [sflag:s31], $0x4000  }
0x6b: {  	s16 =	sshra.s32 s16, $0x2;
	[sflag:s31] =	ssyncset.done $0x0  }
0x6c: {  	s17 =	sadd.s32 $0x1400, s16;
	[sflag:s31] =	ssyncadd.s32 $0xFFFFC000  }
0x6d: {  	[tilespmem:s24], [sflag:$0x1] =	stream.indirect.gather [hbm4b:s4+s23], $0x80, s17, s23, $0xb8;
	[tilespmem:$0x1E480] =	vst v63  }
0x6e: {  	s17 =	sadd.s32 $0x1480, s16  }
0x6f: {  	[tilespmem:s25], [sflag:$0x2] =	stream.indirect.gather [hbm4b:s4+s23], $0x80, s17, s23, $0xb8;
	[tilespmem:$0x1E480] =	vst v63  }
0x70: {  	_ =	swait.ge [sflag:s26], $0x4000  }
0x71: {  	[sflag:s26] =	ssyncset.done $0x0  }
.Ltmp4:
0x72: {  	s17 =	sadd.s32 $0x2800, s16;
	[sflag:s26] =	ssyncadd.s32 $0xFFFFC000;
	(pc) =	sbr.rel @p2 .LBB2_10-.Ltmp4, $4  }
0x73: {  	[spmem:s1] =	stream.indirect.scatter.add.f32 [tilespmem:s24], [sflag:$0x3], $0x80, s17, s23, $0xb8;
	[tilespmem:$0x1E480] =	vst v63  }
0x74: {  	_ =	swait.ge [sflag:s28], $0x4000  }
0x75: {  	[sflag:s28] =	ssyncset.done $0x0  }
0x76: {  	s16 =	sadd.s32 $0x2880, s16;
	[sflag:s28] =	ssyncadd.s32 $0xFFFFC000  }
0x77: {  	s21 =	sadd.s32 $0x1, s21  }
0x78: {  	p2 =	sne.s32 s21, s3  }
.Ltmp5:
0x79: {  	_ = 	snop;
	(pc) =	sbr.rel @p2 .LBB2_9-.Ltmp5, $2  }
0x7a: {  	_ =	sdelay $0x2  }
0x7b: {  	[spmem:s1] =	stream.indirect.scatter.add.f32 [tilespmem:s25], [sflag:$0x4], $0x80, s16, s23, $0xb8;
	[tilespmem:$0x1E480] =	vst v63  }
0x7c: {  	_ =	swait.ge [sflag:s30], $0x4000  }
.Ltmp6:
0x7d: {  	[sflag:s30] =	ssyncset.done $0x0;
	(pc) =	sbr.rel .LBB2_13-.Ltmp6, $4  }
0x7e: {  	[sflag:s30] =	ssyncadd.s32 $0xFFFFC000  }
0x7f: {  	_ =	swait.ge [sflag:s31], $0x4000  }
0x80: {  	[sflag:s31] =	ssyncset.done $0x0  }
0x81: {  	[sflag:s31] =	ssyncadd.s32 $0xFFFFC000  }
.LBB2_2:
0x82: {  	p2 =	sgt.s32 s21, $0x0  }
.Ltmp7:
0x83: {  	_ = 	snop;
	(pc) =	sbr.rel @!p2 .LBB2_7-.Ltmp7, $2  }
0x84: {  	_ =	sdelay $0x2  }
0x85: {  	s21 =	simm.s32 $0x0  }
.LBB2_3:
0x86: {  	p2 =	seq.s32 s21, $0x0  }
0x87: {  	s15 =	simm.s32 @!p2 $0x3  }
0x88: {  	_ =	swait.ge @!p2 [sflag:s15], $0x4000  }
0x89: {  	s16 =	smul.u32 $0x28, s21;
	[sflag:s15] =	ssyncset.done @!p2 $0x0  }
0x8a: {  	[sflag:s15] =	ssyncadd.s32 @!p2 $0xFFFFC000;
	s15 =	simm.s32 @!p2 $0x4  }
0x8b: {  	s16 =	sadd.s32 s12, s16;
	_ =	swait.ge @!p2 [sflag:s15], $0x4000  }
0x8c: {  	s16 =	sshll.u32 s16, $0x4;
	[sflag:s15] =	ssyncset.done @!p2 $0x0  }
0x8d: {  	s17 =	sadd.s32 s6, s16;
	[sflag:s15] =	ssyncadd.s32 @!p2 $0xFFFFC000  }
0x8e: {  	[tilespmem:s2], [sflag:$0x5] =	stream.linear.gather [hbm4b:s17+s2], $0x1400, $0x38;
	[tilespmem:$0x1E480] =	vst v63  }
0x8f: {  	_ =	swait.ge [sflag:s20], $0x1400  }
0x90: {  	[sflag:s20] =	ssyncset.done $0x0  }
0x91: {  	s16 =	sadd.s32 s7, s16;
	[sflag:s20] =	ssyncadd.s32 $0xFFFFEC00  }
0x92: {  	[tilespmem:s22], [sflag:$0x5] =	stream.linear.gather [hbm4b:s16+s2], $0x1400, $0x38;
	[tilespmem:$0x1E480] =	vst v63  }
0x93: {  	_ =	swait.ge [sflag:s20], $0x1400  }
0x94: {  	[sflag:s20] =	ssyncset.done $0x0  }
0x95: {  	[sflag:s20] =	ssyncadd.s32 $0xFFFFEC00  }
0x96: {  	[tilespmem:s24], [sflag:$0x1] =	stream.indirect.gather [hbm4b:s5+s23], $0x80, s2, s23, $0xb8;
	[tilespmem:$0x1E480] =	vst v63  }
0x97: {  	_ = 	snop  }
0x98: {  	[tilespmem:s25], [sflag:$0x2] =	stream.indirect.gather [hbm4b:s5+s23], $0x80, s23, s23, $0xb8;
	[tilespmem:$0x1E480] =	vst v63  }
0x99: {  	_ =	swait.ge [sflag:s26], $0x4000  }
0x9a: {  	[sflag:s26] =	ssyncset.done $0x0  }
0x9b: {  	[sflag:s26] =	ssyncadd.s32 $0xFFFFC000  }
0x9c: {  	[spmem:s1] =	stream.indirect.scatter.add.f32 [tilespmem:s24], [sflag:$0x3], $0x80, s22, s23, $0xb8;
	[tilespmem:$0x1E480] =	vst v63  }
0x9d: {  	_ =	swait.ge [sflag:s28], $0x4000  }
0x9e: {  	[sflag:s28] =	ssyncset.done $0x0  }
0x9f: {  	[sflag:s28] =	ssyncadd.s32 $0xFFFFC000  }
0xa0: {  	[spmem:s1] =	stream.indirect.scatter.add.f32 [tilespmem:s25], [sflag:$0x4], $0x80, s29, s23, $0xb8;
	[tilespmem:$0x1E480] =	vst v63  }
0xa1: {  	_ =	swait.ge [sflag:s30], $0x4000  }
0xa2: {  	[sflag:s30] =	ssyncset.done $0x0  }
0xa3: {  	[sflag:s30] =	ssyncadd.s32 $0xFFFFC000  }
0xa4: {  	_ =	swait.ge [sflag:s31], $0x4000  }
0xa5: {  	[sflag:s31] =	ssyncset.done $0x0  }
0xa6: {  	s17 =	simm.s32 $0x100;
	[sflag:s31] =	ssyncadd.s32 $0xFFFFC000  }
0xa7: {  	[tilespmem:s24], [sflag:$0x1] =	stream.indirect.gather [hbm4b:s5+s23], $0x80, s17, s23, $0xb8;
	[tilespmem:$0x1E480] =	vst v63  }
0xa8: {  	s16 =	simm.s32 $0x180  }
0xa9: {  	[tilespmem:s25], [sflag:$0x2] =	stream.indirect.gather [hbm4b:s5+s23], $0x80, s16, s23, $0xb8;
	[tilespmem:$0x1E480] =	vst v63  }
0xaa: {  	_ =	swait.ge [sflag:s26], $0x4000  }
0xab: {  	[sflag:s26] =	ssyncset.done $0x0  }
0xac: {  	s17 =	simm.s32 $0x1500;
	[sflag:s26] =	ssyncadd.s32 $0xFFFFC000  }
0xad: {  	[spmem:s1] =	stream.indirect.scatter.add.f32 [tilespmem:s24], [sflag:$0x3], $0x80, s17, s23, $0xb8;
	[tilespmem:$0x1E480] =	vst v63  }
0xae: {  	_ =	swait.ge [sflag:s28], $0x4000  }
0xaf: {  	[sflag:s28] =	ssyncset.done $0x0  }
0xb0: {  	s15 =	simm.s32 $0xFFFFB800;
	s16 =	simm.s32 $0x1580;
	[sflag:s28] =	ssyncadd.s32 $0xFFFFC000  }
.LBB2_4:
0xb1: {  	[spmem:s1] =	stream.indirect.scatter.add.f32 [tilespmem:s25], [sflag:$0x4], $0x80, s16, s23, $0xb8;
	[tilespmem:$0x1E480] =	vst v63  }
0xb2: {  	s16 =	smov.u32 s15  }
0xb3: {  	p2 =	sne.s32 s15, $0xFFFFFC00;
	s15 =	sadd.s32 $0x400, s15;
	_ =	swait.ge [sflag:s30], $0x4000  }
0xb4: {  	[sflag:s30] =	ssyncset.done $0x0  }
0xb5: {  	[sflag:s30] =	ssyncadd.s32 $0xFFFFC000  }
0xb6: {  	_ =	swait.ge [sflag:s31], $0x4000  }
0xb7: {  	s16 =	sshra.s32 s16, $0x2;
	[sflag:s31] =	ssyncset.done $0x0  }
0xb8: {  	s17 =	sadd.s32 $0x1400, s16;
	[sflag:s31] =	ssyncadd.s32 $0xFFFFC000  }
0xb9: {  	[tilespmem:s24], [sflag:$0x1] =	stream.indirect.gather [hbm4b:s5+s23], $0x80, s17, s23, $0xb8;
	[tilespmem:$0x1E480] =	vst v63  }
0xba: {  	s17 =	sadd.s32 $0x1480, s16  }
0xbb: {  	[tilespmem:s25], [sflag:$0x2] =	stream.indirect.gather [hbm4b:s5+s23], $0x80, s17, s23, $0xb8;
	[tilespmem:$0x1E480] =	vst v63  }
0xbc: {  	_ =	swait.ge [sflag:s26], $0x4000  }
0xbd: {  	[sflag:s26] =	ssyncset.done $0x0  }
.Ltmp8:
0xbe: {  	s17 =	sadd.s32 $0x2800, s16;
	[sflag:s26] =	ssyncadd.s32 $0xFFFFC000;
	(pc) =	sbr.rel @p2 .LBB2_4-.Ltmp8, $4  }
0xbf: {  	[spmem:s1] =	stream.indirect.scatter.add.f32 [tilespmem:s24], [sflag:$0x3], $0x80, s17, s23, $0xb8;
	[tilespmem:$0x1E480] =	vst v63  }
0xc0: {  	_ =	swait.ge [sflag:s28], $0x4000  }
0xc1: {  	[sflag:s28] =	ssyncset.done $0x0  }
0xc2: {  	s16 =	sadd.s32 $0x2880, s16;
	[sflag:s28] =	ssyncadd.s32 $0xFFFFC000  }
0xc3: {  	s21 =	sadd.s32 $0x1, s21  }
0xc4: {  	p2 =	sne.s32 s21, s3  }
.Ltmp9:
0xc5: {  	_ = 	snop;
	(pc) =	sbr.rel @p2 .LBB2_3-.Ltmp9, $2  }
0xc6: {  	_ =	sdelay $0x2  }
0xc7: {  	[spmem:s1] =	stream.indirect.scatter.add.f32 [tilespmem:s25], [sflag:$0x4], $0x80, s16, s23, $0xb8;
	[tilespmem:$0x1E480] =	vst v63  }
0xc8: {  	_ =	swait.ge [sflag:s30], $0x4000  }
0xc9: {  	[sflag:s30] =	ssyncset.done $0x0  }
0xca: {  	[sflag:s30] =	ssyncadd.s32 $0xFFFFC000  }
0xcb: {  	_ =	swait.ge [sflag:s31], $0x4000  }
0xcc: {  	[sflag:s31] =	ssyncset.done $0x0  }
0xcd: {  	[sflag:s31] =	ssyncadd.s32 $0xFFFFC000  }
.LBB2_7:
0xce: {  	[bflag:$0x0] =	sbarrier.arrive $0xFFFF  }
0xcf: {  	s3 =	sshrl.u32 @p1 s14, $0x3;
	s12 =	rddreg [dreg:$0x4]  }
0xd0: {  	[hbm:s12], [sflag:s10] =	dma.local @p1 [spmem:s3], $0x1900  }
0xd1: {  	s3 =	simm.s32 @p1 $0x5  }
0xd2: {  	_ =	swait.ge @p1 [sflag:s3], $0x1900  }
0xd3: {  	[sflag:s3] =	ssyncset.done @p1 $0x0  }
0xd4: {  	s12 =	rddreg [dreg:$0x3];
	[sflag:s3] =	ssyncadd.s32 @p1 $0xFFFFE700;
	s3 =	sshrl.u32 @!p1 s13, $0x3  }
0xd5: {  	[hbm:s12], [sflag:s10] =	dma.local @!p1 [spmem:s3], $0x2800  }
.Ltmp10:
0xd6: {  	_ = 	snop;
	(pc) =	sbr.rel .LBB2_14-.Ltmp10, $4  }
0xd7: {  	s3 =	simm.s32 @!p1 $0x5  }
0xd8: {  	_ =	swait.ge @!p1 [sflag:s3], $0x2800  }
0xd9: {  	[sflag:s3] =	ssyncset.done @!p1 $0x0  }
0xda: {  	[sflag:s3] =	ssyncadd.s32 @!p1 $0xFFFFD800  }
.LBB2_15:
0xdb: {  	_ =	sfence.sel $0x180000  }
0xdc: {  	[bflag:$0x0] =	sbarrier.arrive $0xFFFF  }
0xdd: {  	_ =	strace $0x9000004D  }
0xde: {  	s0 =	stileid.u32;
	[bflag:$0x2] =	sbarrier.arrive $0xFFFF  }
0xdf: {  	p0 =	sne.s32 s0, $0x0;
	s0 =	rddreg [dreg:$0x2]  }
0xe0: {  	s0 =	sadd.s32 @!p0 $0x100000, s0  }
0xe1: {  	[sflag:s0] =	ssyncadd.tile.s32 @!p0 $0x1;
	_ =	shalt  }
.Lfunc_end2:
_tile_overlayer_lowered:
.L_overlay_start_2:
0xe2: {  	(tag) =	ssettag $0x2  }
0xe3: {  	s0 =	rddreg [dreg:$0x0];
	s2 =	stileid.u32  }
0xe4: {  	s1 =	rddreg [dreg:$0x1];
	p0 =	sne.s32 s2, $0x0  }
0xe5: {  	s3 =	rddreg [dreg:$0x2];
	[bflag:$0x3] =	sbarrier.arrive $0xFFFF;
	s2 =	simm.s32 @!p0 $0x1C05  }
0xe6: {  	[timem:s3], [sflag:s2] =	dma.local @!p0 [hbm:s0], s1  }
0xe7: {  	s0 =	simm.s32 @!p0 $0x5  }
0xe8: {  	_ =	swait.ge @!p0 [sflag:s0], s1  }
0xe9: {  	s1 =	ssub.s32 @!p0 $0x0, s1;
	[sflag:s0] =	ssyncset.done @!p0 $0x0  }
0xea: {  	[sflag:s0] =	ssyncadd.s32 @!p0 s1  }
0xeb: {  	[bflag:$0x3] =	sbarrier.arrive $0xFFFF  }
0xec: {  	_ =	shalt  }

</sc_bundles>
